<compile_context>
chip_gen: v7x
topology: tpu7x:2x2x1
jax: 0.10.2.dev20260603
libtpu: 0.0.44.dev20260713+nightly
codegen_flags: <defaults>
</compile_context>

<pallas_src>
import functools

import jax
import jax.numpy as jnp
from jax import lax
from jax.experimental import pallas as pl
from jax.experimental.pallas import tpu as pltpu
from jax.experimental.pallas import tpu_sc as plsc

N = 10000
E = 320000
D = 128

NC = 2
NS = 16
NW = NC * NS
EPW = E // NW
K = 40
CH = EPW // K
NB = 5
BCH = CH // NB
BE = BCH * K
RB = 5
RPT = 624
TAIL = N - NS * RPT

_mesh = plsc.VectorSubcoreMesh(
    core_axis_name="c", subcore_axis_name="s", num_cores=NC, num_subcores=NS
)


def _scale_rows(rows, rbase, w_v, wbase):
    for g0, ge in ((0, 16), (16, 16), (32, 8)):
        w16 = w_v[pl.ds(wbase + g0, 16)]
        for e in range(ge):
            s16 = w16.at[jnp.full((16,), e, jnp.int32)].get(
                mode="promise_in_bounds")
            i = rbase + g0 + e
            for d in range(D // 16):
                sl = pl.ds(d * 16, 16)
                rows[i, sl] = rows[i, sl] * s16


def _sc_body(x_hbm, src_hbm, dst_hbm, w_hbm, zeros_hbm, out_hbm,
             acc_sh, src_v, dst_v, w_v, ring, sem_g, sem_s):
    cid = lax.axis_index("c")
    sid = lax.axis_index("s")
    wid = cid * NS + sid

    def _gather(cc, sidx):
        off = pl.multiple_of(cc * K, 8)
        pltpu.async_copy(x_hbm.at[src_v.at[pl.ds(off, K)]],
                         ring.at[pl.ds(sidx * K, K)], sem_g.at[sidx])

    def _drain(sem, sidx):
        pltpu.make_async_copy(x_hbm.at[pl.ds(0, K)],
                              ring.at[pl.ds(0, K)], sem.at[sidx]).wait()

    pltpu.sync_copy(zeros_hbm, acc_sh.at[pl.ds(sid * RPT, RPT)])

    @pl.when(sid == 0)
    def _zero_tail():
        pltpu.sync_copy(zeros_hbm.at[pl.ds(0, TAIL)],
                        acc_sh.at[pl.ds(NS * RPT, TAIL)])
    plsc.subcore_barrier()

    def block(bk, carry0):
        base = wid * EPW + bk * BE
        pltpu.sync_copy(src_hbm.at[pl.ds(base, BE)], src_v)
        pltpu.sync_copy(w_hbm.at[pl.ds(base, BE)], w_v.at[pl.ds(0, BE)])
        pltpu.sync_copy(dst_hbm.at[wid * NB + bk], dst_v)

        for c0 in range(RB - 1):
            _gather(c0, c0)

        def chunk(c, carry):
            sidx = c % RB
            soff = pl.multiple_of(sidx * K, 8)
            _drain(sem_g, sidx)
            _scale_rows(ring, soff, w_v, c * K)
            pltpu.async_copy(ring.at[pl.ds(soff, K)],
                             acc_sh.at[dst_v.at[c]], sem_s.at[sidx],
                             add=True)

            @pl.when(c < BCH - RB + 1)
            def _():
                @pl.when(c > 0)
                def _():
                    _drain(sem_s, (c - 1) % RB)
                _gather(c + RB - 1, (c - 1) % RB)
            return carry

        lax.fori_loop(0, BCH, chunk, 0)
        for j in range(RB):
            _drain(sem_s, (BCH - RB + j) % RB)
        return carry0

    lax.fori_loop(0, NB, block, 0)

    plsc.subcore_barrier()
    pltpu.sync_copy(acc_sh.at[pl.ds(sid * RPT, RPT)],
                    out_hbm.at[cid, pl.ds(sid * RPT, RPT)])

    @pl.when(sid == 0)
    def _copy_tail():
        pltpu.sync_copy(acc_sh.at[pl.ds(NS * RPT, TAIL)],
                        out_hbm.at[cid, pl.ds(NS * RPT, TAIL)])


_sc_scatter = functools.partial(
    pl.kernel,
    out_type=jax.ShapeDtypeStruct((NC, N, D), jnp.float32),
    mesh=_mesh,
    scratch_types=[
        pltpu.VMEM_SHARED((N, D), jnp.float32),
        pltpu.VMEM((BE,), jnp.int32),
        pltpu.VMEM((BCH, K), jnp.int32),
        pltpu.VMEM((BE + 16,), jnp.float32),
        pltpu.VMEM((RB * K, D), jnp.float32),
        pltpu.SemaphoreType.DMA((RB,)),
        pltpu.SemaphoreType.DMA((RB,)),
    ],
)(_sc_body)


_BN = 2000


def _tc_body(p_ref, w_ref, b_ref, o_ref):
    acc = p_ref[0] + p_ref[1]
    o_ref[...] = (
        jnp.dot(acc, w_ref[...], preferred_element_type=jnp.float32) + b_ref[...]
    )


def _tc_finish(partials, W, b):
    return pl.pallas_call(
        _tc_body,
        grid=(N // _BN,),
        in_specs=[
            pl.BlockSpec((NC, _BN, D), lambda i: (0, i, 0)),
            pl.BlockSpec((D, D), lambda i: (0, 0)),
            pl.BlockSpec((1, D), lambda i: (0, 0)),
        ],
        out_specs=pl.BlockSpec((_BN, D), lambda i: (i, 0)),
        out_shape=jax.ShapeDtypeStruct((N, D), jnp.float32),
    )(partials, W, b.reshape(1, D))


def kernel(X, edge_index, edge_weight, W, b):
    src = edge_index[0]
    dst = edge_index[1].reshape(NW * NB, BCH, K)
    ew = edge_weight
    zeros = jnp.zeros((RPT, D), jnp.float32)
    partials = _sc_scatter(X, src, dst, ew, zeros)
    return _tc_finish(partials, W, b)

# --- scband reference (transcript-rebuilt; emitter-appended) ---
"""Pipeline reference for scband-gcnlayer-56693568307362 (READ-ONLY COPY).

The authoritative reference and input builder live on the scoring server;
editing this copy changes nothing except your own understanding.
"""

import jax, jax.numpy as jnp
import numpy as np

N = 10000
E = 320000
D_IN = 128
D_OUT = 128


def setup_inputs(seed: int = 0) -> dict:
    key = jax.random.key(seed)
    k1, k2, k3, k4 = jax.random.split(key, 4)
    X = jax.random.normal(k1, (N, D_IN), dtype=jnp.float32)
    edge_index = jax.random.randint(k2, (2, E), 0, N, dtype=jnp.int32)
    edge_weight = jax.random.uniform(k3, (E,), dtype=jnp.float32)
    # kaiming_uniform_ on [n_in, n_out]: fan_in = n_in (mode='fan_in', a=sqrt(5) default not used here;
    # torch.nn.init.kaiming_uniform_ default a=0 -> gain=sqrt(2), bound=gain*sqrt(3/fan_in))
    bound = float(np.sqrt(2.0) * np.sqrt(3.0 / D_IN))
    W = jax.random.uniform(k4, (D_IN, D_OUT), minval=-bound, maxval=bound, dtype=jnp.float32)
    b = jnp.zeros((D_OUT,), dtype=jnp.float32)
    return {"X": X, "edge_index": edge_index, "edge_weight": edge_weight, "W": W, "b": b}


def reference(X, edge_index, edge_weight, W, b):
    # Equivalent of torch.spmm(A_hat, X) with A_hat given in COO form
    # (edge_index[0]=src/col, edge_index[1]=dst/row, edge_weight=values).
    src = edge_index[0]
    dst = edge_index[1]
    msgs = X[src] * edge_weight[:, None]          # gather + scale by normalized adjacency values
    temp = jax.ops.segment_sum(msgs, dst, num_segments=N)  # scatter-add into dst rows
    Z = temp @ W + b                               # torch.spmm(temp, W) + b (temp is dense here)
    return Z

if __name__ == "__main__":
    import jax
    _d = setup_inputs()
    print(jax.jit(kernel)(*tuple(_d.values())))

</pallas_src>

<mosaic_0001>
#map = affine_map<(d0, d1) -> (0, 0)>
#map1 = affine_map<(d0, d1) -> (0)>
#map2 = affine_map<(d0, d1) -> (0, 0, 0)>
module attributes {stable_mosaic.version = 14 : i64} {
  func.func @_sc_body(%arg0: i32, %arg1: i32, %arg2: memref<10000x128xf32, #tpu.memory_space<hbm>>, %arg3: memref<320000xi32, #tpu.memory_space<hbm>>, %arg4: memref<160x50x40xi32, #tpu.memory_space<hbm>>, %arg5: memref<320000xf32, #tpu.memory_space<hbm>>, %arg6: memref<624x128xf32, #tpu.memory_space<hbm>>, %arg7: memref<2x10000x128xf32, #tpu.memory_space<hbm>>, %arg8: memref<10000x128xf32, #tpu.memory_space<vmem_shared>>, %arg9: memref<2000xi32, #tpu.memory_space<vmem>>, %arg10: memref<50x40xi32, #tpu.memory_space<vmem>>, %arg11: memref<2016xf32, #tpu.memory_space<vmem>>, %arg12: memref<200x128xf32, #tpu.memory_space<vmem>>, %arg13: memref<5x!tpu.dma_semaphore, #tpu.memory_space<semaphore_mem>>, %arg14: memref<5x!tpu.dma_semaphore, #tpu.memory_space<semaphore_mem>>) attributes {dimension_semantics = [#tpu.dimension_semantics<core_parallel>, #tpu.dimension_semantics<subcore_parallel>], iteration_bounds = array<i64: 2, 16>, scalar_prefetch = 0 : i64, scratch_operands = 7 : i64, tpu.core_type = #tpu.core_type<sc_vector_subcore>, window_params = [{transform_indices = #map}, {transform_indices = #map1}, {transform_indices = #map2}, {transform_indices = #map1}, {transform_indices = #map}, {transform_indices = #map2}]} {
    %mul3A = arith.constant 16 : i32
    %mul3A_0 = arith.muli %arg0, %mul3A : i32
    %add3A = arith.addi %mul3A_0, %arg1 : i32
    %mul3A_1 = arith.constant 624 : i32
    %mul3A_2 = arith.muli %arg1, %mul3A_1 : i32
    "tpu.region"() ({
      %run_scoped3A = tpu.sem_alloc : memref<!tpu.dma_semaphore, #tpu.memory_space<semaphore_mem>>
      %dma_start3A = arith.constant 0 : i32
      %dma_start3A_20 = tpu.memref_slice %arg8[%mul3A_2, %dma_start3A] : memref<10000x128xf32, #tpu.memory_space<vmem_shared>> -> memref<624x128xf32, #tpu.memory_space<vmem_shared>>
      tpu.enqueue_dma source(%arg6 : memref<624x128xf32, #tpu.memory_space<hbm>>) target(%dma_start3A_20 : memref<624x128xf32, #tpu.memory_space<vmem_shared>>) target_semaphore(%run_scoped3A : memref<!tpu.dma_semaphore, #tpu.memory_space<semaphore_mem>>)
      %dma_wait3A = arith.constant 0 : i32
      %dma_wait3A_21 = tpu.memref_slice %arg8[%mul3A_2, %dma_wait3A] : memref<10000x128xf32, #tpu.memory_space<vmem_shared>> -> memref<624x128xf32, #tpu.memory_space<vmem_shared>>
      tpu.wait_dma2 semaphore(%run_scoped3A : memref<!tpu.dma_semaphore, #tpu.memory_space<semaphore_mem>>) src(%arg6 : memref<624x128xf32, #tpu.memory_space<hbm>>) dst(%dma_wait3A_21 : memref<624x128xf32, #tpu.memory_space<vmem_shared>>)
      tpu.yield
    }) : () -> ()
    %eq3A = arith.constant 0 : i32
    %eq3A_3 = arith.cmpi eq, %arg1, %eq3A : i32
    %convert_element_type3A = arith.extui %eq3A_3 : i1 to i32
    %cond3A = arith.constant 0 : i32
    %cond3A_4 = arith.cmpi ne, %convert_element_type3A, %cond3A : i32
    scf.if %cond3A_4 {
      "tpu.region"() ({
        %run_scoped3A = tpu.sem_alloc : memref<!tpu.dma_semaphore, #tpu.memory_space<semaphore_mem>>
        %dma_start3A = arith.constant 9984 : i32
        %dma_start3A_20 = arith.constant 0 : i32
        %dma_start3A_21 = tpu.memref_slice %arg8[%dma_start3A, %dma_start3A_20] : memref<10000x128xf32, #tpu.memory_space<vmem_shared>> -> memref<16x128xf32, #tpu.memory_space<vmem_shared>>
        %dma_start3A_22 = arith.constant 0 : i32
        %dma_start3A_23 = arith.constant 0 : i32
        %dma_start3A_24 = tpu.memref_slice %arg6[%dma_start3A_22, %dma_start3A_23] : memref<624x128xf32, #tpu.memory_space<hbm>> -> memref<16x128xf32, #tpu.memory_space<hbm>>
        tpu.enqueue_dma source(%dma_start3A_24 : memref<16x128xf32, #tpu.memory_space<hbm>>) target(%dma_start3A_21 : memref<16x128xf32, #tpu.memory_space<vmem_shared>>) target_semaphore(%run_scoped3A : memref<!tpu.dma_semaphore, #tpu.memory_space<semaphore_mem>>)
        %dma_wait3A = arith.constant 9984 : i32
        %dma_wait3A_25 = arith.constant 0 : i32
        %dma_wait3A_26 = tpu.memref_slice %arg8[%dma_wait3A, %dma_wait3A_25] : memref<10000x128xf32, #tpu.memory_space<vmem_shared>> -> memref<16x128xf32, #tpu.memory_space<vmem_shared>>
        %dma_wait3A_27 = arith.constant 0 : i32
        %dma_wait3A_28 = arith.constant 0 : i32
        %dma_wait3A_29 = tpu.memref_slice %arg6[%dma_wait3A_27, %dma_wait3A_28] : memref<624x128xf32, #tpu.memory_space<hbm>> -> memref<16x128xf32, #tpu.memory_space<hbm>>
        tpu.wait_dma2 semaphore(%run_scoped3A : memref<!tpu.dma_semaphore, #tpu.memory_space<semaphore_mem>>) src(%dma_wait3A_29 : memref<16x128xf32, #tpu.memory_space<hbm>>) dst(%dma_wait3A_26 : memref<16x128xf32, #tpu.memory_space<vmem_shared>>)
        tpu.yield
      }) : () -> ()
    } else {
    }
    %barrier3A = arith.constant 0 : index
    tpu.barrier barrier_id(%barrier3A)
    %scan3A = arith.constant 0 : i32
    %scan3A_5 = arith.constant 0 : i32
    %scan3A_6 = arith.constant 5 : i32
    %scan3A_7 = arith.addi %scan3A_5, %scan3A_6 : i32
    %scan3A_8 = arith.constant 1 : i32
    scf.for %scan3A_20 = %scan3A_5 to %scan3A_7 step %scan3A_8  : i32 {
      %mul3A_21 = arith.constant 10000 : i32
      %mul3A_22 = arith.muli %add3A, %mul3A_21 : i32
      %mul3A_23 = arith.constant 2000 : i32
      %mul3A_24 = arith.muli %scan3A_20, %mul3A_23 : i32
      %add3A_25 = arith.addi %mul3A_22, %mul3A_24 : i32
      "tpu.region"() ({
        %run_scoped3A = tpu.sem_alloc : memref<!tpu.dma_semaphore, #tpu.memory_space<semaphore_mem>>
        %dma_start3A_155 = tpu.memref_slice %arg3[%add3A_25] : memref<320000xi32, #tpu.memory_space<hbm>> -> memref<2000xi32, #tpu.memory_space<hbm>>
        %dma_start3A_156 = tpu.memref_slice %arg3[%add3A_25] : memref<320000xi32, #tpu.memory_space<hbm>> -> memref<2000xi32, #tpu.memory_space<hbm>>
        tpu.enqueue_dma source(%dma_start3A_156 : memref<2000xi32, #tpu.memory_space<hbm>>) target(%arg9 : memref<2000xi32, #tpu.memory_space<vmem>>) target_semaphore(%run_scoped3A : memref<!tpu.dma_semaphore, #tpu.memory_space<semaphore_mem>>)
        %dma_wait3A_157 = tpu.memref_slice %arg3[%add3A_25] : memref<320000xi32, #tpu.memory_space<hbm>> -> memref<2000xi32, #tpu.memory_space<hbm>>
        %dma_wait3A_158 = tpu.memref_slice %arg3[%add3A_25] : memref<320000xi32, #tpu.memory_space<hbm>> -> memref<2000xi32, #tpu.memory_space<hbm>>
        tpu.wait_dma2 semaphore(%run_scoped3A : memref<!tpu.dma_semaphore, #tpu.memory_space<semaphore_mem>>) src(%dma_wait3A_158 : memref<2000xi32, #tpu.memory_space<hbm>>) dst(%arg9 : memref<2000xi32, #tpu.memory_space<vmem>>)
        tpu.yield
      }) : () -> ()
      "tpu.region"() ({
        %run_scoped3A = tpu.sem_alloc : memref<!tpu.dma_semaphore, #tpu.memory_space<semaphore_mem>>
        %dma_start3A_155 = arith.constant 0 : i32
        %dma_start3A_156 = tpu.memref_slice %arg11[%dma_start3A_155] : memref<2016xf32, #tpu.memory_space<vmem>> -> memref<2000xf32, #tpu.memory_space<vmem>>
        %dma_start3A_157 = tpu.memref_slice %arg5[%add3A_25] : memref<320000xf32, #tpu.memory_space<hbm>> -> memref<2000xf32, #tpu.memory_space<hbm>>
        %dma_start3A_158 = arith.constant 0 : i32
        %dma_start3A_159 = tpu.memref_slice %arg11[%dma_start3A_158] : memref<2016xf32, #tpu.memory_space<vmem>> -> memref<2000xf32, #tpu.memory_space<vmem>>
        %dma_start3A_160 = tpu.memref_slice %arg5[%add3A_25] : memref<320000xf32, #tpu.memory_space<hbm>> -> memref<2000xf32, #tpu.memory_space<hbm>>
        tpu.enqueue_dma source(%dma_start3A_160 : memref<2000xf32, #tpu.memory_space<hbm>>) target(%dma_start3A_159 : memref<2000xf32, #tpu.memory_space<vmem>>) target_semaphore(%run_scoped3A : memref<!tpu.dma_semaphore, #tpu.memory_space<semaphore_mem>>)
        %dma_wait3A_161 = arith.constant 0 : i32
        %dma_wait3A_162 = tpu.memref_slice %arg11[%dma_wait3A_161] : memref<2016xf32, #tpu.memory_space<vmem>> -> memref<2000xf32, #tpu.memory_space<vmem>>
        %dma_wait3A_163 = tpu.memref_slice %arg5[%add3A_25] : memref<320000xf32, #tpu.memory_space<hbm>> -> memref<2000xf32, #tpu.memory_space<hbm>>
        %dma_wait3A_164 = arith.constant 0 : i32
        %dma_wait3A_165 = tpu.memref_slice %arg11[%dma_wait3A_164] : memref<2016xf32, #tpu.memory_space<vmem>> -> memref<2000xf32, #tpu.memory_space<vmem>>
        %dma_wait3A_166 = tpu.memref_slice %arg5[%add3A_25] : memref<320000xf32, #tpu.memory_space<hbm>> -> memref<2000xf32, #tpu.memory_space<hbm>>
        tpu.wait_dma2 semaphore(%run_scoped3A : memref<!tpu.dma_semaphore, #tpu.memory_space<semaphore_mem>>) src(%dma_wait3A_166 : memref<2000xf32, #tpu.memory_space<hbm>>) dst(%dma_wait3A_165 : memref<2000xf32, #tpu.memory_space<vmem>>)
        tpu.yield
      }) : () -> ()
      %mul3A_26 = arith.constant 5 : i32
      %mul3A_27 = arith.muli %add3A, %mul3A_26 : i32
      %add3A_28 = arith.addi %mul3A_27, %scan3A_20 : i32
      "tpu.region"() ({
        %run_scoped3A = tpu.sem_alloc : memref<!tpu.dma_semaphore, #tpu.memory_space<semaphore_mem>>
        %dma_start3A_155 = arith.constant 0 : i32
        %dma_start3A_156 = arith.constant 0 : i32
        %dma_start3A_157 = tpu.memref_slice %arg4[%add3A_28, %dma_start3A_155, %dma_start3A_156] : memref<160x50x40xi32, #tpu.memory_space<hbm>> -> memref<1x50x40xi32, #tpu.memory_space<hbm>>
        %dma_start3A_158 = tpu.memref_squeeze %dma_start3A_157 : memref<1x50x40xi32, #tpu.memory_space<hbm>> -> memref<50x40xi32, #tpu.memory_space<hbm>>
        %dma_start3A_159 = arith.constant 0 : i32
        %dma_start3A_160 = arith.constant 0 : i32
        %dma_start3A_161 = tpu.memref_slice %arg4[%add3A_28, %dma_start3A_159, %dma_start3A_160] : memref<160x50x40xi32, #tpu.memory_space<hbm>> -> memref<1x50x40xi32, #tpu.memory_space<hbm>>
        %dma_start3A_162 = tpu.memref_squeeze %dma_start3A_161 : memref<1x50x40xi32, #tpu.memory_space<hbm>> -> memref<50x40xi32, #tpu.memory_space<hbm>>
        tpu.enqueue_dma source(%dma_start3A_162 : memref<50x40xi32, #tpu.memory_space<hbm>>) target(%arg10 : memref<50x40xi32, #tpu.memory_space<vmem>>) target_semaphore(%run_scoped3A : memref<!tpu.dma_semaphore, #tpu.memory_space<semaphore_mem>>)
        %dma_wait3A_163 = arith.constant 0 : i32
        %dma_wait3A_164 = arith.constant 0 : i32
        %dma_wait3A_165 = tpu.memref_slice %arg4[%add3A_28, %dma_wait3A_163, %dma_wait3A_164] : memref<160x50x40xi32, #tpu.memory_space<hbm>> -> memref<1x50x40xi32, #tpu.memory_space<hbm>>
        %dma_wait3A_166 = tpu.memref_squeeze %dma_wait3A_165 : memref<1x50x40xi32, #tpu.memory_space<hbm>> -> memref<50x40xi32, #tpu.memory_space<hbm>>
        %dma_wait3A_167 = arith.constant 0 : i32
        %dma_wait3A_168 = arith.constant 0 : i32
        %dma_wait3A_169 = tpu.memref_slice %arg4[%add3A_28, %dma_wait3A_167, %dma_wait3A_168] : memref<160x50x40xi32, #tpu.memory_space<hbm>> -> memref<1x50x40xi32, #tpu.memory_space<hbm>>
        %dma_wait3A_170 = tpu.memref_squeeze %dma_wait3A_169 : memref<1x50x40xi32, #tpu.memory_space<hbm>> -> memref<50x40xi32, #tpu.memory_space<hbm>>
        tpu.wait_dma2 semaphore(%run_scoped3A : memref<!tpu.dma_semaphore, #tpu.memory_space<semaphore_mem>>) src(%dma_wait3A_170 : memref<50x40xi32, #tpu.memory_space<hbm>>) dst(%arg10 : memref<50x40xi32, #tpu.memory_space<vmem>>)
        tpu.yield
      }) : () -> ()
      %multiple_of3A = arith.constant 0 : i32
      %multiple_of3A_29 = tpu.assume_multiple %multiple_of3A, 8 : i32
      %dma_start3A = arith.constant 0 : i32
      %dma_start3A_30 = arith.constant 0 : i32
      %dma_start3A_31 = arith.constant 0 : i32
      %dma_start3A_32 = tpu.memref_slice %arg12[%dma_start3A_30, %dma_start3A_31] : memref<200x128xf32, #tpu.memory_space<vmem>> -> memref<40x128xf32, #tpu.memory_space<vmem>>
      %dma_start3A_33 = tpu.memref_slice %arg9[%multiple_of3A_29] : memref<2000xi32, #tpu.memory_space<vmem>> -> memref<40xi32, #tpu.memory_space<vmem>>
      %dma_start3A_34 = arith.constant 0 : i32
      %dma_start3A_35 = arith.constant 0 : i32
      %dma_start3A_36 = tpu.memref_slice %arg2[%dma_start3A_34, %dma_start3A_35] : memref<10000x128xf32, #tpu.memory_space<hbm>> -> memref<10000x128xf32, #tpu.memory_space<hbm>>
      %dma_start3A_37 = tpu.memref_slice %arg13[%dma_start3A] : memref<5x!tpu.dma_semaphore, #tpu.memory_space<semaphore_mem>> -> memref<1x!tpu.dma_semaphore, #tpu.memory_space<semaphore_mem>>
      %dma_start3A_38 = tpu.memref_squeeze %dma_start3A_37 : memref<1x!tpu.dma_semaphore, #tpu.memory_space<semaphore_mem>> -> memref<!tpu.dma_semaphore, #tpu.memory_space<semaphore_mem>>
      tpu.enqueue_indirect_dma source(%dma_start3A_36 : memref<10000x128xf32, #tpu.memory_space<hbm>>) target(%dma_start3A_32 : memref<40x128xf32, #tpu.memory_space<vmem>>) offsets(%dma_start3A_33 : memref<40xi32, #tpu.memory_space<vmem>>) semaphore(%dma_start3A_38 : memref<!tpu.dma_semaphore, #tpu.memory_space<semaphore_mem>>)
      %multiple_of3A_39 = arith.constant 40 : i32
      %multiple_of3A_40 = tpu.assume_multiple %multiple_of3A_39, 8 : i32
      %dma_start3A_41 = arith.constant 1 : i32
      %dma_start3A_42 = arith.constant 40 : i32
      %dma_start3A_43 = arith.constant 0 : i32
      %dma_start3A_44 = tpu.memref_slice %arg12[%dma_start3A_42, %dma_start3A_43] : memref<200x128xf32, #tpu.memory_space<vmem>> -> memref<40x128xf32, #tpu.memory_space<vmem>>
      %dma_start3A_45 = tpu.memref_slice %arg9[%multiple_of3A_40] : memref<2000xi32, #tpu.memory_space<vmem>> -> memref<40xi32, #tpu.memory_space<vmem>>
      %dma_start3A_46 = arith.constant 0 : i32
      %dma_start3A_47 = arith.constant 0 : i32
      %dma_start3A_48 = tpu.memref_slice %arg2[%dma_start3A_46, %dma_start3A_47] : memref<10000x128xf32, #tpu.memory_space<hbm>> -> memref<10000x128xf32, #tpu.memory_space<hbm>>
      %dma_start3A_49 = tpu.memref_slice %arg13[%dma_start3A_41] : memref<5x!tpu.dma_semaphore, #tpu.memory_space<semaphore_mem>> -> memref<1x!tpu.dma_semaphore, #tpu.memory_space<semaphore_mem>>
      %dma_start3A_50 = tpu.memref_squeeze %dma_start3A_49 : memref<1x!tpu.dma_semaphore, #tpu.memory_space<semaphore_mem>> -> memref<!tpu.dma_semaphore, #tpu.memory_space<semaphore_mem>>
      tpu.enqueue_indirect_dma source(%dma_start3A_48 : memref<10000x128xf32, #tpu.memory_space<hbm>>) target(%dma_start3A_44 : memref<40x128xf32, #tpu.memory_space<vmem>>) offsets(%dma_start3A_45 : memref<40xi32, #tpu.memory_space<vmem>>) semaphore(%dma_start3A_50 : memref<!tpu.dma_semaphore, #tpu.memory_space<semaphore_mem>>)
      %multiple_of3A_51 = arith.constant 80 : i32
      %multiple_of3A_52 = tpu.assume_multiple %multiple_of3A_51, 8 : i32
      %dma_start3A_53 = arith.constant 2 : i32
      %dma_start3A_54 = arith.constant 80 : i32
      %dma_start3A_55 = arith.constant 0 : i32
      %dma_start3A_56 = tpu.memref_slice %arg12[%dma_start3A_54, %dma_start3A_55] : memref<200x128xf32, #tpu.memory_space<vmem>> -> memref<40x128xf32, #tpu.memory_space<vmem>>
      %dma_start3A_57 = tpu.memref_slice %arg9[%multiple_of3A_52] : memref<2000xi32, #tpu.memory_space<vmem>> -> memref<40xi32, #tpu.memory_space<vmem>>
      %dma_start3A_58 = arith.constant 0 : i32
      %dma_start3A_59 = arith.constant 0 : i32
      %dma_start3A_60 = tpu.memref_slice %arg2[%dma_start3A_58, %dma_start3A_59] : memref<10000x128xf32, #tpu.memory_space<hbm>> -> memref<10000x128xf32, #tpu.memory_space<hbm>>
      %dma_start3A_61 = tpu.memref_slice %arg13[%dma_start3A_53] : memref<5x!tpu.dma_semaphore, #tpu.memory_space<semaphore_mem>> -> memref<1x!tpu.dma_semaphore, #tpu.memory_space<semaphore_mem>>
      %dma_start3A_62 = tpu.memref_squeeze %dma_start3A_61 : memref<1x!tpu.dma_semaphore, #tpu.memory_space<semaphore_mem>> -> memref<!tpu.dma_semaphore, #tpu.memory_space<semaphore_mem>>
      tpu.enqueue_indirect_dma source(%dma_start3A_60 : memref<10000x128xf32, #tpu.memory_space<hbm>>) target(%dma_start3A_56 : memref<40x128xf32, #tpu.memory_space<vmem>>) offsets(%dma_start3A_57 : memref<40xi32, #tpu.memory_space<vmem>>) semaphore(%dma_start3A_62 : memref<!tpu.dma_semaphore, #tpu.memory_space<semaphore_mem>>)
      %multiple_of3A_63 = arith.constant 120 : i32
      %multiple_of3A_64 = tpu.assume_multiple %multiple_of3A_63, 8 : i32
      %dma_start3A_65 = arith.constant 3 : i32
      %dma_start3A_66 = arith.constant 120 : i32
      %dma_start3A_67 = arith.constant 0 : i32
      %dma_start3A_68 = tpu.memref_slice %arg12[%dma_start3A_66, %dma_start3A_67] : memref<200x128xf32, #tpu.memory_space<vmem>> -> memref<40x128xf32, #tpu.memory_space<vmem>>
      %dma_start3A_69 = tpu.memref_slice %arg9[%multiple_of3A_64] : memref<2000xi32, #tpu.memory_space<vmem>> -> memref<40xi32, #tpu.memory_space<vmem>>
      %dma_start3A_70 = arith.constant 0 : i32
      %dma_start3A_71 = arith.constant 0 : i32
      %dma_start3A_72 = tpu.memref_slice %arg2[%dma_start3A_70, %dma_start3A_71] : memref<10000x128xf32, #tpu.memory_space<hbm>> -> memref<10000x128xf32, #tpu.memory_space<hbm>>
      %dma_start3A_73 = tpu.memref_slice %arg13[%dma_start3A_65] : memref<5x!tpu.dma_semaphore, #tpu.memory_space<semaphore_mem>> -> memref<1x!tpu.dma_semaphore, #tpu.memory_space<semaphore_mem>>
      %dma_start3A_74 = tpu.memref_squeeze %dma_start3A_73 : memref<1x!tpu.dma_semaphore, #tpu.memory_space<semaphore_mem>> -> memref<!tpu.dma_semaphore, #tpu.memory_space<semaphore_mem>>
      tpu.enqueue_indirect_dma source(%dma_start3A_72 : memref<10000x128xf32, #tpu.memory_space<hbm>>) target(%dma_start3A_68 : memref<40x128xf32, #tpu.memory_space<vmem>>) offsets(%dma_start3A_69 : memref<40xi32, #tpu.memory_space<vmem>>) semaphore(%dma_start3A_74 : memref<!tpu.dma_semaphore, #tpu.memory_space<semaphore_mem>>)
      %scan3A_75 = arith.constant 0 : i32
      %scan3A_76 = arith.constant 0 : i32
      %scan3A_77 = arith.constant 50 : i32
      %scan3A_78 = arith.addi %scan3A_76, %scan3A_77 : i32
      %scan3A_79 = arith.constant 1 : i32
      scf.for %scan3A_155 = %scan3A_76 to %scan3A_78 step %scan3A_79  : i32 {
        %jit3A = arith.constant 5 : i32
        %eq3A_156 = arith.constant 0 : i32
        %eq3A_157 = arith.cmpi eq, %jit3A, %eq3A_156 : i32
        %jit3A_158 = arith.constant 1 : i32
        %select_n3A = arith.select %eq3A_157, %jit3A_158, %jit3A : i32
        %rem3A = arith.remsi %scan3A_155, %select_n3A : i32
        %ne3A = arith.constant 0 : i32
        %ne3A_159 = arith.cmpi ne, %rem3A, %ne3A : i32
        %lt3A = arith.constant 0 : i32
        %lt3A_160 = arith.cmpi slt, %rem3A, %lt3A : i32
        %lt3A_161 = arith.constant 0 : i32
        %lt3A_162 = arith.cmpi slt, %select_n3A, %lt3A_161 : i32
        %ne3A_163 = arith.xori %lt3A_160, %lt3A_162 : i1
        %and3A = arith.andi %ne3A_163, %ne3A_159 : i1
        %add3A_164 = arith.addi %rem3A, %select_n3A : i32
        %select_n3A_165 = arith.select %and3A, %add3A_164, %rem3A : i32
        %mul3A_166 = arith.constant 40 : i32
        %mul3A_167 = arith.muli %select_n3A_165, %mul3A_166 : i32
        %multiple_of3A_168 = tpu.assume_multiple %mul3A_167, 8 : i32
        %dma_wait3A_169 = arith.constant 0 : i32
        %dma_wait3A_170 = arith.constant 0 : i32
        %dma_wait3A_171 = tpu.memref_slice %arg12[%dma_wait3A_169, %dma_wait3A_170] : memref<200x128xf32, #tpu.memory_space<vmem>> -> memref<40x128xf32, #tpu.memory_space<vmem>>
        %dma_wait3A_172 = arith.constant 0 : i32
        %dma_wait3A_173 = arith.constant 0 : i32
        %dma_wait3A_174 = tpu.memref_slice %arg2[%dma_wait3A_172, %dma_wait3A_173] : memref<10000x128xf32, #tpu.memory_space<hbm>> -> memref<40x128xf32, #tpu.memory_space<hbm>>
        %dma_wait3A_175 = tpu.memref_slice %arg13[%select_n3A_165] : memref<5x!tpu.dma_semaphore, #tpu.memory_space<semaphore_mem>> -> memref<1x!tpu.dma_semaphore, #tpu.memory_space<semaphore_mem>>
        %dma_wait3A_176 = tpu.memref_squeeze %dma_wait3A_175 : memref<1x!tpu.dma_semaphore, #tpu.memory_space<semaphore_mem>> -> memref<!tpu.dma_semaphore, #tpu.memory_space<semaphore_mem>>
        %dma_wait3A_177 = arith.constant 0 : i32
        %dma_wait3A_178 = arith.constant 0 : i32
        %dma_wait3A_179 = tpu.memref_slice %arg12[%dma_wait3A_177, %dma_wait3A_178] : memref<200x128xf32, #tpu.memory_space<vmem>> -> memref<40x128xf32, #tpu.memory_space<vmem>>
        %dma_wait3A_180 = arith.constant 0 : i32
        %dma_wait3A_181 = arith.constant 0 : i32
        %dma_wait3A_182 = tpu.memref_slice %arg2[%dma_wait3A_180, %dma_wait3A_181] : memref<10000x128xf32, #tpu.memory_space<hbm>> -> memref<40x128xf32, #tpu.memory_space<hbm>>
        tpu.wait_dma2 semaphore(%dma_wait3A_176 : memref<!tpu.dma_semaphore, #tpu.memory_space<semaphore_mem>>) src(%dma_wait3A_182 : memref<40x128xf32, #tpu.memory_space<hbm>>) dst(%dma_wait3A_179 : memref<40x128xf32, #tpu.memory_space<vmem>>)
        %mul3A_183 = arith.constant 40 : i32
        %mul3A_184 = arith.muli %scan3A_155, %mul3A_183 : i32
        %add3A_185 = arith.constant 0 : i32
        %add3A_186 = arith.addi %mul3A_184, %add3A_185 : i32
        %get3A = arith.index_cast %add3A_186 : i32 to index
        %get3A_187 = tpu.vector_load %arg11[%get3A] {strides = array<i32>} : memref<2016xf32, #tpu.memory_space<vmem>>, vector<16xf32>,
        %get3A_188 = vector.shape_cast %get3A_187 : vector<16xf32> to vector<16xf32>
        %broadcast_in_dim3A = arith.constant 0 : i32
        %broadcast_in_dim3A_189 = vector.broadcast %broadcast_in_dim3A : i32 to vector<16xi32>
        %lt3A_190 = arith.constant 0 : i32
        %lt3A_191 = vector.broadcast %lt3A_190 : i32 to vector<16xi32>
        %lt3A_192 = arith.cmpi slt, %broadcast_in_dim3A_189, %lt3A_191 : vector<16xi32>
        %add3A_193 = arith.constant 16 : i32
        %add3A_194 = vector.broadcast %add3A_193 : i32 to vector<16xi32>
        %add3A_195 = arith.addi %broadcast_in_dim3A_189, %add3A_194 : vector<16xi32>
        %select_n3A_196 = arith.select %lt3A_192, %add3A_195, %broadcast_in_dim3A_189 : vector<16xi1>, vector<16xi32>
        %broadcast_in_dim3A_197 = vector.shape_cast %select_n3A_196 : vector<16xi32> to vector<16x1xi32>
        %gather3A = vector.shape_cast %broadcast_in_dim3A_197 : vector<16x1xi32> to vector<16xi32>
        %gather3A_198 = tpu.dynamic_gather %get3A_188[%gather3A] in [0] : vector<16xf32>, vector<16xi32> -> vector<16xf32>
        %add3A_199 = arith.constant 0 : i32
        %add3A_200 = arith.addi %multiple_of3A_168, %add3A_199 : i32
        %add3A_201 = arith.constant 0 : i32
        %add3A_202 = arith.addi %add3A_200, %add3A_201 : i32
        %get3A_203 = arith.index_cast %add3A_202 : i32 to index
        %get3A_204 = arith.constant 0 : index
        %get3A_205 = tpu.vector_load %arg12[%get3A_203, %get3A_204] {strides = array<i32>} : memref<200x128xf32, #tpu.memory_space<vmem>>, vector<1x16xf32>,
        %get3A_206 = vector.shape_cast %get3A_205 : vector<1x16xf32> to vector<16xf32>
        %mul3A_207 = arith.mulf %get3A_206, %gather3A_198 : vector<16xf32>
        %swap3A = arith.index_cast %add3A_202 : i32 to index
        %swap3A_208 = arith.constant 0 : index
        %swap3A_209 = tpu.vector_load %arg12[%swap3A, %swap3A_208] {strides = array<i32>} : memref<200x128xf32, #tpu.memory_space<vmem>>, vector<1x16xf32>,
        %swap3A_210 = vector.shape_cast %swap3A_209 : vector<1x16xf32> to vector<16xf32>
        %swap3A_211 = vector.shape_cast %mul3A_207 : vector<16xf32> to vector<1x16xf32>
        tpu.vector_store %arg12[%swap3A, %swap3A_208], %swap3A_211 {strides = array<i32>} : memref<200x128xf32, #tpu.memory_space<vmem>>, vector<1x16xf32>,
        %get3A_212 = arith.index_cast %add3A_202 : i32 to index
        %get3A_213 = arith.constant 16 : index
        %get3A_214 = tpu.vector_load %arg12[%get3A_212, %get3A_213] {strides = array<i32>} : memref<200x128xf32, #tpu.memory_space<vmem>>, vector<1x16xf32>,
        %get3A_215 = vector.shape_cast %get3A_214 : vector<1x16xf32> to vector<16xf32>
        %mul3A_216 = arith.mulf %get3A_215, %gather3A_198 : vector<16xf32>
        %swap3A_217 = arith.index_cast %add3A_202 : i32 to index
        %swap3A_218 = arith.constant 16 : index
        %swap3A_219 = tpu.vector_load %arg12[%swap3A_217, %swap3A_218] {strides = array<i32>} : memref<200x128xf32, #tpu.memory_space<vmem>>, vector<1x16xf32>,
        %swap3A_220 = vector.shape_cast %swap3A_219 : vector<1x16xf32> to vector<16xf32>
        %swap3A_221 = vector.shape_cast %mul3A_216 : vector<16xf32> to vector<1x16xf32>
        tpu.vector_store %arg12[%swap3A_217, %swap3A_218], %swap3A_221 {strides = array<i32>} : memref<200x128xf32, #tpu.memory_space<vmem>>, vector<1x16xf32>,
        %get3A_222 = arith.index_cast %add3A_202 : i32 to index
        %get3A_223 = arith.constant 32 : index
        %get3A_224 = tpu.vector_load %arg12[%get3A_222, %get3A_223] {strides = array<i32>} : memref<200x128xf32, #tpu.memory_space<vmem>>, vector<1x16xf32>,
        %get3A_225 = vector.shape_cast %get3A_224 : vector<1x16xf32> to vector<16xf32>
        %mul3A_226 = arith.mulf %get3A_225, %gather3A_198 : vector<16xf32>
        %swap3A_227 = arith.index_cast %add3A_202 : i32 to index
        %swap3A_228 = arith.constant 32 : index
        %swap3A_229 = tpu.vector_load %arg12[%swap3A_227, %swap3A_228] {strides = array<i32>} : memref<200x128xf32, #tpu.memory_space<vmem>>, vector<1x16xf32>,
        %swap3A_230 = vector.shape_cast %swap3A_229 : vector<1x16xf32> to vector<16xf32>
        %swap3A_231 = vector.shape_cast %mul3A_226 : vector<16xf32> to vector<1x16xf32>
        tpu.vector_store %arg12[%swap3A_227, %swap3A_228], %swap3A_231 {strides = array<i32>} : memref<200x128xf32, #tpu.memory_space<vmem>>, vector<1x16xf32>,
        %get3A_232 = arith.index_cast %add3A_202 : i32 to index
        %get3A_233 = arith.constant 48 : index
        %get3A_234 = tpu.vector_load %arg12[%get3A_232, %get3A_233] {strides = array<i32>} : memref<200x128xf32, #tpu.memory_space<vmem>>, vector<1x16xf32>,
        %get3A_235 = vector.shape_cast %get3A_234 : vector<1x16xf32> to vector<16xf32>
        %mul3A_236 = arith.mulf %get3A_235, %gather3A_198 : vector<16xf32>
        %swap3A_237 = arith.index_cast %add3A_202 : i32 to index
        %swap3A_238 = arith.constant 48 : index
        %swap3A_239 = tpu.vector_load %arg12[%swap3A_237, %swap3A_238] {strides = array<i32>} : memref<200x128xf32, #tpu.memory_space<vmem>>, vector<1x16xf32>,
        %swap3A_240 = vector.shape_cast %swap3A_239 : vector<1x16xf32> to vector<16xf32>
        %swap3A_241 = vector.shape_cast %mul3A_236 : vector<16xf32> to vector<1x16xf32>
        tpu.vector_store %arg12[%swap3A_237, %swap3A_238], %swap3A_241 {strides = array<i32>} : memref<200x128xf32, #tpu.memory_space<vmem>>, vector<1x16xf32>,
        %get3A_242 = arith.index_cast %add3A_202 : i32 to index
        %get3A_243 = arith.constant 64 : index
        %get3A_244 = tpu.vector_load %arg12[%get3A_242, %get3A_243] {strides = array<i32>} : memref<200x128xf32, #tpu.memory_space<vmem>>, vector<1x16xf32>,
        %get3A_245 = vector.shape_cast %get3A_244 : vector<1x16xf32> to vector<16xf32>
        %mul3A_246 = arith.mulf %get3A_245, %gather3A_198 : vector<16xf32>
        %swap3A_247 = arith.index_cast %add3A_202 : i32 to index
        %swap3A_248 = arith.constant 64 : index
        %swap3A_249 = tpu.vector_load %arg12[%swap3A_247, %swap3A_248] {strides = array<i32>} : memref<200x128xf32, #tpu.memory_space<vmem>>, vector<1x16xf32>,
        %swap3A_250 = vector.shape_cast %swap3A_249 : vector<1x16xf32> to vector<16xf32>
        %swap3A_251 = vector.shape_cast %mul3A_246 : vector<16xf32> to vector<1x16xf32>
        tpu.vector_store %arg12[%swap3A_247, %swap3A_248], %swap3A_251 {strides = array<i32>} : memref<200x128xf32, #tpu.memory_space<vmem>>, vector<1x16xf32>,
        %get3A_252 = arith.index_cast %add3A_202 : i32 to index
        %get3A_253 = arith.constant 80 : index
        %get3A_254 = tpu.vector_load %arg12[%get3A_252, %get3A_253] {strides = array<i32>} : memref<200x128xf32, #tpu.memory_space<vmem>>, vector<1x16xf32>,
        %get3A_255 = vector.shape_cast %get3A_254 : vector<1x16xf32> to vector<16xf32>
        %mul3A_256 = arith.mulf %get3A_255, %gather3A_198 : vector<16xf32>
        %swap3A_257 = arith.index_cast %add3A_202 : i32 to index
        %swap3A_258 = arith.constant 80 : index
        %swap3A_259 = tpu.vector_load %arg12[%swap3A_257, %swap3A_258] {strides = array<i32>} : memref<200x128xf32, #tpu.memory_space<vmem>>, vector<1x16xf32>,
        %swap3A_260 = vector.shape_cast %swap3A_259 : vector<1x16xf32> to vector<16xf32>
        %swap3A_261 = vector.shape_cast %mul3A_256 : vector<16xf32> to vector<1x16xf32>
        tpu.vector_store %arg12[%swap3A_257, %swap3A_258], %swap3A_261 {strides = array<i32>} : memref<200x128xf32, #tpu.memory_space<vmem>>, vector<1x16xf32>,
        %get3A_262 = arith.index_cast %add3A_202 : i32 to index
        %get3A_263 = arith.constant 96 : index
        %get3A_264 = tpu.vector_load %arg12[%get3A_262, %get3A_263] {strides = array<i32>} : memref<200x128xf32, #tpu.memory_space<vmem>>, vector<1x16xf32>,
        %get3A_265 = vector.shape_cast %get3A_264 : vector<1x16xf32> to vector<16xf32>
        %mul3A_266 = arith.mulf %get3A_265, %gather3A_198 : vector<16xf32>
        %swap3A_267 = arith.index_cast %add3A_202 : i32 to index
        %swap3A_268 = arith.constant 96 : index
        %swap3A_269 = tpu.vector_load %arg12[%swap3A_267, %swap3A_268] {strides = array<i32>} : memref<200x128xf32, #tpu.memory_space<vmem>>, vector<1x16xf32>,
        %swap3A_270 = vector.shape_cast %swap3A_269 : vector<1x16xf32> to vector<16xf32>
        %swap3A_271 = vector.shape_cast %mul3A_266 : vector<16xf32> to vector<1x16xf32>
        tpu.vector_store %arg12[%swap3A_267, %swap3A_268], %swap3A_271 {strides = array<i32>} : memref<200x128xf32, #tpu.memory_space<vmem>>, vector<1x16xf32>,
        %get3A_272 = arith.index_cast %add3A_202 : i32 to index
        %get3A_273 = arith.constant 112 : index
        %get3A_274 = tpu.vector_load %arg12[%get3A_272, %get3A_273] {strides = array<i32>} : memref<200x128xf32, #tpu.memory_space<vmem>>, vector<1x16xf32>,
        %get3A_275 = vector.shape_cast %get3A_274 : vector<1x16xf32> to vector<16xf32>
        %mul3A_276 = arith.mulf %get3A_275, %gather3A_198 : vector<16xf32>
        %swap3A_277 = arith.index_cast %add3A_202 : i32 to index
        %swap3A_278 = arith.constant 112 : index
        %swap3A_279 = tpu.vector_load %arg12[%swap3A_277, %swap3A_278] {strides = array<i32>} : memref<200x128xf32, #tpu.memory_space<vmem>>, vector<1x16xf32>,
        %swap3A_280 = vector.shape_cast %swap3A_279 : vector<1x16xf32> to vector<16xf32>
        %swap3A_281 = vector.shape_cast %mul3A_276 : vector<16xf32> to vector<1x16xf32>
        tpu.vector_store %arg12[%swap3A_277, %swap3A_278], %swap3A_281 {strides = array<i32>} : memref<200x128xf32, #tpu.memory_space<vmem>>, vector<1x16xf32>,
        %broadcast_in_dim3A_282 = arith.constant 1 : i32
        %broadcast_in_dim3A_283 = vector.broadcast %broadcast_in_dim3A_282 : i32 to vector<16xi32>
        %lt3A_284 = arith.constant 0 : i32
        %lt3A_285 = vector.broadcast %lt3A_284 : i32 to vector<16xi32>
        %lt3A_286 = arith.cmpi slt, %broadcast_in_dim3A_283, %lt3A_285 : vector<16xi32>
        %add3A_287 = arith.constant 16 : i32
        %add3A_288 = vector.broadcast %add3A_287 : i32 to vector<16xi32>
        %add3A_289 = arith.addi %broadcast_in_dim3A_283, %add3A_288 : vector<16xi32>
        %select_n3A_290 = arith.select %lt3A_286, %add3A_289, %broadcast_in_dim3A_283 : vector<16xi1>, vector<16xi32>
        %broadcast_in_dim3A_291 = vector.shape_cast %select_n3A_290 : vector<16xi32> to vector<16x1xi32>
        %gather3A_292 = vector.shape_cast %broadcast_in_dim3A_291 : vector<16x1xi32> to vector<16xi32>
        %gather3A_293 = tpu.dynamic_gather %get3A_188[%gather3A_292] in [0] : vector<16xf32>, vector<16xi32> -> vector<16xf32>
        %add3A_294 = arith.constant 0 : i32
        %add3A_295 = arith.addi %multiple_of3A_168, %add3A_294 : i32
        %add3A_296 = arith.constant 1 : i32
        %add3A_297 = arith.addi %add3A_295, %add3A_296 : i32
        %get3A_298 = arith.index_cast %add3A_297 : i32 to index
        %get3A_299 = arith.constant 0 : index
        %get3A_300 = tpu.vector_load %arg12[%get3A_298, %get3A_299] {strides = array<i32>} : memref<200x128xf32, #tpu.memory_space<vmem>>, vector<1x16xf32>,
        %get3A_301 = vector.shape_cast %get3A_300 : vector<1x16xf32> to vector<16xf32>
        %mul3A_302 = arith.mulf %get3A_301, %gather3A_293 : vector<16xf32>
        %swap3A_303 = arith.index_cast %add3A_297 : i32 to index
        %swap3A_304 = arith.constant 0 : index
        %swap3A_305 = tpu.vector_load %arg12[%swap3A_303, %swap3A_304] {strides = array<i32>} : memref<200x128xf32, #tpu.memory_space<vmem>>, vector<1x16xf32>,
        %swap3A_306 = vector.shape_cast %swap3A_305 : vector<1x16xf32> to vector<16xf32>
        %swap3A_307 = vector.shape_cast %mul3A_302 : vector<16xf32> to vector<1x16xf32>
        tpu.vector_store %arg12[%swap3A_303, %swap3A_304], %swap3A_307 {strides = array<i32>} : memref<200x128xf32, #tpu.memory_space<vmem>>, vector<1x16xf32>,
        %get3A_308 = arith.index_cast %add3A_297 : i32 to index
        %get3A_309 = arith.constant 16 : index
        %get3A_310 = tpu.vector_load %arg12[%get3A_308, %get3A_309] {strides = array<i32>} : memref<200x128xf32, #tpu.memory_space<vmem>>, vector<1x16xf32>,
        %get3A_311 = vector.shape_cast %get3A_310 : vector<1x16xf32> to vector<16xf32>
        %mul3A_312 = arith.mulf %get3A_311, %gather3A_293 : vector<16xf32>
        %swap3A_313 = arith.index_cast %add3A_297 : i32 to index
        %swap3A_314 = arith.constant 16 : index
        %swap3A_315 = tpu.vector_load %arg12[%swap3A_313, %swap3A_314] {strides = array<i32>} : memref<200x128xf32, #tpu.memory_space<vmem>>, vector<1x16xf32>,
        %swap3A_316 = vector.shape_cast %swap3A_315 : vector<1x16xf32> to vector<16xf32>
        %swap3A_317 = vector.shape_cast %mul3A_312 : vector<16xf32> to vector<1x16xf32>
        tpu.vector_store %arg12[%swap3A_313, %swap3A_314], %swap3A_317 {strides = array<i32>} : memref<200x128xf32, #tpu.memory_space<vmem>>, vector<1x16xf32>,
        %get3A_318 = arith.index_cast %add3A_297 : i32 to index
        %get3A_319 = arith.constant 32 : index
        %get3A_320 = tpu.vector_load %arg12[%get3A_318, %get3A_319] {strides = array<i32>} : memref<200x128xf32, #tpu.memory_space<vmem>>, vector<1x16xf32>,
        %get3A_321 = vector.shape_cast %get3A_320 : vector<1x16xf32> to vector<16xf32>
        %mul3A_322 = arith.mulf %get3A_321, %gather3A_293 : vector<16xf32>
        %swap3A_323 = arith.index_cast %add3A_297 : i32 to index
        %swap3A_324 = arith.constant 32 : index
        %swap3A_325 = tpu.vector_load %arg12[%swap3A_323, %swap3A_324] {strides = array<i32>} : memref<200x128xf32, #tpu.memory_space<vmem>>, vector<1x16xf32>,
        %swap3A_326 = vector.shape_cast %swap3A_325 : vector<1x16xf32> to vector<16xf32>
        %swap3A_327 = vector.shape_cast %mul3A_322 : vector<16xf32> to vector<1x16xf32>
        tpu.vector_store %arg12[%swap3A_323, %swap3A_324], %swap3A_327 {strides = array<i32>} : memref<200x128xf32, #tpu.memory_space<vmem>>, vector<1x16xf32>,
        %get3A_328 = arith.index_cast %add3A_297 : i32 to index
        %get3A_329 = arith.constant 48 : index
        %get3A_330 = tpu.vector_load %arg12[%get3A_328, %get3A_329] {strides = array<i32>} : memref<200x128xf32, #tpu.memory_space<vmem>>, vector<1x16xf32>,
        %get3A_331 = vector.shape_cast %get3A_330 : vector<1x16xf32> to vector<16xf32>
        %mul3A_332 = arith.mulf %get3A_331, %gather3A_293 : vector<16xf32>
        %swap3A_333 = arith.index_cast %add3A_297 : i32 to index
        %swap3A_334 = arith.constant 48 : index
        %swap3A_335 = tpu.vector_load %arg12[%swap3A_333, %swap3A_334] {strides = array<i32>} : memref<200x128xf32, #tpu.memory_space<vmem>>, vector<1x16xf32>,
        %swap3A_336 = vector.shape_cast %swap3A_335 : vector<1x16xf32> to vector<16xf32>
        %swap3A_337 = vector.shape_cast %mul3A_332 : vector<16xf32> to vector<1x16xf32>
        tpu.vector_store %arg12[%swap3A_333, %swap3A_334], %swap3A_337 {strides = array<i32>} : memref<200x128xf32, #tpu.memory_space<vmem>>, vector<1x16xf32>,
        %get3A_338 = arith.index_cast %add3A_297 : i32 to index
        %get3A_339 = arith.constant 64 : index
        %get3A_340 = tpu.vector_load %arg12[%get3A_338, %get3A_339] {strides = array<i32>} : memref<200x128xf32, #tpu.memory_space<vmem>>, vector<1x16xf32>,
        %get3A_341 = vector.shape_cast %get3A_340 : vector<1x16xf32> to vector<16xf32>
        %mul3A_342 = arith.mulf %get3A_341, %gather3A_293 : vector<16xf32>
        %swap3A_343 = arith.index_cast %add3A_297 : i32 to index
        %swap3A_344 = arith.constant 64 : index
        %swap3A_345 = tpu.vector_load %arg12[%swap3A_343, %swap3A_344] {strides = array<i32>} : memref<200x128xf32, #tpu.memory_space<vmem>>, vector<1x16xf32>,
        %swap3A_346 = vector.shape_cast %swap3A_345 : vector<1x16xf32> to vector<16xf32>
        %swap3A_347 = vector.shape_cast %mul3A_342 : vector<16xf32> to vector<1x16xf32>
        tpu.vector_store %arg12[%swap3A_343, %swap3A_344], %swap3A_347 {strides = array<i32>} : memref<200x128xf32, #tpu.memory_space<vmem>>, vector<1x16xf32>,
        %get3A_348 = arith.index_cast %add3A_297 : i32 to index
        %get3A_349 = arith.constant 80 : index
        %get3A_350 = tpu.vector_load %arg12[%get3A_348, %get3A_349] {strides = array<i32>} : memref<200x128xf32, #tpu.memory_space<vmem>>, vector<1x16xf32>,
        %get3A_351 = vector.shape_cast %get3A_350 : vector<1x16xf32> to vector<16xf32>
        %mul3A_352 = arith.mulf %get3A_351, %gather3A_293 : vector<16xf32>
        %swap3A_353 = arith.index_cast %add3A_297 : i32 to index
        %swap3A_354 = arith.constant 80 : index
        %swap3A_355 = tpu.vector_load %arg12[%swap3A_353, %swap3A_354] {strides = array<i32>} : memref<200x128xf32, #tpu.memory_space<vmem>>, vector<1x16xf32>,
        %swap3A_356 = vector.shape_cast %swap3A_355 : vector<1x16xf32> to vector<16xf32>
        %swap3A_357 = vector.shape_cast %mul3A_352 : vector<16xf32> to vector<1x16xf32>
        tpu.vector_store %arg12[%swap3A_353, %swap3A_354], %swap3A_357 {strides = array<i32>} : memref<200x128xf32, #tpu.memory_space<vmem>>, vector<1x16xf32>,
        %get3A_358 = arith.index_cast %add3A_297 : i32 to index
        %get3A_359 = arith.constant 96 : index
        %get3A_360 = tpu.vector_load %arg12[%get3A_358, %get3A_359] {strides = array<i32>} : memref<200x128xf32, #tpu.memory_space<vmem>>, vector<1x16xf32>,
        %get3A_361 = vector.shape_cast %get3A_360 : vector<1x16xf32> to vector<16xf32>
        %mul3A_362 = arith.mulf %get3A_361, %gather3A_293 : vector<16xf32>
        %swap3A_363 = arith.index_cast %add3A_297 : i32 to index
        %swap3A_364 = arith.constant 96 : index
        %swap3A_365 = tpu.vector_load %arg12[%swap3A_363, %swap3A_364] {strides = array<i32>} : memref<200x128xf32, #tpu.memory_space<vmem>>, vector<1x16xf32>,
        %swap3A_366 = vector.shape_cast %swap3A_365 : vector<1x16xf32> to vector<16xf32>
        %swap3A_367 = vector.shape_cast %mul3A_362 : vector<16xf32> to vector<1x16xf32>
        tpu.vector_store %arg12[%swap3A_363, %swap3A_364], %swap3A_367 {strides = array<i32>} : memref<200x128xf32, #tpu.memory_space<vmem>>, vector<1x16xf32>,
        %get3A_368 = arith.index_cast %add3A_297 : i32 to index
        %get3A_369 = arith.constant 112 : index
        %get3A_370 = tpu.vector_load %arg12[%get3A_368, %get3A_369] {strides = array<i32>} : memref<200x128xf32, #tpu.memory_space<vmem>>, vector<1x16xf32>,
        %get3A_371 = vector.shape_cast %get3A_370 : vector<1x16xf32> to vector<16xf32>
        %mul3A_372 = arith.mulf %get3A_371, %gather3A_293 : vector<16xf32>
        %swap3A_373 = arith.index_cast %add3A_297 : i32 to index
        %swap3A_374 = arith.constant 112 : index
        %swap3A_375 = tpu.vector_load %arg12[%swap3A_373, %swap3A_374] {strides = array<i32>} : memref<200x128xf32, #tpu.memory_space<vmem>>, vector<1x16xf32>,
        %swap3A_376 = vector.shape_cast %swap3A_375 : vector<1x16xf32> to vector<16xf32>
        %swap3A_377 = vector.shape_cast %mul3A_372 : vector<16xf32> to vector<1x16xf32>
        tpu.vector_store %arg12[%swap3A_373, %swap3A_374], %swap3A_377 {strides = array<i32>} : memref<200x128xf32, #tpu.memory_space<vmem>>, vector<1x16xf32>,
        %broadcast_in_dim3A_378 = arith.constant 2 : i32
        %broadcast_in_dim3A_379 = vector.broadcast %broadcast_in_dim3A_378 : i32 to vector<16xi32>
        %lt3A_380 = arith.constant 0 : i32
        %lt3A_381 = vector.broadcast %lt3A_380 : i32 to vector<16xi32>
        %lt3A_382 = arith.cmpi slt, %broadcast_in_dim3A_379, %lt3A_381 : vector<16xi32>
        %add3A_383 = arith.constant 16 : i32
        %add3A_384 = vector.broadcast %add3A_383 : i32 to vector<16xi32>
        %add3A_385 = arith.addi %broadcast_in_dim3A_379, %add3A_384 : vector<16xi32>
        %select_n3A_386 = arith.select %lt3A_382, %add3A_385, %broadcast_in_dim3A_379 : vector<16xi1>, vector<16xi32>
        %broadcast_in_dim3A_387 = vector.shape_cast %select_n3A_386 : vector<16xi32> to vector<16x1xi32>
        %gather3A_388 = vector.shape_cast %broadcast_in_dim3A_387 : vector<16x1xi32> to vector<16xi32>
        %gather3A_389 = tpu.dynamic_gather %get3A_188[%gather3A_388] in [0] : vector<16xf32>, vector<16xi32> -> vector<16xf32>
        %add3A_390 = arith.constant 0 : i32
        %add3A_391 = arith.addi %multiple_of3A_168, %add3A_390 : i32
        %add3A_392 = arith.constant 2 : i32
        %add3A_393 = arith.addi %add3A_391, %add3A_392 : i32
        %get3A_394 = arith.index_cast %add3A_393 : i32 to index
        %get3A_395 = arith.constant 0 : index
        %get3A_396 = tpu.vector_load %arg12[%get3A_394, %get3A_395] {strides = array<i32>} : memref<200x128xf32, #tpu.memory_space<vmem>>, vector<1x16xf32>,
        %get3A_397 = vector.shape_cast %get3A_396 : vector<1x16xf32> to vector<16xf32>
        %mul3A_398 = arith.mulf %get3A_397, %gather3A_389 : vector<16xf32>
        %swap3A_399 = arith.index_cast %add3A_393 : i32 to index
        %swap3A_400 = arith.constant 0 : index
        %swap3A_401 = tpu.vector_load %arg12[%swap3A_399, %swap3A_400] {strides = array<i32>} : memref<200x128xf32, #tpu.memory_space<vmem>>, vector<1x16xf32>,
        %swap3A_402 = vector.shape_cast %swap3A_401 : vector<1x16xf32> to vector<16xf32>
        %swap3A_403 = vector.shape_cast %mul3A_398 : vector<16xf32> to vector<1x16xf32>
        tpu.vector_store %arg12[%swap3A_399, %swap3A_400], %swap3A_403 {strides = array<i32>} : memref<200x128xf32, #tpu.memory_space<vmem>>, vector<1x16xf32>,
        %get3A_404 = arith.index_cast %add3A_393 : i32 to index
        %get3A_405 = arith.constant 16 : index
        %get3A_406 = tpu.vector_load %arg12[%get3A_404, %get3A_405] {strides = array<i32>} : memref<200x128xf32, #tpu.memory_space<vmem>>, vector<1x16xf32>,
        %get3A_407 = vector.shape_cast %get3A_406 : vector<1x16xf32> to vector<16xf32>
        %mul3A_408 = arith.mulf %get3A_407, %gather3A_389 : vector<16xf32>
        %swap3A_409 = arith.index_cast %add3A_393 : i32 to index
        %swap3A_410 = arith.constant 16 : index
        %swap3A_411 = tpu.vector_load %arg12[%swap3A_409, %swap3A_410] {strides = array<i32>} : memref<200x128xf32, #tpu.memory_space<vmem>>, vector<1x16xf32>,
        %swap3A_412 = vector.shape_cast %swap3A_411 : vector<1x16xf32> to vector<16xf32>
        %swap3A_413 = vector.shape_cast %mul3A_408 : vector<16xf32> to vector<1x16xf32>
        tpu.vector_store %arg12[%swap3A_409, %swap3A_410], %swap3A_413 {strides = array<i32>} : memref<200x128xf32, #tpu.memory_space<vmem>>, vector<1x16xf32>,
        %get3A_414 = arith.index_cast %add3A_393 : i32 to index
        %get3A_415 = arith.constant 32 : index
        %get3A_416 = tpu.vector_load %arg12[%get3A_414, %get3A_415] {strides = array<i32>} : memref<200x128xf32, #tpu.memory_space<vmem>>, vector<1x16xf32>,
        %get3A_417 = vector.shape_cast %get3A_416 : vector<1x16xf32> to vector<16xf32>
        %mul3A_418 = arith.mulf %get3A_417, %gather3A_389 : vector<16xf32>
        %swap3A_419 = arith.index_cast %add3A_393 : i32 to index
        %swap3A_420 = arith.constant 32 : index
        %swap3A_421 = tpu.vector_load %arg12[%swap3A_419, %swap3A_420] {strides = array<i32>} : memref<200x128xf32, #tpu.memory_space<vmem>>, vector<1x16xf32>,
        %swap3A_422 = vector.shape_cast %swap3A_421 : vector<1x16xf32> to vector<16xf32>
        %swap3A_423 = vector.shape_cast %mul3A_418 : vector<16xf32> to vector<1x16xf32>
        tpu.vector_store %arg12[%swap3A_419, %swap3A_420], %swap3A_423 {strides = array<i32>} : memref<200x128xf32, #tpu.memory_space<vmem>>, vector<1x16xf32>,
        %get3A_424 = arith.index_cast %add3A_393 : i32 to index
        %get3A_425 = arith.constant 48 : index
        %get3A_426 = tpu.vector_load %arg12[%get3A_424, %get3A_425] {strides = array<i32>} : memref<200x128xf32, #tpu.memory_space<vmem>>, vector<1x16xf32>,
        %get3A_427 = vector.shape_cast %get3A_426 : vector<1x16xf32> to vector<16xf32>
        %mul3A_428 = arith.mulf %get3A_427, %gather3A_389 : vector<16xf32>
        %swap3A_429 = arith.index_cast %add3A_393 : i32 to index
        %swap3A_430 = arith.constant 48 : index
        %swap3A_431 = tpu.vector_load %arg12[%swap3A_429, %swap3A_430] {strides = array<i32>} : memref<200x128xf32, #tpu.memory_space<vmem>>, vector<1x16xf32>,
        %swap3A_432 = vector.shape_cast %swap3A_431 : vector<1x16xf32> to vector<16xf32>
        %swap3A_433 = vector.shape_cast %mul3A_428 : vector<16xf32> to vector<1x16xf32>
        tpu.vector_store %arg12[%swap3A_429, %swap3A_430], %swap3A_433 {strides = array<i32>} : memref<200x128xf32, #tpu.memory_space<vmem>>, vector<1x16xf32>,
        %get3A_434 = arith.index_cast %add3A_393 : i32 to index
        %get3A_435 = arith.constant 64 : index
        %get3A_436 = tpu.vector_load %arg12[%get3A_434, %get3A_435] {strides = array<i32>} : memref<200x128xf32, #tpu.memory_space<vmem>>, vector<1x16xf32>,
        %get3A_437 = vector.shape_cast %get3A_436 : vector<1x16xf32> to vector<16xf32>
        %mul3A_438 = arith.mulf %get3A_437, %gather3A_389 : vector<16xf32>
        %swap3A_439 = arith.index_cast %add3A_393 : i32 to index
        %swap3A_440 = arith.constant 64 : index
        %swap3A_441 = tpu.vector_load %arg12[%swap3A_439, %swap3A_440] {strides = array<i32>} : memref<200x128xf32, #tpu.memory_space<vmem>>, vector<1x16xf32>,
        %swap3A_442 = vector.shape_cast %swap3A_441 : vector<1x16xf32> to vector<16xf32>
        %swap3A_443 = vector.shape_cast %mul3A_438 : vector<16xf32> to vector<1x16xf32>
        tpu.vector_store %arg12[%swap3A_439, %swap3A_440], %swap3A_443 {strides = array<i32>} : memref<200x128xf32, #tpu.memory_space<vmem>>, vector<1x16xf32>,
        %get3A_444 = arith.index_cast %add3A_393 : i32 to index
        %get3A_445 = arith.constant 80 : index
        %get3A_446 = tpu.vector_load %arg12[%get3A_444, %get3A_445] {strides = array<i32>} : memref<200x128xf32, #tpu.memory_space<vmem>>, vector<1x16xf32>,
        %get3A_447 = vector.shape_cast %get3A_446 : vector<1x16xf32> to vector<16xf32>
        %mul3A_448 = arith.mulf %get3A_447, %gather3A_389 : vector<16xf32>
        %swap3A_449 = arith.index_cast %add3A_393 : i32 to index
        %swap3A_450 = arith.constant 80 : index
        %swap3A_451 = tpu.vector_load %arg12[%swap3A_449, %swap3A_450] {strides = array<i32>} : memref<200x128xf32, #tpu.memory_space<vmem>>, vector<1x16xf32>,
        %swap3A_452 = vector.shape_cast %swap3A_451 : vector<1x16xf32> to vector<16xf32>
        %swap3A_453 = vector.shape_cast %mul3A_448 : vector<16xf32> to vector<1x16xf32>
        tpu.vector_store %arg12[%swap3A_449, %swap3A_450], %swap3A_453 {strides = array<i32>} : memref<200x128xf32, #tpu.memory_space<vmem>>, vector<1x16xf32>,
        %get3A_454 = arith.index_cast %add3A_393 : i32 to index
        %get3A_455 = arith.constant 96 : index
        %get3A_456 = tpu.vector_load %arg12[%get3A_454, %get3A_455] {strides = array<i32>} : memref<200x128xf32, #tpu.memory_space<vmem>>, vector<1x16xf32>,
        %get3A_457 = vector.shape_cast %get3A_456 : vector<1x16xf32> to vector<16xf32>
        %mul3A_458 = arith.mulf %get3A_457, %gather3A_389 : vector<16xf32>
        %swap3A_459 = arith.index_cast %add3A_393 : i32 to index
        %swap3A_460 = arith.constant 96 : index
        %swap3A_461 = tpu.vector_load %arg12[%swap3A_459, %swap3A_460] {strides = array<i32>} : memref<200x128xf32, #tpu.memory_space<vmem>>, vector<1x16xf32>,
        %swap3A_462 = vector.shape_cast %swap3A_461 : vector<1x16xf32> to vector<16xf32>
        %swap3A_463 = vector.shape_cast %mul3A_458 : vector<16xf32> to vector<1x16xf32>
        tpu.vector_store %arg12[%swap3A_459, %swap3A_460], %swap3A_463 {strides = array<i32>} : memref<200x128xf32, #tpu.memory_space<vmem>>, vector<1x16xf32>,
        %get3A_464 = arith.index_cast %add3A_393 : i32 to index
        %get3A_465 = arith.constant 112 : index
        %get3A_466 = tpu.vector_load %arg12[%get3A_464, %get3A_465] {strides = array<i32>} : memref<200x128xf32, #tpu.memory_space<vmem>>, vector<1x16xf32>,
        %get3A_467 = vector.shape_cast %get3A_466 : vector<1x16xf32> to vector<16xf32>
        %mul3A_468 = arith.mulf %get3A_467, %gather3A_389 : vector<16xf32>
        %swap3A_469 = arith.index_cast %add3A_393 : i32 to index
        %swap3A_470 = arith.constant 112 : index
        %swap3A_471 = tpu.vector_load %arg12[%swap3A_469, %swap3A_470] {strides = array<i32>} : memref<200x128xf32, #tpu.memory_space<vmem>>, vector<1x16xf32>,
        %swap3A_472 = vector.shape_cast %swap3A_471 : vector<1x16xf32> to vector<16xf32>
        %swap3A_473 = vector.shape_cast %mul3A_468 : vector<16xf32> to vector<1x16xf32>
        tpu.vector_store %arg12[%swap3A_469, %swap3A_470], %swap3A_473 {strides = array<i32>} : memref<200x128xf32, #tpu.memory_space<vmem>>, vector<1x16xf32>,
        %broadcast_in_dim3A_474 = arith.constant 3 : i32
        %broadcast_in_dim3A_475 = vector.broadcast %broadcast_in_dim3A_474 : i32 to vector<16xi32>
        %lt3A_476 = arith.constant 0 : i32
        %lt3A_477 = vector.broadcast %lt3A_476 : i32 to vector<16xi32>
        %lt3A_478 = arith.cmpi slt, %broadcast_in_dim3A_475, %lt3A_477 : vector<16xi32>
        %add3A_479 = arith.constant 16 : i32
        %add3A_480 = vector.broadcast %add3A_479 : i32 to vector<16xi32>
        %add3A_481 = arith.addi %broadcast_in_dim3A_475, %add3A_480 : vector<16xi32>
        %select_n3A_482 = arith.select %lt3A_478, %add3A_481, %broadcast_in_dim3A_475 : vector<16xi1>, vector<16xi32>
        %broadcast_in_dim3A_483 = vector.shape_cast %select_n3A_482 : vector<16xi32> to vector<16x1xi32>
        %gather3A_484 = vector.shape_cast %broadcast_in_dim3A_483 : vector<16x1xi32> to vector<16xi32>
        %gather3A_485 = tpu.dynamic_gather %get3A_188[%gather3A_484] in [0] : vector<16xf32>, vector<16xi32> -> vector<16xf32>
        %add3A_486 = arith.constant 0 : i32
        %add3A_487 = arith.addi %multiple_of3A_168, %add3A_486 : i32
        %add3A_488 = arith.constant 3 : i32
        %add3A_489 = arith.addi %add3A_487, %add3A_488 : i32
        %get3A_490 = arith.index_cast %add3A_489 : i32 to index
        %get3A_491 = arith.constant 0 : index
        %get3A_492 = tpu.vector_load %arg12[%get3A_490, %get3A_491] {strides = array<i32>} : memref<200x128xf32, #tpu.memory_space<vmem>>, vector<1x16xf32>,
        %get3A_493 = vector.shape_cast %get3A_492 : vector<1x16xf32> to vector<16xf32>
        %mul3A_494 = arith.mulf %get3A_493, %gather3A_485 : vector<16xf32>
        %swap3A_495 = arith.index_cast %add3A_489 : i32 to index
        %swap3A_496 = arith.constant 0 : index
        %swap3A_497 = tpu.vector_load %arg12[%swap3A_495, %swap3A_496] {strides = array<i32>} : memref<200x128xf32, #tpu.memory_space<vmem>>, vector<1x16xf32>,
        %swap3A_498 = vector.shape_cast %swap3A_497 : vector<1x16xf32> to vector<16xf32>
        %swap3A_499 = vector.shape_cast %mul3A_494 : vector<16xf32> to vector<1x16xf32>
        tpu.vector_store %arg12[%swap3A_495, %swap3A_496], %swap3A_499 {strides = array<i32>} : memref<200x128xf32, #tpu.memory_space<vmem>>, vector<1x16xf32>,
        %get3A_500 = arith.index_cast %add3A_489 : i32 to index
        %get3A_501 = arith.constant 16 : index
        %get3A_502 = tpu.vector_load %arg12[%get3A_500, %get3A_501] {strides = array<i32>} : memref<200x128xf32, #tpu.memory_space<vmem>>, vector<1x16xf32>,
        %get3A_503 = vector.shape_cast %get3A_502 : vector<1x16xf32> to vector<16xf32>
        %mul3A_504 = arith.mulf %get3A_503, %gather3A_485 : vector<16xf32>
        %swap3A_505 = arith.index_cast %add3A_489 : i32 to index
        %swap3A_506 = arith.constant 16 : index
        %swap3A_507 = tpu.vector_load %arg12[%swap3A_505, %swap3A_506] {strides = array<i32>} : memref<200x128xf32, #tpu.memory_space<vmem>>, vector<1x16xf32>,
        %swap3A_508 = vector.shape_cast %swap3A_507 : vector<1x16xf32> to vector<16xf32>
        %swap3A_509 = vector.shape_cast %mul3A_504 : vector<16xf32> to vector<1x16xf32>
        tpu.vector_store %arg12[%swap3A_505, %swap3A_506], %swap3A_509 {strides = array<i32>} : memref<200x128xf32, #tpu.memory_space<vmem>>, vector<1x16xf32>,
        %get3A_510 = arith.index_cast %add3A_489 : i32 to index
        %get3A_511 = arith.constant 32 : index
        %get3A_512 = tpu.vector_load %arg12[%get3A_510, %get3A_511] {strides = array<i32>} : memref<200x128xf32, #tpu.memory_space<vmem>>, vector<1x16xf32>,
        %get3A_513 = vector.shape_cast %get3A_512 : vector<1x16xf32> to vector<16xf32>
        %mul3A_514 = arith.mulf %get3A_513, %gather3A_485 : vector<16xf32>
        %swap3A_515 = arith.index_cast %add3A_489 : i32 to index
        %swap3A_516 = arith.constant 32 : index
        %swap3A_517 = tpu.vector_load %arg12[%swap3A_515, %swap3A_516] {strides = array<i32>} : memref<200x128xf32, #tpu.memory_space<vmem>>, vector<1x16xf32>,
        %swap3A_518 = vector.shape_cast %swap3A_517 : vector<1x16xf32> to vector<16xf32>
        %swap3A_519 = vector.shape_cast %mul3A_514 : vector<16xf32> to vector<1x16xf32>
        tpu.vector_store %arg12[%swap3A_515, %swap3A_516], %swap3A_519 {strides = array<i32>} : memref<200x128xf32, #tpu.memory_space<vmem>>, vector<1x16xf32>,
        %get3A_520 = arith.index_cast %add3A_489 : i32 to index
        %get3A_521 = arith.constant 48 : index
        %get3A_522 = tpu.vector_load %arg12[%get3A_520, %get3A_521] {strides = array<i32>} : memref<200x128xf32, #tpu.memory_space<vmem>>, vector<1x16xf32>,
        %get3A_523 = vector.shape_cast %get3A_522 : vector<1x16xf32> to vector<16xf32>
        %mul3A_524 = arith.mulf %get3A_523, %gather3A_485 : vector<16xf32>
        %swap3A_525 = arith.index_cast %add3A_489 : i32 to index
        %swap3A_526 = arith.constant 48 : index
        %swap3A_527 = tpu.vector_load %arg12[%swap3A_525, %swap3A_526] {strides = array<i32>} : memref<200x128xf32, #tpu.memory_space<vmem>>, vector<1x16xf32>,
        %swap3A_528 = vector.shape_cast %swap3A_527 : vector<1x16xf32> to vector<16xf32>
        %swap3A_529 = vector.shape_cast %mul3A_524 : vector<16xf32> to vector<1x16xf32>
        tpu.vector_store %arg12[%swap3A_525, %swap3A_526], %swap3A_529 {strides = array<i32>} : memref<200x128xf32, #tpu.memory_space<vmem>>, vector<1x16xf32>,
        %get3A_530 = arith.index_cast %add3A_489 : i32 to index
        %get3A_531 = arith.constant 64 : index
        %get3A_532 = tpu.vector_load %arg12[%get3A_530, %get3A_531] {strides = array<i32>} : memref<200x128xf32, #tpu.memory_space<vmem>>, vector<1x16xf32>,
        %get3A_533 = vector.shape_cast %get3A_532 : vector<1x16xf32> to vector<16xf32>
        %mul3A_534 = arith.mulf %get3A_533, %gather3A_485 : vector<16xf32>
        %swap3A_535 = arith.index_cast %add3A_489 : i32 to index
        %swap3A_536 = arith.constant 64 : index
        %swap3A_537 = tpu.vector_load %arg12[%swap3A_535, %swap3A_536] {strides = array<i32>} : memref<200x128xf32, #tpu.memory_space<vmem>>, vector<1x16xf32>,
        %swap3A_538 = vector.shape_cast %swap3A_537 : vector<1x16xf32> to vector<16xf32>
        %swap3A_539 = vector.shape_cast %mul3A_534 : vector<16xf32> to vector<1x16xf32>
        tpu.vector_store %arg12[%swap3A_535, %swap3A_536], %swap3A_539 {strides = array<i32>} : memref<200x128xf32, #tpu.memory_space<vmem>>, vector<1x16xf32>,
        %get3A_540 = arith.index_cast %add3A_489 : i32 to index
        %get3A_541 = arith.constant 80 : index
        %get3A_542 = tpu.vector_load %arg12[%get3A_540, %get3A_541] {strides = array<i32>} : memref<200x128xf32, #tpu.memory_space<vmem>>, vector<1x16xf32>,
        %get3A_543 = vector.shape_cast %get3A_542 : vector<1x16xf32> to vector<16xf32>
        %mul3A_544 = arith.mulf %get3A_543, %gather3A_485 : vector<16xf32>
        %swap3A_545 = arith.index_cast %add3A_489 : i32 to index
        %swap3A_546 = arith.constant 80 : index
        %swap3A_547 = tpu.vector_load %arg12[%swap3A_545, %swap3A_546] {strides = array<i32>} : memref<200x128xf32, #tpu.memory_space<vmem>>, vector<1x16xf32>,
        %swap3A_548 = vector.shape_cast %swap3A_547 : vector<1x16xf32> to vector<16xf32>
        %swap3A_549 = vector.shape_cast %mul3A_544 : vector<16xf32> to vector<1x16xf32>
        tpu.vector_store %arg12[%swap3A_545, %swap3A_546], %swap3A_549 {strides = array<i32>} : memref<200x128xf32, #tpu.memory_space<vmem>>, vector<1x16xf32>,
        %get3A_550 = arith.index_cast %add3A_489 : i32 to index
        %get3A_551 = arith.constant 96 : index
        %get3A_552 = tpu.vector_load %arg12[%get3A_550, %get3A_551] {strides = array<i32>} : memref<200x128xf32, #tpu.memory_space<vmem>>, vector<1x16xf32>,
        %get3A_553 = vector.shape_cast %get3A_552 : vector<1x16xf32> to vector<16xf32>
        %mul3A_554 = arith.mulf %get3A_553, %gather3A_485 : vector<16xf32>
        %swap3A_555 = arith.index_cast %add3A_489 : i32 to index
        %swap3A_556 = arith.constant 96 : index
        %swap3A_557 = tpu.vector_load %arg12[%swap3A_555, %swap3A_556] {strides = array<i32>} : memref<200x128xf32, #tpu.memory_space<vmem>>, vector<1x16xf32>,
        %swap3A_558 = vector.shape_cast %swap3A_557 : vector<1x16xf32> to vector<16xf32>
        %swap3A_559 = vector.shape_cast %mul3A_554 : vector<16xf32> to vector<1x16xf32>
        tpu.vector_store %arg12[%swap3A_555, %swap3A_556], %swap3A_559 {strides = array<i32>} : memref<200x128xf32, #tpu.memory_space<vmem>>, vector<1x16xf32>,
        %get3A_560 = arith.index_cast %add3A_489 : i32 to index
        %get3A_561 = arith.constant 112 : index
        %get3A_562 = tpu.vector_load %arg12[%get3A_560, %get3A_561] {strides = array<i32>} : memref<200x128xf32, #tpu.memory_space<vmem>>, vector<1x16xf32>,
        %get3A_563 = vector.shape_cast %get3A_562 : vector<1x16xf32> to vector<16xf32>
        %mul3A_564 = arith.mulf %get3A_563, %gather3A_485 : vector<16xf32>
        %swap3A_565 = arith.index_cast %add3A_489 : i32 to index
        %swap3A_566 = arith.constant 112 : index
        %swap3A_567 = tpu.vector_load %arg12[%swap3A_565, %swap3A_566] {strides = array<i32>} : memref<200x128xf32, #tpu.memory_space<vmem>>, vector<1x16xf32>,
        %swap3A_568 = vector.shape_cast %swap3A_567 : vector<1x16xf32> to vector<16xf32>
        %swap3A_569 = vector.shape_cast %mul3A_564 : vector<16xf32> to vector<1x16xf32>
        tpu.vector_store %arg12[%swap3A_565, %swap3A_566], %swap3A_569 {strides = array<i32>} : memref<200x128xf32, #tpu.memory_space<vmem>>, vector<1x16xf32>,
        %broadcast_in_dim3A_570 = arith.constant 4 : i32
        %broadcast_in_dim3A_571 = vector.broadcast %broadcast_in_dim3A_570 : i32 to vector<16xi32>
        %lt3A_572 = arith.constant 0 : i32
        %lt3A_573 = vector.broadcast %lt3A_572 : i32 to vector<16xi32>
        %lt3A_574 = arith.cmpi slt, %broadcast_in_dim3A_571, %lt3A_573 : vector<16xi32>
        %add3A_575 = arith.constant 16 : i32
        %add3A_576 = vector.broadcast %add3A_575 : i32 to vector<16xi32>
        %add3A_577 = arith.addi %broadcast_in_dim3A_571, %add3A_576 : vector<16xi32>
        %select_n3A_578 = arith.select %lt3A_574, %add3A_577, %broadcast_in_dim3A_571 : vector<16xi1>, vector<16xi32>
        %broadcast_in_dim3A_579 = vector.shape_cast %select_n3A_578 : vector<16xi32> to vector<16x1xi32>
        %gather3A_580 = vector.shape_cast %broadcast_in_dim3A_579 : vector<16x1xi32> to vector<16xi32>
        %gather3A_581 = tpu.dynamic_gather %get3A_188[%gather3A_580] in [0] : vector<16xf32>, vector<16xi32> -> vector<16xf32>
        %add3A_582 = arith.constant 0 : i32
        %add3A_583 = arith.addi %multiple_of3A_168, %add3A_582 : i32
        %add3A_584 = arith.constant 4 : i32
        %add3A_585 = arith.addi %add3A_583, %add3A_584 : i32
        %get3A_586 = arith.index_cast %add3A_585 : i32 to index
        %get3A_587 = arith.constant 0 : index
        %get3A_588 = tpu.vector_load %arg12[%get3A_586, %get3A_587] {strides = array<i32>} : memref<200x128xf32, #tpu.memory_space<vmem>>, vector<1x16xf32>,
        %get3A_589 = vector.shape_cast %get3A_588 : vector<1x16xf32> to vector<16xf32>
        %mul3A_590 = arith.mulf %get3A_589, %gather3A_581 : vector<16xf32>
        %swap3A_591 = arith.index_cast %add3A_585 : i32 to index
        %swap3A_592 = arith.constant 0 : index
        %swap3A_593 = tpu.vector_load %arg12[%swap3A_591, %swap3A_592] {strides = array<i32>} : memref<200x128xf32, #tpu.memory_space<vmem>>, vector<1x16xf32>,
        %swap3A_594 = vector.shape_cast %swap3A_593 : vector<1x16xf32> to vector<16xf32>
        %swap3A_595 = vector.shape_cast %mul3A_590 : vector<16xf32> to vector<1x16xf32>
        tpu.vector_store %arg12[%swap3A_591, %swap3A_592], %swap3A_595 {strides = array<i32>} : memref<200x128xf32, #tpu.memory_space<vmem>>, vector<1x16xf32>,
        %get3A_596 = arith.index_cast %add3A_585 : i32 to index
        %get3A_597 = arith.constant 16 : index
        %get3A_598 = tpu.vector_load %arg12[%get3A_596, %get3A_597] {strides = array<i32>} : memref<200x128xf32, #tpu.memory_space<vmem>>, vector<1x16xf32>,
        %get3A_599 = vector.shape_cast %get3A_598 : vector<1x16xf32> to vector<16xf32>
        %mul3A_600 = arith.mulf %get3A_599, %gather3A_581 : vector<16xf32>
        %swap3A_601 = arith.index_cast %add3A_585 : i32 to index
        %swap3A_602 = arith.constant 16 : index
        %swap3A_603 = tpu.vector_load %arg12[%swap3A_601, %swap3A_602] {strides = array<i32>} : memref<200x128xf32, #tpu.memory_space<vmem>>, vector<1x16xf32>,
        %swap3A_604 = vector.shape_cast %swap3A_603 : vector<1x16xf32> to vector<16xf32>
        %swap3A_605 = vector.shape_cast %mul3A_600 : vector<16xf32> to vector<1x16xf32>
        tpu.vector_store %arg12[%swap3A_601, %swap3A_602], %swap3A_605 {strides = array<i32>} : memref<200x128xf32, #tpu.memory_space<vmem>>, vector<1x16xf32>,
        %get3A_606 = arith.index_cast %add3A_585 : i32 to index
        %get3A_607 = arith.constant 32 : index
        %get3A_608 = tpu.vector_load %arg12[%get3A_606, %get3A_607] {strides = array<i32>} : memref<200x128xf32, #tpu.memory_space<vmem>>, vector<1x16xf32>,
        %get3A_609 = vector.shape_cast %get3A_608 : vector<1x16xf32> to vector<16xf32>
        %mul3A_610 = arith.mulf %get3A_609, %gather3A_581 : vector<16xf32>
        %swap3A_611 = arith.index_cast %add3A_585 : i32 to index
        %swap3A_612 = arith.constant 32 : index
        %swap3A_613 = tpu.vector_load %arg12[%swap3A_611, %swap3A_612] {strides = array<i32>} : memref<200x128xf32, #tpu.memory_space<vmem>>, vector<1x16xf32>,
        %swap3A_614 = vector.shape_cast %swap3A_613 : vector<1x16xf32> to vector<16xf32>
        %swap3A_615 = vector.shape_cast %mul3A_610 : vector<16xf32> to vector<1x16xf32>
        tpu.vector_store %arg12[%swap3A_611, %swap3A_612], %swap3A_615 {strides = array<i32>} : memref<200x128xf32, #tpu.memory_space<vmem>>, vector<1x16xf32>,
        %get3A_616 = arith.index_cast %add3A_585 : i32 to index
        %get3A_617 = arith.constant 48 : index
        %get3A_618 = tpu.vector_load %arg12[%get3A_616, %get3A_617] {strides = array<i32>} : memref<200x128xf32, #tpu.memory_space<vmem>>, vector<1x16xf32>,
        %get3A_619 = vector.shape_cast %get3A_618 : vector<1x16xf32> to vector<16xf32>
        %mul3A_620 = arith.mulf %get3A_619, %gather3A_581 : vector<16xf32>
        %swap3A_621 = arith.index_cast %add3A_585 : i32 to index
        %swap3A_622 = arith.constant 48 : index
        %swap3A_623 = tpu.vector_load %arg12[%swap3A_621, %swap3A_622] {strides = array<i32>} : memref<200x128xf32, #tpu.memory_space<vmem>>, vector<1x16xf32>,
        %swap3A_624 = vector.shape_cast %swap3A_623 : vector<1x16xf32> to vector<16xf32>
        %swap3A_625 = vector.shape_cast %mul3A_620 : vector<16xf32> to vector<1x16xf32>
        tpu.vector_store %arg12[%swap3A_621, %swap3A_622], %swap3A_625 {strides = array<i32>} : memref<200x128xf32, #tpu.memory_space<vmem>>, vector<1x16xf32>,
        %get3A_626 = arith.index_cast %add3A_585 : i32 to index
        %get3A_627 = arith.constant 64 : index
        %get3A_628 = tpu.vector_load %arg12[%get3A_626, %get3A_627] {strides = array<i32>} : memref<200x128xf32, #tpu.memory_space<vmem>>, vector<1x16xf32>,
        %get3A_629 = vector.shape_cast %get3A_628 : vector<1x16xf32> to vector<16xf32>
        %mul3A_630 = arith.mulf %get3A_629, %gather3A_581 : vector<16xf32>
        %swap3A_631 = arith.index_cast %add3A_585 : i32 to index
        %swap3A_632 = arith.constant 64 : index
        %swap3A_633 = tpu.vector_load %arg12[%swap3A_631, %swap3A_632] {strides = array<i32>} : memref<200x128xf32, #tpu.memory_space<vmem>>, vector<1x16xf32>,
        %swap3A_634 = vector.shape_cast %swap3A_633 : vector<1x16xf32> to vector<16xf32>
        %swap3A_635 = vector.shape_cast %mul3A_630 : vector<16xf32> to vector<1x16xf32>
        tpu.vector_store %arg12[%swap3A_631, %swap3A_632], %swap3A_635 {strides = array<i32>} : memref<200x128xf32, #tpu.memory_space<vmem>>, vector<1x16xf32>,
        %get3A_636 = arith.index_cast %add3A_585 : i32 to index
        %get3A_637 = arith.constant 80 : index
        %get3A_638 = tpu.vector_load %arg12[%get3A_636, %get3A_637] {strides = array<i32>} : memref<200x128xf32, #tpu.memory_space<vmem>>, vector<1x16xf32>,
        %get3A_639 = vector.shape_cast %get3A_638 : vector<1x16xf32> to vector<16xf32>
        %mul3A_640 = arith.mulf %get3A_639, %gather3A_581 : vector<16xf32>
        %swap3A_641 = arith.index_cast %add3A_585 : i32 to index
        %swap3A_642 = arith.constant 80 : index
        %swap3A_643 = tpu.vector_load %arg12[%swap3A_641, %swap3A_642] {strides = array<i32>} : memref<200x128xf32, #tpu.memory_space<vmem>>, vector<1x16xf32>,
        %swap3A_644 = vector.shape_cast %swap3A_643 : vector<1x16xf32> to vector<16xf32>
        %swap3A_645 = vector.shape_cast %mul3A_640 : vector<16xf32> to vector<1x16xf32>
        tpu.vector_store %arg12[%swap3A_641, %swap3A_642], %swap3A_645 {strides = array<i32>} : memref<200x128xf32, #tpu.memory_space<vmem>>, vector<1x16xf32>,
        %get3A_646 = arith.index_cast %add3A_585 : i32 to index
        %get3A_647 = arith.constant 96 : index
        %get3A_648 = tpu.vector_load %arg12[%get3A_646, %get3A_647] {strides = array<i32>} : memref<200x128xf32, #tpu.memory_space<vmem>>, vector<1x16xf32>,
        %get3A_649 = vector.shape_cast %get3A_648 : vector<1x16xf32> to vector<16xf32>
        %mul3A_650 = arith.mulf %get3A_649, %gather3A_581 : vector<16xf32>
        %swap3A_651 = arith.index_cast %add3A_585 : i32 to index
        %swap3A_652 = arith.constant 96 : index
        %swap3A_653 = tpu.vector_load %arg12[%swap3A_651, %swap3A_652] {strides = array<i32>} : memref<200x128xf32, #tpu.memory_space<vmem>>, vector<1x16xf32>,
        %swap3A_654 = vector.shape_cast %swap3A_653 : vector<1x16xf32> to vector<16xf32>
        %swap3A_655 = vector.shape_cast %mul3A_650 : vector<16xf32> to vector<1x16xf32>
        tpu.vector_store %arg12[%swap3A_651, %swap3A_652], %swap3A_655 {strides = array<i32>} : memref<200x128xf32, #tpu.memory_space<vmem>>, vector<1x16xf32>,
        %get3A_656 = arith.index_cast %add3A_585 : i32 to index
        %get3A_657 = arith.constant 112 : index
        %get3A_658 = tpu.vector_load %arg12[%get3A_656, %get3A_657] {strides = array<i32>} : memref<200x128xf32, #tpu.memory_space<vmem>>, vector<1x16xf32>,
        %get3A_659 = vector.shape_cast %get3A_658 : vector<1x16xf32> to vector<16xf32>
        %mul3A_660 = arith.mulf %get3A_659, %gather3A_581 : vector<16xf32>
        %swap3A_661 = arith.index_cast %add3A_585 : i32 to index
        %swap3A_662 = arith.constant 112 : index
        %swap3A_663 = tpu.vector_load %arg12[%swap3A_661, %swap3A_662] {strides = array<i32>} : memref<200x128xf32, #tpu.memory_space<vmem>>, vector<1x16xf32>,
        %swap3A_664 = vector.shape_cast %swap3A_663 : vector<1x16xf32> to vector<16xf32>
        %swap3A_665 = vector.shape_cast %mul3A_660 : vector<16xf32> to vector<1x16xf32>
        tpu.vector_store %arg12[%swap3A_661, %swap3A_662], %swap3A_665 {strides = array<i32>} : memref<200x128xf32, #tpu.memory_space<vmem>>, vector<1x16xf32>,
        %broadcast_in_dim3A_666 = arith.constant 5 : i32
        %broadcast_in_dim3A_667 = vector.broadcast %broadcast_in_dim3A_666 : i32 to vector<16xi32>
        %lt3A_668 = arith.constant 0 : i32
        %lt3A_669 = vector.broadcast %lt3A_668 : i32 to vector<16xi32>
        %lt3A_670 = arith.cmpi slt, %broadcast_in_dim3A_667, %lt3A_669 : vector<16xi32>
        %add3A_671 = arith.constant 16 : i32
        %add3A_672 = vector.broadcast %add3A_671 : i32 to vector<16xi32>
        %add3A_673 = arith.addi %broadcast_in_dim3A_667, %add3A_672 : vector<16xi32>
        %select_n3A_674 = arith.select %lt3A_670, %add3A_673, %broadcast_in_dim3A_667 : vector<16xi1>, vector<16xi32>
        %broadcast_in_dim3A_675 = vector.shape_cast %select_n3A_674 : vector<16xi32> to vector<16x1xi32>
        %gather3A_676 = vector.shape_cast %broadcast_in_dim3A_675 : vector<16x1xi32> to vector<16xi32>
        %gather3A_677 = tpu.dynamic_gather %get3A_188[%gather3A_676] in [0] : vector<16xf32>, vector<16xi32> -> vector<16xf32>
        %add3A_678 = arith.constant 0 : i32
        %add3A_679 = arith.addi %multiple_of3A_168, %add3A_678 : i32
        %add3A_680 = arith.constant 5 : i32
        %add3A_681 = arith.addi %add3A_679, %add3A_680 : i32
        %get3A_682 = arith.index_cast %add3A_681 : i32 to index
        %get3A_683 = arith.constant 0 : index
        %get3A_684 = tpu.vector_load %arg12[%get3A_682, %get3A_683] {strides = array<i32>} : memref<200x128xf32, #tpu.memory_space<vmem>>, vector<1x16xf32>,
        %get3A_685 = vector.shape_cast %get3A_684 : vector<1x16xf32> to vector<16xf32>
        %mul3A_686 = arith.mulf %get3A_685, %gather3A_677 : vector<16xf32>
        %swap3A_687 = arith.index_cast %add3A_681 : i32 to index
        %swap3A_688 = arith.constant 0 : index
        %swap3A_689 = tpu.vector_load %arg12[%swap3A_687, %swap3A_688] {strides = array<i32>} : memref<200x128xf32, #tpu.memory_space<vmem>>, vector<1x16xf32>,
        %swap3A_690 = vector.shape_cast %swap3A_689 : vector<1x16xf32> to vector<16xf32>
        %swap3A_691 = vector.shape_cast %mul3A_686 : vector<16xf32> to vector<1x16xf32>
        tpu.vector_store %arg12[%swap3A_687, %swap3A_688], %swap3A_691 {strides = array<i32>} : memref<200x128xf32, #tpu.memory_space<vmem>>, vector<1x16xf32>,
        %get3A_692 = arith.index_cast %add3A_681 : i32 to index
        %get3A_693 = arith.constant 16 : index
        %get3A_694 = tpu.vector_load %arg12[%get3A_692, %get3A_693] {strides = array<i32>} : memref<200x128xf32, #tpu.memory_space<vmem>>, vector<1x16xf32>,
        %get3A_695 = vector.shape_cast %get3A_694 : vector<1x16xf32> to vector<16xf32>
        %mul3A_696 = arith.mulf %get3A_695, %gather3A_677 : vector<16xf32>
        %swap3A_697 = arith.index_cast %add3A_681 : i32 to index
        %swap3A_698 = arith.constant 16 : index
        %swap3A_699 = tpu.vector_load %arg12[%swap3A_697, %swap3A_698] {strides = array<i32>} : memref<200x128xf32, #tpu.memory_space<vmem>>, vector<1x16xf32>,
        %swap3A_700 = vector.shape_cast %swap3A_699 : vector<1x16xf32> to vector<16xf32>
        %swap3A_701 = vector.shape_cast %mul3A_696 : vector<16xf32> to vector<1x16xf32>
        tpu.vector_store %arg12[%swap3A_697, %swap3A_698], %swap3A_701 {strides = array<i32>} : memref<200x128xf32, #tpu.memory_space<vmem>>, vector<1x16xf32>,
        %get3A_702 = arith.index_cast %add3A_681 : i32 to index
        %get3A_703 = arith.constant 32 : index
        %get3A_704 = tpu.vector_load %arg12[%get3A_702, %get3A_703] {strides = array<i32>} : memref<200x128xf32, #tpu.memory_space<vmem>>, vector<1x16xf32>,
        %get3A_705 = vector.shape_cast %get3A_704 : vector<1x16xf32> to vector<16xf32>
        %mul3A_706 = arith.mulf %get3A_705, %gather3A_677 : vector<16xf32>
        %swap3A_707 = arith.index_cast %add3A_681 : i32 to index
        %swap3A_708 = arith.constant 32 : index
        %swap3A_709 = tpu.vector_load %arg12[%swap3A_707, %swap3A_708] {strides = array<i32>} : memref<200x128xf32, #tpu.memory_space<vmem>>, vector<1x16xf32>,
        %swap3A_710 = vector.shape_cast %swap3A_709 : vector<1x16xf32> to vector<16xf32>
        %swap3A_711 = vector.shape_cast %mul3A_706 : vector<16xf32> to vector<1x16xf32>
        tpu.vector_store %arg12[%swap3A_707, %swap3A_708], %swap3A_711 {strides = array<i32>} : memref<200x128xf32, #tpu.memory_space<vmem>>, vector<1x16xf32>,
        %get3A_712 = arith.index_cast %add3A_681 : i32 to index
        %get3A_713 = arith.constant 48 : index
        %get3A_714 = tpu.vector_load %arg12[%get3A_712, %get3A_713] {strides = array<i32>} : memref<200x128xf32, #tpu.memory_space<vmem>>, vector<1x16xf32>,
        %get3A_715 = vector.shape_cast %get3A_714 : vector<1x16xf32> to vector<16xf32>
        %mul3A_716 = arith.mulf %get3A_715, %gather3A_677 : vector<16xf32>
        %swap3A_717 = arith.index_cast %add3A_681 : i32 to index
        %swap3A_718 = arith.constant 48 : index
        %swap3A_719 = tpu.vector_load %arg12[%swap3A_717, %swap3A_718] {strides = array<i32>} : memref<200x128xf32, #tpu.memory_space<vmem>>, vector<1x16xf32>,
        %swap3A_720 = vector.shape_cast %swap3A_719 : vector<1x16xf32> to vector<16xf32>
        %swap3A_721 = vector.shape_cast %mul3A_716 : vector<16xf32> to vector<1x16xf32>
        tpu.vector_store %arg12[%swap3A_717, %swap3A_718], %swap3A_721 {strides = array<i32>} : memref<200x128xf32, #tpu.memory_space<vmem>>, vector<1x16xf32>,
        %get3A_722 = arith.index_cast %add3A_681 : i32 to index
        %get3A_723 = arith.constant 64 : index
        %get3A_724 = tpu.vector_load %arg12[%get3A_722, %get3A_723] {strides = array<i32>} : memref<200x128xf32, #tpu.memory_space<vmem>>, vector<1x16xf32>,
        %get3A_725 = vector.shape_cast %get3A_724 : vector<1x16xf32> to vector<16xf32>
        %mul3A_726 = arith.mulf %get3A_725, %gather3A_677 : vector<16xf32>
        %swap3A_727 = arith.index_cast %add3A_681 : i32 to index
        %swap3A_728 = arith.constant 64 : index
        %swap3A_729 = tpu.vector_load %arg12[%swap3A_727, %swap3A_728] {strides = array<i32>} : memref<200x128xf32, #tpu.memory_space<vmem>>, vector<1x16xf32>,
        %swap3A_730 = vector.shape_cast %swap3A_729 : vector<1x16xf32> to vector<16xf32>
        %swap3A_731 = vector.shape_cast %mul3A_726 : vector<16xf32> to vector<1x16xf32>
        tpu.vector_store %arg12[%swap3A_727, %swap3A_728], %swap3A_731 {strides = array<i32>} : memref<200x128xf32, #tpu.memory_space<vmem>>, vector<1x16xf32>,
        %get3A_732 = arith.index_cast %add3A_681 : i32 to index
        %get3A_733 = arith.constant 80 : index
        %get3A_734 = tpu.vector_load %arg12[%get3A_732, %get3A_733] {strides = array<i32>} : memref<200x128xf32, #tpu.memory_space<vmem>>, vector<1x16xf32>,
        %get3A_735 = vector.shape_cast %get3A_734 : vector<1x16xf32> to vector<16xf32>
        %mul3A_736 = arith.mulf %get3A_735, %gather3A_677 : vector<16xf32>
        %swap3A_737 = arith.index_cast %add3A_681 : i32 to index
        %swap3A_738 = arith.constant 80 : index
        %swap3A_739 = tpu.vector_load %arg12[%swap3A_737, %swap3A_738] {strides = array<i32>} : memref<200x128xf32, #tpu.memory_space<vmem>>, vector<1x16xf32>,
        %swap3A_740 = vector.shape_cast %swap3A_739 : vector<1x16xf32> to vector<16xf32>
        %swap3A_741 = vector.shape_cast %mul3A_736 : vector<16xf32> to vector<1x16xf32>
        tpu.vector_store %arg12[%swap3A_737, %swap3A_738], %swap3A_741 {strides = array<i32>} : memref<200x128xf32, #tpu.memory_space<vmem>>, vector<1x16xf32>,
        %get3A_742 = arith.index_cast %add3A_681 : i32 to index
        %get3A_743 = arith.constant 96 : index
        %get3A_744 = tpu.vector_load %arg12[%get3A_742, %get3A_743] {strides = array<i32>} : memref<200x128xf32, #tpu.memory_space<vmem>>, vector<1x16xf32>,
        %get3A_745 = vector.shape_cast %get3A_744 : vector<1x16xf32> to vector<16xf32>
        %mul3A_746 = arith.mulf %get3A_745, %gather3A_677 : vector<16xf32>
        %swap3A_747 = arith.index_cast %add3A_681 : i32 to index
        %swap3A_748 = arith.constant 96 : index
        %swap3A_749 = tpu.vector_load %arg12[%swap3A_747, %swap3A_748] {strides = array<i32>} : memref<200x128xf32, #tpu.memory_space<vmem>>, vector<1x16xf32>,
        %swap3A_750 = vector.shape_cast %swap3A_749 : vector<1x16xf32> to vector<16xf32>
        %swap3A_751 = vector.shape_cast %mul3A_746 : vector<16xf32> to vector<1x16xf32>
        tpu.vector_store %arg12[%swap3A_747, %swap3A_748], %swap3A_751 {strides = array<i32>} : memref<200x128xf32, #tpu.memory_space<vmem>>, vector<1x16xf32>,
        %get3A_752 = arith.index_cast %add3A_681 : i32 to index
        %get3A_753 = arith.constant 112 : index
        %get3A_754 = tpu.vector_load %arg12[%get3A_752, %get3A_753] {strides = array<i32>} : memref<200x128xf32, #tpu.memory_space<vmem>>, vector<1x16xf32>,
        %get3A_755 = vector.shape_cast %get3A_754 : vector<1x16xf32> to vector<16xf32>
        %mul3A_756 = arith.mulf %get3A_755, %gather3A_677 : vector<16xf32>
        %swap3A_757 = arith.index_cast %add3A_681 : i32 to index
        %swap3A_758 = arith.constant 112 : index
        %swap3A_759 = tpu.vector_load %arg12[%swap3A_757, %swap3A_758] {strides = array<i32>} : memref<200x128xf32, #tpu.memory_space<vmem>>, vector<1x16xf32>,
        %swap3A_760 = vector.shape_cast %swap3A_759 : vector<1x16xf32> to vector<16xf32>
        %swap3A_761 = vector.shape_cast %mul3A_756 : vector<16xf32> to vector<1x16xf32>
        tpu.vector_store %arg12[%swap3A_757, %swap3A_758], %swap3A_761 {strides = array<i32>} : memref<200x128xf32, #tpu.memory_space<vmem>>, vector<1x16xf32>,
        %broadcast_in_dim3A_762 = arith.constant 6 : i32
        %broadcast_in_dim3A_763 = vector.broadcast %broadcast_in_dim3A_762 : i32 to vector<16xi32>
        %lt3A_764 = arith.constant 0 : i32
        %lt3A_765 = vector.broadcast %lt3A_764 : i32 to vector<16xi32>
        %lt3A_766 = arith.cmpi slt, %broadcast_in_dim3A_763, %lt3A_765 : vector<16xi32>
        %add3A_767 = arith.constant 16 : i32
        %add3A_768 = vector.broadcast %add3A_767 : i32 to vector<16xi32>
        %add3A_769 = arith.addi %broadcast_in_dim3A_763, %add3A_768 : vector<16xi32>
        %select_n3A_770 = arith.select %lt3A_766, %add3A_769, %broadcast_in_dim3A_763 : vector<16xi1>, vector<16xi32>
        %broadcast_in_dim3A_771 = vector.shape_cast %select_n3A_770 : vector<16xi32> to vector<16x1xi32>
        %gather3A_772 = vector.shape_cast %broadcast_in_dim3A_771 : vector<16x1xi32> to vector<16xi32>
        %gather3A_773 = tpu.dynamic_gather %get3A_188[%gather3A_772] in [0] : vector<16xf32>, vector<16xi32> -> vector<16xf32>
        %add3A_774 = arith.constant 0 : i32
        %add3A_775 = arith.addi %multiple_of3A_168, %add3A_774 : i32
        %add3A_776 = arith.constant 6 : i32
        %add3A_777 = arith.addi %add3A_775, %add3A_776 : i32
        %get3A_778 = arith.index_cast %add3A_777 : i32 to index
        %get3A_779 = arith.constant 0 : index
        %get3A_780 = tpu.vector_load %arg12[%get3A_778, %get3A_779] {strides = array<i32>} : memref<200x128xf32, #tpu.memory_space<vmem>>, vector<1x16xf32>,
        %get3A_781 = vector.shape_cast %get3A_780 : vector<1x16xf32> to vector<16xf32>
        %mul3A_782 = arith.mulf %get3A_781, %gather3A_773 : vector<16xf32>
        %swap3A_783 = arith.index_cast %add3A_777 : i32 to index
        %swap3A_784 = arith.constant 0 : index
        %swap3A_785 = tpu.vector_load %arg12[%swap3A_783, %swap3A_784] {strides = array<i32>} : memref<200x128xf32, #tpu.memory_space<vmem>>, vector<1x16xf32>,
        %swap3A_786 = vector.shape_cast %swap3A_785 : vector<1x16xf32> to vector<16xf32>
        %swap3A_787 = vector.shape_cast %mul3A_782 : vector<16xf32> to vector<1x16xf32>
        tpu.vector_store %arg12[%swap3A_783, %swap3A_784], %swap3A_787 {strides = array<i32>} : memref<200x128xf32, #tpu.memory_space<vmem>>, vector<1x16xf32>,
        %get3A_788 = arith.index_cast %add3A_777 : i32 to index
        %get3A_789 = arith.constant 16 : index
        %get3A_790 = tpu.vector_load %arg12[%get3A_788, %get3A_789] {strides = array<i32>} : memref<200x128xf32, #tpu.memory_space<vmem>>, vector<1x16xf32>,
        %get3A_791 = vector.shape_cast %get3A_790 : vector<1x16xf32> to vector<16xf32>
        %mul3A_792 = arith.mulf %get3A_791, %gather3A_773 : vector<16xf32>
        %swap3A_793 = arith.index_cast %add3A_777 : i32 to index
        %swap3A_794 = arith.constant 16 : index
        %swap3A_795 = tpu.vector_load %arg12[%swap3A_793, %swap3A_794] {strides = array<i32>} : memref<200x128xf32, #tpu.memory_space<vmem>>, vector<1x16xf32>,
        %swap3A_796 = vector.shape_cast %swap3A_795 : vector<1x16xf32> to vector<16xf32>
        %swap3A_797 = vector.shape_cast %mul3A_792 : vector<16xf32> to vector<1x16xf32>
        tpu.vector_store %arg12[%swap3A_793, %swap3A_794], %swap3A_797 {strides = array<i32>} : memref<200x128xf32, #tpu.memory_space<vmem>>, vector<1x16xf32>,
        %get3A_798 = arith.index_cast %add3A_777 : i32 to index
        %get3A_799 = arith.constant 32 : index
        %get3A_800 = tpu.vector_load %arg12[%get3A_798, %get3A_799] {strides = array<i32>} : memref<200x128xf32, #tpu.memory_space<vmem>>, vector<1x16xf32>,
        %get3A_801 = vector.shape_cast %get3A_800 : vector<1x16xf32> to vector<16xf32>
        %mul3A_802 = arith.mulf %get3A_801, %gather3A_773 : vector<16xf32>
        %swap3A_803 = arith.index_cast %add3A_777 : i32 to index
        %swap3A_804 = arith.constant 32 : index
        %swap3A_805 = tpu.vector_load %arg12[%swap3A_803, %swap3A_804] {strides = array<i32>} : memref<200x128xf32, #tpu.memory_space<vmem>>, vector<1x16xf32>,
        %swap3A_806 = vector.shape_cast %swap3A_805 : vector<1x16xf32> to vector<16xf32>
        %swap3A_807 = vector.shape_cast %mul3A_802 : vector<16xf32> to vector<1x16xf32>
        tpu.vector_store %arg12[%swap3A_803, %swap3A_804], %swap3A_807 {strides = array<i32>} : memref<200x128xf32, #tpu.memory_space<vmem>>, vector<1x16xf32>,
        %get3A_808 = arith.index_cast %add3A_777 : i32 to index
        %get3A_809 = arith.constant 48 : index
        %get3A_810 = tpu.vector_load %arg12[%get3A_808, %get3A_809] {strides = array<i32>} : memref<200x128xf32, #tpu.memory_space<vmem>>, vector<1x16xf32>,
        %get3A_811 = vector.shape_cast %get3A_810 : vector<1x16xf32> to vector<16xf32>
        %mul3A_812 = arith.mulf %get3A_811, %gather3A_773 : vector<16xf32>
        %swap3A_813 = arith.index_cast %add3A_777 : i32 to index
        %swap3A_814 = arith.constant 48 : index
        %swap3A_815 = tpu.vector_load %arg12[%swap3A_813, %swap3A_814] {strides = array<i32>} : memref<200x128xf32, #tpu.memory_space<vmem>>, vector<1x16xf32>,
        %swap3A_816 = vector.shape_cast %swap3A_815 : vector<1x16xf32> to vector<16xf32>
        %swap3A_817 = vector.shape_cast %mul3A_812 : vector<16xf32> to vector<1x16xf32>
        tpu.vector_store %arg12[%swap3A_813, %swap3A_814], %swap3A_817 {strides = array<i32>} : memref<200x128xf32, #tpu.memory_space<vmem>>, vector<1x16xf32>,
        %get3A_818 = arith.index_cast %add3A_777 : i32 to index
        %get3A_819 = arith.constant 64 : index
        %get3A_820 = tpu.vector_load %arg12[%get3A_818, %get3A_819] {strides = array<i32>} : memref<200x128xf32, #tpu.memory_space<vmem>>, vector<1x16xf32>,
        %get3A_821 = vector.shape_cast %get3A_820 : vector<1x16xf32> to vector<16xf32>
        %mul3A_822 = arith.mulf %get3A_821, %gather3A_773 : vector<16xf32>
        %swap3A_823 = arith.index_cast %add3A_777 : i32 to index
        %swap3A_824 = arith.constant 64 : index
        %swap3A_825 = tpu.vector_load %arg12[%swap3A_823, %swap3A_824] {strides = array<i32>} : memref<200x128xf32, #tpu.memory_space<vmem>>, vector<1x16xf32>,
        %swap3A_826 = vector.shape_cast %swap3A_825 : vector<1x16xf32> to vector<16xf32>
        %swap3A_827 = vector.shape_cast %mul3A_822 : vector<16xf32> to vector<1x16xf32>
        tpu.vector_store %arg12[%swap3A_823, %swap3A_824], %swap3A_827 {strides = array<i32>} : memref<200x128xf32, #tpu.memory_space<vmem>>, vector<1x16xf32>,
        %get3A_828 = arith.index_cast %add3A_777 : i32 to index
        %get3A_829 = arith.constant 80 : index
        %get3A_830 = tpu.vector_load %arg12[%get3A_828, %get3A_829] {strides = array<i32>} : memref<200x128xf32, #tpu.memory_space<vmem>>, vector<1x16xf32>,
        %get3A_831 = vector.shape_cast %get3A_830 : vector<1x16xf32> to vector<16xf32>
        %mul3A_832 = arith.mulf %get3A_831, %gather3A_773 : vector<16xf32>
        %swap3A_833 = arith.index_cast %add3A_777 : i32 to index
        %swap3A_834 = arith.constant 80 : index
        %swap3A_835 = tpu.vector_load %arg12[%swap3A_833, %swap3A_834] {strides = array<i32>} : memref<200x128xf32, #tpu.memory_space<vmem>>, vector<1x16xf32>,
        %swap3A_836 = vector.shape_cast %swap3A_835 : vector<1x16xf32> to vector<16xf32>
        %swap3A_837 = vector.shape_cast %mul3A_832 : vector<16xf32> to vector<1x16xf32>
        tpu.vector_store %arg12[%swap3A_833, %swap3A_834], %swap3A_837 {strides = array<i32>} : memref<200x128xf32, #tpu.memory_space<vmem>>, vector<1x16xf32>,
        %get3A_838 = arith.index_cast %add3A_777 : i32 to index
        %get3A_839 = arith.constant 96 : index
        %get3A_840 = tpu.vector_load %arg12[%get3A_838, %get3A_839] {strides = array<i32>} : memref<200x128xf32, #tpu.memory_space<vmem>>, vector<1x16xf32>,
        %get3A_841 = vector.shape_cast %get3A_840 : vector<1x16xf32> to vector<16xf32>
        %mul3A_842 = arith.mulf %get3A_841, %gather3A_773 : vector<16xf32>
        %swap3A_843 = arith.index_cast %add3A_777 : i32 to index
        %swap3A_844 = arith.constant 96 : index
        %swap3A_845 = tpu.vector_load %arg12[%swap3A_843, %swap3A_844] {strides = array<i32>} : memref<200x128xf32, #tpu.memory_space<vmem>>, vector<1x16xf32>,
        %swap3A_846 = vector.shape_cast %swap3A_845 : vector<1x16xf32> to vector<16xf32>
        %swap3A_847 = vector.shape_cast %mul3A_842 : vector<16xf32> to vector<1x16xf32>
        tpu.vector_store %arg12[%swap3A_843, %swap3A_844], %swap3A_847 {strides = array<i32>} : memref<200x128xf32, #tpu.memory_space<vmem>>, vector<1x16xf32>,
        %get3A_848 = arith.index_cast %add3A_777 : i32 to index
        %get3A_849 = arith.constant 112 : index
        %get3A_850 = tpu.vector_load %arg12[%get3A_848, %get3A_849] {strides = array<i32>} : memref<200x128xf32, #tpu.memory_space<vmem>>, vector<1x16xf32>,
        %get3A_851 = vector.shape_cast %get3A_850 : vector<1x16xf32> to vector<16xf32>
        %mul3A_852 = arith.mulf %get3A_851, %gather3A_773 : vector<16xf32>
        %swap3A_853 = arith.index_cast %add3A_777 : i32 to index
        %swap3A_854 = arith.constant 112 : index
        %swap3A_855 = tpu.vector_load %arg12[%swap3A_853, %swap3A_854] {strides = array<i32>} : memref<200x128xf32, #tpu.memory_space<vmem>>, vector<1x16xf32>,
        %swap3A_856 = vector.shape_cast %swap3A_855 : vector<1x16xf32> to vector<16xf32>
        %swap3A_857 = vector.shape_cast %mul3A_852 : vector<16xf32> to vector<1x16xf32>
        tpu.vector_store %arg12[%swap3A_853, %swap3A_854], %swap3A_857 {strides = array<i32>} : memref<200x128xf32, #tpu.memory_space<vmem>>, vector<1x16xf32>,
        %broadcast_in_dim3A_858 = arith.constant 7 : i32
        %broadcast_in_dim3A_859 = vector.broadcast %broadcast_in_dim3A_858 : i32 to vector<16xi32>
        %lt3A_860 = arith.constant 0 : i32
        %lt3A_861 = vector.broadcast %lt3A_860 : i32 to vector<16xi32>
        %lt3A_862 = arith.cmpi slt, %broadcast_in_dim3A_859, %lt3A_861 : vector<16xi32>
        %add3A_863 = arith.constant 16 : i32
        %add3A_864 = vector.broadcast %add3A_863 : i32 to vector<16xi32>
        %add3A_865 = arith.addi %broadcast_in_dim3A_859, %add3A_864 : vector<16xi32>
        %select_n3A_866 = arith.select %lt3A_862, %add3A_865, %broadcast_in_dim3A_859 : vector<16xi1>, vector<16xi32>
        %broadcast_in_dim3A_867 = vector.shape_cast %select_n3A_866 : vector<16xi32> to vector<16x1xi32>
        %gather3A_868 = vector.shape_cast %broadcast_in_dim3A_867 : vector<16x1xi32> to vector<16xi32>
        %gather3A_869 = tpu.dynamic_gather %get3A_188[%gather3A_868] in [0] : vector<16xf32>, vector<16xi32> -> vector<16xf32>
        %add3A_870 = arith.constant 0 : i32
        %add3A_871 = arith.addi %multiple_of3A_168, %add3A_870 : i32
        %add3A_872 = arith.constant 7 : i32
        %add3A_873 = arith.addi %add3A_871, %add3A_872 : i32
        %get3A_874 = arith.index_cast %add3A_873 : i32 to index
        %get3A_875 = arith.constant 0 : index
        %get3A_876 = tpu.vector_load %arg12[%get3A_874, %get3A_875] {strides = array<i32>} : memref<200x128xf32, #tpu.memory_space<vmem>>, vector<1x16xf32>,
        %get3A_877 = vector.shape_cast %get3A_876 : vector<1x16xf32> to vector<16xf32>
        %mul3A_878 = arith.mulf %get3A_877, %gather3A_869 : vector<16xf32>
        %swap3A_879 = arith.index_cast %add3A_873 : i32 to index
        %swap3A_880 = arith.constant 0 : index
        %swap3A_881 = tpu.vector_load %arg12[%swap3A_879, %swap3A_880] {strides = array<i32>} : memref<200x128xf32, #tpu.memory_space<vmem>>, vector<1x16xf32>,
        %swap3A_882 = vector.shape_cast %swap3A_881 : vector<1x16xf32> to vector<16xf32>
        %swap3A_883 = vector.shape_cast %mul3A_878 : vector<16xf32> to vector<1x16xf32>
        tpu.vector_store %arg12[%swap3A_879, %swap3A_880], %swap3A_883 {strides = array<i32>} : memref<200x128xf32, #tpu.memory_space<vmem>>, vector<1x16xf32>,
        %get3A_884 = arith.index_cast %add3A_873 : i32 to index
        %get3A_885 = arith.constant 16 : index
        %get3A_886 = tpu.vector_load %arg12[%get3A_884, %get3A_885] {strides = array<i32>} : memref<200x128xf32, #tpu.memory_space<vmem>>, vector<1x16xf32>,
        %get3A_887 = vector.shape_cast %get3A_886 : vector<1x16xf32> to vector<16xf32>
        %mul3A_888 = arith.mulf %get3A_887, %gather3A_869 : vector<16xf32>
        %swap3A_889 = arith.index_cast %add3A_873 : i32 to index
        %swap3A_890 = arith.constant 16 : index
        %swap3A_891 = tpu.vector_load %arg12[%swap3A_889, %swap3A_890] {strides = array<i32>} : memref<200x128xf32, #tpu.memory_space<vmem>>, vector<1x16xf32>,
        %swap3A_892 = vector.shape_cast %swap3A_891 : vector<1x16xf32> to vector<16xf32>
        %swap3A_893 = vector.shape_cast %mul3A_888 : vector<16xf32> to vector<1x16xf32>
        tpu.vector_store %arg12[%swap3A_889, %swap3A_890], %swap3A_893 {strides = array<i32>} : memref<200x128xf32, #tpu.memory_space<vmem>>, vector<1x16xf32>,
        %get3A_894 = arith.index_cast %add3A_873 : i32 to index
        %get3A_895 = arith.constant 32 : index
        %get3A_896 = tpu.vector_load %arg12[%get3A_894, %get3A_895] {strides = array<i32>} : memref<200x128xf32, #tpu.memory_space<vmem>>, vector<1x16xf32>,
        %get3A_897 = vector.shape_cast %get3A_896 : vector<1x16xf32> to vector<16xf32>
        %mul3A_898 = arith.mulf %get3A_897, %gather3A_869 : vector<16xf32>
        %swap3A_899 = arith.index_cast %add3A_873 : i32 to index
        %swap3A_900 = arith.constant 32 : index
        %swap3A_901 = tpu.vector_load %arg12[%swap3A_899, %swap3A_900] {strides = array<i32>} : memref<200x128xf32, #tpu.memory_space<vmem>>, vector<1x16xf32>,
        %swap3A_902 = vector.shape_cast %swap3A_901 : vector<1x16xf32> to vector<16xf32>
        %swap3A_903 = vector.shape_cast %mul3A_898 : vector<16xf32> to vector<1x16xf32>
        tpu.vector_store %arg12[%swap3A_899, %swap3A_900], %swap3A_903 {strides = array<i32>} : memref<200x128xf32, #tpu.memory_space<vmem>>, vector<1x16xf32>,
        %get3A_904 = arith.index_cast %add3A_873 : i32 to index
        %get3A_905 = arith.constant 48 : index
        %get3A_906 = tpu.vector_load %arg12[%get3A_904, %get3A_905] {strides = array<i32>} : memref<200x128xf32, #tpu.memory_space<vmem>>, vector<1x16xf32>,
        %get3A_907 = vector.shape_cast %get3A_906 : vector<1x16xf32> to vector<16xf32>
        %mul3A_908 = arith.mulf %get3A_907, %gather3A_869 : vector<16xf32>
        %swap3A_909 = arith.index_cast %add3A_873 : i32 to index
        %swap3A_910 = arith.constant 48 : index
        %swap3A_911 = tpu.vector_load %arg12[%swap3A_909, %swap3A_910] {strides = array<i32>} : memref<200x128xf32, #tpu.memory_space<vmem>>, vector<1x16xf32>,
        %swap3A_912 = vector.shape_cast %swap3A_911 : vector<1x16xf32> to vector<16xf32>
        %swap3A_913 = vector.shape_cast %mul3A_908 : vector<16xf32> to vector<1x16xf32>
        tpu.vector_store %arg12[%swap3A_909, %swap3A_910], %swap3A_913 {strides = array<i32>} : memref<200x128xf32, #tpu.memory_space<vmem>>, vector<1x16xf32>,
        %get3A_914 = arith.index_cast %add3A_873 : i32 to index
        %get3A_915 = arith.constant 64 : index
        %get3A_916 = tpu.vector_load %arg12[%get3A_914, %get3A_915] {strides = array<i32>} : memref<200x128xf32, #tpu.memory_space<vmem>>, vector<1x16xf32>,
        %get3A_917 = vector.shape_cast %get3A_916 : vector<1x16xf32> to vector<16xf32>
        %mul3A_918 = arith.mulf %get3A_917, %gather3A_869 : vector<16xf32>
        %swap3A_919 = arith.index_cast %add3A_873 : i32 to index
        %swap3A_920 = arith.constant 64 : index
        %swap3A_921 = tpu.vector_load %arg12[%swap3A_919, %swap3A_920] {strides = array<i32>} : memref<200x128xf32, #tpu.memory_space<vmem>>, vector<1x16xf32>,
        %swap3A_922 = vector.shape_cast %swap3A_921 : vector<1x16xf32> to vector<16xf32>
        %swap3A_923 = vector.shape_cast %mul3A_918 : vector<16xf32> to vector<1x16xf32>
        tpu.vector_store %arg12[%swap3A_919, %swap3A_920], %swap3A_923 {strides = array<i32>} : memref<200x128xf32, #tpu.memory_space<vmem>>, vector<1x16xf32>,
        %get3A_924 = arith.index_cast %add3A_873 : i32 to index
        %get3A_925 = arith.constant 80 : index
        %get3A_926 = tpu.vector_load %arg12[%get3A_924, %get3A_925] {strides = array<i32>} : memref<200x128xf32, #tpu.memory_space<vmem>>, vector<1x16xf32>,
        %get3A_927 = vector.shape_cast %get3A_926 : vector<1x16xf32> to vector<16xf32>
        %mul3A_928 = arith.mulf %get3A_927, %gather3A_869 : vector<16xf32>
        %swap3A_929 = arith.index_cast %add3A_873 : i32 to index
        %swap3A_930 = arith.constant 80 : index
        %swap3A_931 = tpu.vector_load %arg12[%swap3A_929, %swap3A_930] {strides = array<i32>} : memref<200x128xf32, #tpu.memory_space<vmem>>, vector<1x16xf32>,
        %swap3A_932 = vector.shape_cast %swap3A_931 : vector<1x16xf32> to vector<16xf32>
        %swap3A_933 = vector.shape_cast %mul3A_928 : vector<16xf32> to vector<1x16xf32>
        tpu.vector_store %arg12[%swap3A_929, %swap3A_930], %swap3A_933 {strides = array<i32>} : memref<200x128xf32, #tpu.memory_space<vmem>>, vector<1x16xf32>,
        %get3A_934 = arith.index_cast %add3A_873 : i32 to index
        %get3A_935 = arith.constant 96 : index
        %get3A_936 = tpu.vector_load %arg12[%get3A_934, %get3A_935] {strides = array<i32>} : memref<200x128xf32, #tpu.memory_space<vmem>>, vector<1x16xf32>,
        %get3A_937 = vector.shape_cast %get3A_936 : vector<1x16xf32> to vector<16xf32>
        %mul3A_938 = arith.mulf %get3A_937, %gather3A_869 : vector<16xf32>
        %swap3A_939 = arith.index_cast %add3A_873 : i32 to index
        %swap3A_940 = arith.constant 96 : index
        %swap3A_941 = tpu.vector_load %arg12[%swap3A_939, %swap3A_940] {strides = array<i32>} : memref<200x128xf32, #tpu.memory_space<vmem>>, vector<1x16xf32>,
        %swap3A_942 = vector.shape_cast %swap3A_941 : vector<1x16xf32> to vector<16xf32>
        %swap3A_943 = vector.shape_cast %mul3A_938 : vector<16xf32> to vector<1x16xf32>
        tpu.vector_store %arg12[%swap3A_939, %swap3A_940], %swap3A_943 {strides = array<i32>} : memref<200x128xf32, #tpu.memory_space<vmem>>, vector<1x16xf32>,
        %get3A_944 = arith.index_cast %add3A_873 : i32 to index
        %get3A_945 = arith.constant 112 : index
        %get3A_946 = tpu.vector_load %arg12[%get3A_944, %get3A_945] {strides = array<i32>} : memref<200x128xf32, #tpu.memory_space<vmem>>, vector<1x16xf32>,
        %get3A_947 = vector.shape_cast %get3A_946 : vector<1x16xf32> to vector<16xf32>
        %mul3A_948 = arith.mulf %get3A_947, %gather3A_869 : vector<16xf32>
        %swap3A_949 = arith.index_cast %add3A_873 : i32 to index
        %swap3A_950 = arith.constant 112 : index
        %swap3A_951 = tpu.vector_load %arg12[%swap3A_949, %swap3A_950] {strides = array<i32>} : memref<200x128xf32, #tpu.memory_space<vmem>>, vector<1x16xf32>,
        %swap3A_952 = vector.shape_cast %swap3A_951 : vector<1x16xf32> to vector<16xf32>
        %swap3A_953 = vector.shape_cast %mul3A_948 : vector<16xf32> to vector<1x16xf32>
        tpu.vector_store %arg12[%swap3A_949, %swap3A_950], %swap3A_953 {strides = array<i32>} : memref<200x128xf32, #tpu.memory_space<vmem>>, vector<1x16xf32>,
        %broadcast_in_dim3A_954 = arith.constant 8 : i32
        %broadcast_in_dim3A_955 = vector.broadcast %broadcast_in_dim3A_954 : i32 to vector<16xi32>
        %lt3A_956 = arith.constant 0 : i32
        %lt3A_957 = vector.broadcast %lt3A_956 : i32 to vector<16xi32>
        %lt3A_958 = arith.cmpi slt, %broadcast_in_dim3A_955, %lt3A_957 : vector<16xi32>
        %add3A_959 = arith.constant 16 : i32
        %add3A_960 = vector.broadcast %add3A_959 : i32 to vector<16xi32>
        %add3A_961 = arith.addi %broadcast_in_dim3A_955, %add3A_960 : vector<16xi32>
        %select_n3A_962 = arith.select %lt3A_958, %add3A_961, %broadcast_in_dim3A_955 : vector<16xi1>, vector<16xi32>
        %broadcast_in_dim3A_963 = vector.shape_cast %select_n3A_962 : vector<16xi32> to vector<16x1xi32>
        %gather3A_964 = vector.shape_cast %broadcast_in_dim3A_963 : vector<16x1xi32> to vector<16xi32>
        %gather3A_965 = tpu.dynamic_gather %get3A_188[%gather3A_964] in [0] : vector<16xf32>, vector<16xi32> -> vector<16xf32>
        %add3A_966 = arith.constant 0 : i32
        %add3A_967 = arith.addi %multiple_of3A_168, %add3A_966 : i32
        %add3A_968 = arith.constant 8 : i32
        %add3A_969 = arith.addi %add3A_967, %add3A_968 : i32
        %get3A_970 = arith.index_cast %add3A_969 : i32 to index
        %get3A_971 = arith.constant 0 : index
        %get3A_972 = tpu.vector_load %arg12[%get3A_970, %get3A_971] {strides = array<i32>} : memref<200x128xf32, #tpu.memory_space<vmem>>, vector<1x16xf32>,
        %get3A_973 = vector.shape_cast %get3A_972 : vector<1x16xf32> to vector<16xf32>
        %mul3A_974 = arith.mulf %get3A_973, %gather3A_965 : vector<16xf32>
        %swap3A_975 = arith.index_cast %add3A_969 : i32 to index
        %swap3A_976 = arith.constant 0 : index
        %swap3A_977 = tpu.vector_load %arg12[%swap3A_975, %swap3A_976] {strides = array<i32>} : memref<200x128xf32, #tpu.memory_space<vmem>>, vector<1x16xf32>,
        %swap3A_978 = vector.shape_cast %swap3A_977 : vector<1x16xf32> to vector<16xf32>
        %swap3A_979 = vector.shape_cast %mul3A_974 : vector<16xf32> to vector<1x16xf32>
        tpu.vector_store %arg12[%swap3A_975, %swap3A_976], %swap3A_979 {strides = array<i32>} : memref<200x128xf32, #tpu.memory_space<vmem>>, vector<1x16xf32>,
        %get3A_980 = arith.index_cast %add3A_969 : i32 to index
        %get3A_981 = arith.constant 16 : index
        %get3A_982 = tpu.vector_load %arg12[%get3A_980, %get3A_981] {strides = array<i32>} : memref<200x128xf32, #tpu.memory_space<vmem>>, vector<1x16xf32>,
        %get3A_983 = vector.shape_cast %get3A_982 : vector<1x16xf32> to vector<16xf32>
        %mul3A_984 = arith.mulf %get3A_983, %gather3A_965 : vector<16xf32>
        %swap3A_985 = arith.index_cast %add3A_969 : i32 to index
        %swap3A_986 = arith.constant 16 : index
        %swap3A_987 = tpu.vector_load %arg12[%swap3A_985, %swap3A_986] {strides = array<i32>} : memref<200x128xf32, #tpu.memory_space<vmem>>, vector<1x16xf32>,
        %swap3A_988 = vector.shape_cast %swap3A_987 : vector<1x16xf32> to vector<16xf32>
        %swap3A_989 = vector.shape_cast %mul3A_984 : vector<16xf32> to vector<1x16xf32>
        tpu.vector_store %arg12[%swap3A_985, %swap3A_986], %swap3A_989 {strides = array<i32>} : memref<200x128xf32, #tpu.memory_space<vmem>>, vector<1x16xf32>,
        %get3A_990 = arith.index_cast %add3A_969 : i32 to index
        %get3A_991 = arith.constant 32 : index
        %get3A_992 = tpu.vector_load %arg12[%get3A_990, %get3A_991] {strides = array<i32>} : memref<200x128xf32, #tpu.memory_space<vmem>>, vector<1x16xf32>,
        %get3A_993 = vector.shape_cast %get3A_992 : vector<1x16xf32> to vector<16xf32>
        %mul3A_994 = arith.mulf %get3A_993, %gather3A_965 : vector<16xf32>
        %swap3A_995 = arith.index_cast %add3A_969 : i32 to index
        %swap3A_996 = arith.constant 32 : index
        %swap3A_997 = tpu.vector_load %arg12[%swap3A_995, %swap3A_996] {strides = array<i32>} : memref<200x128xf32, #tpu.memory_space<vmem>>, vector<1x16xf32>,
        %swap3A_998 = vector.shape_cast %swap3A_997 : vector<1x16xf32> to vector<16xf32>
        %swap3A_999 = vector.shape_cast %mul3A_994 : vector<16xf32> to vector<1x16xf32>
        tpu.vector_store %arg12[%swap3A_995, %swap3A_996], %swap3A_999 {strides = array<i32>} : memref<200x128xf32, #tpu.memory_space<vmem>>, vector<1x16xf32>,
        %get3A_1000 = arith.index_cast %add3A_969 : i32 to index
        %get3A_1001 = arith.constant 48 : index
        %get3A_1002 = tpu.vector_load %arg12[%get3A_1000, %get3A_1001] {strides = array<i32>} : memref<200x128xf32, #tpu.memory_space<vmem>>, vector<1x16xf32>,
        %get3A_1003 = vector.shape_cast %get3A_1002 : vector<1x16xf32> to vector<16xf32>
        %mul3A_1004 = arith.mulf %get3A_1003, %gather3A_965 : vector<16xf32>
        %swap3A_1005 = arith.index_cast %add3A_969 : i32 to index
        %swap3A_1006 = arith.constant 48 : index
        %swap3A_1007 = tpu.vector_load %arg12[%swap3A_1005, %swap3A_1006] {strides = array<i32>} : memref<200x128xf32, #tpu.memory_space<vmem>>, vector<1x16xf32>,
        %swap3A_1008 = vector.shape_cast %swap3A_1007 : vector<1x16xf32> to vector<16xf32>
        %swap3A_1009 = vector.shape_cast %mul3A_1004 : vector<16xf32> to vector<1x16xf32>
        tpu.vector_store %arg12[%swap3A_1005, %swap3A_1006], %swap3A_1009 {strides = array<i32>} : memref<200x128xf32, #tpu.memory_space<vmem>>, vector<1x16xf32>,
        %get3A_1010 = arith.index_cast %add3A_969 : i32 to index
        %get3A_1011 = arith.constant 64 : index
        %get3A_1012 = tpu.vector_load %arg12[%get3A_1010, %get3A_1011] {strides = array<i32>} : memref<200x128xf32, #tpu.memory_space<vmem>>, vector<1x16xf32>,
        %get3A_1013 = vector.shape_cast %get3A_1012 : vector<1x16xf32> to vector<16xf32>
        %mul3A_1014 = arith.mulf %get3A_1013, %gather3A_965 : vector<16xf32>
        %swap3A_1015 = arith.index_cast %add3A_969 : i32 to index
        %swap3A_1016 = arith.constant 64 : index
        %swap3A_1017 = tpu.vector_load %arg12[%swap3A_1015, %swap3A_1016] {strides = array<i32>} : memref<200x128xf32, #tpu.memory_space<vmem>>, vector<1x16xf32>,
        %swap3A_1018 = vector.shape_cast %swap3A_1017 : vector<1x16xf32> to vector<16xf32>
        %swap3A_1019 = vector.shape_cast %mul3A_1014 : vector<16xf32> to vector<1x16xf32>
        tpu.vector_store %arg12[%swap3A_1015, %swap3A_1016], %swap3A_1019 {strides = array<i32>} : memref<200x128xf32, #tpu.memory_space<vmem>>, vector<1x16xf32>,
        %get3A_1020 = arith.index_cast %add3A_969 : i32 to index
        %get3A_1021 = arith.constant 80 : index
        %get3A_1022 = tpu.vector_load %arg12[%get3A_1020, %get3A_1021] {strides = array<i32>} : memref<200x128xf32, #tpu.memory_space<vmem>>, vector<1x16xf32>,
        %get3A_1023 = vector.shape_cast %get3A_1022 : vector<1x16xf32> to vector<16xf32>
        %mul3A_1024 = arith.mulf %get3A_1023, %gather3A_965 : vector<16xf32>
        %swap3A_1025 = arith.index_cast %add3A_969 : i32 to index
        %swap3A_1026 = arith.constant 80 : index
        %swap3A_1027 = tpu.vector_load %arg12[%swap3A_1025, %swap3A_1026] {strides = array<i32>} : memref<200x128xf32, #tpu.memory_space<vmem>>, vector<1x16xf32>,
        %swap3A_1028 = vector.shape_cast %swap3A_1027 : vector<1x16xf32> to vector<16xf32>
        %swap3A_1029 = vector.shape_cast %mul3A_1024 : vector<16xf32> to vector<1x16xf32>
        tpu.vector_store %arg12[%swap3A_1025, %swap3A_1026], %swap3A_1029 {strides = array<i32>} : memref<200x128xf32, #tpu.memory_space<vmem>>, vector<1x16xf32>,
        %get3A_1030 = arith.index_cast %add3A_969 : i32 to index
        %get3A_1031 = arith.constant 96 : index
        %get3A_1032 = tpu.vector_load %arg12[%get3A_1030, %get3A_1031] {strides = array<i32>} : memref<200x128xf32, #tpu.memory_space<vmem>>, vector<1x16xf32>,
        %get3A_1033 = vector.shape_cast %get3A_1032 : vector<1x16xf32> to vector<16xf32>
        %mul3A_1034 = arith.mulf %get3A_1033, %gather3A_965 : vector<16xf32>
        %swap3A_1035 = arith.index_cast %add3A_969 : i32 to index
        %swap3A_1036 = arith.constant 96 : index
        %swap3A_1037 = tpu.vector_load %arg12[%swap3A_1035, %swap3A_1036] {strides = array<i32>} : memref<200x128xf32, #tpu.memory_space<vmem>>, vector<1x16xf32>,
        %swap3A_1038 = vector.shape_cast %swap3A_1037 : vector<1x16xf32> to vector<16xf32>
        %swap3A_1039 = vector.shape_cast %mul3A_1034 : vector<16xf32> to vector<1x16xf32>
        tpu.vector_store %arg12[%swap3A_1035, %swap3A_1036], %swap3A_1039 {strides = array<i32>} : memref<200x128xf32, #tpu.memory_space<vmem>>, vector<1x16xf32>,
        %get3A_1040 = arith.index_cast %add3A_969 : i32 to index
        %get3A_1041 = arith.constant 112 : index
        %get3A_1042 = tpu.vector_load %arg12[%get3A_1040, %get3A_1041] {strides = array<i32>} : memref<200x128xf32, #tpu.memory_space<vmem>>, vector<1x16xf32>,
        %get3A_1043 = vector.shape_cast %get3A_1042 : vector<1x16xf32> to vector<16xf32>
        %mul3A_1044 = arith.mulf %get3A_1043, %gather3A_965 : vector<16xf32>
        %swap3A_1045 = arith.index_cast %add3A_969 : i32 to index
        %swap3A_1046 = arith.constant 112 : index
        %swap3A_1047 = tpu.vector_load %arg12[%swap3A_1045, %swap3A_1046] {strides = array<i32>} : memref<200x128xf32, #tpu.memory_space<vmem>>, vector<1x16xf32>,
        %swap3A_1048 = vector.shape_cast %swap3A_1047 : vector<1x16xf32> to vector<16xf32>
        %swap3A_1049 = vector.shape_cast %mul3A_1044 : vector<16xf32> to vector<1x16xf32>
        tpu.vector_store %arg12[%swap3A_1045, %swap3A_1046], %swap3A_1049 {strides = array<i32>} : memref<200x128xf32, #tpu.memory_space<vmem>>, vector<1x16xf32>,
        %broadcast_in_dim3A_1050 = arith.constant 9 : i32
        %broadcast_in_dim3A_1051 = vector.broadcast %broadcast_in_dim3A_1050 : i32 to vector<16xi32>
        %lt3A_1052 = arith.constant 0 : i32
        %lt3A_1053 = vector.broadcast %lt3A_1052 : i32 to vector<16xi32>
        %lt3A_1054 = arith.cmpi slt, %broadcast_in_dim3A_1051, %lt3A_1053 : vector<16xi32>
        %add3A_1055 = arith.constant 16 : i32
        %add3A_1056 = vector.broadcast %add3A_1055 : i32 to vector<16xi32>
        %add3A_1057 = arith.addi %broadcast_in_dim3A_1051, %add3A_1056 : vector<16xi32>
        %select_n3A_1058 = arith.select %lt3A_1054, %add3A_1057, %broadcast_in_dim3A_1051 : vector<16xi1>, vector<16xi32>
        %broadcast_in_dim3A_1059 = vector.shape_cast %select_n3A_1058 : vector<16xi32> to vector<16x1xi32>
        %gather3A_1060 = vector.shape_cast %broadcast_in_dim3A_1059 : vector<16x1xi32> to vector<16xi32>
        %gather3A_1061 = tpu.dynamic_gather %get3A_188[%gather3A_1060] in [0] : vector<16xf32>, vector<16xi32> -> vector<16xf32>
        %add3A_1062 = arith.constant 0 : i32
        %add3A_1063 = arith.addi %multiple_of3A_168, %add3A_1062 : i32
        %add3A_1064 = arith.constant 9 : i32
        %add3A_1065 = arith.addi %add3A_1063, %add3A_1064 : i32
        %get3A_1066 = arith.index_cast %add3A_1065 : i32 to index
        %get3A_1067 = arith.constant 0 : index
        %get3A_1068 = tpu.vector_load %arg12[%get3A_1066, %get3A_1067] {strides = array<i32>} : memref<200x128xf32, #tpu.memory_space<vmem>>, vector<1x16xf32>,
        %get3A_1069 = vector.shape_cast %get3A_1068 : vector<1x16xf32> to vector<16xf32>
        %mul3A_1070 = arith.mulf %get3A_1069, %gather3A_1061 : vector<16xf32>
        %swap3A_1071 = arith.index_cast %add3A_1065 : i32 to index
        %swap3A_1072 = arith.constant 0 : index
        %swap3A_1073 = tpu.vector_load %arg12[%swap3A_1071, %swap3A_1072] {strides = array<i32>} : memref<200x128xf32, #tpu.memory_space<vmem>>, vector<1x16xf32>,
        %swap3A_1074 = vector.shape_cast %swap3A_1073 : vector<1x16xf32> to vector<16xf32>
        %swap3A_1075 = vector.shape_cast %mul3A_1070 : vector<16xf32> to vector<1x16xf32>
        tpu.vector_store %arg12[%swap3A_1071, %swap3A_1072], %swap3A_1075 {strides = array<i32>} : memref<200x128xf32, #tpu.memory_space<vmem>>, vector<1x16xf32>,
        %get3A_1076 = arith.index_cast %add3A_1065 : i32 to index
        %get3A_1077 = arith.constant 16 : index
        %get3A_1078 = tpu.vector_load %arg12[%get3A_1076, %get3A_1077] {strides = array<i32>} : memref<200x128xf32, #tpu.memory_space<vmem>>, vector<1x16xf32>,
        %get3A_1079 = vector.shape_cast %get3A_1078 : vector<1x16xf32> to vector<16xf32>
        %mul3A_1080 = arith.mulf %get3A_1079, %gather3A_1061 : vector<16xf32>
        %swap3A_1081 = arith.index_cast %add3A_1065 : i32 to index
        %swap3A_1082 = arith.constant 16 : index
        %swap3A_1083 = tpu.vector_load %arg12[%swap3A_1081, %swap3A_1082] {strides = array<i32>} : memref<200x128xf32, #tpu.memory_space<vmem>>, vector<1x16xf32>,
        %swap3A_1084 = vector.shape_cast %swap3A_1083 : vector<1x16xf32> to vector<16xf32>
        %swap3A_1085 = vector.shape_cast %mul3A_1080 : vector<16xf32> to vector<1x16xf32>
        tpu.vector_store %arg12[%swap3A_1081, %swap3A_1082], %swap3A_1085 {strides = array<i32>} : memref<200x128xf32, #tpu.memory_space<vmem>>, vector<1x16xf32>,
        %get3A_1086 = arith.index_cast %add3A_1065 : i32 to index
        %get3A_1087 = arith.constant 32 : index
        %get3A_1088 = tpu.vector_load %arg12[%get3A_1086, %get3A_1087] {strides = array<i32>} : memref<200x128xf32, #tpu.memory_space<vmem>>, vector<1x16xf32>,
        %get3A_1089 = vector.shape_cast %get3A_1088 : vector<1x16xf32> to vector<16xf32>
        %mul3A_1090 = arith.mulf %get3A_1089, %gather3A_1061 : vector<16xf32>
        %swap3A_1091 = arith.index_cast %add3A_1065 : i32 to index
        %swap3A_1092 = arith.constant 32 : index
        %swap3A_1093 = tpu.vector_load %arg12[%swap3A_1091, %swap3A_1092] {strides = array<i32>} : memref<200x128xf32, #tpu.memory_space<vmem>>, vector<1x16xf32>,
        %swap3A_1094 = vector.shape_cast %swap3A_1093 : vector<1x16xf32> to vector<16xf32>
        %swap3A_1095 = vector.shape_cast %mul3A_1090 : vector<16xf32> to vector<1x16xf32>
        tpu.vector_store %arg12[%swap3A_1091, %swap3A_1092], %swap3A_1095 {strides = array<i32>} : memref<200x128xf32, #tpu.memory_space<vmem>>, vector<1x16xf32>,
        %get3A_1096 = arith.index_cast %add3A_1065 : i32 to index
        %get3A_1097 = arith.constant 48 : index
        %get3A_1098 = tpu.vector_load %arg12[%get3A_1096, %get3A_1097] {strides = array<i32>} : memref<200x128xf32, #tpu.memory_space<vmem>>, vector<1x16xf32>,
        %get3A_1099 = vector.shape_cast %get3A_1098 : vector<1x16xf32> to vector<16xf32>
        %mul3A_1100 = arith.mulf %get3A_1099, %gather3A_1061 : vector<16xf32>
        %swap3A_1101 = arith.index_cast %add3A_1065 : i32 to index
        %swap3A_1102 = arith.constant 48 : index
        %swap3A_1103 = tpu.vector_load %arg12[%swap3A_1101, %swap3A_1102] {strides = array<i32>} : memref<200x128xf32, #tpu.memory_space<vmem>>, vector<1x16xf32>,
        %swap3A_1104 = vector.shape_cast %swap3A_1103 : vector<1x16xf32> to vector<16xf32>
        %swap3A_1105 = vector.shape_cast %mul3A_1100 : vector<16xf32> to vector<1x16xf32>
        tpu.vector_store %arg12[%swap3A_1101, %swap3A_1102], %swap3A_1105 {strides = array<i32>} : memref<200x128xf32, #tpu.memory_space<vmem>>, vector<1x16xf32>,
        %get3A_1106 = arith.index_cast %add3A_1065 : i32 to index
        %get3A_1107 = arith.constant 64 : index
        %get3A_1108 = tpu.vector_load %arg12[%get3A_1106, %get3A_1107] {strides = array<i32>} : memref<200x128xf32, #tpu.memory_space<vmem>>, vector<1x16xf32>,
        %get3A_1109 = vector.shape_cast %get3A_1108 : vector<1x16xf32> to vector<16xf32>
        %mul3A_1110 = arith.mulf %get3A_1109, %gather3A_1061 : vector<16xf32>
        %swap3A_1111 = arith.index_cast %add3A_1065 : i32 to index
        %swap3A_1112 = arith.constant 64 : index
        %swap3A_1113 = tpu.vector_load %arg12[%swap3A_1111, %swap3A_1112] {strides = array<i32>} : memref<200x128xf32, #tpu.memory_space<vmem>>, vector<1x16xf32>,
        %swap3A_1114 = vector.shape_cast %swap3A_1113 : vector<1x16xf32> to vector<16xf32>
        %swap3A_1115 = vector.shape_cast %mul3A_1110 : vector<16xf32> to vector<1x16xf32>
        tpu.vector_store %arg12[%swap3A_1111, %swap3A_1112], %swap3A_1115 {strides = array<i32>} : memref<200x128xf32, #tpu.memory_space<vmem>>, vector<1x16xf32>,
        %get3A_1116 = arith.index_cast %add3A_1065 : i32 to index
        %get3A_1117 = arith.constant 80 : index
        %get3A_1118 = tpu.vector_load %arg12[%get3A_1116, %get3A_1117] {strides = array<i32>} : memref<200x128xf32, #tpu.memory_space<vmem>>, vector<1x16xf32>,
        %get3A_1119 = vector.shape_cast %get3A_1118 : vector<1x16xf32> to vector<16xf32>
        %mul3A_1120 = arith.mulf %get3A_1119, %gather3A_1061 : vector<16xf32>
        %swap3A_1121 = arith.index_cast %add3A_1065 : i32 to index
        %swap3A_1122 = arith.constant 80 : index
        %swap3A_1123 = tpu.vector_load %arg12[%swap3A_1121, %swap3A_1122] {strides = array<i32>} : memref<200x128xf32, #tpu.memory_space<vmem>>, vector<1x16xf32>,
        %swap3A_1124 = vector.shape_cast %swap3A_1123 : vector<1x16xf32> to vector<16xf32>
        %swap3A_1125 = vector.shape_cast %mul3A_1120 : vector<16xf32> to vector<1x16xf32>
        tpu.vector_store %arg12[%swap3A_1121, %swap3A_1122], %swap3A_1125 {strides = array<i32>} : memref<200x128xf32, #tpu.memory_space<vmem>>, vector<1x16xf32>,
        %get3A_1126 = arith.index_cast %add3A_1065 : i32 to index
        %get3A_1127 = arith.constant 96 : index
        %get3A_1128 = tpu.vector_load %arg12[%get3A_1126, %get3A_1127] {strides = array<i32>} : memref<200x128xf32, #tpu.memory_space<vmem>>, vector<1x16xf32>,
        %get3A_1129 = vector.shape_cast %get3A_1128 : vector<1x16xf32> to vector<16xf32>
        %mul3A_1130 = arith.mulf %get3A_1129, %gather3A_1061 : vector<16xf32>
        %swap3A_1131 = arith.index_cast %add3A_1065 : i32 to index
        %swap3A_1132 = arith.constant 96 : index
        %swap3A_1133 = tpu.vector_load %arg12[%swap3A_1131, %swap3A_1132] {strides = array<i32>} : memref<200x128xf32, #tpu.memory_space<vmem>>, vector<1x16xf32>,
        %swap3A_1134 = vector.shape_cast %swap3A_1133 : vector<1x16xf32> to vector<16xf32>
        %swap3A_1135 = vector.shape_cast %mul3A_1130 : vector<16xf32> to vector<1x16xf32>
        tpu.vector_store %arg12[%swap3A_1131, %swap3A_1132], %swap3A_1135 {strides = array<i32>} : memref<200x128xf32, #tpu.memory_space<vmem>>, vector<1x16xf32>,
        %get3A_1136 = arith.index_cast %add3A_1065 : i32 to index
        %get3A_1137 = arith.constant 112 : index
        %get3A_1138 = tpu.vector_load %arg12[%get3A_1136, %get3A_1137] {strides = array<i32>} : memref<200x128xf32, #tpu.memory_space<vmem>>, vector<1x16xf32>,
        %get3A_1139 = vector.shape_cast %get3A_1138 : vector<1x16xf32> to vector<16xf32>
        %mul3A_1140 = arith.mulf %get3A_1139, %gather3A_1061 : vector<16xf32>
        %swap3A_1141 = arith.index_cast %add3A_1065 : i32 to index
        %swap3A_1142 = arith.constant 112 : index
        %swap3A_1143 = tpu.vector_load %arg12[%swap3A_1141, %swap3A_1142] {strides = array<i32>} : memref<200x128xf32, #tpu.memory_space<vmem>>, vector<1x16xf32>,
        %swap3A_1144 = vector.shape_cast %swap3A_1143 : vector<1x16xf32> to vector<16xf32>
        %swap3A_1145 = vector.shape_cast %mul3A_1140 : vector<16xf32> to vector<1x16xf32>
        tpu.vector_store %arg12[%swap3A_1141, %swap3A_1142], %swap3A_1145 {strides = array<i32>} : memref<200x128xf32, #tpu.memory_space<vmem>>, vector<1x16xf32>,
        %broadcast_in_dim3A_1146 = arith.constant 10 : i32
        %broadcast_in_dim3A_1147 = vector.broadcast %broadcast_in_dim3A_1146 : i32 to vector<16xi32>
        %lt3A_1148 = arith.constant 0 : i32
        %lt3A_1149 = vector.broadcast %lt3A_1148 : i32 to vector<16xi32>
        %lt3A_1150 = arith.cmpi slt, %broadcast_in_dim3A_1147, %lt3A_1149 : vector<16xi32>
        %add3A_1151 = arith.constant 16 : i32
        %add3A_1152 = vector.broadcast %add3A_1151 : i32 to vector<16xi32>
        %add3A_1153 = arith.addi %broadcast_in_dim3A_1147, %add3A_1152 : vector<16xi32>
        %select_n3A_1154 = arith.select %lt3A_1150, %add3A_1153, %broadcast_in_dim3A_1147 : vector<16xi1>, vector<16xi32>
        %broadcast_in_dim3A_1155 = vector.shape_cast %select_n3A_1154 : vector<16xi32> to vector<16x1xi32>
        %gather3A_1156 = vector.shape_cast %broadcast_in_dim3A_1155 : vector<16x1xi32> to vector<16xi32>
        %gather3A_1157 = tpu.dynamic_gather %get3A_188[%gather3A_1156] in [0] : vector<16xf32>, vector<16xi32> -> vector<16xf32>
        %add3A_1158 = arith.constant 0 : i32
        %add3A_1159 = arith.addi %multiple_of3A_168, %add3A_1158 : i32
        %add3A_1160 = arith.constant 10 : i32
        %add3A_1161 = arith.addi %add3A_1159, %add3A_1160 : i32
        %get3A_1162 = arith.index_cast %add3A_1161 : i32 to index
        %get3A_1163 = arith.constant 0 : index
        %get3A_1164 = tpu.vector_load %arg12[%get3A_1162, %get3A_1163] {strides = array<i32>} : memref<200x128xf32, #tpu.memory_space<vmem>>, vector<1x16xf32>,
        %get3A_1165 = vector.shape_cast %get3A_1164 : vector<1x16xf32> to vector<16xf32>
        %mul3A_1166 = arith.mulf %get3A_1165, %gather3A_1157 : vector<16xf32>
        %swap3A_1167 = arith.index_cast %add3A_1161 : i32 to index
        %swap3A_1168 = arith.constant 0 : index
        %swap3A_1169 = tpu.vector_load %arg12[%swap3A_1167, %swap3A_1168] {strides = array<i32>} : memref<200x128xf32, #tpu.memory_space<vmem>>, vector<1x16xf32>,
        %swap3A_1170 = vector.shape_cast %swap3A_1169 : vector<1x16xf32> to vector<16xf32>
        %swap3A_1171 = vector.shape_cast %mul3A_1166 : vector<16xf32> to vector<1x16xf32>
        tpu.vector_store %arg12[%swap3A_1167, %swap3A_1168], %swap3A_1171 {strides = array<i32>} : memref<200x128xf32, #tpu.memory_space<vmem>>, vector<1x16xf32>,
        %get3A_1172 = arith.index_cast %add3A_1161 : i32 to index
        %get3A_1173 = arith.constant 16 : index
        %get3A_1174 = tpu.vector_load %arg12[%get3A_1172, %get3A_1173] {strides = array<i32>} : memref<200x128xf32, #tpu.memory_space<vmem>>, vector<1x16xf32>,
        %get3A_1175 = vector.shape_cast %get3A_1174 : vector<1x16xf32> to vector<16xf32>
        %mul3A_1176 = arith.mulf %get3A_1175, %gather3A_1157 : vector<16xf32>
        %swap3A_1177 = arith.index_cast %add3A_1161 : i32 to index
        %swap3A_1178 = arith.constant 16 : index
        %swap3A_1179 = tpu.vector_load %arg12[%swap3A_1177, %swap3A_1178] {strides = array<i32>} : memref<200x128xf32, #tpu.memory_space<vmem>>, vector<1x16xf32>,
        %swap3A_1180 = vector.shape_cast %swap3A_1179 : vector<1x16xf32> to vector<16xf32>
        %swap3A_1181 = vector.shape_cast %mul3A_1176 : vector<16xf32> to vector<1x16xf32>
        tpu.vector_store %arg12[%swap3A_1177, %swap3A_1178], %swap3A_1181 {strides = array<i32>} : memref<200x128xf32, #tpu.memory_space<vmem>>, vector<1x16xf32>,
        %get3A_1182 = arith.index_cast %add3A_1161 : i32 to index
        %get3A_1183 = arith.constant 32 : index
        %get3A_1184 = tpu.vector_load %arg12[%get3A_1182, %get3A_1183] {strides = array<i32>} : memref<200x128xf32, #tpu.memory_space<vmem>>, vector<1x16xf32>,
        %get3A_1185 = vector.shape_cast %get3A_1184 : vector<1x16xf32> to vector<16xf32>
        %mul3A_1186 = arith.mulf %get3A_1185, %gather3A_1157 : vector<16xf32>
        %swap3A_1187 = arith.index_cast %add3A_1161 : i32 to index
        %swap3A_1188 = arith.constant 32 : index
        %swap3A_1189 = tpu.vector_load %arg12[%swap3A_1187, %swap3A_1188] {strides = array<i32>} : memref<200x128xf32, #tpu.memory_space<vmem>>, vector<1x16xf32>,
        %swap3A_1190 = vector.shape_cast %swap3A_1189 : vector<1x16xf32> to vector<16xf32>
        %swap3A_1191 = vector.shape_cast %mul3A_1186 : vector<16xf32> to vector<1x16xf32>
        tpu.vector_store %arg12[%swap3A_1187, %swap3A_1188], %swap3A_1191 {strides = array<i32>} : memref<200x128xf32, #tpu.memory_space<vmem>>, vector<1x16xf32>,
        %get3A_1192 = arith.index_cast %add3A_1161 : i32 to index
        %get3A_1193 = arith.constant 48 : index
        %get3A_1194 = tpu.vector_load %arg12[%get3A_1192, %get3A_1193] {strides = array<i32>} : memref<200x128xf32, #tpu.memory_space<vmem>>, vector<1x16xf32>,
        %get3A_1195 = vector.shape_cast %get3A_1194 : vector<1x16xf32> to vector<16xf32>
        %mul3A_1196 = arith.mulf %get3A_1195, %gather3A_1157 : vector<16xf32>
        %swap3A_1197 = arith.index_cast %add3A_1161 : i32 to index
        %swap3A_1198 = arith.constant 48 : index
        %swap3A_1199 = tpu.vector_load %arg12[%swap3A_1197, %swap3A_1198] {strides = array<i32>} : memref<200x128xf32, #tpu.memory_space<vmem>>, vector<1x16xf32>,
        %swap3A_1200 = vector.shape_cast %swap3A_1199 : vector<1x16xf32> to vector<16xf32>
        %swap3A_1201 = vector.shape_cast %mul3A_1196 : vector<16xf32> to vector<1x16xf32>
        tpu.vector_store %arg12[%swap3A_1197, %swap3A_1198], %swap3A_1201 {strides = array<i32>} : memref<200x128xf32, #tpu.memory_space<vmem>>, vector<1x16xf32>,
        %get3A_1202 = arith.index_cast %add3A_1161 : i32 to index
        %get3A_1203 = arith.constant 64 : index
        %get3A_1204 = tpu.vector_load %arg12[%get3A_1202, %get3A_1203] {strides = array<i32>} : memref<200x128xf32, #tpu.memory_space<vmem>>, vector<1x16xf32>,
        %get3A_1205 = vector.shape_cast %get3A_1204 : vector<1x16xf32> to vector<16xf32>
        %mul3A_1206 = arith.mulf %get3A_1205, %gather3A_1157 : vector<16xf32>
        %swap3A_1207 = arith.index_cast %add3A_1161 : i32 to index
        %swap3A_1208 = arith.constant 64 : index
        %swap3A_1209 = tpu.vector_load %arg12[%swap3A_1207, %swap3A_1208] {strides = array<i32>} : memref<200x128xf32, #tpu.memory_space<vmem>>, vector<1x16xf32>,
        %swap3A_1210 = vector.shape_cast %swap3A_1209 : vector<1x16xf32> to vector<16xf32>
        %swap3A_1211 = vector.shape_cast %mul3A_1206 : vector<16xf32> to vector<1x16xf32>
        tpu.vector_store %arg12[%swap3A_1207, %swap3A_1208], %swap3A_1211 {strides = array<i32>} : memref<200x128xf32, #tpu.memory_space<vmem>>, vector<1x16xf32>,
        %get3A_1212 = arith.index_cast %add3A_1161 : i32 to index
        %get3A_1213 = arith.constant 80 : index
        %get3A_1214 = tpu.vector_load %arg12[%get3A_1212, %get3A_1213] {strides = array<i32>} : memref<200x128xf32, #tpu.memory_space<vmem>>, vector<1x16xf32>,
        %get3A_1215 = vector.shape_cast %get3A_1214 : vector<1x16xf32> to vector<16xf32>
        %mul3A_1216 = arith.mulf %get3A_1215, %gather3A_1157 : vector<16xf32>
        %swap3A_1217 = arith.index_cast %add3A_1161 : i32 to index
        %swap3A_1218 = arith.constant 80 : index
        %swap3A_1219 = tpu.vector_load %arg12[%swap3A_1217, %swap3A_1218] {strides = array<i32>} : memref<200x128xf32, #tpu.memory_space<vmem>>, vector<1x16xf32>,
        %swap3A_1220 = vector.shape_cast %swap3A_1219 : vector<1x16xf32> to vector<16xf32>
        %swap3A_1221 = vector.shape_cast %mul3A_1216 : vector<16xf32> to vector<1x16xf32>
        tpu.vector_store %arg12[%swap3A_1217, %swap3A_1218], %swap3A_1221 {strides = array<i32>} : memref<200x128xf32, #tpu.memory_space<vmem>>, vector<1x16xf32>,
        %get3A_1222 = arith.index_cast %add3A_1161 : i32 to index
        %get3A_1223 = arith.constant 96 : index
        %get3A_1224 = tpu.vector_load %arg12[%get3A_1222, %get3A_1223] {strides = array<i32>} : memref<200x128xf32, #tpu.memory_space<vmem>>, vector<1x16xf32>,
        %get3A_1225 = vector.shape_cast %get3A_1224 : vector<1x16xf32> to vector<16xf32>
        %mul3A_1226 = arith.mulf %get3A_1225, %gather3A_1157 : vector<16xf32>
        %swap3A_1227 = arith.index_cast %add3A_1161 : i32 to index
        %swap3A_1228 = arith.constant 96 : index
        %swap3A_1229 = tpu.vector_load %arg12[%swap3A_1227, %swap3A_1228] {strides = array<i32>} : memref<200x128xf32, #tpu.memory_space<vmem>>, vector<1x16xf32>,
        %swap3A_1230 = vector.shape_cast %swap3A_1229 : vector<1x16xf32> to vector<16xf32>
        %swap3A_1231 = vector.shape_cast %mul3A_1226 : vector<16xf32> to vector<1x16xf32>
        tpu.vector_store %arg12[%swap3A_1227, %swap3A_1228], %swap3A_1231 {strides = array<i32>} : memref<200x128xf32, #tpu.memory_space<vmem>>, vector<1x16xf32>,
        %get3A_1232 = arith.index_cast %add3A_1161 : i32 to index
        %get3A_1233 = arith.constant 112 : index
        %get3A_1234 = tpu.vector_load %arg12[%get3A_1232, %get3A_1233] {strides = array<i32>} : memref<200x128xf32, #tpu.memory_space<vmem>>, vector<1x16xf32>,
        %get3A_1235 = vector.shape_cast %get3A_1234 : vector<1x16xf32> to vector<16xf32>
        %mul3A_1236 = arith.mulf %get3A_1235, %gather3A_1157 : vector<16xf32>
        %swap3A_1237 = arith.index_cast %add3A_1161 : i32 to index
        %swap3A_1238 = arith.constant 112 : index
        %swap3A_1239 = tpu.vector_load %arg12[%swap3A_1237, %swap3A_1238] {strides = array<i32>} : memref<200x128xf32, #tpu.memory_space<vmem>>, vector<1x16xf32>,
        %swap3A_1240 = vector.shape_cast %swap3A_1239 : vector<1x16xf32> to vector<16xf32>
        %swap3A_1241 = vector.shape_cast %mul3A_1236 : vector<16xf32> to vector<1x16xf32>
        tpu.vector_store %arg12[%swap3A_1237, %swap3A_1238], %swap3A_1241 {strides = array<i32>} : memref<200x128xf32, #tpu.memory_space<vmem>>, vector<1x16xf32>,
        %broadcast_in_dim3A_1242 = arith.constant 11 : i32
        %broadcast_in_dim3A_1243 = vector.broadcast %broadcast_in_dim3A_1242 : i32 to vector<16xi32>
        %lt3A_1244 = arith.constant 0 : i32
        %lt3A_1245 = vector.broadcast %lt3A_1244 : i32 to vector<16xi32>
        %lt3A_1246 = arith.cmpi slt, %broadcast_in_dim3A_1243, %lt3A_1245 : vector<16xi32>
        %add3A_1247 = arith.constant 16 : i32
        %add3A_1248 = vector.broadcast %add3A_1247 : i32 to vector<16xi32>
        %add3A_1249 = arith.addi %broadcast_in_dim3A_1243, %add3A_1248 : vector<16xi32>
        %select_n3A_1250 = arith.select %lt3A_1246, %add3A_1249, %broadcast_in_dim3A_1243 : vector<16xi1>, vector<16xi32>
        %broadcast_in_dim3A_1251 = vector.shape_cast %select_n3A_1250 : vector<16xi32> to vector<16x1xi32>
        %gather3A_1252 = vector.shape_cast %broadcast_in_dim3A_1251 : vector<16x1xi32> to vector<16xi32>
        %gather3A_1253 = tpu.dynamic_gather %get3A_188[%gather3A_1252] in [0] : vector<16xf32>, vector<16xi32> -> vector<16xf32>
        %add3A_1254 = arith.constant 0 : i32
        %add3A_1255 = arith.addi %multiple_of3A_168, %add3A_1254 : i32
        %add3A_1256 = arith.constant 11 : i32
        %add3A_1257 = arith.addi %add3A_1255, %add3A_1256 : i32
        %get3A_1258 = arith.index_cast %add3A_1257 : i32 to index
        %get3A_1259 = arith.constant 0 : index
        %get3A_1260 = tpu.vector_load %arg12[%get3A_1258, %get3A_1259] {strides = array<i32>} : memref<200x128xf32, #tpu.memory_space<vmem>>, vector<1x16xf32>,
        %get3A_1261 = vector.shape_cast %get3A_1260 : vector<1x16xf32> to vector<16xf32>
        %mul3A_1262 = arith.mulf %get3A_1261, %gather3A_1253 : vector<16xf32>
        %swap3A_1263 = arith.index_cast %add3A_1257 : i32 to index
        %swap3A_1264 = arith.constant 0 : index
        %swap3A_1265 = tpu.vector_load %arg12[%swap3A_1263, %swap3A_1264] {strides = array<i32>} : memref<200x128xf32, #tpu.memory_space<vmem>>, vector<1x16xf32>,
        %swap3A_1266 = vector.shape_cast %swap3A_1265 : vector<1x16xf32> to vector<16xf32>
        %swap3A_1267 = vector.shape_cast %mul3A_1262 : vector<16xf32> to vector<1x16xf32>
        tpu.vector_store %arg12[%swap3A_1263, %swap3A_1264], %swap3A_1267 {strides = array<i32>} : memref<200x128xf32, #tpu.memory_space<vmem>>, vector<1x16xf32>,
        %get3A_1268 = arith.index_cast %add3A_1257 : i32 to index
        %get3A_1269 = arith.constant 16 : index
        %get3A_1270 = tpu.vector_load %arg12[%get3A_1268, %get3A_1269] {strides = array<i32>} : memref<200x128xf32, #tpu.memory_space<vmem>>, vector<1x16xf32>,
        %get3A_1271 = vector.shape_cast %get3A_1270 : vector<1x16xf32> to vector<16xf32>
        %mul3A_1272 = arith.mulf %get3A_1271, %gather3A_1253 : vector<16xf32>
        %swap3A_1273 = arith.index_cast %add3A_1257 : i32 to index
        %swap3A_1274 = arith.constant 16 : index
        %swap3A_1275 = tpu.vector_load %arg12[%swap3A_1273, %swap3A_1274] {strides = array<i32>} : memref<200x128xf32, #tpu.memory_space<vmem>>, vector<1x16xf32>,
        %swap3A_1276 = vector.shape_cast %swap3A_1275 : vector<1x16xf32> to vector<16xf32>
        %swap3A_1277 = vector.shape_cast %mul3A_1272 : vector<16xf32> to vector<1x16xf32>
        tpu.vector_store %arg12[%swap3A_1273, %swap3A_1274], %swap3A_1277 {strides = array<i32>} : memref<200x128xf32, #tpu.memory_space<vmem>>, vector<1x16xf32>,
        %get3A_1278 = arith.index_cast %add3A_1257 : i32 to index
        %get3A_1279 = arith.constant 32 : index
        %get3A_1280 = tpu.vector_load %arg12[%get3A_1278, %get3A_1279] {strides = array<i32>} : memref<200x128xf32, #tpu.memory_space<vmem>>, vector<1x16xf32>,
        %get3A_1281 = vector.shape_cast %get3A_1280 : vector<1x16xf32> to vector<16xf32>
        %mul3A_1282 = arith.mulf %get3A_1281, %gather3A_1253 : vector<16xf32>
        %swap3A_1283 = arith.index_cast %add3A_1257 : i32 to index
        %swap3A_1284 = arith.constant 32 : index
        %swap3A_1285 = tpu.vector_load %arg12[%swap3A_1283, %swap3A_1284] {strides = array<i32>} : memref<200x128xf32, #tpu.memory_space<vmem>>, vector<1x16xf32>,
        %swap3A_1286 = vector.shape_cast %swap3A_1285 : vector<1x16xf32> to vector<16xf32>
        %swap3A_1287 = vector.shape_cast %mul3A_1282 : vector<16xf32> to vector<1x16xf32>
        tpu.vector_store %arg12[%swap3A_1283, %swap3A_1284], %swap3A_1287 {strides = array<i32>} : memref<200x128xf32, #tpu.memory_space<vmem>>, vector<1x16xf32>,
        %get3A_1288 = arith.index_cast %add3A_1257 : i32 to index
        %get3A_1289 = arith.constant 48 : index
        %get3A_1290 = tpu.vector_load %arg12[%get3A_1288, %get3A_1289] {strides = array<i32>} : memref<200x128xf32, #tpu.memory_space<vmem>>, vector<1x16xf32>,
        %get3A_1291 = vector.shape_cast %get3A_1290 : vector<1x16xf32> to vector<16xf32>
        %mul3A_1292 = arith.mulf %get3A_1291, %gather3A_1253 : vector<16xf32>
        %swap3A_1293 = arith.index_cast %add3A_1257 : i32 to index
        %swap3A_1294 = arith.constant 48 : index
        %swap3A_1295 = tpu.vector_load %arg12[%swap3A_1293, %swap3A_1294] {strides = array<i32>} : memref<200x128xf32, #tpu.memory_space<vmem>>, vector<1x16xf32>,
        %swap3A_1296 = vector.shape_cast %swap3A_1295 : vector<1x16xf32> to vector<16xf32>
        %swap3A_1297 = vector.shape_cast %mul3A_1292 : vector<16xf32> to vector<1x16xf32>
        tpu.vector_store %arg12[%swap3A_1293, %swap3A_1294], %swap3A_1297 {strides = array<i32>} : memref<200x128xf32, #tpu.memory_space<vmem>>, vector<1x16xf32>,
        %get3A_1298 = arith.index_cast %add3A_1257 : i32 to index
        %get3A_1299 = arith.constant 64 : index
        %get3A_1300 = tpu.vector_load %arg12[%get3A_1298, %get3A_1299] {strides = array<i32>} : memref<200x128xf32, #tpu.memory_space<vmem>>, vector<1x16xf32>,
        %get3A_1301 = vector.shape_cast %get3A_1300 : vector<1x16xf32> to vector<16xf32>
        %mul3A_1302 = arith.mulf %get3A_1301, %gather3A_1253 : vector<16xf32>
        %swap3A_1303 = arith.index_cast %add3A_1257 : i32 to index
        %swap3A_1304 = arith.constant 64 : index
        %swap3A_1305 = tpu.vector_load %arg12[%swap3A_1303, %swap3A_1304] {strides = array<i32>} : memref<200x128xf32, #tpu.memory_space<vmem>>, vector<1x16xf32>,
        %swap3A_1306 = vector.shape_cast %swap3A_1305 : vector<1x16xf32> to vector<16xf32>
        %swap3A_1307 = vector.shape_cast %mul3A_1302 : vector<16xf32> to vector<1x16xf32>
        tpu.vector_store %arg12[%swap3A_1303, %swap3A_1304], %swap3A_1307 {strides = array<i32>} : memref<200x128xf32, #tpu.memory_space<vmem>>, vector<1x16xf32>,
        %get3A_1308 = arith.index_cast %add3A_1257 : i32 to index
        %get3A_1309 = arith.constant 80 : index
        %get3A_1310 = tpu.vector_load %arg12[%get3A_1308, %get3A_1309] {strides = array<i32>} : memref<200x128xf32, #tpu.memory_space<vmem>>, vector<1x16xf32>,
        %get3A_1311 = vector.shape_cast %get3A_1310 : vector<1x16xf32> to vector<16xf32>
        %mul3A_1312 = arith.mulf %get3A_1311, %gather3A_1253 : vector<16xf32>
        %swap3A_1313 = arith.index_cast %add3A_1257 : i32 to index
        %swap3A_1314 = arith.constant 80 : index
        %swap3A_1315 = tpu.vector_load %arg12[%swap3A_1313, %swap3A_1314] {strides = array<i32>} : memref<200x128xf32, #tpu.memory_space<vmem>>, vector<1x16xf32>,
        %swap3A_1316 = vector.shape_cast %swap3A_1315 : vector<1x16xf32> to vector<16xf32>
        %swap3A_1317 = vector.shape_cast %mul3A_1312 : vector<16xf32> to vector<1x16xf32>
        tpu.vector_store %arg12[%swap3A_1313, %swap3A_1314], %swap3A_1317 {strides = array<i32>} : memref<200x128xf32, #tpu.memory_space<vmem>>, vector<1x16xf32>,
        %get3A_1318 = arith.index_cast %add3A_1257 : i32 to index
        %get3A_1319 = arith.constant 96 : index
        %get3A_1320 = tpu.vector_load %arg12[%get3A_1318, %get3A_1319] {strides = array<i32>} : memref<200x128xf32, #tpu.memory_space<vmem>>, vector<1x16xf32>,
        %get3A_1321 = vector.shape_cast %get3A_1320 : vector<1x16xf32> to vector<16xf32>
        %mul3A_1322 = arith.mulf %get3A_1321, %gather3A_1253 : vector<16xf32>
        %swap3A_1323 = arith.index_cast %add3A_1257 : i32 to index
        %swap3A_1324 = arith.constant 96 : index
        %swap3A_1325 = tpu.vector_load %arg12[%swap3A_1323, %swap3A_1324] {strides = array<i32>} : memref<200x128xf32, #tpu.memory_space<vmem>>, vector<1x16xf32>,
        %swap3A_1326 = vector.shape_cast %swap3A_1325 : vector<1x16xf32> to vector<16xf32>
        %swap3A_1327 = vector.shape_cast %mul3A_1322 : vector<16xf32> to vector<1x16xf32>
        tpu.vector_store %arg12[%swap3A_1323, %swap3A_1324], %swap3A_1327 {strides = array<i32>} : memref<200x128xf32, #tpu.memory_space<vmem>>, vector<1x16xf32>,
        %get3A_1328 = arith.index_cast %add3A_1257 : i32 to index
        %get3A_1329 = arith.constant 112 : index
        %get3A_1330 = tpu.vector_load %arg12[%get3A_1328, %get3A_1329] {strides = array<i32>} : memref<200x128xf32, #tpu.memory_space<vmem>>, vector<1x16xf32>,
        %get3A_1331 = vector.shape_cast %get3A_1330 : vector<1x16xf32> to vector<16xf32>
        %mul3A_1332 = arith.mulf %get3A_1331, %gather3A_1253 : vector<16xf32>
        %swap3A_1333 = arith.index_cast %add3A_1257 : i32 to index
        %swap3A_1334 = arith.constant 112 : index
        %swap3A_1335 = tpu.vector_load %arg12[%swap3A_1333, %swap3A_1334] {strides = array<i32>} : memref<200x128xf32, #tpu.memory_space<vmem>>, vector<1x16xf32>,
        %swap3A_1336 = vector.shape_cast %swap3A_1335 : vector<1x16xf32> to vector<16xf32>
        %swap3A_1337 = vector.shape_cast %mul3A_1332 : vector<16xf32> to vector<1x16xf32>
        tpu.vector_store %arg12[%swap3A_1333, %swap3A_1334], %swap3A_1337 {strides = array<i32>} : memref<200x128xf32, #tpu.memory_space<vmem>>, vector<1x16xf32>,
        %broadcast_in_dim3A_1338 = arith.constant 12 : i32
        %broadcast_in_dim3A_1339 = vector.broadcast %broadcast_in_dim3A_1338 : i32 to vector<16xi32>
        %lt3A_1340 = arith.constant 0 : i32
        %lt3A_1341 = vector.broadcast %lt3A_1340 : i32 to vector<16xi32>
        %lt3A_1342 = arith.cmpi slt, %broadcast_in_dim3A_1339, %lt3A_1341 : vector<16xi32>
        %add3A_1343 = arith.constant 16 : i32
        %add3A_1344 = vector.broadcast %add3A_1343 : i32 to vector<16xi32>
        %add3A_1345 = arith.addi %broadcast_in_dim3A_1339, %add3A_1344 : vector<16xi32>
        %select_n3A_1346 = arith.select %lt3A_1342, %add3A_1345, %broadcast_in_dim3A_1339 : vector<16xi1>, vector<16xi32>
        %broadcast_in_dim3A_1347 = vector.shape_cast %select_n3A_1346 : vector<16xi32> to vector<16x1xi32>
        %gather3A_1348 = vector.shape_cast %broadcast_in_dim3A_1347 : vector<16x1xi32> to vector<16xi32>
        %gather3A_1349 = tpu.dynamic_gather %get3A_188[%gather3A_1348] in [0] : vector<16xf32>, vector<16xi32> -> vector<16xf32>
        %add3A_1350 = arith.constant 0 : i32
        %add3A_1351 = arith.addi %multiple_of3A_168, %add3A_1350 : i32
        %add3A_1352 = arith.constant 12 : i32
        %add3A_1353 = arith.addi %add3A_1351, %add3A_1352 : i32
        %get3A_1354 = arith.index_cast %add3A_1353 : i32 to index
        %get3A_1355 = arith.constant 0 : index
        %get3A_1356 = tpu.vector_load %arg12[%get3A_1354, %get3A_1355] {strides = array<i32>} : memref<200x128xf32, #tpu.memory_space<vmem>>, vector<1x16xf32>,
        %get3A_1357 = vector.shape_cast %get3A_1356 : vector<1x16xf32> to vector<16xf32>
        %mul3A_1358 = arith.mulf %get3A_1357, %gather3A_1349 : vector<16xf32>
        %swap3A_1359 = arith.index_cast %add3A_1353 : i32 to index
        %swap3A_1360 = arith.constant 0 : index
        %swap3A_1361 = tpu.vector_load %arg12[%swap3A_1359, %swap3A_1360] {strides = array<i32>} : memref<200x128xf32, #tpu.memory_space<vmem>>, vector<1x16xf32>,
        %swap3A_1362 = vector.shape_cast %swap3A_1361 : vector<1x16xf32> to vector<16xf32>
        %swap3A_1363 = vector.shape_cast %mul3A_1358 : vector<16xf32> to vector<1x16xf32>
        tpu.vector_store %arg12[%swap3A_1359, %swap3A_1360], %swap3A_1363 {strides = array<i32>} : memref<200x128xf32, #tpu.memory_space<vmem>>, vector<1x16xf32>,
        %get3A_1364 = arith.index_cast %add3A_1353 : i32 to index
        %get3A_1365 = arith.constant 16 : index
        %get3A_1366 = tpu.vector_load %arg12[%get3A_1364, %get3A_1365] {strides = array<i32>} : memref<200x128xf32, #tpu.memory_space<vmem>>, vector<1x16xf32>,
        %get3A_1367 = vector.shape_cast %get3A_1366 : vector<1x16xf32> to vector<16xf32>
        %mul3A_1368 = arith.mulf %get3A_1367, %gather3A_1349 : vector<16xf32>
        %swap3A_1369 = arith.index_cast %add3A_1353 : i32 to index
        %swap3A_1370 = arith.constant 16 : index
        %swap3A_1371 = tpu.vector_load %arg12[%swap3A_1369, %swap3A_1370] {strides = array<i32>} : memref<200x128xf32, #tpu.memory_space<vmem>>, vector<1x16xf32>,
        %swap3A_1372 = vector.shape_cast %swap3A_1371 : vector<1x16xf32> to vector<16xf32>
        %swap3A_1373 = vector.shape_cast %mul3A_1368 : vector<16xf32> to vector<1x16xf32>
        tpu.vector_store %arg12[%swap3A_1369, %swap3A_1370], %swap3A_1373 {strides = array<i32>} : memref<200x128xf32, #tpu.memory_space<vmem>>, vector<1x16xf32>,
        %get3A_1374 = arith.index_cast %add3A_1353 : i32 to index
        %get3A_1375 = arith.constant 32 : index
        %get3A_1376 = tpu.vector_load %arg12[%get3A_1374, %get3A_1375] {strides = array<i32>} : memref<200x128xf32, #tpu.memory_space<vmem>>, vector<1x16xf32>,
        %get3A_1377 = vector.shape_cast %get3A_1376 : vector<1x16xf32> to vector<16xf32>
        %mul3A_1378 = arith.mulf %get3A_1377, %gather3A_1349 : vector<16xf32>
        %swap3A_1379 = arith.index_cast %add3A_1353 : i32 to index
        %swap3A_1380 = arith.constant 32 : index
        %swap3A_1381 = tpu.vector_load %arg12[%swap3A_1379, %swap3A_1380] {strides = array<i32>} : memref<200x128xf32, #tpu.memory_space<vmem>>, vector<1x16xf32>,
        %swap3A_1382 = vector.shape_cast %swap3A_1381 : vector<1x16xf32> to vector<16xf32>
        %swap3A_1383 = vector.shape_cast %mul3A_1378 : vector<16xf32> to vector<1x16xf32>
        tpu.vector_store %arg12[%swap3A_1379, %swap3A_1380], %swap3A_1383 {strides = array<i32>} : memref<200x128xf32, #tpu.memory_space<vmem>>, vector<1x16xf32>,
        %get3A_1384 = arith.index_cast %add3A_1353 : i32 to index
        %get3A_1385 = arith.constant 48 : index
        %get3A_1386 = tpu.vector_load %arg12[%get3A_1384, %get3A_1385] {strides = array<i32>} : memref<200x128xf32, #tpu.memory_space<vmem>>, vector<1x16xf32>,
        %get3A_1387 = vector.shape_cast %get3A_1386 : vector<1x16xf32> to vector<16xf32>
        %mul3A_1388 = arith.mulf %get3A_1387, %gather3A_1349 : vector<16xf32>
        %swap3A_1389 = arith.index_cast %add3A_1353 : i32 to index
        %swap3A_1390 = arith.constant 48 : index
        %swap3A_1391 = tpu.vector_load %arg12[%swap3A_1389, %swap3A_1390] {strides = array<i32>} : memref<200x128xf32, #tpu.memory_space<vmem>>, vector<1x16xf32>,
        %swap3A_1392 = vector.shape_cast %swap3A_1391 : vector<1x16xf32> to vector<16xf32>
        %swap3A_1393 = vector.shape_cast %mul3A_1388 : vector<16xf32> to vector<1x16xf32>
        tpu.vector_store %arg12[%swap3A_1389, %swap3A_1390], %swap3A_1393 {strides = array<i32>} : memref<200x128xf32, #tpu.memory_space<vmem>>, vector<1x16xf32>,
        %get3A_1394 = arith.index_cast %add3A_1353 : i32 to index
        %get3A_1395 = arith.constant 64 : index
        %get3A_1396 = tpu.vector_load %arg12[%get3A_1394, %get3A_1395] {strides = array<i32>} : memref<200x128xf32, #tpu.memory_space<vmem>>, vector<1x16xf32>,
        %get3A_1397 = vector.shape_cast %get3A_1396 : vector<1x16xf32> to vector<16xf32>
        %mul3A_1398 = arith.mulf %get3A_1397, %gather3A_1349 : vector<16xf32>
        %swap3A_1399 = arith.index_cast %add3A_1353 : i32 to index
        %swap3A_1400 = arith.constant 64 : index
        %swap3A_1401 = tpu.vector_load %arg12[%swap3A_1399, %swap3A_1400] {strides = array<i32>} : memref<200x128xf32, #tpu.memory_space<vmem>>, vector<1x16xf32>,
        %swap3A_1402 = vector.shape_cast %swap3A_1401 : vector<1x16xf32> to vector<16xf32>
        %swap3A_1403 = vector.shape_cast %mul3A_1398 : vector<16xf32> to vector<1x16xf32>
        tpu.vector_store %arg12[%swap3A_1399, %swap3A_1400], %swap3A_1403 {strides = array<i32>} : memref<200x128xf32, #tpu.memory_space<vmem>>, vector<1x16xf32>,
        %get3A_1404 = arith.index_cast %add3A_1353 : i32 to index
        %get3A_1405 = arith.constant 80 : index
        %get3A_1406 = tpu.vector_load %arg12[%get3A_1404, %get3A_1405] {strides = array<i32>} : memref<200x128xf32, #tpu.memory_space<vmem>>, vector<1x16xf32>,
        %get3A_1407 = vector.shape_cast %get3A_1406 : vector<1x16xf32> to vector<16xf32>
        %mul3A_1408 = arith.mulf %get3A_1407, %gather3A_1349 : vector<16xf32>
        %swap3A_1409 = arith.index_cast %add3A_1353 : i32 to index
        %swap3A_1410 = arith.constant 80 : index
        %swap3A_1411 = tpu.vector_load %arg12[%swap3A_1409, %swap3A_1410] {strides = array<i32>} : memref<200x128xf32, #tpu.memory_space<vmem>>, vector<1x16xf32>,
        %swap3A_1412 = vector.shape_cast %swap3A_1411 : vector<1x16xf32> to vector<16xf32>
        %swap3A_1413 = vector.shape_cast %mul3A_1408 : vector<16xf32> to vector<1x16xf32>
        tpu.vector_store %arg12[%swap3A_1409, %swap3A_1410], %swap3A_1413 {strides = array<i32>} : memref<200x128xf32, #tpu.memory_space<vmem>>, vector<1x16xf32>,
        %get3A_1414 = arith.index_cast %add3A_1353 : i32 to index
        %get3A_1415 = arith.constant 96 : index
        %get3A_1416 = tpu.vector_load %arg12[%get3A_1414, %get3A_1415] {strides = array<i32>} : memref<200x128xf32, #tpu.memory_space<vmem>>, vector<1x16xf32>,
        %get3A_1417 = vector.shape_cast %get3A_1416 : vector<1x16xf32> to vector<16xf32>
        %mul3A_1418 = arith.mulf %get3A_1417, %gather3A_1349 : vector<16xf32>
        %swap3A_1419 = arith.index_cast %add3A_1353 : i32 to index
        %swap3A_1420 = arith.constant 96 : index
        %swap3A_1421 = tpu.vector_load %arg12[%swap3A_1419, %swap3A_1420] {strides = array<i32>} : memref<200x128xf32, #tpu.memory_space<vmem>>, vector<1x16xf32>,
        %swap3A_1422 = vector.shape_cast %swap3A_1421 : vector<1x16xf32> to vector<16xf32>
        %swap3A_1423 = vector.shape_cast %mul3A_1418 : vector<16xf32> to vector<1x16xf32>
        tpu.vector_store %arg12[%swap3A_1419, %swap3A_1420], %swap3A_1423 {strides = array<i32>} : memref<200x128xf32, #tpu.memory_space<vmem>>, vector<1x16xf32>,
        %get3A_1424 = arith.index_cast %add3A_1353 : i32 to index
        %get3A_1425 = arith.constant 112 : index
        %get3A_1426 = tpu.vector_load %arg12[%get3A_1424, %get3A_1425] {strides = array<i32>} : memref<200x128xf32, #tpu.memory_space<vmem>>, vector<1x16xf32>,
        %get3A_1427 = vector.shape_cast %get3A_1426 : vector<1x16xf32> to vector<16xf32>
        %mul3A_1428 = arith.mulf %get3A_1427, %gather3A_1349 : vector<16xf32>
        %swap3A_1429 = arith.index_cast %add3A_1353 : i32 to index
        %swap3A_1430 = arith.constant 112 : index
        %swap3A_1431 = tpu.vector_load %arg12[%swap3A_1429, %swap3A_1430] {strides = array<i32>} : memref<200x128xf32, #tpu.memory_space<vmem>>, vector<1x16xf32>,
        %swap3A_1432 = vector.shape_cast %swap3A_1431 : vector<1x16xf32> to vector<16xf32>
        %swap3A_1433 = vector.shape_cast %mul3A_1428 : vector<16xf32> to vector<1x16xf32>
        tpu.vector_store %arg12[%swap3A_1429, %swap3A_1430], %swap3A_1433 {strides = array<i32>} : memref<200x128xf32, #tpu.memory_space<vmem>>, vector<1x16xf32>,
        %broadcast_in_dim3A_1434 = arith.constant 13 : i32
        %broadcast_in_dim3A_1435 = vector.broadcast %broadcast_in_dim3A_1434 : i32 to vector<16xi32>
        %lt3A_1436 = arith.constant 0 : i32
        %lt3A_1437 = vector.broadcast %lt3A_1436 : i32 to vector<16xi32>
        %lt3A_1438 = arith.cmpi slt, %broadcast_in_dim3A_1435, %lt3A_1437 : vector<16xi32>
        %add3A_1439 = arith.constant 16 : i32
        %add3A_1440 = vector.broadcast %add3A_1439 : i32 to vector<16xi32>
        %add3A_1441 = arith.addi %broadcast_in_dim3A_1435, %add3A_1440 : vector<16xi32>
        %select_n3A_1442 = arith.select %lt3A_1438, %add3A_1441, %broadcast_in_dim3A_1435 : vector<16xi1>, vector<16xi32>
        %broadcast_in_dim3A_1443 = vector.shape_cast %select_n3A_1442 : vector<16xi32> to vector<16x1xi32>
        %gather3A_1444 = vector.shape_cast %broadcast_in_dim3A_1443 : vector<16x1xi32> to vector<16xi32>
        %gather3A_1445 = tpu.dynamic_gather %get3A_188[%gather3A_1444] in [0] : vector<16xf32>, vector<16xi32> -> vector<16xf32>
        %add3A_1446 = arith.constant 0 : i32
        %add3A_1447 = arith.addi %multiple_of3A_168, %add3A_1446 : i32
        %add3A_1448 = arith.constant 13 : i32
        %add3A_1449 = arith.addi %add3A_1447, %add3A_1448 : i32
        %get3A_1450 = arith.index_cast %add3A_1449 : i32 to index
        %get3A_1451 = arith.constant 0 : index
        %get3A_1452 = tpu.vector_load %arg12[%get3A_1450, %get3A_1451] {strides = array<i32>} : memref<200x128xf32, #tpu.memory_space<vmem>>, vector<1x16xf32>,
        %get3A_1453 = vector.shape_cast %get3A_1452 : vector<1x16xf32> to vector<16xf32>
        %mul3A_1454 = arith.mulf %get3A_1453, %gather3A_1445 : vector<16xf32>
        %swap3A_1455 = arith.index_cast %add3A_1449 : i32 to index
        %swap3A_1456 = arith.constant 0 : index
        %swap3A_1457 = tpu.vector_load %arg12[%swap3A_1455, %swap3A_1456] {strides = array<i32>} : memref<200x128xf32, #tpu.memory_space<vmem>>, vector<1x16xf32>,
        %swap3A_1458 = vector.shape_cast %swap3A_1457 : vector<1x16xf32> to vector<16xf32>
        %swap3A_1459 = vector.shape_cast %mul3A_1454 : vector<16xf32> to vector<1x16xf32>
        tpu.vector_store %arg12[%swap3A_1455, %swap3A_1456], %swap3A_1459 {strides = array<i32>} : memref<200x128xf32, #tpu.memory_space<vmem>>, vector<1x16xf32>,
        %get3A_1460 = arith.index_cast %add3A_1449 : i32 to index
        %get3A_1461 = arith.constant 16 : index
        %get3A_1462 = tpu.vector_load %arg12[%get3A_1460, %get3A_1461] {strides = array<i32>} : memref<200x128xf32, #tpu.memory_space<vmem>>, vector<1x16xf32>,
        %get3A_1463 = vector.shape_cast %get3A_1462 : vector<1x16xf32> to vector<16xf32>
        %mul3A_1464 = arith.mulf %get3A_1463, %gather3A_1445 : vector<16xf32>
        %swap3A_1465 = arith.index_cast %add3A_1449 : i32 to index
        %swap3A_1466 = arith.constant 16 : index
        %swap3A_1467 = tpu.vector_load %arg12[%swap3A_1465, %swap3A_1466] {strides = array<i32>} : memref<200x128xf32, #tpu.memory_space<vmem>>, vector<1x16xf32>,
        %swap3A_1468 = vector.shape_cast %swap3A_1467 : vector<1x16xf32> to vector<16xf32>
        %swap3A_1469 = vector.shape_cast %mul3A_1464 : vector<16xf32> to vector<1x16xf32>
        tpu.vector_store %arg12[%swap3A_1465, %swap3A_1466], %swap3A_1469 {strides = array<i32>} : memref<200x128xf32, #tpu.memory_space<vmem>>, vector<1x16xf32>,
        %get3A_1470 = arith.index_cast %add3A_1449 : i32 to index
        %get3A_1471 = arith.constant 32 : index
        %get3A_1472 = tpu.vector_load %arg12[%get3A_1470, %get3A_1471] {strides = array<i32>} : memref<200x128xf32, #tpu.memory_space<vmem>>, vector<1x16xf32>,
        %get3A_1473 = vector.shape_cast %get3A_1472 : vector<1x16xf32> to vector<16xf32>
        %mul3A_1474 = arith.mulf %get3A_1473, %gather3A_1445 : vector<16xf32>
        %swap3A_1475 = arith.index_cast %add3A_1449 : i32 to index
        %swap3A_1476 = arith.constant 32 : index
        %swap3A_1477 = tpu.vector_load %arg12[%swap3A_1475, %swap3A_1476] {strides = array<i32>} : memref<200x128xf32, #tpu.memory_space<vmem>>, vector<1x16xf32>,
        %swap3A_1478 = vector.shape_cast %swap3A_1477 : vector<1x16xf32> to vector<16xf32>
        %swap3A_1479 = vector.shape_cast %mul3A_1474 : vector<16xf32> to vector<1x16xf32>
        tpu.vector_store %arg12[%swap3A_1475, %swap3A_1476], %swap3A_1479 {strides = array<i32>} : memref<200x128xf32, #tpu.memory_space<vmem>>, vector<1x16xf32>,
        %get3A_1480 = arith.index_cast %add3A_1449 : i32 to index
        %get3A_1481 = arith.constant 48 : index
        %get3A_1482 = tpu.vector_load %arg12[%get3A_1480, %get3A_1481] {strides = array<i32>} : memref<200x128xf32, #tpu.memory_space<vmem>>, vector<1x16xf32>,
        %get3A_1483 = vector.shape_cast %get3A_1482 : vector<1x16xf32> to vector<16xf32>
        %mul3A_1484 = arith.mulf %get3A_1483, %gather3A_1445 : vector<16xf32>
        %swap3A_1485 = arith.index_cast %add3A_1449 : i32 to index
        %swap3A_1486 = arith.constant 48 : index
        %swap3A_1487 = tpu.vector_load %arg12[%swap3A_1485, %swap3A_1486] {strides = array<i32>} : memref<200x128xf32, #tpu.memory_space<vmem>>, vector<1x16xf32>,
        %swap3A_1488 = vector.shape_cast %swap3A_1487 : vector<1x16xf32> to vector<16xf32>
        %swap3A_1489 = vector.shape_cast %mul3A_1484 : vector<16xf32> to vector<1x16xf32>
        tpu.vector_store %arg12[%swap3A_1485, %swap3A_1486], %swap3A_1489 {strides = array<i32>} : memref<200x128xf32, #tpu.memory_space<vmem>>, vector<1x16xf32>,
        %get3A_1490 = arith.index_cast %add3A_1449 : i32 to index
        %get3A_1491 = arith.constant 64 : index
        %get3A_1492 = tpu.vector_load %arg12[%get3A_1490, %get3A_1491] {strides = array<i32>} : memref<200x128xf32, #tpu.memory_space<vmem>>, vector<1x16xf32>,
        %get3A_1493 = vector.shape_cast %get3A_1492 : vector<1x16xf32> to vector<16xf32>
        %mul3A_1494 = arith.mulf %get3A_1493, %gather3A_1445 : vector<16xf32>
        %swap3A_1495 = arith.index_cast %add3A_1449 : i32 to index
        %swap3A_1496 = arith.constant 64 : index
        %swap3A_1497 = tpu.vector_load %arg12[%swap3A_1495, %swap3A_1496] {strides = array<i32>} : memref<200x128xf32, #tpu.memory_space<vmem>>, vector<1x16xf32>,
        %swap3A_1498 = vector.shape_cast %swap3A_1497 : vector<1x16xf32> to vector<16xf32>
        %swap3A_1499 = vector.shape_cast %mul3A_1494 : vector<16xf32> to vector<1x16xf32>
        tpu.vector_store %arg12[%swap3A_1495, %swap3A_1496], %swap3A_1499 {strides = array<i32>} : memref<200x128xf32, #tpu.memory_space<vmem>>, vector<1x16xf32>,
        %get3A_1500 = arith.index_cast %add3A_1449 : i32 to index
        %get3A_1501 = arith.constant 80 : index
        %get3A_1502 = tpu.vector_load %arg12[%get3A_1500, %get3A_1501] {strides = array<i32>} : memref<200x128xf32, #tpu.memory_space<vmem>>, vector<1x16xf32>,
        %get3A_1503 = vector.shape_cast %get3A_1502 : vector<1x16xf32> to vector<16xf32>
        %mul3A_1504 = arith.mulf %get3A_1503, %gather3A_1445 : vector<16xf32>
        %swap3A_1505 = arith.index_cast %add3A_1449 : i32 to index
        %swap3A_1506 = arith.constant 80 : index
        %swap3A_1507 = tpu.vector_load %arg12[%swap3A_1505, %swap3A_1506] {strides = array<i32>} : memref<200x128xf32, #tpu.memory_space<vmem>>, vector<1x16xf32>,
        %swap3A_1508 = vector.shape_cast %swap3A_1507 : vector<1x16xf32> to vector<16xf32>
        %swap3A_1509 = vector.shape_cast %mul3A_1504 : vector<16xf32> to vector<1x16xf32>
        tpu.vector_store %arg12[%swap3A_1505, %swap3A_1506], %swap3A_1509 {strides = array<i32>} : memref<200x128xf32, #tpu.memory_space<vmem>>, vector<1x16xf32>,
        %get3A_1510 = arith.index_cast %add3A_1449 : i32 to index
        %get3A_1511 = arith.constant 96 : index
        %get3A_1512 = tpu.vector_load %arg12[%get3A_1510, %get3A_1511] {strides = array<i32>} : memref<200x128xf32, #tpu.memory_space<vmem>>, vector<1x16xf32>,
        %get3A_1513 = vector.shape_cast %get3A_1512 : vector<1x16xf32> to vector<16xf32>
        %mul3A_1514 = arith.mulf %get3A_1513, %gather3A_1445 : vector<16xf32>
        %swap3A_1515 = arith.index_cast %add3A_1449 : i32 to index
        %swap3A_1516 = arith.constant 96 : index
        %swap3A_1517 = tpu.vector_load %arg12[%swap3A_1515, %swap3A_1516] {strides = array<i32>} : memref<200x128xf32, #tpu.memory_space<vmem>>, vector<1x16xf32>,
        %swap3A_1518 = vector.shape_cast %swap3A_1517 : vector<1x16xf32> to vector<16xf32>
        %swap3A_1519 = vector.shape_cast %mul3A_1514 : vector<16xf32> to vector<1x16xf32>
        tpu.vector_store %arg12[%swap3A_1515, %swap3A_1516], %swap3A_1519 {strides = array<i32>} : memref<200x128xf32, #tpu.memory_space<vmem>>, vector<1x16xf32>,
        %get3A_1520 = arith.index_cast %add3A_1449 : i32 to index
        %get3A_1521 = arith.constant 112 : index
        %get3A_1522 = tpu.vector_load %arg12[%get3A_1520, %get3A_1521] {strides = array<i32>} : memref<200x128xf32, #tpu.memory_space<vmem>>, vector<1x16xf32>,
        %get3A_1523 = vector.shape_cast %get3A_1522 : vector<1x16xf32> to vector<16xf32>
        %mul3A_1524 = arith.mulf %get3A_1523, %gather3A_1445 : vector<16xf32>
        %swap3A_1525 = arith.index_cast %add3A_1449 : i32 to index
        %swap3A_1526 = arith.constant 112 : index
        %swap3A_1527 = tpu.vector_load %arg12[%swap3A_1525, %swap3A_1526] {strides = array<i32>} : memref<200x128xf32, #tpu.memory_space<vmem>>, vector<1x16xf32>,
        %swap3A_1528 = vector.shape_cast %swap3A_1527 : vector<1x16xf32> to vector<16xf32>
        %swap3A_1529 = vector.shape_cast %mul3A_1524 : vector<16xf32> to vector<1x16xf32>
        tpu.vector_store %arg12[%swap3A_1525, %swap3A_1526], %swap3A_1529 {strides = array<i32>} : memref<200x128xf32, #tpu.memory_space<vmem>>, vector<1x16xf32>,
        %broadcast_in_dim3A_1530 = arith.constant 14 : i32
        %broadcast_in_dim3A_1531 = vector.broadcast %broadcast_in_dim3A_1530 : i32 to vector<16xi32>
        %lt3A_1532 = arith.constant 0 : i32
        %lt3A_1533 = vector.broadcast %lt3A_1532 : i32 to vector<16xi32>
        %lt3A_1534 = arith.cmpi slt, %broadcast_in_dim3A_1531, %lt3A_1533 : vector<16xi32>
        %add3A_1535 = arith.constant 16 : i32
        %add3A_1536 = vector.broadcast %add3A_1535 : i32 to vector<16xi32>
        %add3A_1537 = arith.addi %broadcast_in_dim3A_1531, %add3A_1536 : vector<16xi32>
        %select_n3A_1538 = arith.select %lt3A_1534, %add3A_1537, %broadcast_in_dim3A_1531 : vector<16xi1>, vector<16xi32>
        %broadcast_in_dim3A_1539 = vector.shape_cast %select_n3A_1538 : vector<16xi32> to vector<16x1xi32>
        %gather3A_1540 = vector.shape_cast %broadcast_in_dim3A_1539 : vector<16x1xi32> to vector<16xi32>
        %gather3A_1541 = tpu.dynamic_gather %get3A_188[%gather3A_1540] in [0] : vector<16xf32>, vector<16xi32> -> vector<16xf32>
        %add3A_1542 = arith.constant 0 : i32
        %add3A_1543 = arith.addi %multiple_of3A_168, %add3A_1542 : i32
        %add3A_1544 = arith.constant 14 : i32
        %add3A_1545 = arith.addi %add3A_1543, %add3A_1544 : i32
        %get3A_1546 = arith.index_cast %add3A_1545 : i32 to index
        %get3A_1547 = arith.constant 0 : index
        %get3A_1548 = tpu.vector_load %arg12[%get3A_1546, %get3A_1547] {strides = array<i32>} : memref<200x128xf32, #tpu.memory_space<vmem>>, vector<1x16xf32>,
        %get3A_1549 = vector.shape_cast %get3A_1548 : vector<1x16xf32> to vector<16xf32>
        %mul3A_1550 = arith.mulf %get3A_1549, %gather3A_1541 : vector<16xf32>
        %swap3A_1551 = arith.index_cast %add3A_1545 : i32 to index
        %swap3A_1552 = arith.constant 0 : index
        %swap3A_1553 = tpu.vector_load %arg12[%swap3A_1551, %swap3A_1552] {strides = array<i32>} : memref<200x128xf32, #tpu.memory_space<vmem>>, vector<1x16xf32>,
        %swap3A_1554 = vector.shape_cast %swap3A_1553 : vector<1x16xf32> to vector<16xf32>
        %swap3A_1555 = vector.shape_cast %mul3A_1550 : vector<16xf32> to vector<1x16xf32>
        tpu.vector_store %arg12[%swap3A_1551, %swap3A_1552], %swap3A_1555 {strides = array<i32>} : memref<200x128xf32, #tpu.memory_space<vmem>>, vector<1x16xf32>,
        %get3A_1556 = arith.index_cast %add3A_1545 : i32 to index
        %get3A_1557 = arith.constant 16 : index
        %get3A_1558 = tpu.vector_load %arg12[%get3A_1556, %get3A_1557] {strides = array<i32>} : memref<200x128xf32, #tpu.memory_space<vmem>>, vector<1x16xf32>,
        %get3A_1559 = vector.shape_cast %get3A_1558 : vector<1x16xf32> to vector<16xf32>
        %mul3A_1560 = arith.mulf %get3A_1559, %gather3A_1541 : vector<16xf32>
        %swap3A_1561 = arith.index_cast %add3A_1545 : i32 to index
        %swap3A_1562 = arith.constant 16 : index
        %swap3A_1563 = tpu.vector_load %arg12[%swap3A_1561, %swap3A_1562] {strides = array<i32>} : memref<200x128xf32, #tpu.memory_space<vmem>>, vector<1x16xf32>,
        %swap3A_1564 = vector.shape_cast %swap3A_1563 : vector<1x16xf32> to vector<16xf32>
        %swap3A_1565 = vector.shape_cast %mul3A_1560 : vector<16xf32> to vector<1x16xf32>
        tpu.vector_store %arg12[%swap3A_1561, %swap3A_1562], %swap3A_1565 {strides = array<i32>} : memref<200x128xf32, #tpu.memory_space<vmem>>, vector<1x16xf32>,
        %get3A_1566 = arith.index_cast %add3A_1545 : i32 to index
        %get3A_1567 = arith.constant 32 : index
        %get3A_1568 = tpu.vector_load %arg12[%get3A_1566, %get3A_1567] {strides = array<i32>} : memref<200x128xf32, #tpu.memory_space<vmem>>, vector<1x16xf32>,
        %get3A_1569 = vector.shape_cast %get3A_1568 : vector<1x16xf32> to vector<16xf32>
        %mul3A_1570 = arith.mulf %get3A_1569, %gather3A_1541 : vector<16xf32>
        %swap3A_1571 = arith.index_cast %add3A_1545 : i32 to index
        %swap3A_1572 = arith.constant 32 : index
        %swap3A_1573 = tpu.vector_load %arg12[%swap3A_1571, %swap3A_1572] {strides = array<i32>} : memref<200x128xf32, #tpu.memory_space<vmem>>, vector<1x16xf32>,
        %swap3A_1574 = vector.shape_cast %swap3A_1573 : vector<1x16xf32> to vector<16xf32>
        %swap3A_1575 = vector.shape_cast %mul3A_1570 : vector<16xf32> to vector<1x16xf32>
        tpu.vector_store %arg12[%swap3A_1571, %swap3A_1572], %swap3A_1575 {strides = array<i32>} : memref<200x128xf32, #tpu.memory_space<vmem>>, vector<1x16xf32>,
        %get3A_1576 = arith.index_cast %add3A_1545 : i32 to index
        %get3A_1577 = arith.constant 48 : index
        %get3A_1578 = tpu.vector_load %arg12[%get3A_1576, %get3A_1577] {strides = array<i32>} : memref<200x128xf32, #tpu.memory_space<vmem>>, vector<1x16xf32>,
        %get3A_1579 = vector.shape_cast %get3A_1578 : vector<1x16xf32> to vector<16xf32>
        %mul3A_1580 = arith.mulf %get3A_1579, %gather3A_1541 : vector<16xf32>
        %swap3A_1581 = arith.index_cast %add3A_1545 : i32 to index
        %swap3A_1582 = arith.constant 48 : index
        %swap3A_1583 = tpu.vector_load %arg12[%swap3A_1581, %swap3A_1582] {strides = array<i32>} : memref<200x128xf32, #tpu.memory_space<vmem>>, vector<1x16xf32>,
        %swap3A_1584 = vector.shape_cast %swap3A_1583 : vector<1x16xf32> to vector<16xf32>
        %swap3A_1585 = vector.shape_cast %mul3A_1580 : vector<16xf32> to vector<1x16xf32>
        tpu.vector_store %arg12[%swap3A_1581, %swap3A_1582], %swap3A_1585 {strides = array<i32>} : memref<200x128xf32, #tpu.memory_space<vmem>>, vector<1x16xf32>,
        %get3A_1586 = arith.index_cast %add3A_1545 : i32 to index
        %get3A_1587 = arith.constant 64 : index
        %get3A_1588 = tpu.vector_load %arg12[%get3A_1586, %get3A_1587] {strides = array<i32>} : memref<200x128xf32, #tpu.memory_space<vmem>>, vector<1x16xf32>,
        %get3A_1589 = vector.shape_cast %get3A_1588 : vector<1x16xf32> to vector<16xf32>
        %mul3A_1590 = arith.mulf %get3A_1589, %gather3A_1541 : vector<16xf32>
        %swap3A_1591 = arith.index_cast %add3A_1545 : i32 to index
        %swap3A_1592 = arith.constant 64 : index
        %swap3A_1593 = tpu.vector_load %arg12[%swap3A_1591, %swap3A_1592] {strides = array<i32>} : memref<200x128xf32, #tpu.memory_space<vmem>>, vector<1x16xf32>,
        %swap3A_1594 = vector.shape_cast %swap3A_1593 : vector<1x16xf32> to vector<16xf32>
        %swap3A_1595 = vector.shape_cast %mul3A_1590 : vector<16xf32> to vector<1x16xf32>
        tpu.vector_store %arg12[%swap3A_1591, %swap3A_1592], %swap3A_1595 {strides = array<i32>} : memref<200x128xf32, #tpu.memory_space<vmem>>, vector<1x16xf32>,
        %get3A_1596 = arith.index_cast %add3A_1545 : i32 to index
        %get3A_1597 = arith.constant 80 : index
        %get3A_1598 = tpu.vector_load %arg12[%get3A_1596, %get3A_1597] {strides = array<i32>} : memref<200x128xf32, #tpu.memory_space<vmem>>, vector<1x16xf32>,
        %get3A_1599 = vector.shape_cast %get3A_1598 : vector<1x16xf32> to vector<16xf32>
        %mul3A_1600 = arith.mulf %get3A_1599, %gather3A_1541 : vector<16xf32>
        %swap3A_1601 = arith.index_cast %add3A_1545 : i32 to index
        %swap3A_1602 = arith.constant 80 : index
        %swap3A_1603 = tpu.vector_load %arg12[%swap3A_1601, %swap3A_1602] {strides = array<i32>} : memref<200x128xf32, #tpu.memory_space<vmem>>, vector<1x16xf32>,
        %swap3A_1604 = vector.shape_cast %swap3A_1603 : vector<1x16xf32> to vector<16xf32>
        %swap3A_1605 = vector.shape_cast %mul3A_1600 : vector<16xf32> to vector<1x16xf32>
        tpu.vector_store %arg12[%swap3A_1601, %swap3A_1602], %swap3A_1605 {strides = array<i32>} : memref<200x128xf32, #tpu.memory_space<vmem>>, vector<1x16xf32>,
        %get3A_1606 = arith.index_cast %add3A_1545 : i32 to index
        %get3A_1607 = arith.constant 96 : index
        %get3A_1608 = tpu.vector_load %arg12[%get3A_1606, %get3A_1607] {strides = array<i32>} : memref<200x128xf32, #tpu.memory_space<vmem>>, vector<1x16xf32>,
        %get3A_1609 = vector.shape_cast %get3A_1608 : vector<1x16xf32> to vector<16xf32>
        %mul3A_1610 = arith.mulf %get3A_1609, %gather3A_1541 : vector<16xf32>
        %swap3A_1611 = arith.index_cast %add3A_1545 : i32 to index
        %swap3A_1612 = arith.constant 96 : index
        %swap3A_1613 = tpu.vector_load %arg12[%swap3A_1611, %swap3A_1612] {strides = array<i32>} : memref<200x128xf32, #tpu.memory_space<vmem>>, vector<1x16xf32>,
        %swap3A_1614 = vector.shape_cast %swap3A_1613 : vector<1x16xf32> to vector<16xf32>
        %swap3A_1615 = vector.shape_cast %mul3A_1610 : vector<16xf32> to vector<1x16xf32>
        tpu.vector_store %arg12[%swap3A_1611, %swap3A_1612], %swap3A_1615 {strides = array<i32>} : memref<200x128xf32, #tpu.memory_space<vmem>>, vector<1x16xf32>,
        %get3A_1616 = arith.index_cast %add3A_1545 : i32 to index
        %get3A_1617 = arith.constant 112 : index
        %get3A_1618 = tpu.vector_load %arg12[%get3A_1616, %get3A_1617] {strides = array<i32>} : memref<200x128xf32, #tpu.memory_space<vmem>>, vector<1x16xf32>,
        %get3A_1619 = vector.shape_cast %get3A_1618 : vector<1x16xf32> to vector<16xf32>
        %mul3A_1620 = arith.mulf %get3A_1619, %gather3A_1541 : vector<16xf32>
        %swap3A_1621 = arith.index_cast %add3A_1545 : i32 to index
        %swap3A_1622 = arith.constant 112 : index
        %swap3A_1623 = tpu.vector_load %arg12[%swap3A_1621, %swap3A_1622] {strides = array<i32>} : memref<200x128xf32, #tpu.memory_space<vmem>>, vector<1x16xf32>,
        %swap3A_1624 = vector.shape_cast %swap3A_1623 : vector<1x16xf32> to vector<16xf32>
        %swap3A_1625 = vector.shape_cast %mul3A_1620 : vector<16xf32> to vector<1x16xf32>
        tpu.vector_store %arg12[%swap3A_1621, %swap3A_1622], %swap3A_1625 {strides = array<i32>} : memref<200x128xf32, #tpu.memory_space<vmem>>, vector<1x16xf32>,
        %broadcast_in_dim3A_1626 = arith.constant 15 : i32
        %broadcast_in_dim3A_1627 = vector.broadcast %broadcast_in_dim3A_1626 : i32 to vector<16xi32>
        %lt3A_1628 = arith.constant 0 : i32
        %lt3A_1629 = vector.broadcast %lt3A_1628 : i32 to vector<16xi32>
        %lt3A_1630 = arith.cmpi slt, %broadcast_in_dim3A_1627, %lt3A_1629 : vector<16xi32>
        %add3A_1631 = arith.constant 16 : i32
        %add3A_1632 = vector.broadcast %add3A_1631 : i32 to vector<16xi32>
        %add3A_1633 = arith.addi %broadcast_in_dim3A_1627, %add3A_1632 : vector<16xi32>
        %select_n3A_1634 = arith.select %lt3A_1630, %add3A_1633, %broadcast_in_dim3A_1627 : vector<16xi1>, vector<16xi32>
        %broadcast_in_dim3A_1635 = vector.shape_cast %select_n3A_1634 : vector<16xi32> to vector<16x1xi32>
        %gather3A_1636 = vector.shape_cast %broadcast_in_dim3A_1635 : vector<16x1xi32> to vector<16xi32>
        %gather3A_1637 = tpu.dynamic_gather %get3A_188[%gather3A_1636] in [0] : vector<16xf32>, vector<16xi32> -> vector<16xf32>
        %add3A_1638 = arith.constant 0 : i32
        %add3A_1639 = arith.addi %multiple_of3A_168, %add3A_1638 : i32
        %add3A_1640 = arith.constant 15 : i32
        %add3A_1641 = arith.addi %add3A_1639, %add3A_1640 : i32
        %get3A_1642 = arith.index_cast %add3A_1641 : i32 to index
        %get3A_1643 = arith.constant 0 : index
        %get3A_1644 = tpu.vector_load %arg12[%get3A_1642, %get3A_1643] {strides = array<i32>} : memref<200x128xf32, #tpu.memory_space<vmem>>, vector<1x16xf32>,
        %get3A_1645 = vector.shape_cast %get3A_1644 : vector<1x16xf32> to vector<16xf32>
        %mul3A_1646 = arith.mulf %get3A_1645, %gather3A_1637 : vector<16xf32>
        %swap3A_1647 = arith.index_cast %add3A_1641 : i32 to index
        %swap3A_1648 = arith.constant 0 : index
        %swap3A_1649 = tpu.vector_load %arg12[%swap3A_1647, %swap3A_1648] {strides = array<i32>} : memref<200x128xf32, #tpu.memory_space<vmem>>, vector<1x16xf32>,
        %swap3A_1650 = vector.shape_cast %swap3A_1649 : vector<1x16xf32> to vector<16xf32>
        %swap3A_1651 = vector.shape_cast %mul3A_1646 : vector<16xf32> to vector<1x16xf32>
        tpu.vector_store %arg12[%swap3A_1647, %swap3A_1648], %swap3A_1651 {strides = array<i32>} : memref<200x128xf32, #tpu.memory_space<vmem>>, vector<1x16xf32>,
        %get3A_1652 = arith.index_cast %add3A_1641 : i32 to index
        %get3A_1653 = arith.constant 16 : index
        %get3A_1654 = tpu.vector_load %arg12[%get3A_1652, %get3A_1653] {strides = array<i32>} : memref<200x128xf32, #tpu.memory_space<vmem>>, vector<1x16xf32>,
        %get3A_1655 = vector.shape_cast %get3A_1654 : vector<1x16xf32> to vector<16xf32>
        %mul3A_1656 = arith.mulf %get3A_1655, %gather3A_1637 : vector<16xf32>
        %swap3A_1657 = arith.index_cast %add3A_1641 : i32 to index
        %swap3A_1658 = arith.constant 16 : index
        %swap3A_1659 = tpu.vector_load %arg12[%swap3A_1657, %swap3A_1658] {strides = array<i32>} : memref<200x128xf32, #tpu.memory_space<vmem>>, vector<1x16xf32>,
        %swap3A_1660 = vector.shape_cast %swap3A_1659 : vector<1x16xf32> to vector<16xf32>
        %swap3A_1661 = vector.shape_cast %mul3A_1656 : vector<16xf32> to vector<1x16xf32>
        tpu.vector_store %arg12[%swap3A_1657, %swap3A_1658], %swap3A_1661 {strides = array<i32>} : memref<200x128xf32, #tpu.memory_space<vmem>>, vector<1x16xf32>,
        %get3A_1662 = arith.index_cast %add3A_1641 : i32 to index
        %get3A_1663 = arith.constant 32 : index
        %get3A_1664 = tpu.vector_load %arg12[%get3A_1662, %get3A_1663] {strides = array<i32>} : memref<200x128xf32, #tpu.memory_space<vmem>>, vector<1x16xf32>,
        %get3A_1665 = vector.shape_cast %get3A_1664 : vector<1x16xf32> to vector<16xf32>
        %mul3A_1666 = arith.mulf %get3A_1665, %gather3A_1637 : vector<16xf32>
        %swap3A_1667 = arith.index_cast %add3A_1641 : i32 to index
        %swap3A_1668 = arith.constant 32 : index
        %swap3A_1669 = tpu.vector_load %arg12[%swap3A_1667, %swap3A_1668] {strides = array<i32>} : memref<200x128xf32, #tpu.memory_space<vmem>>, vector<1x16xf32>,
        %swap3A_1670 = vector.shape_cast %swap3A_1669 : vector<1x16xf32> to vector<16xf32>
        %swap3A_1671 = vector.shape_cast %mul3A_1666 : vector<16xf32> to vector<1x16xf32>
        tpu.vector_store %arg12[%swap3A_1667, %swap3A_1668], %swap3A_1671 {strides = array<i32>} : memref<200x128xf32, #tpu.memory_space<vmem>>, vector<1x16xf32>,
        %get3A_1672 = arith.index_cast %add3A_1641 : i32 to index
        %get3A_1673 = arith.constant 48 : index
        %get3A_1674 = tpu.vector_load %arg12[%get3A_1672, %get3A_1673] {strides = array<i32>} : memref<200x128xf32, #tpu.memory_space<vmem>>, vector<1x16xf32>,
        %get3A_1675 = vector.shape_cast %get3A_1674 : vector<1x16xf32> to vector<16xf32>
        %mul3A_1676 = arith.mulf %get3A_1675, %gather3A_1637 : vector<16xf32>
        %swap3A_1677 = arith.index_cast %add3A_1641 : i32 to index
        %swap3A_1678 = arith.constant 48 : index
        %swap3A_1679 = tpu.vector_load %arg12[%swap3A_1677, %swap3A_1678] {strides = array<i32>} : memref<200x128xf32, #tpu.memory_space<vmem>>, vector<1x16xf32>,
        %swap3A_1680 = vector.shape_cast %swap3A_1679 : vector<1x16xf32> to vector<16xf32>
        %swap3A_1681 = vector.shape_cast %mul3A_1676 : vector<16xf32> to vector<1x16xf32>
        tpu.vector_store %arg12[%swap3A_1677, %swap3A_1678], %swap3A_1681 {strides = array<i32>} : memref<200x128xf32, #tpu.memory_space<vmem>>, vector<1x16xf32>,
        %get3A_1682 = arith.index_cast %add3A_1641 : i32 to index
        %get3A_1683 = arith.constant 64 : index
        %get3A_1684 = tpu.vector_load %arg12[%get3A_1682, %get3A_1683] {strides = array<i32>} : memref<200x128xf32, #tpu.memory_space<vmem>>, vector<1x16xf32>,
        %get3A_1685 = vector.shape_cast %get3A_1684 : vector<1x16xf32> to vector<16xf32>
        %mul3A_1686 = arith.mulf %get3A_1685, %gather3A_1637 : vector<16xf32>
        %swap3A_1687 = arith.index_cast %add3A_1641 : i32 to index
        %swap3A_1688 = arith.constant 64 : index
        %swap3A_1689 = tpu.vector_load %arg12[%swap3A_1687, %swap3A_1688] {strides = array<i32>} : memref<200x128xf32, #tpu.memory_space<vmem>>, vector<1x16xf32>,
        %swap3A_1690 = vector.shape_cast %swap3A_1689 : vector<1x16xf32> to vector<16xf32>
        %swap3A_1691 = vector.shape_cast %mul3A_1686 : vector<16xf32> to vector<1x16xf32>
        tpu.vector_store %arg12[%swap3A_1687, %swap3A_1688], %swap3A_1691 {strides = array<i32>} : memref<200x128xf32, #tpu.memory_space<vmem>>, vector<1x16xf32>,
        %get3A_1692 = arith.index_cast %add3A_1641 : i32 to index
        %get3A_1693 = arith.constant 80 : index
        %get3A_1694 = tpu.vector_load %arg12[%get3A_1692, %get3A_1693] {strides = array<i32>} : memref<200x128xf32, #tpu.memory_space<vmem>>, vector<1x16xf32>,
        %get3A_1695 = vector.shape_cast %get3A_1694 : vector<1x16xf32> to vector<16xf32>
        %mul3A_1696 = arith.mulf %get3A_1695, %gather3A_1637 : vector<16xf32>
        %swap3A_1697 = arith.index_cast %add3A_1641 : i32 to index
        %swap3A_1698 = arith.constant 80 : index
        %swap3A_1699 = tpu.vector_load %arg12[%swap3A_1697, %swap3A_1698] {strides = array<i32>} : memref<200x128xf32, #tpu.memory_space<vmem>>, vector<1x16xf32>,
        %swap3A_1700 = vector.shape_cast %swap3A_1699 : vector<1x16xf32> to vector<16xf32>
        %swap3A_1701 = vector.shape_cast %mul3A_1696 : vector<16xf32> to vector<1x16xf32>
        tpu.vector_store %arg12[%swap3A_1697, %swap3A_1698], %swap3A_1701 {strides = array<i32>} : memref<200x128xf32, #tpu.memory_space<vmem>>, vector<1x16xf32>,
        %get3A_1702 = arith.index_cast %add3A_1641 : i32 to index
        %get3A_1703 = arith.constant 96 : index
        %get3A_1704 = tpu.vector_load %arg12[%get3A_1702, %get3A_1703] {strides = array<i32>} : memref<200x128xf32, #tpu.memory_space<vmem>>, vector<1x16xf32>,
        %get3A_1705 = vector.shape_cast %get3A_1704 : vector<1x16xf32> to vector<16xf32>
        %mul3A_1706 = arith.mulf %get3A_1705, %gather3A_1637 : vector<16xf32>
        %swap3A_1707 = arith.index_cast %add3A_1641 : i32 to index
        %swap3A_1708 = arith.constant 96 : index
        %swap3A_1709 = tpu.vector_load %arg12[%swap3A_1707, %swap3A_1708] {strides = array<i32>} : memref<200x128xf32, #tpu.memory_space<vmem>>, vector<1x16xf32>,
        %swap3A_1710 = vector.shape_cast %swap3A_1709 : vector<1x16xf32> to vector<16xf32>
        %swap3A_1711 = vector.shape_cast %mul3A_1706 : vector<16xf32> to vector<1x16xf32>
        tpu.vector_store %arg12[%swap3A_1707, %swap3A_1708], %swap3A_1711 {strides = array<i32>} : memref<200x128xf32, #tpu.memory_space<vmem>>, vector<1x16xf32>,
        %get3A_1712 = arith.index_cast %add3A_1641 : i32 to index
        %get3A_1713 = arith.constant 112 : index
        %get3A_1714 = tpu.vector_load %arg12[%get3A_1712, %get3A_1713] {strides = array<i32>} : memref<200x128xf32, #tpu.memory_space<vmem>>, vector<1x16xf32>,
        %get3A_1715 = vector.shape_cast %get3A_1714 : vector<1x16xf32> to vector<16xf32>
        %mul3A_1716 = arith.mulf %get3A_1715, %gather3A_1637 : vector<16xf32>
        %swap3A_1717 = arith.index_cast %add3A_1641 : i32 to index
        %swap3A_1718 = arith.constant 112 : index
        %swap3A_1719 = tpu.vector_load %arg12[%swap3A_1717, %swap3A_1718] {strides = array<i32>} : memref<200x128xf32, #tpu.memory_space<vmem>>, vector<1x16xf32>,
        %swap3A_1720 = vector.shape_cast %swap3A_1719 : vector<1x16xf32> to vector<16xf32>
        %swap3A_1721 = vector.shape_cast %mul3A_1716 : vector<16xf32> to vector<1x16xf32>
        tpu.vector_store %arg12[%swap3A_1717, %swap3A_1718], %swap3A_1721 {strides = array<i32>} : memref<200x128xf32, #tpu.memory_space<vmem>>, vector<1x16xf32>,
        %add3A_1722 = arith.constant 16 : i32
        %add3A_1723 = arith.addi %mul3A_184, %add3A_1722 : i32
        %get3A_1724 = arith.index_cast %add3A_1723 : i32 to index
        %get3A_1725 = tpu.vector_load %arg11[%get3A_1724] {strides = array<i32>} : memref<2016xf32, #tpu.memory_space<vmem>>, vector<16xf32>,
        %get3A_1726 = vector.shape_cast %get3A_1725 : vector<16xf32> to vector<16xf32>
        %broadcast_in_dim3A_1727 = arith.constant 0 : i32
        %broadcast_in_dim3A_1728 = vector.broadcast %broadcast_in_dim3A_1727 : i32 to vector<16xi32>
        %lt3A_1729 = arith.constant 0 : i32
        %lt3A_1730 = vector.broadcast %lt3A_1729 : i32 to vector<16xi32>
        %lt3A_1731 = arith.cmpi slt, %broadcast_in_dim3A_1728, %lt3A_1730 : vector<16xi32>
        %add3A_1732 = arith.constant 16 : i32
        %add3A_1733 = vector.broadcast %add3A_1732 : i32 to vector<16xi32>
        %add3A_1734 = arith.addi %broadcast_in_dim3A_1728, %add3A_1733 : vector<16xi32>
        %select_n3A_1735 = arith.select %lt3A_1731, %add3A_1734, %broadcast_in_dim3A_1728 : vector<16xi1>, vector<16xi32>
        %broadcast_in_dim3A_1736 = vector.shape_cast %select_n3A_1735 : vector<16xi32> to vector<16x1xi32>
        %gather3A_1737 = vector.shape_cast %broadcast_in_dim3A_1736 : vector<16x1xi32> to vector<16xi32>
        %gather3A_1738 = tpu.dynamic_gather %get3A_1726[%gather3A_1737] in [0] : vector<16xf32>, vector<16xi32> -> vector<16xf32>
        %add3A_1739 = arith.constant 16 : i32
        %add3A_1740 = arith.addi %multiple_of3A_168, %add3A_1739 : i32
        %add3A_1741 = arith.constant 0 : i32
        %add3A_1742 = arith.addi %add3A_1740, %add3A_1741 : i32
        %get3A_1743 = arith.index_cast %add3A_1742 : i32 to index
        %get3A_1744 = arith.constant 0 : index
        %get3A_1745 = tpu.vector_load %arg12[%get3A_1743, %get3A_1744] {strides = array<i32>} : memref<200x128xf32, #tpu.memory_space<vmem>>, vector<1x16xf32>,
        %get3A_1746 = vector.shape_cast %get3A_1745 : vector<1x16xf32> to vector<16xf32>
        %mul3A_1747 = arith.mulf %get3A_1746, %gather3A_1738 : vector<16xf32>
        %swap3A_1748 = arith.index_cast %add3A_1742 : i32 to index
        %swap3A_1749 = arith.constant 0 : index
        %swap3A_1750 = tpu.vector_load %arg12[%swap3A_1748, %swap3A_1749] {strides = array<i32>} : memref<200x128xf32, #tpu.memory_space<vmem>>, vector<1x16xf32>,
        %swap3A_1751 = vector.shape_cast %swap3A_1750 : vector<1x16xf32> to vector<16xf32>
        %swap3A_1752 = vector.shape_cast %mul3A_1747 : vector<16xf32> to vector<1x16xf32>
        tpu.vector_store %arg12[%swap3A_1748, %swap3A_1749], %swap3A_1752 {strides = array<i32>} : memref<200x128xf32, #tpu.memory_space<vmem>>, vector<1x16xf32>,
        %get3A_1753 = arith.index_cast %add3A_1742 : i32 to index
        %get3A_1754 = arith.constant 16 : index
        %get3A_1755 = tpu.vector_load %arg12[%get3A_1753, %get3A_1754] {strides = array<i32>} : memref<200x128xf32, #tpu.memory_space<vmem>>, vector<1x16xf32>,
        %get3A_1756 = vector.shape_cast %get3A_1755 : vector<1x16xf32> to vector<16xf32>
        %mul3A_1757 = arith.mulf %get3A_1756, %gather3A_1738 : vector<16xf32>
        %swap3A_1758 = arith.index_cast %add3A_1742 : i32 to index
        %swap3A_1759 = arith.constant 16 : index
        %swap3A_1760 = tpu.vector_load %arg12[%swap3A_1758, %swap3A_1759] {strides = array<i32>} : memref<200x128xf32, #tpu.memory_space<vmem>>, vector<1x16xf32>,
        %swap3A_1761 = vector.shape_cast %swap3A_1760 : vector<1x16xf32> to vector<16xf32>
        %swap3A_1762 = vector.shape_cast %mul3A_1757 : vector<16xf32> to vector<1x16xf32>
        tpu.vector_store %arg12[%swap3A_1758, %swap3A_1759], %swap3A_1762 {strides = array<i32>} : memref<200x128xf32, #tpu.memory_space<vmem>>, vector<1x16xf32>,
        %get3A_1763 = arith.index_cast %add3A_1742 : i32 to index
        %get3A_1764 = arith.constant 32 : index
        %get3A_1765 = tpu.vector_load %arg12[%get3A_1763, %get3A_1764] {strides = array<i32>} : memref<200x128xf32, #tpu.memory_space<vmem>>, vector<1x16xf32>,
        %get3A_1766 = vector.shape_cast %get3A_1765 : vector<1x16xf32> to vector<16xf32>
        %mul3A_1767 = arith.mulf %get3A_1766, %gather3A_1738 : vector<16xf32>
        %swap3A_1768 = arith.index_cast %add3A_1742 : i32 to index
        %swap3A_1769 = arith.constant 32 : index
        %swap3A_1770 = tpu.vector_load %arg12[%swap3A_1768, %swap3A_1769] {strides = array<i32>} : memref<200x128xf32, #tpu.memory_space<vmem>>, vector<1x16xf32>,
        %swap3A_1771 = vector.shape_cast %swap3A_1770 : vector<1x16xf32> to vector<16xf32>
        %swap3A_1772 = vector.shape_cast %mul3A_1767 : vector<16xf32> to vector<1x16xf32>
        tpu.vector_store %arg12[%swap3A_1768, %swap3A_1769], %swap3A_1772 {strides = array<i32>} : memref<200x128xf32, #tpu.memory_space<vmem>>, vector<1x16xf32>,
        %get3A_1773 = arith.index_cast %add3A_1742 : i32 to index
        %get3A_1774 = arith.constant 48 : index
        %get3A_1775 = tpu.vector_load %arg12[%get3A_1773, %get3A_1774] {strides = array<i32>} : memref<200x128xf32, #tpu.memory_space<vmem>>, vector<1x16xf32>,
        %get3A_1776 = vector.shape_cast %get3A_1775 : vector<1x16xf32> to vector<16xf32>
        %mul3A_1777 = arith.mulf %get3A_1776, %gather3A_1738 : vector<16xf32>
        %swap3A_1778 = arith.index_cast %add3A_1742 : i32 to index
        %swap3A_1779 = arith.constant 48 : index
        %swap3A_1780 = tpu.vector_load %arg12[%swap3A_1778, %swap3A_1779] {strides = array<i32>} : memref<200x128xf32, #tpu.memory_space<vmem>>, vector<1x16xf32>,
        %swap3A_1781 = vector.shape_cast %swap3A_1780 : vector<1x16xf32> to vector<16xf32>
        %swap3A_1782 = vector.shape_cast %mul3A_1777 : vector<16xf32> to vector<1x16xf32>
        tpu.vector_store %arg12[%swap3A_1778, %swap3A_1779], %swap3A_1782 {strides = array<i32>} : memref<200x128xf32, #tpu.memory_space<vmem>>, vector<1x16xf32>,
        %get3A_1783 = arith.index_cast %add3A_1742 : i32 to index
        %get3A_1784 = arith.constant 64 : index
        %get3A_1785 = tpu.vector_load %arg12[%get3A_1783, %get3A_1784] {strides = array<i32>} : memref<200x128xf32, #tpu.memory_space<vmem>>, vector<1x16xf32>,
        %get3A_1786 = vector.shape_cast %get3A_1785 : vector<1x16xf32> to vector<16xf32>
        %mul3A_1787 = arith.mulf %get3A_1786, %gather3A_1738 : vector<16xf32>
        %swap3A_1788 = arith.index_cast %add3A_1742 : i32 to index
        %swap3A_1789 = arith.constant 64 : index
        %swap3A_1790 = tpu.vector_load %arg12[%swap3A_1788, %swap3A_1789] {strides = array<i32>} : memref<200x128xf32, #tpu.memory_space<vmem>>, vector<1x16xf32>,
        %swap3A_1791 = vector.shape_cast %swap3A_1790 : vector<1x16xf32> to vector<16xf32>
        %swap3A_1792 = vector.shape_cast %mul3A_1787 : vector<16xf32> to vector<1x16xf32>
        tpu.vector_store %arg12[%swap3A_1788, %swap3A_1789], %swap3A_1792 {strides = array<i32>} : memref<200x128xf32, #tpu.memory_space<vmem>>, vector<1x16xf32>,
        %get3A_1793 = arith.index_cast %add3A_1742 : i32 to index
        %get3A_1794 = arith.constant 80 : index
        %get3A_1795 = tpu.vector_load %arg12[%get3A_1793, %get3A_1794] {strides = array<i32>} : memref<200x128xf32, #tpu.memory_space<vmem>>, vector<1x16xf32>,
        %get3A_1796 = vector.shape_cast %get3A_1795 : vector<1x16xf32> to vector<16xf32>
        %mul3A_1797 = arith.mulf %get3A_1796, %gather3A_1738 : vector<16xf32>
        %swap3A_1798 = arith.index_cast %add3A_1742 : i32 to index
        %swap3A_1799 = arith.constant 80 : index
        %swap3A_1800 = tpu.vector_load %arg12[%swap3A_1798, %swap3A_1799] {strides = array<i32>} : memref<200x128xf32, #tpu.memory_space<vmem>>, vector<1x16xf32>,
        %swap3A_1801 = vector.shape_cast %swap3A_1800 : vector<1x16xf32> to vector<16xf32>
        %swap3A_1802 = vector.shape_cast %mul3A_1797 : vector<16xf32> to vector<1x16xf32>
        tpu.vector_store %arg12[%swap3A_1798, %swap3A_1799], %swap3A_1802 {strides = array<i32>} : memref<200x128xf32, #tpu.memory_space<vmem>>, vector<1x16xf32>,
        %get3A_1803 = arith.index_cast %add3A_1742 : i32 to index
        %get3A_1804 = arith.constant 96 : index
        %get3A_1805 = tpu.vector_load %arg12[%get3A_1803, %get3A_1804] {strides = array<i32>} : memref<200x128xf32, #tpu.memory_space<vmem>>, vector<1x16xf32>,
        %get3A_1806 = vector.shape_cast %get3A_1805 : vector<1x16xf32> to vector<16xf32>
        %mul3A_1807 = arith.mulf %get3A_1806, %gather3A_1738 : vector<16xf32>
        %swap3A_1808 = arith.index_cast %add3A_1742 : i32 to index
        %swap3A_1809 = arith.constant 96 : index
        %swap3A_1810 = tpu.vector_load %arg12[%swap3A_1808, %swap3A_1809] {strides = array<i32>} : memref<200x128xf32, #tpu.memory_space<vmem>>, vector<1x16xf32>,
        %swap3A_1811 = vector.shape_cast %swap3A_1810 : vector<1x16xf32> to vector<16xf32>
        %swap3A_1812 = vector.shape_cast %mul3A_1807 : vector<16xf32> to vector<1x16xf32>
        tpu.vector_store %arg12[%swap3A_1808, %swap3A_1809], %swap3A_1812 {strides = array<i32>} : memref<200x128xf32, #tpu.memory_space<vmem>>, vector<1x16xf32>,
        %get3A_1813 = arith.index_cast %add3A_1742 : i32 to index
        %get3A_1814 = arith.constant 112 : index
        %get3A_1815 = tpu.vector_load %arg12[%get3A_1813, %get3A_1814] {strides = array<i32>} : memref<200x128xf32, #tpu.memory_space<vmem>>, vector<1x16xf32>,
        %get3A_1816 = vector.shape_cast %get3A_1815 : vector<1x16xf32> to vector<16xf32>
        %mul3A_1817 = arith.mulf %get3A_1816, %gather3A_1738 : vector<16xf32>
        %swap3A_1818 = arith.index_cast %add3A_1742 : i32 to index
        %swap3A_1819 = arith.constant 112 : index
        %swap3A_1820 = tpu.vector_load %arg12[%swap3A_1818, %swap3A_1819] {strides = array<i32>} : memref<200x128xf32, #tpu.memory_space<vmem>>, vector<1x16xf32>,
        %swap3A_1821 = vector.shape_cast %swap3A_1820 : vector<1x16xf32> to vector<16xf32>
        %swap3A_1822 = vector.shape_cast %mul3A_1817 : vector<16xf32> to vector<1x16xf32>
        tpu.vector_store %arg12[%swap3A_1818, %swap3A_1819], %swap3A_1822 {strides = array<i32>} : memref<200x128xf32, #tpu.memory_space<vmem>>, vector<1x16xf32>,
        %broadcast_in_dim3A_1823 = arith.constant 1 : i32
        %broadcast_in_dim3A_1824 = vector.broadcast %broadcast_in_dim3A_1823 : i32 to vector<16xi32>
        %lt3A_1825 = arith.constant 0 : i32
        %lt3A_1826 = vector.broadcast %lt3A_1825 : i32 to vector<16xi32>
        %lt3A_1827 = arith.cmpi slt, %broadcast_in_dim3A_1824, %lt3A_1826 : vector<16xi32>
        %add3A_1828 = arith.constant 16 : i32
        %add3A_1829 = vector.broadcast %add3A_1828 : i32 to vector<16xi32>
        %add3A_1830 = arith.addi %broadcast_in_dim3A_1824, %add3A_1829 : vector<16xi32>
        %select_n3A_1831 = arith.select %lt3A_1827, %add3A_1830, %broadcast_in_dim3A_1824 : vector<16xi1>, vector<16xi32>
        %broadcast_in_dim3A_1832 = vector.shape_cast %select_n3A_1831 : vector<16xi32> to vector<16x1xi32>
        %gather3A_1833 = vector.shape_cast %broadcast_in_dim3A_1832 : vector<16x1xi32> to vector<16xi32>
        %gather3A_1834 = tpu.dynamic_gather %get3A_1726[%gather3A_1833] in [0] : vector<16xf32>, vector<16xi32> -> vector<16xf32>
        %add3A_1835 = arith.constant 16 : i32
        %add3A_1836 = arith.addi %multiple_of3A_168, %add3A_1835 : i32
        %add3A_1837 = arith.constant 1 : i32
        %add3A_1838 = arith.addi %add3A_1836, %add3A_1837 : i32
        %get3A_1839 = arith.index_cast %add3A_1838 : i32 to index
        %get3A_1840 = arith.constant 0 : index
        %get3A_1841 = tpu.vector_load %arg12[%get3A_1839, %get3A_1840] {strides = array<i32>} : memref<200x128xf32, #tpu.memory_space<vmem>>, vector<1x16xf32>,
        %get3A_1842 = vector.shape_cast %get3A_1841 : vector<1x16xf32> to vector<16xf32>
        %mul3A_1843 = arith.mulf %get3A_1842, %gather3A_1834 : vector<16xf32>
        %swap3A_1844 = arith.index_cast %add3A_1838 : i32 to index
        %swap3A_1845 = arith.constant 0 : index
        %swap3A_1846 = tpu.vector_load %arg12[%swap3A_1844, %swap3A_1845] {strides = array<i32>} : memref<200x128xf32, #tpu.memory_space<vmem>>, vector<1x16xf32>,
        %swap3A_1847 = vector.shape_cast %swap3A_1846 : vector<1x16xf32> to vector<16xf32>
        %swap3A_1848 = vector.shape_cast %mul3A_1843 : vector<16xf32> to vector<1x16xf32>
        tpu.vector_store %arg12[%swap3A_1844, %swap3A_1845], %swap3A_1848 {strides = array<i32>} : memref<200x128xf32, #tpu.memory_space<vmem>>, vector<1x16xf32>,
        %get3A_1849 = arith.index_cast %add3A_1838 : i32 to index
        %get3A_1850 = arith.constant 16 : index
        %get3A_1851 = tpu.vector_load %arg12[%get3A_1849, %get3A_1850] {strides = array<i32>} : memref<200x128xf32, #tpu.memory_space<vmem>>, vector<1x16xf32>,
        %get3A_1852 = vector.shape_cast %get3A_1851 : vector<1x16xf32> to vector<16xf32>
        %mul3A_1853 = arith.mulf %get3A_1852, %gather3A_1834 : vector<16xf32>
        %swap3A_1854 = arith.index_cast %add3A_1838 : i32 to index
        %swap3A_1855 = arith.constant 16 : index
        %swap3A_1856 = tpu.vector_load %arg12[%swap3A_1854, %swap3A_1855] {strides = array<i32>} : memref<200x128xf32, #tpu.memory_space<vmem>>, vector<1x16xf32>,
        %swap3A_1857 = vector.shape_cast %swap3A_1856 : vector<1x16xf32> to vector<16xf32>
        %swap3A_1858 = vector.shape_cast %mul3A_1853 : vector<16xf32> to vector<1x16xf32>
        tpu.vector_store %arg12[%swap3A_1854, %swap3A_1855], %swap3A_1858 {strides = array<i32>} : memref<200x128xf32, #tpu.memory_space<vmem>>, vector<1x16xf32>,
        %get3A_1859 = arith.index_cast %add3A_1838 : i32 to index
        %get3A_1860 = arith.constant 32 : index
        %get3A_1861 = tpu.vector_load %arg12[%get3A_1859, %get3A_1860] {strides = array<i32>} : memref<200x128xf32, #tpu.memory_space<vmem>>, vector<1x16xf32>,
        %get3A_1862 = vector.shape_cast %get3A_1861 : vector<1x16xf32> to vector<16xf32>
        %mul3A_1863 = arith.mulf %get3A_1862, %gather3A_1834 : vector<16xf32>
        %swap3A_1864 = arith.index_cast %add3A_1838 : i32 to index
        %swap3A_1865 = arith.constant 32 : index
        %swap3A_1866 = tpu.vector_load %arg12[%swap3A_1864, %swap3A_1865] {strides = array<i32>} : memref<200x128xf32, #tpu.memory_space<vmem>>, vector<1x16xf32>,
        %swap3A_1867 = vector.shape_cast %swap3A_1866 : vector<1x16xf32> to vector<16xf32>
        %swap3A_1868 = vector.shape_cast %mul3A_1863 : vector<16xf32> to vector<1x16xf32>
        tpu.vector_store %arg12[%swap3A_1864, %swap3A_1865], %swap3A_1868 {strides = array<i32>} : memref<200x128xf32, #tpu.memory_space<vmem>>, vector<1x16xf32>,
        %get3A_1869 = arith.index_cast %add3A_1838 : i32 to index
        %get3A_1870 = arith.constant 48 : index
        %get3A_1871 = tpu.vector_load %arg12[%get3A_1869, %get3A_1870] {strides = array<i32>} : memref<200x128xf32, #tpu.memory_space<vmem>>, vector<1x16xf32>,
        %get3A_1872 = vector.shape_cast %get3A_1871 : vector<1x16xf32> to vector<16xf32>
        %mul3A_1873 = arith.mulf %get3A_1872, %gather3A_1834 : vector<16xf32>
        %swap3A_1874 = arith.index_cast %add3A_1838 : i32 to index
        %swap3A_1875 = arith.constant 48 : index
        %swap3A_1876 = tpu.vector_load %arg12[%swap3A_1874, %swap3A_1875] {strides = array<i32>} : memref<200x128xf32, #tpu.memory_space<vmem>>, vector<1x16xf32>,
        %swap3A_1877 = vector.shape_cast %swap3A_1876 : vector<1x16xf32> to vector<16xf32>
        %swap3A_1878 = vector.shape_cast %mul3A_1873 : vector<16xf32> to vector<1x16xf32>
        tpu.vector_store %arg12[%swap3A_1874, %swap3A_1875], %swap3A_1878 {strides = array<i32>} : memref<200x128xf32, #tpu.memory_space<vmem>>, vector<1x16xf32>,
        %get3A_1879 = arith.index_cast %add3A_1838 : i32 to index
        %get3A_1880 = arith.constant 64 : index
        %get3A_1881 = tpu.vector_load %arg12[%get3A_1879, %get3A_1880] {strides = array<i32>} : memref<200x128xf32, #tpu.memory_space<vmem>>, vector<1x16xf32>,
        %get3A_1882 = vector.shape_cast %get3A_1881 : vector<1x16xf32> to vector<16xf32>
        %mul3A_1883 = arith.mulf %get3A_1882, %gather3A_1834 : vector<16xf32>
        %swap3A_1884 = arith.index_cast %add3A_1838 : i32 to index
        %swap3A_1885 = arith.constant 64 : index
        %swap3A_1886 = tpu.vector_load %arg12[%swap3A_1884, %swap3A_1885] {strides = array<i32>} : memref<200x128xf32, #tpu.memory_space<vmem>>, vector<1x16xf32>,
        %swap3A_1887 = vector.shape_cast %swap3A_1886 : vector<1x16xf32> to vector<16xf32>
        %swap3A_1888 = vector.shape_cast %mul3A_1883 : vector<16xf32> to vector<1x16xf32>
        tpu.vector_store %arg12[%swap3A_1884, %swap3A_1885], %swap3A_1888 {strides = array<i32>} : memref<200x128xf32, #tpu.memory_space<vmem>>, vector<1x16xf32>,
        %get3A_1889 = arith.index_cast %add3A_1838 : i32 to index
        %get3A_1890 = arith.constant 80 : index
        %get3A_1891 = tpu.vector_load %arg12[%get3A_1889, %get3A_1890] {strides = array<i32>} : memref<200x128xf32, #tpu.memory_space<vmem>>, vector<1x16xf32>,
        %get3A_1892 = vector.shape_cast %get3A_1891 : vector<1x16xf32> to vector<16xf32>
        %mul3A_1893 = arith.mulf %get3A_1892, %gather3A_1834 : vector<16xf32>
        %swap3A_1894 = arith.index_cast %add3A_1838 : i32 to index
        %swap3A_1895 = arith.constant 80 : index
        %swap3A_1896 = tpu.vector_load %arg12[%swap3A_1894, %swap3A_1895] {strides = array<i32>} : memref<200x128xf32, #tpu.memory_space<vmem>>, vector<1x16xf32>,
        %swap3A_1897 = vector.shape_cast %swap3A_1896 : vector<1x16xf32> to vector<16xf32>
        %swap3A_1898 = vector.shape_cast %mul3A_1893 : vector<16xf32> to vector<1x16xf32>
        tpu.vector_store %arg12[%swap3A_1894, %swap3A_1895], %swap3A_1898 {strides = array<i32>} : memref<200x128xf32, #tpu.memory_space<vmem>>, vector<1x16xf32>,
        %get3A_1899 = arith.index_cast %add3A_1838 : i32 to index
        %get3A_1900 = arith.constant 96 : index
        %get3A_1901 = tpu.vector_load %arg12[%get3A_1899, %get3A_1900] {strides = array<i32>} : memref<200x128xf32, #tpu.memory_space<vmem>>, vector<1x16xf32>,
        %get3A_1902 = vector.shape_cast %get3A_1901 : vector<1x16xf32> to vector<16xf32>
        %mul3A_1903 = arith.mulf %get3A_1902, %gather3A_1834 : vector<16xf32>
        %swap3A_1904 = arith.index_cast %add3A_1838 : i32 to index
        %swap3A_1905 = arith.constant 96 : index
        %swap3A_1906 = tpu.vector_load %arg12[%swap3A_1904, %swap3A_1905] {strides = array<i32>} : memref<200x128xf32, #tpu.memory_space<vmem>>, vector<1x16xf32>,
        %swap3A_1907 = vector.shape_cast %swap3A_1906 : vector<1x16xf32> to vector<16xf32>
        %swap3A_1908 = vector.shape_cast %mul3A_1903 : vector<16xf32> to vector<1x16xf32>
        tpu.vector_store %arg12[%swap3A_1904, %swap3A_1905], %swap3A_1908 {strides = array<i32>} : memref<200x128xf32, #tpu.memory_space<vmem>>, vector<1x16xf32>,
        %get3A_1909 = arith.index_cast %add3A_1838 : i32 to index
        %get3A_1910 = arith.constant 112 : index
        %get3A_1911 = tpu.vector_load %arg12[%get3A_1909, %get3A_1910] {strides = array<i32>} : memref<200x128xf32, #tpu.memory_space<vmem>>, vector<1x16xf32>,
        %get3A_1912 = vector.shape_cast %get3A_1911 : vector<1x16xf32> to vector<16xf32>
        %mul3A_1913 = arith.mulf %get3A_1912, %gather3A_1834 : vector<16xf32>
        %swap3A_1914 = arith.index_cast %add3A_1838 : i32 to index
        %swap3A_1915 = arith.constant 112 : index
        %swap3A_1916 = tpu.vector_load %arg12[%swap3A_1914, %swap3A_1915] {strides = array<i32>} : memref<200x128xf32, #tpu.memory_space<vmem>>, vector<1x16xf32>,
        %swap3A_1917 = vector.shape_cast %swap3A_1916 : vector<1x16xf32> to vector<16xf32>
        %swap3A_1918 = vector.shape_cast %mul3A_1913 : vector<16xf32> to vector<1x16xf32>
        tpu.vector_store %arg12[%swap3A_1914, %swap3A_1915], %swap3A_1918 {strides = array<i32>} : memref<200x128xf32, #tpu.memory_space<vmem>>, vector<1x16xf32>,
        %broadcast_in_dim3A_1919 = arith.constant 2 : i32
        %broadcast_in_dim3A_1920 = vector.broadcast %broadcast_in_dim3A_1919 : i32 to vector<16xi32>
        %lt3A_1921 = arith.constant 0 : i32
        %lt3A_1922 = vector.broadcast %lt3A_1921 : i32 to vector<16xi32>
        %lt3A_1923 = arith.cmpi slt, %broadcast_in_dim3A_1920, %lt3A_1922 : vector<16xi32>
        %add3A_1924 = arith.constant 16 : i32
        %add3A_1925 = vector.broadcast %add3A_1924 : i32 to vector<16xi32>
        %add3A_1926 = arith.addi %broadcast_in_dim3A_1920, %add3A_1925 : vector<16xi32>
        %select_n3A_1927 = arith.select %lt3A_1923, %add3A_1926, %broadcast_in_dim3A_1920 : vector<16xi1>, vector<16xi32>
        %broadcast_in_dim3A_1928 = vector.shape_cast %select_n3A_1927 : vector<16xi32> to vector<16x1xi32>
        %gather3A_1929 = vector.shape_cast %broadcast_in_dim3A_1928 : vector<16x1xi32> to vector<16xi32>
        %gather3A_1930 = tpu.dynamic_gather %get3A_1726[%gather3A_1929] in [0] : vector<16xf32>, vector<16xi32> -> vector<16xf32>
        %add3A_1931 = arith.constant 16 : i32
        %add3A_1932 = arith.addi %multiple_of3A_168, %add3A_1931 : i32
        %add3A_1933 = arith.constant 2 : i32
        %add3A_1934 = arith.addi %add3A_1932, %add3A_1933 : i32
        %get3A_1935 = arith.index_cast %add3A_1934 : i32 to index
        %get3A_1936 = arith.constant 0 : index
        %get3A_1937 = tpu.vector_load %arg12[%get3A_1935, %get3A_1936] {strides = array<i32>} : memref<200x128xf32, #tpu.memory_space<vmem>>, vector<1x16xf32>,
        %get3A_1938 = vector.shape_cast %get3A_1937 : vector<1x16xf32> to vector<16xf32>
        %mul3A_1939 = arith.mulf %get3A_1938, %gather3A_1930 : vector<16xf32>
        %swap3A_1940 = arith.index_cast %add3A_1934 : i32 to index
        %swap3A_1941 = arith.constant 0 : index
        %swap3A_1942 = tpu.vector_load %arg12[%swap3A_1940, %swap3A_1941] {strides = array<i32>} : memref<200x128xf32, #tpu.memory_space<vmem>>, vector<1x16xf32>,
        %swap3A_1943 = vector.shape_cast %swap3A_1942 : vector<1x16xf32> to vector<16xf32>
        %swap3A_1944 = vector.shape_cast %mul3A_1939 : vector<16xf32> to vector<1x16xf32>
        tpu.vector_store %arg12[%swap3A_1940, %swap3A_1941], %swap3A_1944 {strides = array<i32>} : memref<200x128xf32, #tpu.memory_space<vmem>>, vector<1x16xf32>,
        %get3A_1945 = arith.index_cast %add3A_1934 : i32 to index
        %get3A_1946 = arith.constant 16 : index
        %get3A_1947 = tpu.vector_load %arg12[%get3A_1945, %get3A_1946] {strides = array<i32>} : memref<200x128xf32, #tpu.memory_space<vmem>>, vector<1x16xf32>,
        %get3A_1948 = vector.shape_cast %get3A_1947 : vector<1x16xf32> to vector<16xf32>
        %mul3A_1949 = arith.mulf %get3A_1948, %gather3A_1930 : vector<16xf32>
        %swap3A_1950 = arith.index_cast %add3A_1934 : i32 to index
        %swap3A_1951 = arith.constant 16 : index
        %swap3A_1952 = tpu.vector_load %arg12[%swap3A_1950, %swap3A_1951] {strides = array<i32>} : memref<200x128xf32, #tpu.memory_space<vmem>>, vector<1x16xf32>,
        %swap3A_1953 = vector.shape_cast %swap3A_1952 : vector<1x16xf32> to vector<16xf32>
        %swap3A_1954 = vector.shape_cast %mul3A_1949 : vector<16xf32> to vector<1x16xf32>
        tpu.vector_store %arg12[%swap3A_1950, %swap3A_1951], %swap3A_1954 {strides = array<i32>} : memref<200x128xf32, #tpu.memory_space<vmem>>, vector<1x16xf32>,
        %get3A_1955 = arith.index_cast %add3A_1934 : i32 to index
        %get3A_1956 = arith.constant 32 : index
        %get3A_1957 = tpu.vector_load %arg12[%get3A_1955, %get3A_1956] {strides = array<i32>} : memref<200x128xf32, #tpu.memory_space<vmem>>, vector<1x16xf32>,
        %get3A_1958 = vector.shape_cast %get3A_1957 : vector<1x16xf32> to vector<16xf32>
        %mul3A_1959 = arith.mulf %get3A_1958, %gather3A_1930 : vector<16xf32>
        %swap3A_1960 = arith.index_cast %add3A_1934 : i32 to index
        %swap3A_1961 = arith.constant 32 : index
        %swap3A_1962 = tpu.vector_load %arg12[%swap3A_1960, %swap3A_1961] {strides = array<i32>} : memref<200x128xf32, #tpu.memory_space<vmem>>, vector<1x16xf32>,
        %swap3A_1963 = vector.shape_cast %swap3A_1962 : vector<1x16xf32> to vector<16xf32>
        %swap3A_1964 = vector.shape_cast %mul3A_1959 : vector<16xf32> to vector<1x16xf32>
        tpu.vector_store %arg12[%swap3A_1960, %swap3A_1961], %swap3A_1964 {strides = array<i32>} : memref<200x128xf32, #tpu.memory_space<vmem>>, vector<1x16xf32>,
        %get3A_1965 = arith.index_cast %add3A_1934 : i32 to index
        %get3A_1966 = arith.constant 48 : index
        %get3A_1967 = tpu.vector_load %arg12[%get3A_1965, %get3A_1966] {strides = array<i32>} : memref<200x128xf32, #tpu.memory_space<vmem>>, vector<1x16xf32>,
        %get3A_1968 = vector.shape_cast %get3A_1967 : vector<1x16xf32> to vector<16xf32>
        %mul3A_1969 = arith.mulf %get3A_1968, %gather3A_1930 : vector<16xf32>
        %swap3A_1970 = arith.index_cast %add3A_1934 : i32 to index
        %swap3A_1971 = arith.constant 48 : index
        %swap3A_1972 = tpu.vector_load %arg12[%swap3A_1970, %swap3A_1971] {strides = array<i32>} : memref<200x128xf32, #tpu.memory_space<vmem>>, vector<1x16xf32>,
        %swap3A_1973 = vector.shape_cast %swap3A_1972 : vector<1x16xf32> to vector<16xf32>
        %swap3A_1974 = vector.shape_cast %mul3A_1969 : vector<16xf32> to vector<1x16xf32>
        tpu.vector_store %arg12[%swap3A_1970, %swap3A_1971], %swap3A_1974 {strides = array<i32>} : memref<200x128xf32, #tpu.memory_space<vmem>>, vector<1x16xf32>,
        %get3A_1975 = arith.index_cast %add3A_1934 : i32 to index
        %get3A_1976 = arith.constant 64 : index
        %get3A_1977 = tpu.vector_load %arg12[%get3A_1975, %get3A_1976] {strides = array<i32>} : memref<200x128xf32, #tpu.memory_space<vmem>>, vector<1x16xf32>,
        %get3A_1978 = vector.shape_cast %get3A_1977 : vector<1x16xf32> to vector<16xf32>
        %mul3A_1979 = arith.mulf %get3A_1978, %gather3A_1930 : vector<16xf32>
        %swap3A_1980 = arith.index_cast %add3A_1934 : i32 to index
        %swap3A_1981 = arith.constant 64 : index
        %swap3A_1982 = tpu.vector_load %arg12[%swap3A_1980, %swap3A_1981] {strides = array<i32>} : memref<200x128xf32, #tpu.memory_space<vmem>>, vector<1x16xf32>,
        %swap3A_1983 = vector.shape_cast %swap3A_1982 : vector<1x16xf32> to vector<16xf32>
        %swap3A_1984 = vector.shape_cast %mul3A_1979 : vector<16xf32> to vector<1x16xf32>
        tpu.vector_store %arg12[%swap3A_1980, %swap3A_1981], %swap3A_1984 {strides = array<i32>} : memref<200x128xf32, #tpu.memory_space<vmem>>, vector<1x16xf32>,
        %get3A_1985 = arith.index_cast %add3A_1934 : i32 to index
        %get3A_1986 = arith.constant 80 : index
        %get3A_1987 = tpu.vector_load %arg12[%get3A_1985, %get3A_1986] {strides = array<i32>} : memref<200x128xf32, #tpu.memory_space<vmem>>, vector<1x16xf32>,
        %get3A_1988 = vector.shape_cast %get3A_1987 : vector<1x16xf32> to vector<16xf32>
        %mul3A_1989 = arith.mulf %get3A_1988, %gather3A_1930 : vector<16xf32>
        %swap3A_1990 = arith.index_cast %add3A_1934 : i32 to index
        %swap3A_1991 = arith.constant 80 : index
        %swap3A_1992 = tpu.vector_load %arg12[%swap3A_1990, %swap3A_1991] {strides = array<i32>} : memref<200x128xf32, #tpu.memory_space<vmem>>, vector<1x16xf32>,
        %swap3A_1993 = vector.shape_cast %swap3A_1992 : vector<1x16xf32> to vector<16xf32>
        %swap3A_1994 = vector.shape_cast %mul3A_1989 : vector<16xf32> to vector<1x16xf32>
        tpu.vector_store %arg12[%swap3A_1990, %swap3A_1991], %swap3A_1994 {strides = array<i32>} : memref<200x128xf32, #tpu.memory_space<vmem>>, vector<1x16xf32>,
        %get3A_1995 = arith.index_cast %add3A_1934 : i32 to index
        %get3A_1996 = arith.constant 96 : index
        %get3A_1997 = tpu.vector_load %arg12[%get3A_1995, %get3A_1996] {strides = array<i32>} : memref<200x128xf32, #tpu.memory_space<vmem>>, vector<1x16xf32>,
        %get3A_1998 = vector.shape_cast %get3A_1997 : vector<1x16xf32> to vector<16xf32>
        %mul3A_1999 = arith.mulf %get3A_1998, %gather3A_1930 : vector<16xf32>
        %swap3A_2000 = arith.index_cast %add3A_1934 : i32 to index
        %swap3A_2001 = arith.constant 96 : index
        %swap3A_2002 = tpu.vector_load %arg12[%swap3A_2000, %swap3A_2001] {strides = array<i32>} : memref<200x128xf32, #tpu.memory_space<vmem>>, vector<1x16xf32>,
        %swap3A_2003 = vector.shape_cast %swap3A_2002 : vector<1x16xf32> to vector<16xf32>
        %swap3A_2004 = vector.shape_cast %mul3A_1999 : vector<16xf32> to vector<1x16xf32>
        tpu.vector_store %arg12[%swap3A_2000, %swap3A_2001], %swap3A_2004 {strides = array<i32>} : memref<200x128xf32, #tpu.memory_space<vmem>>, vector<1x16xf32>,
        %get3A_2005 = arith.index_cast %add3A_1934 : i32 to index
        %get3A_2006 = arith.constant 112 : index
        %get3A_2007 = tpu.vector_load %arg12[%get3A_2005, %get3A_2006] {strides = array<i32>} : memref<200x128xf32, #tpu.memory_space<vmem>>, vector<1x16xf32>,
        %get3A_2008 = vector.shape_cast %get3A_2007 : vector<1x16xf32> to vector<16xf32>
        %mul3A_2009 = arith.mulf %get3A_2008, %gather3A_1930 : vector<16xf32>
        %swap3A_2010 = arith.index_cast %add3A_1934 : i32 to index
        %swap3A_2011 = arith.constant 112 : index
        %swap3A_2012 = tpu.vector_load %arg12[%swap3A_2010, %swap3A_2011] {strides = array<i32>} : memref<200x128xf32, #tpu.memory_space<vmem>>, vector<1x16xf32>,
        %swap3A_2013 = vector.shape_cast %swap3A_2012 : vector<1x16xf32> to vector<16xf32>
        %swap3A_2014 = vector.shape_cast %mul3A_2009 : vector<16xf32> to vector<1x16xf32>
        tpu.vector_store %arg12[%swap3A_2010, %swap3A_2011], %swap3A_2014 {strides = array<i32>} : memref<200x128xf32, #tpu.memory_space<vmem>>, vector<1x16xf32>,
        %broadcast_in_dim3A_2015 = arith.constant 3 : i32
        %broadcast_in_dim3A_2016 = vector.broadcast %broadcast_in_dim3A_2015 : i32 to vector<16xi32>
        %lt3A_2017 = arith.constant 0 : i32
        %lt3A_2018 = vector.broadcast %lt3A_2017 : i32 to vector<16xi32>
        %lt3A_2019 = arith.cmpi slt, %broadcast_in_dim3A_2016, %lt3A_2018 : vector<16xi32>
        %add3A_2020 = arith.constant 16 : i32
        %add3A_2021 = vector.broadcast %add3A_2020 : i32 to vector<16xi32>
        %add3A_2022 = arith.addi %broadcast_in_dim3A_2016, %add3A_2021 : vector<16xi32>
        %select_n3A_2023 = arith.select %lt3A_2019, %add3A_2022, %broadcast_in_dim3A_2016 : vector<16xi1>, vector<16xi32>
        %broadcast_in_dim3A_2024 = vector.shape_cast %select_n3A_2023 : vector<16xi32> to vector<16x1xi32>
        %gather3A_2025 = vector.shape_cast %broadcast_in_dim3A_2024 : vector<16x1xi32> to vector<16xi32>
        %gather3A_2026 = tpu.dynamic_gather %get3A_1726[%gather3A_2025] in [0] : vector<16xf32>, vector<16xi32> -> vector<16xf32>
        %add3A_2027 = arith.constant 16 : i32
        %add3A_2028 = arith.addi %multiple_of3A_168, %add3A_2027 : i32
        %add3A_2029 = arith.constant 3 : i32
        %add3A_2030 = arith.addi %add3A_2028, %add3A_2029 : i32
        %get3A_2031 = arith.index_cast %add3A_2030 : i32 to index
        %get3A_2032 = arith.constant 0 : index
        %get3A_2033 = tpu.vector_load %arg12[%get3A_2031, %get3A_2032] {strides = array<i32>} : memref<200x128xf32, #tpu.memory_space<vmem>>, vector<1x16xf32>,
        %get3A_2034 = vector.shape_cast %get3A_2033 : vector<1x16xf32> to vector<16xf32>
        %mul3A_2035 = arith.mulf %get3A_2034, %gather3A_2026 : vector<16xf32>
        %swap3A_2036 = arith.index_cast %add3A_2030 : i32 to index
        %swap3A_2037 = arith.constant 0 : index
        %swap3A_2038 = tpu.vector_load %arg12[%swap3A_2036, %swap3A_2037] {strides = array<i32>} : memref<200x128xf32, #tpu.memory_space<vmem>>, vector<1x16xf32>,
        %swap3A_2039 = vector.shape_cast %swap3A_2038 : vector<1x16xf32> to vector<16xf32>
        %swap3A_2040 = vector.shape_cast %mul3A_2035 : vector<16xf32> to vector<1x16xf32>
        tpu.vector_store %arg12[%swap3A_2036, %swap3A_2037], %swap3A_2040 {strides = array<i32>} : memref<200x128xf32, #tpu.memory_space<vmem>>, vector<1x16xf32>,
        %get3A_2041 = arith.index_cast %add3A_2030 : i32 to index
        %get3A_2042 = arith.constant 16 : index
        %get3A_2043 = tpu.vector_load %arg12[%get3A_2041, %get3A_2042] {strides = array<i32>} : memref<200x128xf32, #tpu.memory_space<vmem>>, vector<1x16xf32>,
        %get3A_2044 = vector.shape_cast %get3A_2043 : vector<1x16xf32> to vector<16xf32>
        %mul3A_2045 = arith.mulf %get3A_2044, %gather3A_2026 : vector<16xf32>
        %swap3A_2046 = arith.index_cast %add3A_2030 : i32 to index
        %swap3A_2047 = arith.constant 16 : index
        %swap3A_2048 = tpu.vector_load %arg12[%swap3A_2046, %swap3A_2047] {strides = array<i32>} : memref<200x128xf32, #tpu.memory_space<vmem>>, vector<1x16xf32>,
        %swap3A_2049 = vector.shape_cast %swap3A_2048 : vector<1x16xf32> to vector<16xf32>
        %swap3A_2050 = vector.shape_cast %mul3A_2045 : vector<16xf32> to vector<1x16xf32>
        tpu.vector_store %arg12[%swap3A_2046, %swap3A_2047], %swap3A_2050 {strides = array<i32>} : memref<200x128xf32, #tpu.memory_space<vmem>>, vector<1x16xf32>,
        %get3A_2051 = arith.index_cast %add3A_2030 : i32 to index
        %get3A_2052 = arith.constant 32 : index
        %get3A_2053 = tpu.vector_load %arg12[%get3A_2051, %get3A_2052] {strides = array<i32>} : memref<200x128xf32, #tpu.memory_space<vmem>>, vector<1x16xf32>,
        %get3A_2054 = vector.shape_cast %get3A_2053 : vector<1x16xf32> to vector<16xf32>
        %mul3A_2055 = arith.mulf %get3A_2054, %gather3A_2026 : vector<16xf32>
        %swap3A_2056 = arith.index_cast %add3A_2030 : i32 to index
        %swap3A_2057 = arith.constant 32 : index
        %swap3A_2058 = tpu.vector_load %arg12[%swap3A_2056, %swap3A_2057] {strides = array<i32>} : memref<200x128xf32, #tpu.memory_space<vmem>>, vector<1x16xf32>,
        %swap3A_2059 = vector.shape_cast %swap3A_2058 : vector<1x16xf32> to vector<16xf32>
        %swap3A_2060 = vector.shape_cast %mul3A_2055 : vector<16xf32> to vector<1x16xf32>
        tpu.vector_store %arg12[%swap3A_2056, %swap3A_2057], %swap3A_2060 {strides = array<i32>} : memref<200x128xf32, #tpu.memory_space<vmem>>, vector<1x16xf32>,
        %get3A_2061 = arith.index_cast %add3A_2030 : i32 to index
        %get3A_2062 = arith.constant 48 : index
        %get3A_2063 = tpu.vector_load %arg12[%get3A_2061, %get3A_2062] {strides = array<i32>} : memref<200x128xf32, #tpu.memory_space<vmem>>, vector<1x16xf32>,
        %get3A_2064 = vector.shape_cast %get3A_2063 : vector<1x16xf32> to vector<16xf32>
        %mul3A_2065 = arith.mulf %get3A_2064, %gather3A_2026 : vector<16xf32>
        %swap3A_2066 = arith.index_cast %add3A_2030 : i32 to index
        %swap3A_2067 = arith.constant 48 : index
        %swap3A_2068 = tpu.vector_load %arg12[%swap3A_2066, %swap3A_2067] {strides = array<i32>} : memref<200x128xf32, #tpu.memory_space<vmem>>, vector<1x16xf32>,
        %swap3A_2069 = vector.shape_cast %swap3A_2068 : vector<1x16xf32> to vector<16xf32>
        %swap3A_2070 = vector.shape_cast %mul3A_2065 : vector<16xf32> to vector<1x16xf32>
        tpu.vector_store %arg12[%swap3A_2066, %swap3A_2067], %swap3A_2070 {strides = array<i32>} : memref<200x128xf32, #tpu.memory_space<vmem>>, vector<1x16xf32>,
        %get3A_2071 = arith.index_cast %add3A_2030 : i32 to index
        %get3A_2072 = arith.constant 64 : index
        %get3A_2073 = tpu.vector_load %arg12[%get3A_2071, %get3A_2072] {strides = array<i32>} : memref<200x128xf32, #tpu.memory_space<vmem>>, vector<1x16xf32>,
        %get3A_2074 = vector.shape_cast %get3A_2073 : vector<1x16xf32> to vector<16xf32>
        %mul3A_2075 = arith.mulf %get3A_2074, %gather3A_2026 : vector<16xf32>
        %swap3A_2076 = arith.index_cast %add3A_2030 : i32 to index
        %swap3A_2077 = arith.constant 64 : index
        %swap3A_2078 = tpu.vector_load %arg12[%swap3A_2076, %swap3A_2077] {strides = array<i32>} : memref<200x128xf32, #tpu.memory_space<vmem>>, vector<1x16xf32>,
        %swap3A_2079 = vector.shape_cast %swap3A_2078 : vector<1x16xf32> to vector<16xf32>
        %swap3A_2080 = vector.shape_cast %mul3A_2075 : vector<16xf32> to vector<1x16xf32>
        tpu.vector_store %arg12[%swap3A_2076, %swap3A_2077], %swap3A_2080 {strides = array<i32>} : memref<200x128xf32, #tpu.memory_space<vmem>>, vector<1x16xf32>,
        %get3A_2081 = arith.index_cast %add3A_2030 : i32 to index
        %get3A_2082 = arith.constant 80 : index
        %get3A_2083 = tpu.vector_load %arg12[%get3A_2081, %get3A_2082] {strides = array<i32>} : memref<200x128xf32, #tpu.memory_space<vmem>>, vector<1x16xf32>,
        %get3A_2084 = vector.shape_cast %get3A_2083 : vector<1x16xf32> to vector<16xf32>
        %mul3A_2085 = arith.mulf %get3A_2084, %gather3A_2026 : vector<16xf32>
        %swap3A_2086 = arith.index_cast %add3A_2030 : i32 to index
        %swap3A_2087 = arith.constant 80 : index
        %swap3A_2088 = tpu.vector_load %arg12[%swap3A_2086, %swap3A_2087] {strides = array<i32>} : memref<200x128xf32, #tpu.memory_space<vmem>>, vector<1x16xf32>,
        %swap3A_2089 = vector.shape_cast %swap3A_2088 : vector<1x16xf32> to vector<16xf32>
        %swap3A_2090 = vector.shape_cast %mul3A_2085 : vector<16xf32> to vector<1x16xf32>
        tpu.vector_store %arg12[%swap3A_2086, %swap3A_2087], %swap3A_2090 {strides = array<i32>} : memref<200x128xf32, #tpu.memory_space<vmem>>, vector<1x16xf32>,
        %get3A_2091 = arith.index_cast %add3A_2030 : i32 to index
        %get3A_2092 = arith.constant 96 : index
        %get3A_2093 = tpu.vector_load %arg12[%get3A_2091, %get3A_2092] {strides = array<i32>} : memref<200x128xf32, #tpu.memory_space<vmem>>, vector<1x16xf32>,
        %get3A_2094 = vector.shape_cast %get3A_2093 : vector<1x16xf32> to vector<16xf32>
        %mul3A_2095 = arith.mulf %get3A_2094, %gather3A_2026 : vector<16xf32>
        %swap3A_2096 = arith.index_cast %add3A_2030 : i32 to index
        %swap3A_2097 = arith.constant 96 : index
        %swap3A_2098 = tpu.vector_load %arg12[%swap3A_2096, %swap3A_2097] {strides = array<i32>} : memref<200x128xf32, #tpu.memory_space<vmem>>, vector<1x16xf32>,
        %swap3A_2099 = vector.shape_cast %swap3A_2098 : vector<1x16xf32> to vector<16xf32>
        %swap3A_2100 = vector.shape_cast %mul3A_2095 : vector<16xf32> to vector<1x16xf32>
        tpu.vector_store %arg12[%swap3A_2096, %swap3A_2097], %swap3A_2100 {strides = array<i32>} : memref<200x128xf32, #tpu.memory_space<vmem>>, vector<1x16xf32>,
        %get3A_2101 = arith.index_cast %add3A_2030 : i32 to index
        %get3A_2102 = arith.constant 112 : index
        %get3A_2103 = tpu.vector_load %arg12[%get3A_2101, %get3A_2102] {strides = array<i32>} : memref<200x128xf32, #tpu.memory_space<vmem>>, vector<1x16xf32>,
        %get3A_2104 = vector.shape_cast %get3A_2103 : vector<1x16xf32> to vector<16xf32>
        %mul3A_2105 = arith.mulf %get3A_2104, %gather3A_2026 : vector<16xf32>
        %swap3A_2106 = arith.index_cast %add3A_2030 : i32 to index
        %swap3A_2107 = arith.constant 112 : index
        %swap3A_2108 = tpu.vector_load %arg12[%swap3A_2106, %swap3A_2107] {strides = array<i32>} : memref<200x128xf32, #tpu.memory_space<vmem>>, vector<1x16xf32>,
        %swap3A_2109 = vector.shape_cast %swap3A_2108 : vector<1x16xf32> to vector<16xf32>
        %swap3A_2110 = vector.shape_cast %mul3A_2105 : vector<16xf32> to vector<1x16xf32>
        tpu.vector_store %arg12[%swap3A_2106, %swap3A_2107], %swap3A_2110 {strides = array<i32>} : memref<200x128xf32, #tpu.memory_space<vmem>>, vector<1x16xf32>,
        %broadcast_in_dim3A_2111 = arith.constant 4 : i32
        %broadcast_in_dim3A_2112 = vector.broadcast %broadcast_in_dim3A_2111 : i32 to vector<16xi32>
        %lt3A_2113 = arith.constant 0 : i32
        %lt3A_2114 = vector.broadcast %lt3A_2113 : i32 to vector<16xi32>
        %lt3A_2115 = arith.cmpi slt, %broadcast_in_dim3A_2112, %lt3A_2114 : vector<16xi32>
        %add3A_2116 = arith.constant 16 : i32
        %add3A_2117 = vector.broadcast %add3A_2116 : i32 to vector<16xi32>
        %add3A_2118 = arith.addi %broadcast_in_dim3A_2112, %add3A_2117 : vector<16xi32>
        %select_n3A_2119 = arith.select %lt3A_2115, %add3A_2118, %broadcast_in_dim3A_2112 : vector<16xi1>, vector<16xi32>
        %broadcast_in_dim3A_2120 = vector.shape_cast %select_n3A_2119 : vector<16xi32> to vector<16x1xi32>
        %gather3A_2121 = vector.shape_cast %broadcast_in_dim3A_2120 : vector<16x1xi32> to vector<16xi32>
        %gather3A_2122 = tpu.dynamic_gather %get3A_1726[%gather3A_2121] in [0] : vector<16xf32>, vector<16xi32> -> vector<16xf32>
        %add3A_2123 = arith.constant 16 : i32
        %add3A_2124 = arith.addi %multiple_of3A_168, %add3A_2123 : i32
        %add3A_2125 = arith.constant 4 : i32
        %add3A_2126 = arith.addi %add3A_2124, %add3A_2125 : i32
        %get3A_2127 = arith.index_cast %add3A_2126 : i32 to index
        %get3A_2128 = arith.constant 0 : index
        %get3A_2129 = tpu.vector_load %arg12[%get3A_2127, %get3A_2128] {strides = array<i32>} : memref<200x128xf32, #tpu.memory_space<vmem>>, vector<1x16xf32>,
        %get3A_2130 = vector.shape_cast %get3A_2129 : vector<1x16xf32> to vector<16xf32>
        %mul3A_2131 = arith.mulf %get3A_2130, %gather3A_2122 : vector<16xf32>
        %swap3A_2132 = arith.index_cast %add3A_2126 : i32 to index
        %swap3A_2133 = arith.constant 0 : index
        %swap3A_2134 = tpu.vector_load %arg12[%swap3A_2132, %swap3A_2133] {strides = array<i32>} : memref<200x128xf32, #tpu.memory_space<vmem>>, vector<1x16xf32>,
        %swap3A_2135 = vector.shape_cast %swap3A_2134 : vector<1x16xf32> to vector<16xf32>
        %swap3A_2136 = vector.shape_cast %mul3A_2131 : vector<16xf32> to vector<1x16xf32>
        tpu.vector_store %arg12[%swap3A_2132, %swap3A_2133], %swap3A_2136 {strides = array<i32>} : memref<200x128xf32, #tpu.memory_space<vmem>>, vector<1x16xf32>,
        %get3A_2137 = arith.index_cast %add3A_2126 : i32 to index
        %get3A_2138 = arith.constant 16 : index
        %get3A_2139 = tpu.vector_load %arg12[%get3A_2137, %get3A_2138] {strides = array<i32>} : memref<200x128xf32, #tpu.memory_space<vmem>>, vector<1x16xf32>,
        %get3A_2140 = vector.shape_cast %get3A_2139 : vector<1x16xf32> to vector<16xf32>
        %mul3A_2141 = arith.mulf %get3A_2140, %gather3A_2122 : vector<16xf32>
        %swap3A_2142 = arith.index_cast %add3A_2126 : i32 to index
        %swap3A_2143 = arith.constant 16 : index
        %swap3A_2144 = tpu.vector_load %arg12[%swap3A_2142, %swap3A_2143] {strides = array<i32>} : memref<200x128xf32, #tpu.memory_space<vmem>>, vector<1x16xf32>,
        %swap3A_2145 = vector.shape_cast %swap3A_2144 : vector<1x16xf32> to vector<16xf32>
        %swap3A_2146 = vector.shape_cast %mul3A_2141 : vector<16xf32> to vector<1x16xf32>
        tpu.vector_store %arg12[%swap3A_2142, %swap3A_2143], %swap3A_2146 {strides = array<i32>} : memref<200x128xf32, #tpu.memory_space<vmem>>, vector<1x16xf32>,
        %get3A_2147 = arith.index_cast %add3A_2126 : i32 to index
        %get3A_2148 = arith.constant 32 : index
        %get3A_2149 = tpu.vector_load %arg12[%get3A_2147, %get3A_2148] {strides = array<i32>} : memref<200x128xf32, #tpu.memory_space<vmem>>, vector<1x16xf32>,
        %get3A_2150 = vector.shape_cast %get3A_2149 : vector<1x16xf32> to vector<16xf32>
        %mul3A_2151 = arith.mulf %get3A_2150, %gather3A_2122 : vector<16xf32>
        %swap3A_2152 = arith.index_cast %add3A_2126 : i32 to index
        %swap3A_2153 = arith.constant 32 : index
        %swap3A_2154 = tpu.vector_load %arg12[%swap3A_2152, %swap3A_2153] {strides = array<i32>} : memref<200x128xf32, #tpu.memory_space<vmem>>, vector<1x16xf32>,
        %swap3A_2155 = vector.shape_cast %swap3A_2154 : vector<1x16xf32> to vector<16xf32>
        %swap3A_2156 = vector.shape_cast %mul3A_2151 : vector<16xf32> to vector<1x16xf32>
        tpu.vector_store %arg12[%swap3A_2152, %swap3A_2153], %swap3A_2156 {strides = array<i32>} : memref<200x128xf32, #tpu.memory_space<vmem>>, vector<1x16xf32>,
        %get3A_2157 = arith.index_cast %add3A_2126 : i32 to index
        %get3A_2158 = arith.constant 48 : index
        %get3A_2159 = tpu.vector_load %arg12[%get3A_2157, %get3A_2158] {strides = array<i32>} : memref<200x128xf32, #tpu.memory_space<vmem>>, vector<1x16xf32>,
        %get3A_2160 = vector.shape_cast %get3A_2159 : vector<1x16xf32> to vector<16xf32>
        %mul3A_2161 = arith.mulf %get3A_2160, %gather3A_2122 : vector<16xf32>
        %swap3A_2162 = arith.index_cast %add3A_2126 : i32 to index
        %swap3A_2163 = arith.constant 48 : index
        %swap3A_2164 = tpu.vector_load %arg12[%swap3A_2162, %swap3A_2163] {strides = array<i32>} : memref<200x128xf32, #tpu.memory_space<vmem>>, vector<1x16xf32>,
        %swap3A_2165 = vector.shape_cast %swap3A_2164 : vector<1x16xf32> to vector<16xf32>
        %swap3A_2166 = vector.shape_cast %mul3A_2161 : vector<16xf32> to vector<1x16xf32>
        tpu.vector_store %arg12[%swap3A_2162, %swap3A_2163], %swap3A_2166 {strides = array<i32>} : memref<200x128xf32, #tpu.memory_space<vmem>>, vector<1x16xf32>,
        %get3A_2167 = arith.index_cast %add3A_2126 : i32 to index
        %get3A_2168 = arith.constant 64 : index
        %get3A_2169 = tpu.vector_load %arg12[%get3A_2167, %get3A_2168] {strides = array<i32>} : memref<200x128xf32, #tpu.memory_space<vmem>>, vector<1x16xf32>,
        %get3A_2170 = vector.shape_cast %get3A_2169 : vector<1x16xf32> to vector<16xf32>
        %mul3A_2171 = arith.mulf %get3A_2170, %gather3A_2122 : vector<16xf32>
        %swap3A_2172 = arith.index_cast %add3A_2126 : i32 to index
        %swap3A_2173 = arith.constant 64 : index
        %swap3A_2174 = tpu.vector_load %arg12[%swap3A_2172, %swap3A_2173] {strides = array<i32>} : memref<200x128xf32, #tpu.memory_space<vmem>>, vector<1x16xf32>,
        %swap3A_2175 = vector.shape_cast %swap3A_2174 : vector<1x16xf32> to vector<16xf32>
        %swap3A_2176 = vector.shape_cast %mul3A_2171 : vector<16xf32> to vector<1x16xf32>
        tpu.vector_store %arg12[%swap3A_2172, %swap3A_2173], %swap3A_2176 {strides = array<i32>} : memref<200x128xf32, #tpu.memory_space<vmem>>, vector<1x16xf32>,
        %get3A_2177 = arith.index_cast %add3A_2126 : i32 to index
        %get3A_2178 = arith.constant 80 : index
        %get3A_2179 = tpu.vector_load %arg12[%get3A_2177, %get3A_2178] {strides = array<i32>} : memref<200x128xf32, #tpu.memory_space<vmem>>, vector<1x16xf32>,
        %get3A_2180 = vector.shape_cast %get3A_2179 : vector<1x16xf32> to vector<16xf32>
        %mul3A_2181 = arith.mulf %get3A_2180, %gather3A_2122 : vector<16xf32>
        %swap3A_2182 = arith.index_cast %add3A_2126 : i32 to index
        %swap3A_2183 = arith.constant 80 : index
        %swap3A_2184 = tpu.vector_load %arg12[%swap3A_2182, %swap3A_2183] {strides = array<i32>} : memref<200x128xf32, #tpu.memory_space<vmem>>, vector<1x16xf32>,
        %swap3A_2185 = vector.shape_cast %swap3A_2184 : vector<1x16xf32> to vector<16xf32>
        %swap3A_2186 = vector.shape_cast %mul3A_2181 : vector<16xf32> to vector<1x16xf32>
        tpu.vector_store %arg12[%swap3A_2182, %swap3A_2183], %swap3A_2186 {strides = array<i32>} : memref<200x128xf32, #tpu.memory_space<vmem>>, vector<1x16xf32>,
        %get3A_2187 = arith.index_cast %add3A_2126 : i32 to index
        %get3A_2188 = arith.constant 96 : index
        %get3A_2189 = tpu.vector_load %arg12[%get3A_2187, %get3A_2188] {strides = array<i32>} : memref<200x128xf32, #tpu.memory_space<vmem>>, vector<1x16xf32>,
        %get3A_2190 = vector.shape_cast %get3A_2189 : vector<1x16xf32> to vector<16xf32>
        %mul3A_2191 = arith.mulf %get3A_2190, %gather3A_2122 : vector<16xf32>
        %swap3A_2192 = arith.index_cast %add3A_2126 : i32 to index
        %swap3A_2193 = arith.constant 96 : index
        %swap3A_2194 = tpu.vector_load %arg12[%swap3A_2192, %swap3A_2193] {strides = array<i32>} : memref<200x128xf32, #tpu.memory_space<vmem>>, vector<1x16xf32>,
        %swap3A_2195 = vector.shape_cast %swap3A_2194 : vector<1x16xf32> to vector<16xf32>
        %swap3A_2196 = vector.shape_cast %mul3A_2191 : vector<16xf32> to vector<1x16xf32>
        tpu.vector_store %arg12[%swap3A_2192, %swap3A_2193], %swap3A_2196 {strides = array<i32>} : memref<200x128xf32, #tpu.memory_space<vmem>>, vector<1x16xf32>,
        %get3A_2197 = arith.index_cast %add3A_2126 : i32 to index
        %get3A_2198 = arith.constant 112 : index
        %get3A_2199 = tpu.vector_load %arg12[%get3A_2197, %get3A_2198] {strides = array<i32>} : memref<200x128xf32, #tpu.memory_space<vmem>>, vector<1x16xf32>,
        %get3A_2200 = vector.shape_cast %get3A_2199 : vector<1x16xf32> to vector<16xf32>
        %mul3A_2201 = arith.mulf %get3A_2200, %gather3A_2122 : vector<16xf32>
        %swap3A_2202 = arith.index_cast %add3A_2126 : i32 to index
        %swap3A_2203 = arith.constant 112 : index
        %swap3A_2204 = tpu.vector_load %arg12[%swap3A_2202, %swap3A_2203] {strides = array<i32>} : memref<200x128xf32, #tpu.memory_space<vmem>>, vector<1x16xf32>,
        %swap3A_2205 = vector.shape_cast %swap3A_2204 : vector<1x16xf32> to vector<16xf32>
        %swap3A_2206 = vector.shape_cast %mul3A_2201 : vector<16xf32> to vector<1x16xf32>
        tpu.vector_store %arg12[%swap3A_2202, %swap3A_2203], %swap3A_2206 {strides = array<i32>} : memref<200x128xf32, #tpu.memory_space<vmem>>, vector<1x16xf32>,
        %broadcast_in_dim3A_2207 = arith.constant 5 : i32
        %broadcast_in_dim3A_2208 = vector.broadcast %broadcast_in_dim3A_2207 : i32 to vector<16xi32>
        %lt3A_2209 = arith.constant 0 : i32
        %lt3A_2210 = vector.broadcast %lt3A_2209 : i32 to vector<16xi32>
        %lt3A_2211 = arith.cmpi slt, %broadcast_in_dim3A_2208, %lt3A_2210 : vector<16xi32>
        %add3A_2212 = arith.constant 16 : i32
        %add3A_2213 = vector.broadcast %add3A_2212 : i32 to vector<16xi32>
        %add3A_2214 = arith.addi %broadcast_in_dim3A_2208, %add3A_2213 : vector<16xi32>
        %select_n3A_2215 = arith.select %lt3A_2211, %add3A_2214, %broadcast_in_dim3A_2208 : vector<16xi1>, vector<16xi32>
        %broadcast_in_dim3A_2216 = vector.shape_cast %select_n3A_2215 : vector<16xi32> to vector<16x1xi32>
        %gather3A_2217 = vector.shape_cast %broadcast_in_dim3A_2216 : vector<16x1xi32> to vector<16xi32>
        %gather3A_2218 = tpu.dynamic_gather %get3A_1726[%gather3A_2217] in [0] : vector<16xf32>, vector<16xi32> -> vector<16xf32>
        %add3A_2219 = arith.constant 16 : i32
        %add3A_2220 = arith.addi %multiple_of3A_168, %add3A_2219 : i32
        %add3A_2221 = arith.constant 5 : i32
        %add3A_2222 = arith.addi %add3A_2220, %add3A_2221 : i32
        %get3A_2223 = arith.index_cast %add3A_2222 : i32 to index
        %get3A_2224 = arith.constant 0 : index
        %get3A_2225 = tpu.vector_load %arg12[%get3A_2223, %get3A_2224] {strides = array<i32>} : memref<200x128xf32, #tpu.memory_space<vmem>>, vector<1x16xf32>,
        %get3A_2226 = vector.shape_cast %get3A_2225 : vector<1x16xf32> to vector<16xf32>
        %mul3A_2227 = arith.mulf %get3A_2226, %gather3A_2218 : vector<16xf32>
        %swap3A_2228 = arith.index_cast %add3A_2222 : i32 to index
        %swap3A_2229 = arith.constant 0 : index
        %swap3A_2230 = tpu.vector_load %arg12[%swap3A_2228, %swap3A_2229] {strides = array<i32>} : memref<200x128xf32, #tpu.memory_space<vmem>>, vector<1x16xf32>,
        %swap3A_2231 = vector.shape_cast %swap3A_2230 : vector<1x16xf32> to vector<16xf32>
        %swap3A_2232 = vector.shape_cast %mul3A_2227 : vector<16xf32> to vector<1x16xf32>
        tpu.vector_store %arg12[%swap3A_2228, %swap3A_2229], %swap3A_2232 {strides = array<i32>} : memref<200x128xf32, #tpu.memory_space<vmem>>, vector<1x16xf32>,
        %get3A_2233 = arith.index_cast %add3A_2222 : i32 to index
        %get3A_2234 = arith.constant 16 : index
        %get3A_2235 = tpu.vector_load %arg12[%get3A_2233, %get3A_2234] {strides = array<i32>} : memref<200x128xf32, #tpu.memory_space<vmem>>, vector<1x16xf32>,
        %get3A_2236 = vector.shape_cast %get3A_2235 : vector<1x16xf32> to vector<16xf32>
        %mul3A_2237 = arith.mulf %get3A_2236, %gather3A_2218 : vector<16xf32>
        %swap3A_2238 = arith.index_cast %add3A_2222 : i32 to index
        %swap3A_2239 = arith.constant 16 : index
        %swap3A_2240 = tpu.vector_load %arg12[%swap3A_2238, %swap3A_2239] {strides = array<i32>} : memref<200x128xf32, #tpu.memory_space<vmem>>, vector<1x16xf32>,
        %swap3A_2241 = vector.shape_cast %swap3A_2240 : vector<1x16xf32> to vector<16xf32>
        %swap3A_2242 = vector.shape_cast %mul3A_2237 : vector<16xf32> to vector<1x16xf32>
        tpu.vector_store %arg12[%swap3A_2238, %swap3A_2239], %swap3A_2242 {strides = array<i32>} : memref<200x128xf32, #tpu.memory_space<vmem>>, vector<1x16xf32>,
        %get3A_2243 = arith.index_cast %add3A_2222 : i32 to index
        %get3A_2244 = arith.constant 32 : index
        %get3A_2245 = tpu.vector_load %arg12[%get3A_2243, %get3A_2244] {strides = array<i32>} : memref<200x128xf32, #tpu.memory_space<vmem>>, vector<1x16xf32>,
        %get3A_2246 = vector.shape_cast %get3A_2245 : vector<1x16xf32> to vector<16xf32>
        %mul3A_2247 = arith.mulf %get3A_2246, %gather3A_2218 : vector<16xf32>
        %swap3A_2248 = arith.index_cast %add3A_2222 : i32 to index
        %swap3A_2249 = arith.constant 32 : index
        %swap3A_2250 = tpu.vector_load %arg12[%swap3A_2248, %swap3A_2249] {strides = array<i32>} : memref<200x128xf32, #tpu.memory_space<vmem>>, vector<1x16xf32>,
        %swap3A_2251 = vector.shape_cast %swap3A_2250 : vector<1x16xf32> to vector<16xf32>
        %swap3A_2252 = vector.shape_cast %mul3A_2247 : vector<16xf32> to vector<1x16xf32>
        tpu.vector_store %arg12[%swap3A_2248, %swap3A_2249], %swap3A_2252 {strides = array<i32>} : memref<200x128xf32, #tpu.memory_space<vmem>>, vector<1x16xf32>,
        %get3A_2253 = arith.index_cast %add3A_2222 : i32 to index
        %get3A_2254 = arith.constant 48 : index
        %get3A_2255 = tpu.vector_load %arg12[%get3A_2253, %get3A_2254] {strides = array<i32>} : memref<200x128xf32, #tpu.memory_space<vmem>>, vector<1x16xf32>,
        %get3A_2256 = vector.shape_cast %get3A_2255 : vector<1x16xf32> to vector<16xf32>
        %mul3A_2257 = arith.mulf %get3A_2256, %gather3A_2218 : vector<16xf32>
        %swap3A_2258 = arith.index_cast %add3A_2222 : i32 to index
        %swap3A_2259 = arith.constant 48 : index
        %swap3A_2260 = tpu.vector_load %arg12[%swap3A_2258, %swap3A_2259] {strides = array<i32>} : memref<200x128xf32, #tpu.memory_space<vmem>>, vector<1x16xf32>,
        %swap3A_2261 = vector.shape_cast %swap3A_2260 : vector<1x16xf32> to vector<16xf32>
        %swap3A_2262 = vector.shape_cast %mul3A_2257 : vector<16xf32> to vector<1x16xf32>
        tpu.vector_store %arg12[%swap3A_2258, %swap3A_2259], %swap3A_2262 {strides = array<i32>} : memref<200x128xf32, #tpu.memory_space<vmem>>, vector<1x16xf32>,
        %get3A_2263 = arith.index_cast %add3A_2222 : i32 to index
        %get3A_2264 = arith.constant 64 : index
        %get3A_2265 = tpu.vector_load %arg12[%get3A_2263, %get3A_2264] {strides = array<i32>} : memref<200x128xf32, #tpu.memory_space<vmem>>, vector<1x16xf32>,
        %get3A_2266 = vector.shape_cast %get3A_2265 : vector<1x16xf32> to vector<16xf32>
        %mul3A_2267 = arith.mulf %get3A_2266, %gather3A_2218 : vector<16xf32>
        %swap3A_2268 = arith.index_cast %add3A_2222 : i32 to index
        %swap3A_2269 = arith.constant 64 : index
        %swap3A_2270 = tpu.vector_load %arg12[%swap3A_2268, %swap3A_2269] {strides = array<i32>} : memref<200x128xf32, #tpu.memory_space<vmem>>, vector<1x16xf32>,
        %swap3A_2271 = vector.shape_cast %swap3A_2270 : vector<1x16xf32> to vector<16xf32>
        %swap3A_2272 = vector.shape_cast %mul3A_2267 : vector<16xf32> to vector<1x16xf32>
        tpu.vector_store %arg12[%swap3A_2268, %swap3A_2269], %swap3A_2272 {strides = array<i32>} : memref<200x128xf32, #tpu.memory_space<vmem>>, vector<1x16xf32>,
        %get3A_2273 = arith.index_cast %add3A_2222 : i32 to index
        %get3A_2274 = arith.constant 80 : index
        %get3A_2275 = tpu.vector_load %arg12[%get3A_2273, %get3A_2274] {strides = array<i32>} : memref<200x128xf32, #tpu.memory_space<vmem>>, vector<1x16xf32>,
        %get3A_2276 = vector.shape_cast %get3A_2275 : vector<1x16xf32> to vector<16xf32>
        %mul3A_2277 = arith.mulf %get3A_2276, %gather3A_2218 : vector<16xf32>
        %swap3A_2278 = arith.index_cast %add3A_2222 : i32 to index
        %swap3A_2279 = arith.constant 80 : index
        %swap3A_2280 = tpu.vector_load %arg12[%swap3A_2278, %swap3A_2279] {strides = array<i32>} : memref<200x128xf32, #tpu.memory_space<vmem>>, vector<1x16xf32>,
        %swap3A_2281 = vector.shape_cast %swap3A_2280 : vector<1x16xf32> to vector<16xf32>
        %swap3A_2282 = vector.shape_cast %mul3A_2277 : vector<16xf32> to vector<1x16xf32>
        tpu.vector_store %arg12[%swap3A_2278, %swap3A_2279], %swap3A_2282 {strides = array<i32>} : memref<200x128xf32, #tpu.memory_space<vmem>>, vector<1x16xf32>,
        %get3A_2283 = arith.index_cast %add3A_2222 : i32 to index
        %get3A_2284 = arith.constant 96 : index
        %get3A_2285 = tpu.vector_load %arg12[%get3A_2283, %get3A_2284] {strides = array<i32>} : memref<200x128xf32, #tpu.memory_space<vmem>>, vector<1x16xf32>,
        %get3A_2286 = vector.shape_cast %get3A_2285 : vector<1x16xf32> to vector<16xf32>
        %mul3A_2287 = arith.mulf %get3A_2286, %gather3A_2218 : vector<16xf32>
        %swap3A_2288 = arith.index_cast %add3A_2222 : i32 to index
        %swap3A_2289 = arith.constant 96 : index
        %swap3A_2290 = tpu.vector_load %arg12[%swap3A_2288, %swap3A_2289] {strides = array<i32>} : memref<200x128xf32, #tpu.memory_space<vmem>>, vector<1x16xf32>,
        %swap3A_2291 = vector.shape_cast %swap3A_2290 : vector<1x16xf32> to vector<16xf32>
        %swap3A_2292 = vector.shape_cast %mul3A_2287 : vector<16xf32> to vector<1x16xf32>
        tpu.vector_store %arg12[%swap3A_2288, %swap3A_2289], %swap3A_2292 {strides = array<i32>} : memref<200x128xf32, #tpu.memory_space<vmem>>, vector<1x16xf32>,
        %get3A_2293 = arith.index_cast %add3A_2222 : i32 to index
        %get3A_2294 = arith.constant 112 : index
        %get3A_2295 = tpu.vector_load %arg12[%get3A_2293, %get3A_2294] {strides = array<i32>} : memref<200x128xf32, #tpu.memory_space<vmem>>, vector<1x16xf32>,
        %get3A_2296 = vector.shape_cast %get3A_2295 : vector<1x16xf32> to vector<16xf32>
        %mul3A_2297 = arith.mulf %get3A_2296, %gather3A_2218 : vector<16xf32>
        %swap3A_2298 = arith.index_cast %add3A_2222 : i32 to index
        %swap3A_2299 = arith.constant 112 : index
        %swap3A_2300 = tpu.vector_load %arg12[%swap3A_2298, %swap3A_2299] {strides = array<i32>} : memref<200x128xf32, #tpu.memory_space<vmem>>, vector<1x16xf32>,
        %swap3A_2301 = vector.shape_cast %swap3A_2300 : vector<1x16xf32> to vector<16xf32>
        %swap3A_2302 = vector.shape_cast %mul3A_2297 : vector<16xf32> to vector<1x16xf32>
        tpu.vector_store %arg12[%swap3A_2298, %swap3A_2299], %swap3A_2302 {strides = array<i32>} : memref<200x128xf32, #tpu.memory_space<vmem>>, vector<1x16xf32>,
        %broadcast_in_dim3A_2303 = arith.constant 6 : i32
        %broadcast_in_dim3A_2304 = vector.broadcast %broadcast_in_dim3A_2303 : i32 to vector<16xi32>
        %lt3A_2305 = arith.constant 0 : i32
        %lt3A_2306 = vector.broadcast %lt3A_2305 : i32 to vector<16xi32>
        %lt3A_2307 = arith.cmpi slt, %broadcast_in_dim3A_2304, %lt3A_2306 : vector<16xi32>
        %add3A_2308 = arith.constant 16 : i32
        %add3A_2309 = vector.broadcast %add3A_2308 : i32 to vector<16xi32>
        %add3A_2310 = arith.addi %broadcast_in_dim3A_2304, %add3A_2309 : vector<16xi32>
        %select_n3A_2311 = arith.select %lt3A_2307, %add3A_2310, %broadcast_in_dim3A_2304 : vector<16xi1>, vector<16xi32>
        %broadcast_in_dim3A_2312 = vector.shape_cast %select_n3A_2311 : vector<16xi32> to vector<16x1xi32>
        %gather3A_2313 = vector.shape_cast %broadcast_in_dim3A_2312 : vector<16x1xi32> to vector<16xi32>
        %gather3A_2314 = tpu.dynamic_gather %get3A_1726[%gather3A_2313] in [0] : vector<16xf32>, vector<16xi32> -> vector<16xf32>
        %add3A_2315 = arith.constant 16 : i32
        %add3A_2316 = arith.addi %multiple_of3A_168, %add3A_2315 : i32
        %add3A_2317 = arith.constant 6 : i32
        %add3A_2318 = arith.addi %add3A_2316, %add3A_2317 : i32
        %get3A_2319 = arith.index_cast %add3A_2318 : i32 to index
        %get3A_2320 = arith.constant 0 : index
        %get3A_2321 = tpu.vector_load %arg12[%get3A_2319, %get3A_2320] {strides = array<i32>} : memref<200x128xf32, #tpu.memory_space<vmem>>, vector<1x16xf32>,
        %get3A_2322 = vector.shape_cast %get3A_2321 : vector<1x16xf32> to vector<16xf32>
        %mul3A_2323 = arith.mulf %get3A_2322, %gather3A_2314 : vector<16xf32>
        %swap3A_2324 = arith.index_cast %add3A_2318 : i32 to index
        %swap3A_2325 = arith.constant 0 : index
        %swap3A_2326 = tpu.vector_load %arg12[%swap3A_2324, %swap3A_2325] {strides = array<i32>} : memref<200x128xf32, #tpu.memory_space<vmem>>, vector<1x16xf32>,
        %swap3A_2327 = vector.shape_cast %swap3A_2326 : vector<1x16xf32> to vector<16xf32>
        %swap3A_2328 = vector.shape_cast %mul3A_2323 : vector<16xf32> to vector<1x16xf32>
        tpu.vector_store %arg12[%swap3A_2324, %swap3A_2325], %swap3A_2328 {strides = array<i32>} : memref<200x128xf32, #tpu.memory_space<vmem>>, vector<1x16xf32>,
        %get3A_2329 = arith.index_cast %add3A_2318 : i32 to index
        %get3A_2330 = arith.constant 16 : index
        %get3A_2331 = tpu.vector_load %arg12[%get3A_2329, %get3A_2330] {strides = array<i32>} : memref<200x128xf32, #tpu.memory_space<vmem>>, vector<1x16xf32>,
        %get3A_2332 = vector.shape_cast %get3A_2331 : vector<1x16xf32> to vector<16xf32>
        %mul3A_2333 = arith.mulf %get3A_2332, %gather3A_2314 : vector<16xf32>
        %swap3A_2334 = arith.index_cast %add3A_2318 : i32 to index
        %swap3A_2335 = arith.constant 16 : index
        %swap3A_2336 = tpu.vector_load %arg12[%swap3A_2334, %swap3A_2335] {strides = array<i32>} : memref<200x128xf32, #tpu.memory_space<vmem>>, vector<1x16xf32>,
        %swap3A_2337 = vector.shape_cast %swap3A_2336 : vector<1x16xf32> to vector<16xf32>
        %swap3A_2338 = vector.shape_cast %mul3A_2333 : vector<16xf32> to vector<1x16xf32>
        tpu.vector_store %arg12[%swap3A_2334, %swap3A_2335], %swap3A_2338 {strides = array<i32>} : memref<200x128xf32, #tpu.memory_space<vmem>>, vector<1x16xf32>,
        %get3A_2339 = arith.index_cast %add3A_2318 : i32 to index
        %get3A_2340 = arith.constant 32 : index
        %get3A_2341 = tpu.vector_load %arg12[%get3A_2339, %get3A_2340] {strides = array<i32>} : memref<200x128xf32, #tpu.memory_space<vmem>>, vector<1x16xf32>,
        %get3A_2342 = vector.shape_cast %get3A_2341 : vector<1x16xf32> to vector<16xf32>
        %mul3A_2343 = arith.mulf %get3A_2342, %gather3A_2314 : vector<16xf32>
        %swap3A_2344 = arith.index_cast %add3A_2318 : i32 to index
        %swap3A_2345 = arith.constant 32 : index
        %swap3A_2346 = tpu.vector_load %arg12[%swap3A_2344, %swap3A_2345] {strides = array<i32>} : memref<200x128xf32, #tpu.memory_space<vmem>>, vector<1x16xf32>,
        %swap3A_2347 = vector.shape_cast %swap3A_2346 : vector<1x16xf32> to vector<16xf32>
        %swap3A_2348 = vector.shape_cast %mul3A_2343 : vector<16xf32> to vector<1x16xf32>
        tpu.vector_store %arg12[%swap3A_2344, %swap3A_2345], %swap3A_2348 {strides = array<i32>} : memref<200x128xf32, #tpu.memory_space<vmem>>, vector<1x16xf32>,
        %get3A_2349 = arith.index_cast %add3A_2318 : i32 to index
        %get3A_2350 = arith.constant 48 : index
        %get3A_2351 = tpu.vector_load %arg12[%get3A_2349, %get3A_2350] {strides = array<i32>} : memref<200x128xf32, #tpu.memory_space<vmem>>, vector<1x16xf32>,
        %get3A_2352 = vector.shape_cast %get3A_2351 : vector<1x16xf32> to vector<16xf32>
        %mul3A_2353 = arith.mulf %get3A_2352, %gather3A_2314 : vector<16xf32>
        %swap3A_2354 = arith.index_cast %add3A_2318 : i32 to index
        %swap3A_2355 = arith.constant 48 : index
        %swap3A_2356 = tpu.vector_load %arg12[%swap3A_2354, %swap3A_2355] {strides = array<i32>} : memref<200x128xf32, #tpu.memory_space<vmem>>, vector<1x16xf32>,
        %swap3A_2357 = vector.shape_cast %swap3A_2356 : vector<1x16xf32> to vector<16xf32>
        %swap3A_2358 = vector.shape_cast %mul3A_2353 : vector<16xf32> to vector<1x16xf32>
        tpu.vector_store %arg12[%swap3A_2354, %swap3A_2355], %swap3A_2358 {strides = array<i32>} : memref<200x128xf32, #tpu.memory_space<vmem>>, vector<1x16xf32>,
        %get3A_2359 = arith.index_cast %add3A_2318 : i32 to index
        %get3A_2360 = arith.constant 64 : index
        %get3A_2361 = tpu.vector_load %arg12[%get3A_2359, %get3A_2360] {strides = array<i32>} : memref<200x128xf32, #tpu.memory_space<vmem>>, vector<1x16xf32>,
        %get3A_2362 = vector.shape_cast %get3A_2361 : vector<1x16xf32> to vector<16xf32>
        %mul3A_2363 = arith.mulf %get3A_2362, %gather3A_2314 : vector<16xf32>
        %swap3A_2364 = arith.index_cast %add3A_2318 : i32 to index
        %swap3A_2365 = arith.constant 64 : index
        %swap3A_2366 = tpu.vector_load %arg12[%swap3A_2364, %swap3A_2365] {strides = array<i32>} : memref<200x128xf32, #tpu.memory_space<vmem>>, vector<1x16xf32>,
        %swap3A_2367 = vector.shape_cast %swap3A_2366 : vector<1x16xf32> to vector<16xf32>
        %swap3A_2368 = vector.shape_cast %mul3A_2363 : vector<16xf32> to vector<1x16xf32>
        tpu.vector_store %arg12[%swap3A_2364, %swap3A_2365], %swap3A_2368 {strides = array<i32>} : memref<200x128xf32, #tpu.memory_space<vmem>>, vector<1x16xf32>,
        %get3A_2369 = arith.index_cast %add3A_2318 : i32 to index
        %get3A_2370 = arith.constant 80 : index
        %get3A_2371 = tpu.vector_load %arg12[%get3A_2369, %get3A_2370] {strides = array<i32>} : memref<200x128xf32, #tpu.memory_space<vmem>>, vector<1x16xf32>,
        %get3A_2372 = vector.shape_cast %get3A_2371 : vector<1x16xf32> to vector<16xf32>
        %mul3A_2373 = arith.mulf %get3A_2372, %gather3A_2314 : vector<16xf32>
        %swap3A_2374 = arith.index_cast %add3A_2318 : i32 to index
        %swap3A_2375 = arith.constant 80 : index
        %swap3A_2376 = tpu.vector_load %arg12[%swap3A_2374, %swap3A_2375] {strides = array<i32>} : memref<200x128xf32, #tpu.memory_space<vmem>>, vector<1x16xf32>,
        %swap3A_2377 = vector.shape_cast %swap3A_2376 : vector<1x16xf32> to vector<16xf32>
        %swap3A_2378 = vector.shape_cast %mul3A_2373 : vector<16xf32> to vector<1x16xf32>
        tpu.vector_store %arg12[%swap3A_2374, %swap3A_2375], %swap3A_2378 {strides = array<i32>} : memref<200x128xf32, #tpu.memory_space<vmem>>, vector<1x16xf32>,
        %get3A_2379 = arith.index_cast %add3A_2318 : i32 to index
        %get3A_2380 = arith.constant 96 : index
        %get3A_2381 = tpu.vector_load %arg12[%get3A_2379, %get3A_2380] {strides = array<i32>} : memref<200x128xf32, #tpu.memory_space<vmem>>, vector<1x16xf32>,
        %get3A_2382 = vector.shape_cast %get3A_2381 : vector<1x16xf32> to vector<16xf32>
        %mul3A_2383 = arith.mulf %get3A_2382, %gather3A_2314 : vector<16xf32>
        %swap3A_2384 = arith.index_cast %add3A_2318 : i32 to index
        %swap3A_2385 = arith.constant 96 : index
        %swap3A_2386 = tpu.vector_load %arg12[%swap3A_2384, %swap3A_2385] {strides = array<i32>} : memref<200x128xf32, #tpu.memory_space<vmem>>, vector<1x16xf32>,
        %swap3A_2387 = vector.shape_cast %swap3A_2386 : vector<1x16xf32> to vector<16xf32>
        %swap3A_2388 = vector.shape_cast %mul3A_2383 : vector<16xf32> to vector<1x16xf32>
        tpu.vector_store %arg12[%swap3A_2384, %swap3A_2385], %swap3A_2388 {strides = array<i32>} : memref<200x128xf32, #tpu.memory_space<vmem>>, vector<1x16xf32>,
        %get3A_2389 = arith.index_cast %add3A_2318 : i32 to index
        %get3A_2390 = arith.constant 112 : index
        %get3A_2391 = tpu.vector_load %arg12[%get3A_2389, %get3A_2390] {strides = array<i32>} : memref<200x128xf32, #tpu.memory_space<vmem>>, vector<1x16xf32>,
        %get3A_2392 = vector.shape_cast %get3A_2391 : vector<1x16xf32> to vector<16xf32>
        %mul3A_2393 = arith.mulf %get3A_2392, %gather3A_2314 : vector<16xf32>
        %swap3A_2394 = arith.index_cast %add3A_2318 : i32 to index
        %swap3A_2395 = arith.constant 112 : index
        %swap3A_2396 = tpu.vector_load %arg12[%swap3A_2394, %swap3A_2395] {strides = array<i32>} : memref<200x128xf32, #tpu.memory_space<vmem>>, vector<1x16xf32>,
        %swap3A_2397 = vector.shape_cast %swap3A_2396 : vector<1x16xf32> to vector<16xf32>
        %swap3A_2398 = vector.shape_cast %mul3A_2393 : vector<16xf32> to vector<1x16xf32>
        tpu.vector_store %arg12[%swap3A_2394, %swap3A_2395], %swap3A_2398 {strides = array<i32>} : memref<200x128xf32, #tpu.memory_space<vmem>>, vector<1x16xf32>,
        %broadcast_in_dim3A_2399 = arith.constant 7 : i32
        %broadcast_in_dim3A_2400 = vector.broadcast %broadcast_in_dim3A_2399 : i32 to vector<16xi32>
        %lt3A_2401 = arith.constant 0 : i32
        %lt3A_2402 = vector.broadcast %lt3A_2401 : i32 to vector<16xi32>
        %lt3A_2403 = arith.cmpi slt, %broadcast_in_dim3A_2400, %lt3A_2402 : vector<16xi32>
        %add3A_2404 = arith.constant 16 : i32
        %add3A_2405 = vector.broadcast %add3A_2404 : i32 to vector<16xi32>
        %add3A_2406 = arith.addi %broadcast_in_dim3A_2400, %add3A_2405 : vector<16xi32>
        %select_n3A_2407 = arith.select %lt3A_2403, %add3A_2406, %broadcast_in_dim3A_2400 : vector<16xi1>, vector<16xi32>
        %broadcast_in_dim3A_2408 = vector.shape_cast %select_n3A_2407 : vector<16xi32> to vector<16x1xi32>
        %gather3A_2409 = vector.shape_cast %broadcast_in_dim3A_2408 : vector<16x1xi32> to vector<16xi32>
        %gather3A_2410 = tpu.dynamic_gather %get3A_1726[%gather3A_2409] in [0] : vector<16xf32>, vector<16xi32> -> vector<16xf32>
        %add3A_2411 = arith.constant 16 : i32
        %add3A_2412 = arith.addi %multiple_of3A_168, %add3A_2411 : i32
        %add3A_2413 = arith.constant 7 : i32
        %add3A_2414 = arith.addi %add3A_2412, %add3A_2413 : i32
        %get3A_2415 = arith.index_cast %add3A_2414 : i32 to index
        %get3A_2416 = arith.constant 0 : index
        %get3A_2417 = tpu.vector_load %arg12[%get3A_2415, %get3A_2416] {strides = array<i32>} : memref<200x128xf32, #tpu.memory_space<vmem>>, vector<1x16xf32>,
        %get3A_2418 = vector.shape_cast %get3A_2417 : vector<1x16xf32> to vector<16xf32>
        %mul3A_2419 = arith.mulf %get3A_2418, %gather3A_2410 : vector<16xf32>
        %swap3A_2420 = arith.index_cast %add3A_2414 : i32 to index
        %swap3A_2421 = arith.constant 0 : index
        %swap3A_2422 = tpu.vector_load %arg12[%swap3A_2420, %swap3A_2421] {strides = array<i32>} : memref<200x128xf32, #tpu.memory_space<vmem>>, vector<1x16xf32>,
        %swap3A_2423 = vector.shape_cast %swap3A_2422 : vector<1x16xf32> to vector<16xf32>
        %swap3A_2424 = vector.shape_cast %mul3A_2419 : vector<16xf32> to vector<1x16xf32>
        tpu.vector_store %arg12[%swap3A_2420, %swap3A_2421], %swap3A_2424 {strides = array<i32>} : memref<200x128xf32, #tpu.memory_space<vmem>>, vector<1x16xf32>,
        %get3A_2425 = arith.index_cast %add3A_2414 : i32 to index
        %get3A_2426 = arith.constant 16 : index
        %get3A_2427 = tpu.vector_load %arg12[%get3A_2425, %get3A_2426] {strides = array<i32>} : memref<200x128xf32, #tpu.memory_space<vmem>>, vector<1x16xf32>,
        %get3A_2428 = vector.shape_cast %get3A_2427 : vector<1x16xf32> to vector<16xf32>
        %mul3A_2429 = arith.mulf %get3A_2428, %gather3A_2410 : vector<16xf32>
        %swap3A_2430 = arith.index_cast %add3A_2414 : i32 to index
        %swap3A_2431 = arith.constant 16 : index
        %swap3A_2432 = tpu.vector_load %arg12[%swap3A_2430, %swap3A_2431] {strides = array<i32>} : memref<200x128xf32, #tpu.memory_space<vmem>>, vector<1x16xf32>,
        %swap3A_2433 = vector.shape_cast %swap3A_2432 : vector<1x16xf32> to vector<16xf32>
        %swap3A_2434 = vector.shape_cast %mul3A_2429 : vector<16xf32> to vector<1x16xf32>
        tpu.vector_store %arg12[%swap3A_2430, %swap3A_2431], %swap3A_2434 {strides = array<i32>} : memref<200x128xf32, #tpu.memory_space<vmem>>, vector<1x16xf32>,
        %get3A_2435 = arith.index_cast %add3A_2414 : i32 to index
        %get3A_2436 = arith.constant 32 : index
        %get3A_2437 = tpu.vector_load %arg12[%get3A_2435, %get3A_2436] {strides = array<i32>} : memref<200x128xf32, #tpu.memory_space<vmem>>, vector<1x16xf32>,
        %get3A_2438 = vector.shape_cast %get3A_2437 : vector<1x16xf32> to vector<16xf32>
        %mul3A_2439 = arith.mulf %get3A_2438, %gather3A_2410 : vector<16xf32>
        %swap3A_2440 = arith.index_cast %add3A_2414 : i32 to index
        %swap3A_2441 = arith.constant 32 : index
        %swap3A_2442 = tpu.vector_load %arg12[%swap3A_2440, %swap3A_2441] {strides = array<i32>} : memref<200x128xf32, #tpu.memory_space<vmem>>, vector<1x16xf32>,
        %swap3A_2443 = vector.shape_cast %swap3A_2442 : vector<1x16xf32> to vector<16xf32>
        %swap3A_2444 = vector.shape_cast %mul3A_2439 : vector<16xf32> to vector<1x16xf32>
        tpu.vector_store %arg12[%swap3A_2440, %swap3A_2441], %swap3A_2444 {strides = array<i32>} : memref<200x128xf32, #tpu.memory_space<vmem>>, vector<1x16xf32>,
        %get3A_2445 = arith.index_cast %add3A_2414 : i32 to index
        %get3A_2446 = arith.constant 48 : index
        %get3A_2447 = tpu.vector_load %arg12[%get3A_2445, %get3A_2446] {strides = array<i32>} : memref<200x128xf32, #tpu.memory_space<vmem>>, vector<1x16xf32>,
        %get3A_2448 = vector.shape_cast %get3A_2447 : vector<1x16xf32> to vector<16xf32>
        %mul3A_2449 = arith.mulf %get3A_2448, %gather3A_2410 : vector<16xf32>
        %swap3A_2450 = arith.index_cast %add3A_2414 : i32 to index
        %swap3A_2451 = arith.constant 48 : index
        %swap3A_2452 = tpu.vector_load %arg12[%swap3A_2450, %swap3A_2451] {strides = array<i32>} : memref<200x128xf32, #tpu.memory_space<vmem>>, vector<1x16xf32>,
        %swap3A_2453 = vector.shape_cast %swap3A_2452 : vector<1x16xf32> to vector<16xf32>
        %swap3A_2454 = vector.shape_cast %mul3A_2449 : vector<16xf32> to vector<1x16xf32>
        tpu.vector_store %arg12[%swap3A_2450, %swap3A_2451], %swap3A_2454 {strides = array<i32>} : memref<200x128xf32, #tpu.memory_space<vmem>>, vector<1x16xf32>,
        %get3A_2455 = arith.index_cast %add3A_2414 : i32 to index
        %get3A_2456 = arith.constant 64 : index
        %get3A_2457 = tpu.vector_load %arg12[%get3A_2455, %get3A_2456] {strides = array<i32>} : memref<200x128xf32, #tpu.memory_space<vmem>>, vector<1x16xf32>,
        %get3A_2458 = vector.shape_cast %get3A_2457 : vector<1x16xf32> to vector<16xf32>
        %mul3A_2459 = arith.mulf %get3A_2458, %gather3A_2410 : vector<16xf32>
        %swap3A_2460 = arith.index_cast %add3A_2414 : i32 to index
        %swap3A_2461 = arith.constant 64 : index
        %swap3A_2462 = tpu.vector_load %arg12[%swap3A_2460, %swap3A_2461] {strides = array<i32>} : memref<200x128xf32, #tpu.memory_space<vmem>>, vector<1x16xf32>,
        %swap3A_2463 = vector.shape_cast %swap3A_2462 : vector<1x16xf32> to vector<16xf32>
        %swap3A_2464 = vector.shape_cast %mul3A_2459 : vector<16xf32> to vector<1x16xf32>
        tpu.vector_store %arg12[%swap3A_2460, %swap3A_2461], %swap3A_2464 {strides = array<i32>} : memref<200x128xf32, #tpu.memory_space<vmem>>, vector<1x16xf32>,
        %get3A_2465 = arith.index_cast %add3A_2414 : i32 to index
        %get3A_2466 = arith.constant 80 : index
        %get3A_2467 = tpu.vector_load %arg12[%get3A_2465, %get3A_2466] {strides = array<i32>} : memref<200x128xf32, #tpu.memory_space<vmem>>, vector<1x16xf32>,
        %get3A_2468 = vector.shape_cast %get3A_2467 : vector<1x16xf32> to vector<16xf32>
        %mul3A_2469 = arith.mulf %get3A_2468, %gather3A_2410 : vector<16xf32>
        %swap3A_2470 = arith.index_cast %add3A_2414 : i32 to index
        %swap3A_2471 = arith.constant 80 : index
        %swap3A_2472 = tpu.vector_load %arg12[%swap3A_2470, %swap3A_2471] {strides = array<i32>} : memref<200x128xf32, #tpu.memory_space<vmem>>, vector<1x16xf32>,
        %swap3A_2473 = vector.shape_cast %swap3A_2472 : vector<1x16xf32> to vector<16xf32>
        %swap3A_2474 = vector.shape_cast %mul3A_2469 : vector<16xf32> to vector<1x16xf32>
        tpu.vector_store %arg12[%swap3A_2470, %swap3A_2471], %swap3A_2474 {strides = array<i32>} : memref<200x128xf32, #tpu.memory_space<vmem>>, vector<1x16xf32>,
        %get3A_2475 = arith.index_cast %add3A_2414 : i32 to index
        %get3A_2476 = arith.constant 96 : index
        %get3A_2477 = tpu.vector_load %arg12[%get3A_2475, %get3A_2476] {strides = array<i32>} : memref<200x128xf32, #tpu.memory_space<vmem>>, vector<1x16xf32>,
        %get3A_2478 = vector.shape_cast %get3A_2477 : vector<1x16xf32> to vector<16xf32>
        %mul3A_2479 = arith.mulf %get3A_2478, %gather3A_2410 : vector<16xf32>
        %swap3A_2480 = arith.index_cast %add3A_2414 : i32 to index
        %swap3A_2481 = arith.constant 96 : index
        %swap3A_2482 = tpu.vector_load %arg12[%swap3A_2480, %swap3A_2481] {strides = array<i32>} : memref<200x128xf32, #tpu.memory_space<vmem>>, vector<1x16xf32>,
        %swap3A_2483 = vector.shape_cast %swap3A_2482 : vector<1x16xf32> to vector<16xf32>
        %swap3A_2484 = vector.shape_cast %mul3A_2479 : vector<16xf32> to vector<1x16xf32>
        tpu.vector_store %arg12[%swap3A_2480, %swap3A_2481], %swap3A_2484 {strides = array<i32>} : memref<200x128xf32, #tpu.memory_space<vmem>>, vector<1x16xf32>,
        %get3A_2485 = arith.index_cast %add3A_2414 : i32 to index
        %get3A_2486 = arith.constant 112 : index
        %get3A_2487 = tpu.vector_load %arg12[%get3A_2485, %get3A_2486] {strides = array<i32>} : memref<200x128xf32, #tpu.memory_space<vmem>>, vector<1x16xf32>,
        %get3A_2488 = vector.shape_cast %get3A_2487 : vector<1x16xf32> to vector<16xf32>
        %mul3A_2489 = arith.mulf %get3A_2488, %gather3A_2410 : vector<16xf32>
        %swap3A_2490 = arith.index_cast %add3A_2414 : i32 to index
        %swap3A_2491 = arith.constant 112 : index
        %swap3A_2492 = tpu.vector_load %arg12[%swap3A_2490, %swap3A_2491] {strides = array<i32>} : memref<200x128xf32, #tpu.memory_space<vmem>>, vector<1x16xf32>,
        %swap3A_2493 = vector.shape_cast %swap3A_2492 : vector<1x16xf32> to vector<16xf32>
        %swap3A_2494 = vector.shape_cast %mul3A_2489 : vector<16xf32> to vector<1x16xf32>
        tpu.vector_store %arg12[%swap3A_2490, %swap3A_2491], %swap3A_2494 {strides = array<i32>} : memref<200x128xf32, #tpu.memory_space<vmem>>, vector<1x16xf32>,
        %broadcast_in_dim3A_2495 = arith.constant 8 : i32
        %broadcast_in_dim3A_2496 = vector.broadcast %broadcast_in_dim3A_2495 : i32 to vector<16xi32>
        %lt3A_2497 = arith.constant 0 : i32
        %lt3A_2498 = vector.broadcast %lt3A_2497 : i32 to vector<16xi32>
        %lt3A_2499 = arith.cmpi slt, %broadcast_in_dim3A_2496, %lt3A_2498 : vector<16xi32>
        %add3A_2500 = arith.constant 16 : i32
        %add3A_2501 = vector.broadcast %add3A_2500 : i32 to vector<16xi32>
        %add3A_2502 = arith.addi %broadcast_in_dim3A_2496, %add3A_2501 : vector<16xi32>
        %select_n3A_2503 = arith.select %lt3A_2499, %add3A_2502, %broadcast_in_dim3A_2496 : vector<16xi1>, vector<16xi32>
        %broadcast_in_dim3A_2504 = vector.shape_cast %select_n3A_2503 : vector<16xi32> to vector<16x1xi32>
        %gather3A_2505 = vector.shape_cast %broadcast_in_dim3A_2504 : vector<16x1xi32> to vector<16xi32>
        %gather3A_2506 = tpu.dynamic_gather %get3A_1726[%gather3A_2505] in [0] : vector<16xf32>, vector<16xi32> -> vector<16xf32>
        %add3A_2507 = arith.constant 16 : i32
        %add3A_2508 = arith.addi %multiple_of3A_168, %add3A_2507 : i32
        %add3A_2509 = arith.constant 8 : i32
        %add3A_2510 = arith.addi %add3A_2508, %add3A_2509 : i32
        %get3A_2511 = arith.index_cast %add3A_2510 : i32 to index
        %get3A_2512 = arith.constant 0 : index
        %get3A_2513 = tpu.vector_load %arg12[%get3A_2511, %get3A_2512] {strides = array<i32>} : memref<200x128xf32, #tpu.memory_space<vmem>>, vector<1x16xf32>,
        %get3A_2514 = vector.shape_cast %get3A_2513 : vector<1x16xf32> to vector<16xf32>
        %mul3A_2515 = arith.mulf %get3A_2514, %gather3A_2506 : vector<16xf32>
        %swap3A_2516 = arith.index_cast %add3A_2510 : i32 to index
        %swap3A_2517 = arith.constant 0 : index
        %swap3A_2518 = tpu.vector_load %arg12[%swap3A_2516, %swap3A_2517] {strides = array<i32>} : memref<200x128xf32, #tpu.memory_space<vmem>>, vector<1x16xf32>,
        %swap3A_2519 = vector.shape_cast %swap3A_2518 : vector<1x16xf32> to vector<16xf32>
        %swap3A_2520 = vector.shape_cast %mul3A_2515 : vector<16xf32> to vector<1x16xf32>
        tpu.vector_store %arg12[%swap3A_2516, %swap3A_2517], %swap3A_2520 {strides = array<i32>} : memref<200x128xf32, #tpu.memory_space<vmem>>, vector<1x16xf32>,
        %get3A_2521 = arith.index_cast %add3A_2510 : i32 to index
        %get3A_2522 = arith.constant 16 : index
        %get3A_2523 = tpu.vector_load %arg12[%get3A_2521, %get3A_2522] {strides = array<i32>} : memref<200x128xf32, #tpu.memory_space<vmem>>, vector<1x16xf32>,
        %get3A_2524 = vector.shape_cast %get3A_2523 : vector<1x16xf32> to vector<16xf32>
        %mul3A_2525 = arith.mulf %get3A_2524, %gather3A_2506 : vector<16xf32>
        %swap3A_2526 = arith.index_cast %add3A_2510 : i32 to index
        %swap3A_2527 = arith.constant 16 : index
        %swap3A_2528 = tpu.vector_load %arg12[%swap3A_2526, %swap3A_2527] {strides = array<i32>} : memref<200x128xf32, #tpu.memory_space<vmem>>, vector<1x16xf32>,
        %swap3A_2529 = vector.shape_cast %swap3A_2528 : vector<1x16xf32> to vector<16xf32>
        %swap3A_2530 = vector.shape_cast %mul3A_2525 : vector<16xf32> to vector<1x16xf32>
        tpu.vector_store %arg12[%swap3A_2526, %swap3A_2527], %swap3A_2530 {strides = array<i32>} : memref<200x128xf32, #tpu.memory_space<vmem>>, vector<1x16xf32>,
        %get3A_2531 = arith.index_cast %add3A_2510 : i32 to index
        %get3A_2532 = arith.constant 32 : index
        %get3A_2533 = tpu.vector_load %arg12[%get3A_2531, %get3A_2532] {strides = array<i32>} : memref<200x128xf32, #tpu.memory_space<vmem>>, vector<1x16xf32>,
        %get3A_2534 = vector.shape_cast %get3A_2533 : vector<1x16xf32> to vector<16xf32>
        %mul3A_2535 = arith.mulf %get3A_2534, %gather3A_2506 : vector<16xf32>
        %swap3A_2536 = arith.index_cast %add3A_2510 : i32 to index
        %swap3A_2537 = arith.constant 32 : index
        %swap3A_2538 = tpu.vector_load %arg12[%swap3A_2536, %swap3A_2537] {strides = array<i32>} : memref<200x128xf32, #tpu.memory_space<vmem>>, vector<1x16xf32>,
        %swap3A_2539 = vector.shape_cast %swap3A_2538 : vector<1x16xf32> to vector<16xf32>
        %swap3A_2540 = vector.shape_cast %mul3A_2535 : vector<16xf32> to vector<1x16xf32>
        tpu.vector_store %arg12[%swap3A_2536, %swap3A_2537], %swap3A_2540 {strides = array<i32>} : memref<200x128xf32, #tpu.memory_space<vmem>>, vector<1x16xf32>,
        %get3A_2541 = arith.index_cast %add3A_2510 : i32 to index
        %get3A_2542 = arith.constant 48 : index
        %get3A_2543 = tpu.vector_load %arg12[%get3A_2541, %get3A_2542] {strides = array<i32>} : memref<200x128xf32, #tpu.memory_space<vmem>>, vector<1x16xf32>,
        %get3A_2544 = vector.shape_cast %get3A_2543 : vector<1x16xf32> to vector<16xf32>
        %mul3A_2545 = arith.mulf %get3A_2544, %gather3A_2506 : vector<16xf32>
        %swap3A_2546 = arith.index_cast %add3A_2510 : i32 to index
        %swap3A_2547 = arith.constant 48 : index
        %swap3A_2548 = tpu.vector_load %arg12[%swap3A_2546, %swap3A_2547] {strides = array<i32>} : memref<200x128xf32, #tpu.memory_space<vmem>>, vector<1x16xf32>,
        %swap3A_2549 = vector.shape_cast %swap3A_2548 : vector<1x16xf32> to vector<16xf32>
        %swap3A_2550 = vector.shape_cast %mul3A_2545 : vector<16xf32> to vector<1x16xf32>
        tpu.vector_store %arg12[%swap3A_2546, %swap3A_2547], %swap3A_2550 {strides = array<i32>} : memref<200x128xf32, #tpu.memory_space<vmem>>, vector<1x16xf32>,
        %get3A_2551 = arith.index_cast %add3A_2510 : i32 to index
        %get3A_2552 = arith.constant 64 : index
        %get3A_2553 = tpu.vector_load %arg12[%get3A_2551, %get3A_2552] {strides = array<i32>} : memref<200x128xf32, #tpu.memory_space<vmem>>, vector<1x16xf32>,
        %get3A_2554 = vector.shape_cast %get3A_2553 : vector<1x16xf32> to vector<16xf32>
        %mul3A_2555 = arith.mulf %get3A_2554, %gather3A_2506 : vector<16xf32>
        %swap3A_2556 = arith.index_cast %add3A_2510 : i32 to index
        %swap3A_2557 = arith.constant 64 : index
        %swap3A_2558 = tpu.vector_load %arg12[%swap3A_2556, %swap3A_2557] {strides = array<i32>} : memref<200x128xf32, #tpu.memory_space<vmem>>, vector<1x16xf32>,
        %swap3A_2559 = vector.shape_cast %swap3A_2558 : vector<1x16xf32> to vector<16xf32>
        %swap3A_2560 = vector.shape_cast %mul3A_2555 : vector<16xf32> to vector<1x16xf32>
        tpu.vector_store %arg12[%swap3A_2556, %swap3A_2557], %swap3A_2560 {strides = array<i32>} : memref<200x128xf32, #tpu.memory_space<vmem>>, vector<1x16xf32>,
        %get3A_2561 = arith.index_cast %add3A_2510 : i32 to index
        %get3A_2562 = arith.constant 80 : index
        %get3A_2563 = tpu.vector_load %arg12[%get3A_2561, %get3A_2562] {strides = array<i32>} : memref<200x128xf32, #tpu.memory_space<vmem>>, vector<1x16xf32>,
        %get3A_2564 = vector.shape_cast %get3A_2563 : vector<1x16xf32> to vector<16xf32>
        %mul3A_2565 = arith.mulf %get3A_2564, %gather3A_2506 : vector<16xf32>
        %swap3A_2566 = arith.index_cast %add3A_2510 : i32 to index
        %swap3A_2567 = arith.constant 80 : index
        %swap3A_2568 = tpu.vector_load %arg12[%swap3A_2566, %swap3A_2567] {strides = array<i32>} : memref<200x128xf32, #tpu.memory_space<vmem>>, vector<1x16xf32>,
        %swap3A_2569 = vector.shape_cast %swap3A_2568 : vector<1x16xf32> to vector<16xf32>
        %swap3A_2570 = vector.shape_cast %mul3A_2565 : vector<16xf32> to vector<1x16xf32>
        tpu.vector_store %arg12[%swap3A_2566, %swap3A_2567], %swap3A_2570 {strides = array<i32>} : memref<200x128xf32, #tpu.memory_space<vmem>>, vector<1x16xf32>,
        %get3A_2571 = arith.index_cast %add3A_2510 : i32 to index
        %get3A_2572 = arith.constant 96 : index
        %get3A_2573 = tpu.vector_load %arg12[%get3A_2571, %get3A_2572] {strides = array<i32>} : memref<200x128xf32, #tpu.memory_space<vmem>>, vector<1x16xf32>,
        %get3A_2574 = vector.shape_cast %get3A_2573 : vector<1x16xf32> to vector<16xf32>
        %mul3A_2575 = arith.mulf %get3A_2574, %gather3A_2506 : vector<16xf32>
        %swap3A_2576 = arith.index_cast %add3A_2510 : i32 to index
        %swap3A_2577 = arith.constant 96 : index
        %swap3A_2578 = tpu.vector_load %arg12[%swap3A_2576, %swap3A_2577] {strides = array<i32>} : memref<200x128xf32, #tpu.memory_space<vmem>>, vector<1x16xf32>,
        %swap3A_2579 = vector.shape_cast %swap3A_2578 : vector<1x16xf32> to vector<16xf32>
        %swap3A_2580 = vector.shape_cast %mul3A_2575 : vector<16xf32> to vector<1x16xf32>
        tpu.vector_store %arg12[%swap3A_2576, %swap3A_2577], %swap3A_2580 {strides = array<i32>} : memref<200x128xf32, #tpu.memory_space<vmem>>, vector<1x16xf32>,
        %get3A_2581 = arith.index_cast %add3A_2510 : i32 to index
        %get3A_2582 = arith.constant 112 : index
        %get3A_2583 = tpu.vector_load %arg12[%get3A_2581, %get3A_2582] {strides = array<i32>} : memref<200x128xf32, #tpu.memory_space<vmem>>, vector<1x16xf32>,
        %get3A_2584 = vector.shape_cast %get3A_2583 : vector<1x16xf32> to vector<16xf32>
        %mul3A_2585 = arith.mulf %get3A_2584, %gather3A_2506 : vector<16xf32>
        %swap3A_2586 = arith.index_cast %add3A_2510 : i32 to index
        %swap3A_2587 = arith.constant 112 : index
        %swap3A_2588 = tpu.vector_load %arg12[%swap3A_2586, %swap3A_2587] {strides = array<i32>} : memref<200x128xf32, #tpu.memory_space<vmem>>, vector<1x16xf32>,
        %swap3A_2589 = vector.shape_cast %swap3A_2588 : vector<1x16xf32> to vector<16xf32>
        %swap3A_2590 = vector.shape_cast %mul3A_2585 : vector<16xf32> to vector<1x16xf32>
        tpu.vector_store %arg12[%swap3A_2586, %swap3A_2587], %swap3A_2590 {strides = array<i32>} : memref<200x128xf32, #tpu.memory_space<vmem>>, vector<1x16xf32>,
        %broadcast_in_dim3A_2591 = arith.constant 9 : i32
        %broadcast_in_dim3A_2592 = vector.broadcast %broadcast_in_dim3A_2591 : i32 to vector<16xi32>
        %lt3A_2593 = arith.constant 0 : i32
        %lt3A_2594 = vector.broadcast %lt3A_2593 : i32 to vector<16xi32>
        %lt3A_2595 = arith.cmpi slt, %broadcast_in_dim3A_2592, %lt3A_2594 : vector<16xi32>
        %add3A_2596 = arith.constant 16 : i32
        %add3A_2597 = vector.broadcast %add3A_2596 : i32 to vector<16xi32>
        %add3A_2598 = arith.addi %broadcast_in_dim3A_2592, %add3A_2597 : vector<16xi32>
        %select_n3A_2599 = arith.select %lt3A_2595, %add3A_2598, %broadcast_in_dim3A_2592 : vector<16xi1>, vector<16xi32>
        %broadcast_in_dim3A_2600 = vector.shape_cast %select_n3A_2599 : vector<16xi32> to vector<16x1xi32>
        %gather3A_2601 = vector.shape_cast %broadcast_in_dim3A_2600 : vector<16x1xi32> to vector<16xi32>
        %gather3A_2602 = tpu.dynamic_gather %get3A_1726[%gather3A_2601] in [0] : vector<16xf32>, vector<16xi32> -> vector<16xf32>
        %add3A_2603 = arith.constant 16 : i32
        %add3A_2604 = arith.addi %multiple_of3A_168, %add3A_2603 : i32
        %add3A_2605 = arith.constant 9 : i32
        %add3A_2606 = arith.addi %add3A_2604, %add3A_2605 : i32
        %get3A_2607 = arith.index_cast %add3A_2606 : i32 to index
        %get3A_2608 = arith.constant 0 : index
        %get3A_2609 = tpu.vector_load %arg12[%get3A_2607, %get3A_2608] {strides = array<i32>} : memref<200x128xf32, #tpu.memory_space<vmem>>, vector<1x16xf32>,
        %get3A_2610 = vector.shape_cast %get3A_2609 : vector<1x16xf32> to vector<16xf32>
        %mul3A_2611 = arith.mulf %get3A_2610, %gather3A_2602 : vector<16xf32>
        %swap3A_2612 = arith.index_cast %add3A_2606 : i32 to index
        %swap3A_2613 = arith.constant 0 : index
        %swap3A_2614 = tpu.vector_load %arg12[%swap3A_2612, %swap3A_2613] {strides = array<i32>} : memref<200x128xf32, #tpu.memory_space<vmem>>, vector<1x16xf32>,
        %swap3A_2615 = vector.shape_cast %swap3A_2614 : vector<1x16xf32> to vector<16xf32>
        %swap3A_2616 = vector.shape_cast %mul3A_2611 : vector<16xf32> to vector<1x16xf32>
        tpu.vector_store %arg12[%swap3A_2612, %swap3A_2613], %swap3A_2616 {strides = array<i32>} : memref<200x128xf32, #tpu.memory_space<vmem>>, vector<1x16xf32>,
        %get3A_2617 = arith.index_cast %add3A_2606 : i32 to index
        %get3A_2618 = arith.constant 16 : index
        %get3A_2619 = tpu.vector_load %arg12[%get3A_2617, %get3A_2618] {strides = array<i32>} : memref<200x128xf32, #tpu.memory_space<vmem>>, vector<1x16xf32>,
        %get3A_2620 = vector.shape_cast %get3A_2619 : vector<1x16xf32> to vector<16xf32>
        %mul3A_2621 = arith.mulf %get3A_2620, %gather3A_2602 : vector<16xf32>
        %swap3A_2622 = arith.index_cast %add3A_2606 : i32 to index
        %swap3A_2623 = arith.constant 16 : index
        %swap3A_2624 = tpu.vector_load %arg12[%swap3A_2622, %swap3A_2623] {strides = array<i32>} : memref<200x128xf32, #tpu.memory_space<vmem>>, vector<1x16xf32>,
        %swap3A_2625 = vector.shape_cast %swap3A_2624 : vector<1x16xf32> to vector<16xf32>
        %swap3A_2626 = vector.shape_cast %mul3A_2621 : vector<16xf32> to vector<1x16xf32>
        tpu.vector_store %arg12[%swap3A_2622, %swap3A_2623], %swap3A_2626 {strides = array<i32>} : memref<200x128xf32, #tpu.memory_space<vmem>>, vector<1x16xf32>,
        %get3A_2627 = arith.index_cast %add3A_2606 : i32 to index
        %get3A_2628 = arith.constant 32 : index
        %get3A_2629 = tpu.vector_load %arg12[%get3A_2627, %get3A_2628] {strides = array<i32>} : memref<200x128xf32, #tpu.memory_space<vmem>>, vector<1x16xf32>,
        %get3A_2630 = vector.shape_cast %get3A_2629 : vector<1x16xf32> to vector<16xf32>
        %mul3A_2631 = arith.mulf %get3A_2630, %gather3A_2602 : vector<16xf32>
        %swap3A_2632 = arith.index_cast %add3A_2606 : i32 to index
        %swap3A_2633 = arith.constant 32 : index
        %swap3A_2634 = tpu.vector_load %arg12[%swap3A_2632, %swap3A_2633] {strides = array<i32>} : memref<200x128xf32, #tpu.memory_space<vmem>>, vector<1x16xf32>,
        %swap3A_2635 = vector.shape_cast %swap3A_2634 : vector<1x16xf32> to vector<16xf32>
        %swap3A_2636 = vector.shape_cast %mul3A_2631 : vector<16xf32> to vector<1x16xf32>
        tpu.vector_store %arg12[%swap3A_2632, %swap3A_2633], %swap3A_2636 {strides = array<i32>} : memref<200x128xf32, #tpu.memory_space<vmem>>, vector<1x16xf32>,
        %get3A_2637 = arith.index_cast %add3A_2606 : i32 to index
        %get3A_2638 = arith.constant 48 : index
        %get3A_2639 = tpu.vector_load %arg12[%get3A_2637, %get3A_2638] {strides = array<i32>} : memref<200x128xf32, #tpu.memory_space<vmem>>, vector<1x16xf32>,
        %get3A_2640 = vector.shape_cast %get3A_2639 : vector<1x16xf32> to vector<16xf32>
        %mul3A_2641 = arith.mulf %get3A_2640, %gather3A_2602 : vector<16xf32>
        %swap3A_2642 = arith.index_cast %add3A_2606 : i32 to index
        %swap3A_2643 = arith.constant 48 : index
        %swap3A_2644 = tpu.vector_load %arg12[%swap3A_2642, %swap3A_2643] {strides = array<i32>} : memref<200x128xf32, #tpu.memory_space<vmem>>, vector<1x16xf32>,
        %swap3A_2645 = vector.shape_cast %swap3A_2644 : vector<1x16xf32> to vector<16xf32>
        %swap3A_2646 = vector.shape_cast %mul3A_2641 : vector<16xf32> to vector<1x16xf32>
        tpu.vector_store %arg12[%swap3A_2642, %swap3A_2643], %swap3A_2646 {strides = array<i32>} : memref<200x128xf32, #tpu.memory_space<vmem>>, vector<1x16xf32>,
        %get3A_2647 = arith.index_cast %add3A_2606 : i32 to index
        %get3A_2648 = arith.constant 64 : index
        %get3A_2649 = tpu.vector_load %arg12[%get3A_2647, %get3A_2648] {strides = array<i32>} : memref<200x128xf32, #tpu.memory_space<vmem>>, vector<1x16xf32>,
        %get3A_2650 = vector.shape_cast %get3A_2649 : vector<1x16xf32> to vector<16xf32>
        %mul3A_2651 = arith.mulf %get3A_2650, %gather3A_2602 : vector<16xf32>
        %swap3A_2652 = arith.index_cast %add3A_2606 : i32 to index
        %swap3A_2653 = arith.constant 64 : index
        %swap3A_2654 = tpu.vector_load %arg12[%swap3A_2652, %swap3A_2653] {strides = array<i32>} : memref<200x128xf32, #tpu.memory_space<vmem>>, vector<1x16xf32>,
        %swap3A_2655 = vector.shape_cast %swap3A_2654 : vector<1x16xf32> to vector<16xf32>
        %swap3A_2656 = vector.shape_cast %mul3A_2651 : vector<16xf32> to vector<1x16xf32>
        tpu.vector_store %arg12[%swap3A_2652, %swap3A_2653], %swap3A_2656 {strides = array<i32>} : memref<200x128xf32, #tpu.memory_space<vmem>>, vector<1x16xf32>,
        %get3A_2657 = arith.index_cast %add3A_2606 : i32 to index
        %get3A_2658 = arith.constant 80 : index
        %get3A_2659 = tpu.vector_load %arg12[%get3A_2657, %get3A_2658] {strides = array<i32>} : memref<200x128xf32, #tpu.memory_space<vmem>>, vector<1x16xf32>,
        %get3A_2660 = vector.shape_cast %get3A_2659 : vector<1x16xf32> to vector<16xf32>
        %mul3A_2661 = arith.mulf %get3A_2660, %gather3A_2602 : vector<16xf32>
        %swap3A_2662 = arith.index_cast %add3A_2606 : i32 to index
        %swap3A_2663 = arith.constant 80 : index
        %swap3A_2664 = tpu.vector_load %arg12[%swap3A_2662, %swap3A_2663] {strides = array<i32>} : memref<200x128xf32, #tpu.memory_space<vmem>>, vector<1x16xf32>,
        %swap3A_2665 = vector.shape_cast %swap3A_2664 : vector<1x16xf32> to vector<16xf32>
        %swap3A_2666 = vector.shape_cast %mul3A_2661 : vector<16xf32> to vector<1x16xf32>
        tpu.vector_store %arg12[%swap3A_2662, %swap3A_2663], %swap3A_2666 {strides = array<i32>} : memref<200x128xf32, #tpu.memory_space<vmem>>, vector<1x16xf32>,
        %get3A_2667 = arith.index_cast %add3A_2606 : i32 to index
        %get3A_2668 = arith.constant 96 : index
        %get3A_2669 = tpu.vector_load %arg12[%get3A_2667, %get3A_2668] {strides = array<i32>} : memref<200x128xf32, #tpu.memory_space<vmem>>, vector<1x16xf32>,
        %get3A_2670 = vector.shape_cast %get3A_2669 : vector<1x16xf32> to vector<16xf32>
        %mul3A_2671 = arith.mulf %get3A_2670, %gather3A_2602 : vector<16xf32>
        %swap3A_2672 = arith.index_cast %add3A_2606 : i32 to index
        %swap3A_2673 = arith.constant 96 : index
        %swap3A_2674 = tpu.vector_load %arg12[%swap3A_2672, %swap3A_2673] {strides = array<i32>} : memref<200x128xf32, #tpu.memory_space<vmem>>, vector<1x16xf32>,
        %swap3A_2675 = vector.shape_cast %swap3A_2674 : vector<1x16xf32> to vector<16xf32>
        %swap3A_2676 = vector.shape_cast %mul3A_2671 : vector<16xf32> to vector<1x16xf32>
        tpu.vector_store %arg12[%swap3A_2672, %swap3A_2673], %swap3A_2676 {strides = array<i32>} : memref<200x128xf32, #tpu.memory_space<vmem>>, vector<1x16xf32>,
        %get3A_2677 = arith.index_cast %add3A_2606 : i32 to index
        %get3A_2678 = arith.constant 112 : index
        %get3A_2679 = tpu.vector_load %arg12[%get3A_2677, %get3A_2678] {strides = array<i32>} : memref<200x128xf32, #tpu.memory_space<vmem>>, vector<1x16xf32>,
        %get3A_2680 = vector.shape_cast %get3A_2679 : vector<1x16xf32> to vector<16xf32>
        %mul3A_2681 = arith.mulf %get3A_2680, %gather3A_2602 : vector<16xf32>
        %swap3A_2682 = arith.index_cast %add3A_2606 : i32 to index
        %swap3A_2683 = arith.constant 112 : index
        %swap3A_2684 = tpu.vector_load %arg12[%swap3A_2682, %swap3A_2683] {strides = array<i32>} : memref<200x128xf32, #tpu.memory_space<vmem>>, vector<1x16xf32>,
        %swap3A_2685 = vector.shape_cast %swap3A_2684 : vector<1x16xf32> to vector<16xf32>
        %swap3A_2686 = vector.shape_cast %mul3A_2681 : vector<16xf32> to vector<1x16xf32>
        tpu.vector_store %arg12[%swap3A_2682, %swap3A_2683], %swap3A_2686 {strides = array<i32>} : memref<200x128xf32, #tpu.memory_space<vmem>>, vector<1x16xf32>,
        %broadcast_in_dim3A_2687 = arith.constant 10 : i32
        %broadcast_in_dim3A_2688 = vector.broadcast %broadcast_in_dim3A_2687 : i32 to vector<16xi32>
        %lt3A_2689 = arith.constant 0 : i32
        %lt3A_2690 = vector.broadcast %lt3A_2689 : i32 to vector<16xi32>
        %lt3A_2691 = arith.cmpi slt, %broadcast_in_dim3A_2688, %lt3A_2690 : vector<16xi32>
        %add3A_2692 = arith.constant 16 : i32
        %add3A_2693 = vector.broadcast %add3A_2692 : i32 to vector<16xi32>
        %add3A_2694 = arith.addi %broadcast_in_dim3A_2688, %add3A_2693 : vector<16xi32>
        %select_n3A_2695 = arith.select %lt3A_2691, %add3A_2694, %broadcast_in_dim3A_2688 : vector<16xi1>, vector<16xi32>
        %broadcast_in_dim3A_2696 = vector.shape_cast %select_n3A_2695 : vector<16xi32> to vector<16x1xi32>
        %gather3A_2697 = vector.shape_cast %broadcast_in_dim3A_2696 : vector<16x1xi32> to vector<16xi32>
        %gather3A_2698 = tpu.dynamic_gather %get3A_1726[%gather3A_2697] in [0] : vector<16xf32>, vector<16xi32> -> vector<16xf32>
        %add3A_2699 = arith.constant 16 : i32
        %add3A_2700 = arith.addi %multiple_of3A_168, %add3A_2699 : i32
        %add3A_2701 = arith.constant 10 : i32
        %add3A_2702 = arith.addi %add3A_2700, %add3A_2701 : i32
        %get3A_2703 = arith.index_cast %add3A_2702 : i32 to index
        %get3A_2704 = arith.constant 0 : index
        %get3A_2705 = tpu.vector_load %arg12[%get3A_2703, %get3A_2704] {strides = array<i32>} : memref<200x128xf32, #tpu.memory_space<vmem>>, vector<1x16xf32>,
        %get3A_2706 = vector.shape_cast %get3A_2705 : vector<1x16xf32> to vector<16xf32>
        %mul3A_2707 = arith.mulf %get3A_2706, %gather3A_2698 : vector<16xf32>
        %swap3A_2708 = arith.index_cast %add3A_2702 : i32 to index
        %swap3A_2709 = arith.constant 0 : index
        %swap3A_2710 = tpu.vector_load %arg12[%swap3A_2708, %swap3A_2709] {strides = array<i32>} : memref<200x128xf32, #tpu.memory_space<vmem>>, vector<1x16xf32>,
        %swap3A_2711 = vector.shape_cast %swap3A_2710 : vector<1x16xf32> to vector<16xf32>
        %swap3A_2712 = vector.shape_cast %mul3A_2707 : vector<16xf32> to vector<1x16xf32>
        tpu.vector_store %arg12[%swap3A_2708, %swap3A_2709], %swap3A_2712 {strides = array<i32>} : memref<200x128xf32, #tpu.memory_space<vmem>>, vector<1x16xf32>,
        %get3A_2713 = arith.index_cast %add3A_2702 : i32 to index
        %get3A_2714 = arith.constant 16 : index
        %get3A_2715 = tpu.vector_load %arg12[%get3A_2713, %get3A_2714] {strides = array<i32>} : memref<200x128xf32, #tpu.memory_space<vmem>>, vector<1x16xf32>,
        %get3A_2716 = vector.shape_cast %get3A_2715 : vector<1x16xf32> to vector<16xf32>
        %mul3A_2717 = arith.mulf %get3A_2716, %gather3A_2698 : vector<16xf32>
        %swap3A_2718 = arith.index_cast %add3A_2702 : i32 to index
        %swap3A_2719 = arith.constant 16 : index
        %swap3A_2720 = tpu.vector_load %arg12[%swap3A_2718, %swap3A_2719] {strides = array<i32>} : memref<200x128xf32, #tpu.memory_space<vmem>>, vector<1x16xf32>,
        %swap3A_2721 = vector.shape_cast %swap3A_2720 : vector<1x16xf32> to vector<16xf32>
        %swap3A_2722 = vector.shape_cast %mul3A_2717 : vector<16xf32> to vector<1x16xf32>
        tpu.vector_store %arg12[%swap3A_2718, %swap3A_2719], %swap3A_2722 {strides = array<i32>} : memref<200x128xf32, #tpu.memory_space<vmem>>, vector<1x16xf32>,
        %get3A_2723 = arith.index_cast %add3A_2702 : i32 to index
        %get3A_2724 = arith.constant 32 : index
        %get3A_2725 = tpu.vector_load %arg12[%get3A_2723, %get3A_2724] {strides = array<i32>} : memref<200x128xf32, #tpu.memory_space<vmem>>, vector<1x16xf32>,
        %get3A_2726 = vector.shape_cast %get3A_2725 : vector<1x16xf32> to vector<16xf32>
        %mul3A_2727 = arith.mulf %get3A_2726, %gather3A_2698 : vector<16xf32>
        %swap3A_2728 = arith.index_cast %add3A_2702 : i32 to index
        %swap3A_2729 = arith.constant 32 : index
        %swap3A_2730 = tpu.vector_load %arg12[%swap3A_2728, %swap3A_2729] {strides = array<i32>} : memref<200x128xf32, #tpu.memory_space<vmem>>, vector<1x16xf32>,
        %swap3A_2731 = vector.shape_cast %swap3A_2730 : vector<1x16xf32> to vector<16xf32>
        %swap3A_2732 = vector.shape_cast %mul3A_2727 : vector<16xf32> to vector<1x16xf32>
        tpu.vector_store %arg12[%swap3A_2728, %swap3A_2729], %swap3A_2732 {strides = array<i32>} : memref<200x128xf32, #tpu.memory_space<vmem>>, vector<1x16xf32>,
        %get3A_2733 = arith.index_cast %add3A_2702 : i32 to index
        %get3A_2734 = arith.constant 48 : index
        %get3A_2735 = tpu.vector_load %arg12[%get3A_2733, %get3A_2734] {strides = array<i32>} : memref<200x128xf32, #tpu.memory_space<vmem>>, vector<1x16xf32>,
        %get3A_2736 = vector.shape_cast %get3A_2735 : vector<1x16xf32> to vector<16xf32>
        %mul3A_2737 = arith.mulf %get3A_2736, %gather3A_2698 : vector<16xf32>
        %swap3A_2738 = arith.index_cast %add3A_2702 : i32 to index
        %swap3A_2739 = arith.constant 48 : index
        %swap3A_2740 = tpu.vector_load %arg12[%swap3A_2738, %swap3A_2739] {strides = array<i32>} : memref<200x128xf32, #tpu.memory_space<vmem>>, vector<1x16xf32>,
        %swap3A_2741 = vector.shape_cast %swap3A_2740 : vector<1x16xf32> to vector<16xf32>
        %swap3A_2742 = vector.shape_cast %mul3A_2737 : vector<16xf32> to vector<1x16xf32>
        tpu.vector_store %arg12[%swap3A_2738, %swap3A_2739], %swap3A_2742 {strides = array<i32>} : memref<200x128xf32, #tpu.memory_space<vmem>>, vector<1x16xf32>,
        %get3A_2743 = arith.index_cast %add3A_2702 : i32 to index
        %get3A_2744 = arith.constant 64 : index
        %get3A_2745 = tpu.vector_load %arg12[%get3A_2743, %get3A_2744] {strides = array<i32>} : memref<200x128xf32, #tpu.memory_space<vmem>>, vector<1x16xf32>,
        %get3A_2746 = vector.shape_cast %get3A_2745 : vector<1x16xf32> to vector<16xf32>
        %mul3A_2747 = arith.mulf %get3A_2746, %gather3A_2698 : vector<16xf32>
        %swap3A_2748 = arith.index_cast %add3A_2702 : i32 to index
        %swap3A_2749 = arith.constant 64 : index
        %swap3A_2750 = tpu.vector_load %arg12[%swap3A_2748, %swap3A_2749] {strides = array<i32>} : memref<200x128xf32, #tpu.memory_space<vmem>>, vector<1x16xf32>,
        %swap3A_2751 = vector.shape_cast %swap3A_2750 : vector<1x16xf32> to vector<16xf32>
        %swap3A_2752 = vector.shape_cast %mul3A_2747 : vector<16xf32> to vector<1x16xf32>
        tpu.vector_store %arg12[%swap3A_2748, %swap3A_2749], %swap3A_2752 {strides = array<i32>} : memref<200x128xf32, #tpu.memory_space<vmem>>, vector<1x16xf32>,
        %get3A_2753 = arith.index_cast %add3A_2702 : i32 to index
        %get3A_2754 = arith.constant 80 : index
        %get3A_2755 = tpu.vector_load %arg12[%get3A_2753, %get3A_2754] {strides = array<i32>} : memref<200x128xf32, #tpu.memory_space<vmem>>, vector<1x16xf32>,
        %get3A_2756 = vector.shape_cast %get3A_2755 : vector<1x16xf32> to vector<16xf32>
        %mul3A_2757 = arith.mulf %get3A_2756, %gather3A_2698 : vector<16xf32>
        %swap3A_2758 = arith.index_cast %add3A_2702 : i32 to index
        %swap3A_2759 = arith.constant 80 : index
        %swap3A_2760 = tpu.vector_load %arg12[%swap3A_2758, %swap3A_2759] {strides = array<i32>} : memref<200x128xf32, #tpu.memory_space<vmem>>, vector<1x16xf32>,
        %swap3A_2761 = vector.shape_cast %swap3A_2760 : vector<1x16xf32> to vector<16xf32>
        %swap3A_2762 = vector.shape_cast %mul3A_2757 : vector<16xf32> to vector<1x16xf32>
        tpu.vector_store %arg12[%swap3A_2758, %swap3A_2759], %swap3A_2762 {strides = array<i32>} : memref<200x128xf32, #tpu.memory_space<vmem>>, vector<1x16xf32>,
        %get3A_2763 = arith.index_cast %add3A_2702 : i32 to index
        %get3A_2764 = arith.constant 96 : index
        %get3A_2765 = tpu.vector_load %arg12[%get3A_2763, %get3A_2764] {strides = array<i32>} : memref<200x128xf32, #tpu.memory_space<vmem>>, vector<1x16xf32>,
        %get3A_2766 = vector.shape_cast %get3A_2765 : vector<1x16xf32> to vector<16xf32>
        %mul3A_2767 = arith.mulf %get3A_2766, %gather3A_2698 : vector<16xf32>
        %swap3A_2768 = arith.index_cast %add3A_2702 : i32 to index
        %swap3A_2769 = arith.constant 96 : index
        %swap3A_2770 = tpu.vector_load %arg12[%swap3A_2768, %swap3A_2769] {strides = array<i32>} : memref<200x128xf32, #tpu.memory_space<vmem>>, vector<1x16xf32>,
        %swap3A_2771 = vector.shape_cast %swap3A_2770 : vector<1x16xf32> to vector<16xf32>
        %swap3A_2772 = vector.shape_cast %mul3A_2767 : vector<16xf32> to vector<1x16xf32>
        tpu.vector_store %arg12[%swap3A_2768, %swap3A_2769], %swap3A_2772 {strides = array<i32>} : memref<200x128xf32, #tpu.memory_space<vmem>>, vector<1x16xf32>,
        %get3A_2773 = arith.index_cast %add3A_2702 : i32 to index
        %get3A_2774 = arith.constant 112 : index
        %get3A_2775 = tpu.vector_load %arg12[%get3A_2773, %get3A_2774] {strides = array<i32>} : memref<200x128xf32, #tpu.memory_space<vmem>>, vector<1x16xf32>,
        %get3A_2776 = vector.shape_cast %get3A_2775 : vector<1x16xf32> to vector<16xf32>
        %mul3A_2777 = arith.mulf %get3A_2776, %gather3A_2698 : vector<16xf32>
        %swap3A_2778 = arith.index_cast %add3A_2702 : i32 to index
        %swap3A_2779 = arith.constant 112 : index
        %swap3A_2780 = tpu.vector_load %arg12[%swap3A_2778, %swap3A_2779] {strides = array<i32>} : memref<200x128xf32, #tpu.memory_space<vmem>>, vector<1x16xf32>,
        %swap3A_2781 = vector.shape_cast %swap3A_2780 : vector<1x16xf32> to vector<16xf32>
        %swap3A_2782 = vector.shape_cast %mul3A_2777 : vector<16xf32> to vector<1x16xf32>
        tpu.vector_store %arg12[%swap3A_2778, %swap3A_2779], %swap3A_2782 {strides = array<i32>} : memref<200x128xf32, #tpu.memory_space<vmem>>, vector<1x16xf32>,
        %broadcast_in_dim3A_2783 = arith.constant 11 : i32
        %broadcast_in_dim3A_2784 = vector.broadcast %broadcast_in_dim3A_2783 : i32 to vector<16xi32>
        %lt3A_2785 = arith.constant 0 : i32
        %lt3A_2786 = vector.broadcast %lt3A_2785 : i32 to vector<16xi32>
        %lt3A_2787 = arith.cmpi slt, %broadcast_in_dim3A_2784, %lt3A_2786 : vector<16xi32>
        %add3A_2788 = arith.constant 16 : i32
        %add3A_2789 = vector.broadcast %add3A_2788 : i32 to vector<16xi32>
        %add3A_2790 = arith.addi %broadcast_in_dim3A_2784, %add3A_2789 : vector<16xi32>
        %select_n3A_2791 = arith.select %lt3A_2787, %add3A_2790, %broadcast_in_dim3A_2784 : vector<16xi1>, vector<16xi32>
        %broadcast_in_dim3A_2792 = vector.shape_cast %select_n3A_2791 : vector<16xi32> to vector<16x1xi32>
        %gather3A_2793 = vector.shape_cast %broadcast_in_dim3A_2792 : vector<16x1xi32> to vector<16xi32>
        %gather3A_2794 = tpu.dynamic_gather %get3A_1726[%gather3A_2793] in [0] : vector<16xf32>, vector<16xi32> -> vector<16xf32>
        %add3A_2795 = arith.constant 16 : i32
        %add3A_2796 = arith.addi %multiple_of3A_168, %add3A_2795 : i32
        %add3A_2797 = arith.constant 11 : i32
        %add3A_2798 = arith.addi %add3A_2796, %add3A_2797 : i32
        %get3A_2799 = arith.index_cast %add3A_2798 : i32 to index
        %get3A_2800 = arith.constant 0 : index
        %get3A_2801 = tpu.vector_load %arg12[%get3A_2799, %get3A_2800] {strides = array<i32>} : memref<200x128xf32, #tpu.memory_space<vmem>>, vector<1x16xf32>,
        %get3A_2802 = vector.shape_cast %get3A_2801 : vector<1x16xf32> to vector<16xf32>
        %mul3A_2803 = arith.mulf %get3A_2802, %gather3A_2794 : vector<16xf32>
        %swap3A_2804 = arith.index_cast %add3A_2798 : i32 to index
        %swap3A_2805 = arith.constant 0 : index
        %swap3A_2806 = tpu.vector_load %arg12[%swap3A_2804, %swap3A_2805] {strides = array<i32>} : memref<200x128xf32, #tpu.memory_space<vmem>>, vector<1x16xf32>,
        %swap3A_2807 = vector.shape_cast %swap3A_2806 : vector<1x16xf32> to vector<16xf32>
        %swap3A_2808 = vector.shape_cast %mul3A_2803 : vector<16xf32> to vector<1x16xf32>
        tpu.vector_store %arg12[%swap3A_2804, %swap3A_2805], %swap3A_2808 {strides = array<i32>} : memref<200x128xf32, #tpu.memory_space<vmem>>, vector<1x16xf32>,
        %get3A_2809 = arith.index_cast %add3A_2798 : i32 to index
        %get3A_2810 = arith.constant 16 : index
        %get3A_2811 = tpu.vector_load %arg12[%get3A_2809, %get3A_2810] {strides = array<i32>} : memref<200x128xf32, #tpu.memory_space<vmem>>, vector<1x16xf32>,
        %get3A_2812 = vector.shape_cast %get3A_2811 : vector<1x16xf32> to vector<16xf32>
        %mul3A_2813 = arith.mulf %get3A_2812, %gather3A_2794 : vector<16xf32>
        %swap3A_2814 = arith.index_cast %add3A_2798 : i32 to index
        %swap3A_2815 = arith.constant 16 : index
        %swap3A_2816 = tpu.vector_load %arg12[%swap3A_2814, %swap3A_2815] {strides = array<i32>} : memref<200x128xf32, #tpu.memory_space<vmem>>, vector<1x16xf32>,
        %swap3A_2817 = vector.shape_cast %swap3A_2816 : vector<1x16xf32> to vector<16xf32>
        %swap3A_2818 = vector.shape_cast %mul3A_2813 : vector<16xf32> to vector<1x16xf32>
        tpu.vector_store %arg12[%swap3A_2814, %swap3A_2815], %swap3A_2818 {strides = array<i32>} : memref<200x128xf32, #tpu.memory_space<vmem>>, vector<1x16xf32>,
        %get3A_2819 = arith.index_cast %add3A_2798 : i32 to index
        %get3A_2820 = arith.constant 32 : index
        %get3A_2821 = tpu.vector_load %arg12[%get3A_2819, %get3A_2820] {strides = array<i32>} : memref<200x128xf32, #tpu.memory_space<vmem>>, vector<1x16xf32>,
        %get3A_2822 = vector.shape_cast %get3A_2821 : vector<1x16xf32> to vector<16xf32>
        %mul3A_2823 = arith.mulf %get3A_2822, %gather3A_2794 : vector<16xf32>
        %swap3A_2824 = arith.index_cast %add3A_2798 : i32 to index
        %swap3A_2825 = arith.constant 32 : index
        %swap3A_2826 = tpu.vector_load %arg12[%swap3A_2824, %swap3A_2825] {strides = array<i32>} : memref<200x128xf32, #tpu.memory_space<vmem>>, vector<1x16xf32>,
        %swap3A_2827 = vector.shape_cast %swap3A_2826 : vector<1x16xf32> to vector<16xf32>
        %swap3A_2828 = vector.shape_cast %mul3A_2823 : vector<16xf32> to vector<1x16xf32>
        tpu.vector_store %arg12[%swap3A_2824, %swap3A_2825], %swap3A_2828 {strides = array<i32>} : memref<200x128xf32, #tpu.memory_space<vmem>>, vector<1x16xf32>,
        %get3A_2829 = arith.index_cast %add3A_2798 : i32 to index
        %get3A_2830 = arith.constant 48 : index
        %get3A_2831 = tpu.vector_load %arg12[%get3A_2829, %get3A_2830] {strides = array<i32>} : memref<200x128xf32, #tpu.memory_space<vmem>>, vector<1x16xf32>,
        %get3A_2832 = vector.shape_cast %get3A_2831 : vector<1x16xf32> to vector<16xf32>
        %mul3A_2833 = arith.mulf %get3A_2832, %gather3A_2794 : vector<16xf32>
        %swap3A_2834 = arith.index_cast %add3A_2798 : i32 to index
        %swap3A_2835 = arith.constant 48 : index
        %swap3A_2836 = tpu.vector_load %arg12[%swap3A_2834, %swap3A_2835] {strides = array<i32>} : memref<200x128xf32, #tpu.memory_space<vmem>>, vector<1x16xf32>,
        %swap3A_2837 = vector.shape_cast %swap3A_2836 : vector<1x16xf32> to vector<16xf32>
        %swap3A_2838 = vector.shape_cast %mul3A_2833 : vector<16xf32> to vector<1x16xf32>
        tpu.vector_store %arg12[%swap3A_2834, %swap3A_2835], %swap3A_2838 {strides = array<i32>} : memref<200x128xf32, #tpu.memory_space<vmem>>, vector<1x16xf32>,
        %get3A_2839 = arith.index_cast %add3A_2798 : i32 to index
        %get3A_2840 = arith.constant 64 : index
        %get3A_2841 = tpu.vector_load %arg12[%get3A_2839, %get3A_2840] {strides = array<i32>} : memref<200x128xf32, #tpu.memory_space<vmem>>, vector<1x16xf32>,
        %get3A_2842 = vector.shape_cast %get3A_2841 : vector<1x16xf32> to vector<16xf32>
        %mul3A_2843 = arith.mulf %get3A_2842, %gather3A_2794 : vector<16xf32>
        %swap3A_2844 = arith.index_cast %add3A_2798 : i32 to index
        %swap3A_2845 = arith.constant 64 : index
        %swap3A_2846 = tpu.vector_load %arg12[%swap3A_2844, %swap3A_2845] {strides = array<i32>} : memref<200x128xf32, #tpu.memory_space<vmem>>, vector<1x16xf32>,
        %swap3A_2847 = vector.shape_cast %swap3A_2846 : vector<1x16xf32> to vector<16xf32>
        %swap3A_2848 = vector.shape_cast %mul3A_2843 : vector<16xf32> to vector<1x16xf32>
        tpu.vector_store %arg12[%swap3A_2844, %swap3A_2845], %swap3A_2848 {strides = array<i32>} : memref<200x128xf32, #tpu.memory_space<vmem>>, vector<1x16xf32>,
        %get3A_2849 = arith.index_cast %add3A_2798 : i32 to index
        %get3A_2850 = arith.constant 80 : index
        %get3A_2851 = tpu.vector_load %arg12[%get3A_2849, %get3A_2850] {strides = array<i32>} : memref<200x128xf32, #tpu.memory_space<vmem>>, vector<1x16xf32>,
        %get3A_2852 = vector.shape_cast %get3A_2851 : vector<1x16xf32> to vector<16xf32>
        %mul3A_2853 = arith.mulf %get3A_2852, %gather3A_2794 : vector<16xf32>
        %swap3A_2854 = arith.index_cast %add3A_2798 : i32 to index
        %swap3A_2855 = arith.constant 80 : index
        %swap3A_2856 = tpu.vector_load %arg12[%swap3A_2854, %swap3A_2855] {strides = array<i32>} : memref<200x128xf32, #tpu.memory_space<vmem>>, vector<1x16xf32>,
        %swap3A_2857 = vector.shape_cast %swap3A_2856 : vector<1x16xf32> to vector<16xf32>
        %swap3A_2858 = vector.shape_cast %mul3A_2853 : vector<16xf32> to vector<1x16xf32>
        tpu.vector_store %arg12[%swap3A_2854, %swap3A_2855], %swap3A_2858 {strides = array<i32>} : memref<200x128xf32, #tpu.memory_space<vmem>>, vector<1x16xf32>,
        %get3A_2859 = arith.index_cast %add3A_2798 : i32 to index
        %get3A_2860 = arith.constant 96 : index
        %get3A_2861 = tpu.vector_load %arg12[%get3A_2859, %get3A_2860] {strides = array<i32>} : memref<200x128xf32, #tpu.memory_space<vmem>>, vector<1x16xf32>,
        %get3A_2862 = vector.shape_cast %get3A_2861 : vector<1x16xf32> to vector<16xf32>
        %mul3A_2863 = arith.mulf %get3A_2862, %gather3A_2794 : vector<16xf32>
        %swap3A_2864 = arith.index_cast %add3A_2798 : i32 to index
        %swap3A_2865 = arith.constant 96 : index
        %swap3A_2866 = tpu.vector_load %arg12[%swap3A_2864, %swap3A_2865] {strides = array<i32>} : memref<200x128xf32, #tpu.memory_space<vmem>>, vector<1x16xf32>,
        %swap3A_2867 = vector.shape_cast %swap3A_2866 : vector<1x16xf32> to vector<16xf32>
        %swap3A_2868 = vector.shape_cast %mul3A_2863 : vector<16xf32> to vector<1x16xf32>
        tpu.vector_store %arg12[%swap3A_2864, %swap3A_2865], %swap3A_2868 {strides = array<i32>} : memref<200x128xf32, #tpu.memory_space<vmem>>, vector<1x16xf32>,
        %get3A_2869 = arith.index_cast %add3A_2798 : i32 to index
        %get3A_2870 = arith.constant 112 : index
        %get3A_2871 = tpu.vector_load %arg12[%get3A_2869, %get3A_2870] {strides = array<i32>} : memref<200x128xf32, #tpu.memory_space<vmem>>, vector<1x16xf32>,
        %get3A_2872 = vector.shape_cast %get3A_2871 : vector<1x16xf32> to vector<16xf32>
        %mul3A_2873 = arith.mulf %get3A_2872, %gather3A_2794 : vector<16xf32>
        %swap3A_2874 = arith.index_cast %add3A_2798 : i32 to index
        %swap3A_2875 = arith.constant 112 : index
        %swap3A_2876 = tpu.vector_load %arg12[%swap3A_2874, %swap3A_2875] {strides = array<i32>} : memref<200x128xf32, #tpu.memory_space<vmem>>, vector<1x16xf32>,
        %swap3A_2877 = vector.shape_cast %swap3A_2876 : vector<1x16xf32> to vector<16xf32>
        %swap3A_2878 = vector.shape_cast %mul3A_2873 : vector<16xf32> to vector<1x16xf32>
        tpu.vector_store %arg12[%swap3A_2874, %swap3A_2875], %swap3A_2878 {strides = array<i32>} : memref<200x128xf32, #tpu.memory_space<vmem>>, vector<1x16xf32>,
        %broadcast_in_dim3A_2879 = arith.constant 12 : i32
        %broadcast_in_dim3A_2880 = vector.broadcast %broadcast_in_dim3A_2879 : i32 to vector<16xi32>
        %lt3A_2881 = arith.constant 0 : i32
        %lt3A_2882 = vector.broadcast %lt3A_2881 : i32 to vector<16xi32>
        %lt3A_2883 = arith.cmpi slt, %broadcast_in_dim3A_2880, %lt3A_2882 : vector<16xi32>
        %add3A_2884 = arith.constant 16 : i32
        %add3A_2885 = vector.broadcast %add3A_2884 : i32 to vector<16xi32>
        %add3A_2886 = arith.addi %broadcast_in_dim3A_2880, %add3A_2885 : vector<16xi32>
        %select_n3A_2887 = arith.select %lt3A_2883, %add3A_2886, %broadcast_in_dim3A_2880 : vector<16xi1>, vector<16xi32>
        %broadcast_in_dim3A_2888 = vector.shape_cast %select_n3A_2887 : vector<16xi32> to vector<16x1xi32>
        %gather3A_2889 = vector.shape_cast %broadcast_in_dim3A_2888 : vector<16x1xi32> to vector<16xi32>
        %gather3A_2890 = tpu.dynamic_gather %get3A_1726[%gather3A_2889] in [0] : vector<16xf32>, vector<16xi32> -> vector<16xf32>
        %add3A_2891 = arith.constant 16 : i32
        %add3A_2892 = arith.addi %multiple_of3A_168, %add3A_2891 : i32
        %add3A_2893 = arith.constant 12 : i32
        %add3A_2894 = arith.addi %add3A_2892, %add3A_2893 : i32
        %get3A_2895 = arith.index_cast %add3A_2894 : i32 to index
        %get3A_2896 = arith.constant 0 : index
        %get3A_2897 = tpu.vector_load %arg12[%get3A_2895, %get3A_2896] {strides = array<i32>} : memref<200x128xf32, #tpu.memory_space<vmem>>, vector<1x16xf32>,
        %get3A_2898 = vector.shape_cast %get3A_2897 : vector<1x16xf32> to vector<16xf32>
        %mul3A_2899 = arith.mulf %get3A_2898, %gather3A_2890 : vector<16xf32>
        %swap3A_2900 = arith.index_cast %add3A_2894 : i32 to index
        %swap3A_2901 = arith.constant 0 : index
        %swap3A_2902 = tpu.vector_load %arg12[%swap3A_2900, %swap3A_2901] {strides = array<i32>} : memref<200x128xf32, #tpu.memory_space<vmem>>, vector<1x16xf32>,
        %swap3A_2903 = vector.shape_cast %swap3A_2902 : vector<1x16xf32> to vector<16xf32>
        %swap3A_2904 = vector.shape_cast %mul3A_2899 : vector<16xf32> to vector<1x16xf32>
        tpu.vector_store %arg12[%swap3A_2900, %swap3A_2901], %swap3A_2904 {strides = array<i32>} : memref<200x128xf32, #tpu.memory_space<vmem>>, vector<1x16xf32>,
        %get3A_2905 = arith.index_cast %add3A_2894 : i32 to index
        %get3A_2906 = arith.constant 16 : index
        %get3A_2907 = tpu.vector_load %arg12[%get3A_2905, %get3A_2906] {strides = array<i32>} : memref<200x128xf32, #tpu.memory_space<vmem>>, vector<1x16xf32>,
        %get3A_2908 = vector.shape_cast %get3A_2907 : vector<1x16xf32> to vector<16xf32>
        %mul3A_2909 = arith.mulf %get3A_2908, %gather3A_2890 : vector<16xf32>
        %swap3A_2910 = arith.index_cast %add3A_2894 : i32 to index
        %swap3A_2911 = arith.constant 16 : index
        %swap3A_2912 = tpu.vector_load %arg12[%swap3A_2910, %swap3A_2911] {strides = array<i32>} : memref<200x128xf32, #tpu.memory_space<vmem>>, vector<1x16xf32>,
        %swap3A_2913 = vector.shape_cast %swap3A_2912 : vector<1x16xf32> to vector<16xf32>
        %swap3A_2914 = vector.shape_cast %mul3A_2909 : vector<16xf32> to vector<1x16xf32>
        tpu.vector_store %arg12[%swap3A_2910, %swap3A_2911], %swap3A_2914 {strides = array<i32>} : memref<200x128xf32, #tpu.memory_space<vmem>>, vector<1x16xf32>,
        %get3A_2915 = arith.index_cast %add3A_2894 : i32 to index
        %get3A_2916 = arith.constant 32 : index
        %get3A_2917 = tpu.vector_load %arg12[%get3A_2915, %get3A_2916] {strides = array<i32>} : memref<200x128xf32, #tpu.memory_space<vmem>>, vector<1x16xf32>,
        %get3A_2918 = vector.shape_cast %get3A_2917 : vector<1x16xf32> to vector<16xf32>
        %mul3A_2919 = arith.mulf %get3A_2918, %gather3A_2890 : vector<16xf32>
        %swap3A_2920 = arith.index_cast %add3A_2894 : i32 to index
        %swap3A_2921 = arith.constant 32 : index
        %swap3A_2922 = tpu.vector_load %arg12[%swap3A_2920, %swap3A_2921] {strides = array<i32>} : memref<200x128xf32, #tpu.memory_space<vmem>>, vector<1x16xf32>,
        %swap3A_2923 = vector.shape_cast %swap3A_2922 : vector<1x16xf32> to vector<16xf32>
        %swap3A_2924 = vector.shape_cast %mul3A_2919 : vector<16xf32> to vector<1x16xf32>
        tpu.vector_store %arg12[%swap3A_2920, %swap3A_2921], %swap3A_2924 {strides = array<i32>} : memref<200x128xf32, #tpu.memory_space<vmem>>, vector<1x16xf32>,
        %get3A_2925 = arith.index_cast %add3A_2894 : i32 to index
        %get3A_2926 = arith.constant 48 : index
        %get3A_2927 = tpu.vector_load %arg12[%get3A_2925, %get3A_2926] {strides = array<i32>} : memref<200x128xf32, #tpu.memory_space<vmem>>, vector<1x16xf32>,
        %get3A_2928 = vector.shape_cast %get3A_2927 : vector<1x16xf32> to vector<16xf32>
        %mul3A_2929 = arith.mulf %get3A_2928, %gather3A_2890 : vector<16xf32>
        %swap3A_2930 = arith.index_cast %add3A_2894 : i32 to index
        %swap3A_2931 = arith.constant 48 : index
        %swap3A_2932 = tpu.vector_load %arg12[%swap3A_2930, %swap3A_2931] {strides = array<i32>} : memref<200x128xf32, #tpu.memory_space<vmem>>, vector<1x16xf32>,
        %swap3A_2933 = vector.shape_cast %swap3A_2932 : vector<1x16xf32> to vector<16xf32>
        %swap3A_2934 = vector.shape_cast %mul3A_2929 : vector<16xf32> to vector<1x16xf32>
        tpu.vector_store %arg12[%swap3A_2930, %swap3A_2931], %swap3A_2934 {strides = array<i32>} : memref<200x128xf32, #tpu.memory_space<vmem>>, vector<1x16xf32>,
        %get3A_2935 = arith.index_cast %add3A_2894 : i32 to index
        %get3A_2936 = arith.constant 64 : index
        %get3A_2937 = tpu.vector_load %arg12[%get3A_2935, %get3A_2936] {strides = array<i32>} : memref<200x128xf32, #tpu.memory_space<vmem>>, vector<1x16xf32>,
        %get3A_2938 = vector.shape_cast %get3A_2937 : vector<1x16xf32> to vector<16xf32>
        %mul3A_2939 = arith.mulf %get3A_2938, %gather3A_2890 : vector<16xf32>
        %swap3A_2940 = arith.index_cast %add3A_2894 : i32 to index
        %swap3A_2941 = arith.constant 64 : index
        %swap3A_2942 = tpu.vector_load %arg12[%swap3A_2940, %swap3A_2941] {strides = array<i32>} : memref<200x128xf32, #tpu.memory_space<vmem>>, vector<1x16xf32>,
        %swap3A_2943 = vector.shape_cast %swap3A_2942 : vector<1x16xf32> to vector<16xf32>
        %swap3A_2944 = vector.shape_cast %mul3A_2939 : vector<16xf32> to vector<1x16xf32>
        tpu.vector_store %arg12[%swap3A_2940, %swap3A_2941], %swap3A_2944 {strides = array<i32>} : memref<200x128xf32, #tpu.memory_space<vmem>>, vector<1x16xf32>,
        %get3A_2945 = arith.index_cast %add3A_2894 : i32 to index
        %get3A_2946 = arith.constant 80 : index
        %get3A_2947 = tpu.vector_load %arg12[%get3A_2945, %get3A_2946] {strides = array<i32>} : memref<200x128xf32, #tpu.memory_space<vmem>>, vector<1x16xf32>,
        %get3A_2948 = vector.shape_cast %get3A_2947 : vector<1x16xf32> to vector<16xf32>
        %mul3A_2949 = arith.mulf %get3A_2948, %gather3A_2890 : vector<16xf32>
        %swap3A_2950 = arith.index_cast %add3A_2894 : i32 to index
        %swap3A_2951 = arith.constant 80 : index
        %swap3A_2952 = tpu.vector_load %arg12[%swap3A_2950, %swap3A_2951] {strides = array<i32>} : memref<200x128xf32, #tpu.memory_space<vmem>>, vector<1x16xf32>,
        %swap3A_2953 = vector.shape_cast %swap3A_2952 : vector<1x16xf32> to vector<16xf32>
        %swap3A_2954 = vector.shape_cast %mul3A_2949 : vector<16xf32> to vector<1x16xf32>
        tpu.vector_store %arg12[%swap3A_2950, %swap3A_2951], %swap3A_2954 {strides = array<i32>} : memref<200x128xf32, #tpu.memory_space<vmem>>, vector<1x16xf32>,
        %get3A_2955 = arith.index_cast %add3A_2894 : i32 to index
        %get3A_2956 = arith.constant 96 : index
        %get3A_2957 = tpu.vector_load %arg12[%get3A_2955, %get3A_2956] {strides = array<i32>} : memref<200x128xf32, #tpu.memory_space<vmem>>, vector<1x16xf32>,
        %get3A_2958 = vector.shape_cast %get3A_2957 : vector<1x16xf32> to vector<16xf32>
        %mul3A_2959 = arith.mulf %get3A_2958, %gather3A_2890 : vector<16xf32>
        %swap3A_2960 = arith.index_cast %add3A_2894 : i32 to index
        %swap3A_2961 = arith.constant 96 : index
        %swap3A_2962 = tpu.vector_load %arg12[%swap3A_2960, %swap3A_2961] {strides = array<i32>} : memref<200x128xf32, #tpu.memory_space<vmem>>, vector<1x16xf32>,
        %swap3A_2963 = vector.shape_cast %swap3A_2962 : vector<1x16xf32> to vector<16xf32>
        %swap3A_2964 = vector.shape_cast %mul3A_2959 : vector<16xf32> to vector<1x16xf32>
        tpu.vector_store %arg12[%swap3A_2960, %swap3A_2961], %swap3A_2964 {strides = array<i32>} : memref<200x128xf32, #tpu.memory_space<vmem>>, vector<1x16xf32>,
        %get3A_2965 = arith.index_cast %add3A_2894 : i32 to index
        %get3A_2966 = arith.constant 112 : index
        %get3A_2967 = tpu.vector_load %arg12[%get3A_2965, %get3A_2966] {strides = array<i32>} : memref<200x128xf32, #tpu.memory_space<vmem>>, vector<1x16xf32>,
        %get3A_2968 = vector.shape_cast %get3A_2967 : vector<1x16xf32> to vector<16xf32>
        %mul3A_2969 = arith.mulf %get3A_2968, %gather3A_2890 : vector<16xf32>
        %swap3A_2970 = arith.index_cast %add3A_2894 : i32 to index
        %swap3A_2971 = arith.constant 112 : index
        %swap3A_2972 = tpu.vector_load %arg12[%swap3A_2970, %swap3A_2971] {strides = array<i32>} : memref<200x128xf32, #tpu.memory_space<vmem>>, vector<1x16xf32>,
        %swap3A_2973 = vector.shape_cast %swap3A_2972 : vector<1x16xf32> to vector<16xf32>
        %swap3A_2974 = vector.shape_cast %mul3A_2969 : vector<16xf32> to vector<1x16xf32>
        tpu.vector_store %arg12[%swap3A_2970, %swap3A_2971], %swap3A_2974 {strides = array<i32>} : memref<200x128xf32, #tpu.memory_space<vmem>>, vector<1x16xf32>,
        %broadcast_in_dim3A_2975 = arith.constant 13 : i32
        %broadcast_in_dim3A_2976 = vector.broadcast %broadcast_in_dim3A_2975 : i32 to vector<16xi32>
        %lt3A_2977 = arith.constant 0 : i32
        %lt3A_2978 = vector.broadcast %lt3A_2977 : i32 to vector<16xi32>
        %lt3A_2979 = arith.cmpi slt, %broadcast_in_dim3A_2976, %lt3A_2978 : vector<16xi32>
        %add3A_2980 = arith.constant 16 : i32
        %add3A_2981 = vector.broadcast %add3A_2980 : i32 to vector<16xi32>
        %add3A_2982 = arith.addi %broadcast_in_dim3A_2976, %add3A_2981 : vector<16xi32>
        %select_n3A_2983 = arith.select %lt3A_2979, %add3A_2982, %broadcast_in_dim3A_2976 : vector<16xi1>, vector<16xi32>
        %broadcast_in_dim3A_2984 = vector.shape_cast %select_n3A_2983 : vector<16xi32> to vector<16x1xi32>
        %gather3A_2985 = vector.shape_cast %broadcast_in_dim3A_2984 : vector<16x1xi32> to vector<16xi32>
        %gather3A_2986 = tpu.dynamic_gather %get3A_1726[%gather3A_2985] in [0] : vector<16xf32>, vector<16xi32> -> vector<16xf32>
        %add3A_2987 = arith.constant 16 : i32
        %add3A_2988 = arith.addi %multiple_of3A_168, %add3A_2987 : i32
        %add3A_2989 = arith.constant 13 : i32
        %add3A_2990 = arith.addi %add3A_2988, %add3A_2989 : i32
        %get3A_2991 = arith.index_cast %add3A_2990 : i32 to index
        %get3A_2992 = arith.constant 0 : index
        %get3A_2993 = tpu.vector_load %arg12[%get3A_2991, %get3A_2992] {strides = array<i32>} : memref<200x128xf32, #tpu.memory_space<vmem>>, vector<1x16xf32>,
        %get3A_2994 = vector.shape_cast %get3A_2993 : vector<1x16xf32> to vector<16xf32>
        %mul3A_2995 = arith.mulf %get3A_2994, %gather3A_2986 : vector<16xf32>
        %swap3A_2996 = arith.index_cast %add3A_2990 : i32 to index
        %swap3A_2997 = arith.constant 0 : index
        %swap3A_2998 = tpu.vector_load %arg12[%swap3A_2996, %swap3A_2997] {strides = array<i32>} : memref<200x128xf32, #tpu.memory_space<vmem>>, vector<1x16xf32>,
        %swap3A_2999 = vector.shape_cast %swap3A_2998 : vector<1x16xf32> to vector<16xf32>
        %swap3A_3000 = vector.shape_cast %mul3A_2995 : vector<16xf32> to vector<1x16xf32>
        tpu.vector_store %arg12[%swap3A_2996, %swap3A_2997], %swap3A_3000 {strides = array<i32>} : memref<200x128xf32, #tpu.memory_space<vmem>>, vector<1x16xf32>,
        %get3A_3001 = arith.index_cast %add3A_2990 : i32 to index
        %get3A_3002 = arith.constant 16 : index
        %get3A_3003 = tpu.vector_load %arg12[%get3A_3001, %get3A_3002] {strides = array<i32>} : memref<200x128xf32, #tpu.memory_space<vmem>>, vector<1x16xf32>,
        %get3A_3004 = vector.shape_cast %get3A_3003 : vector<1x16xf32> to vector<16xf32>
        %mul3A_3005 = arith.mulf %get3A_3004, %gather3A_2986 : vector<16xf32>
        %swap3A_3006 = arith.index_cast %add3A_2990 : i32 to index
        %swap3A_3007 = arith.constant 16 : index
        %swap3A_3008 = tpu.vector_load %arg12[%swap3A_3006, %swap3A_3007] {strides = array<i32>} : memref<200x128xf32, #tpu.memory_space<vmem>>, vector<1x16xf32>,
        %swap3A_3009 = vector.shape_cast %swap3A_3008 : vector<1x16xf32> to vector<16xf32>
        %swap3A_3010 = vector.shape_cast %mul3A_3005 : vector<16xf32> to vector<1x16xf32>
        tpu.vector_store %arg12[%swap3A_3006, %swap3A_3007], %swap3A_3010 {strides = array<i32>} : memref<200x128xf32, #tpu.memory_space<vmem>>, vector<1x16xf32>,
        %get3A_3011 = arith.index_cast %add3A_2990 : i32 to index
        %get3A_3012 = arith.constant 32 : index
        %get3A_3013 = tpu.vector_load %arg12[%get3A_3011, %get3A_3012] {strides = array<i32>} : memref<200x128xf32, #tpu.memory_space<vmem>>, vector<1x16xf32>,
        %get3A_3014 = vector.shape_cast %get3A_3013 : vector<1x16xf32> to vector<16xf32>
        %mul3A_3015 = arith.mulf %get3A_3014, %gather3A_2986 : vector<16xf32>
        %swap3A_3016 = arith.index_cast %add3A_2990 : i32 to index
        %swap3A_3017 = arith.constant 32 : index
        %swap3A_3018 = tpu.vector_load %arg12[%swap3A_3016, %swap3A_3017] {strides = array<i32>} : memref<200x128xf32, #tpu.memory_space<vmem>>, vector<1x16xf32>,
        %swap3A_3019 = vector.shape_cast %swap3A_3018 : vector<1x16xf32> to vector<16xf32>
        %swap3A_3020 = vector.shape_cast %mul3A_3015 : vector<16xf32> to vector<1x16xf32>
        tpu.vector_store %arg12[%swap3A_3016, %swap3A_3017], %swap3A_3020 {strides = array<i32>} : memref<200x128xf32, #tpu.memory_space<vmem>>, vector<1x16xf32>,
        %get3A_3021 = arith.index_cast %add3A_2990 : i32 to index
        %get3A_3022 = arith.constant 48 : index
        %get3A_3023 = tpu.vector_load %arg12[%get3A_3021, %get3A_3022] {strides = array<i32>} : memref<200x128xf32, #tpu.memory_space<vmem>>, vector<1x16xf32>,
        %get3A_3024 = vector.shape_cast %get3A_3023 : vector<1x16xf32> to vector<16xf32>
        %mul3A_3025 = arith.mulf %get3A_3024, %gather3A_2986 : vector<16xf32>
        %swap3A_3026 = arith.index_cast %add3A_2990 : i32 to index
        %swap3A_3027 = arith.constant 48 : index
        %swap3A_3028 = tpu.vector_load %arg12[%swap3A_3026, %swap3A_3027] {strides = array<i32>} : memref<200x128xf32, #tpu.memory_space<vmem>>, vector<1x16xf32>,
        %swap3A_3029 = vector.shape_cast %swap3A_3028 : vector<1x16xf32> to vector<16xf32>
        %swap3A_3030 = vector.shape_cast %mul3A_3025 : vector<16xf32> to vector<1x16xf32>
        tpu.vector_store %arg12[%swap3A_3026, %swap3A_3027], %swap3A_3030 {strides = array<i32>} : memref<200x128xf32, #tpu.memory_space<vmem>>, vector<1x16xf32>,
        %get3A_3031 = arith.index_cast %add3A_2990 : i32 to index
        %get3A_3032 = arith.constant 64 : index
        %get3A_3033 = tpu.vector_load %arg12[%get3A_3031, %get3A_3032] {strides = array<i32>} : memref<200x128xf32, #tpu.memory_space<vmem>>, vector<1x16xf32>,
        %get3A_3034 = vector.shape_cast %get3A_3033 : vector<1x16xf32> to vector<16xf32>
        %mul3A_3035 = arith.mulf %get3A_3034, %gather3A_2986 : vector<16xf32>
        %swap3A_3036 = arith.index_cast %add3A_2990 : i32 to index
        %swap3A_3037 = arith.constant 64 : index
        %swap3A_3038 = tpu.vector_load %arg12[%swap3A_3036, %swap3A_3037] {strides = array<i32>} : memref<200x128xf32, #tpu.memory_space<vmem>>, vector<1x16xf32>,
        %swap3A_3039 = vector.shape_cast %swap3A_3038 : vector<1x16xf32> to vector<16xf32>
        %swap3A_3040 = vector.shape_cast %mul3A_3035 : vector<16xf32> to vector<1x16xf32>
        tpu.vector_store %arg12[%swap3A_3036, %swap3A_3037], %swap3A_3040 {strides = array<i32>} : memref<200x128xf32, #tpu.memory_space<vmem>>, vector<1x16xf32>,
        %get3A_3041 = arith.index_cast %add3A_2990 : i32 to index
        %get3A_3042 = arith.constant 80 : index
        %get3A_3043 = tpu.vector_load %arg12[%get3A_3041, %get3A_3042] {strides = array<i32>} : memref<200x128xf32, #tpu.memory_space<vmem>>, vector<1x16xf32>,
        %get3A_3044 = vector.shape_cast %get3A_3043 : vector<1x16xf32> to vector<16xf32>
        %mul3A_3045 = arith.mulf %get3A_3044, %gather3A_2986 : vector<16xf32>
        %swap3A_3046 = arith.index_cast %add3A_2990 : i32 to index
        %swap3A_3047 = arith.constant 80 : index
        %swap3A_3048 = tpu.vector_load %arg12[%swap3A_3046, %swap3A_3047] {strides = array<i32>} : memref<200x128xf32, #tpu.memory_space<vmem>>, vector<1x16xf32>,
        %swap3A_3049 = vector.shape_cast %swap3A_3048 : vector<1x16xf32> to vector<16xf32>
        %swap3A_3050 = vector.shape_cast %mul3A_3045 : vector<16xf32> to vector<1x16xf32>
        tpu.vector_store %arg12[%swap3A_3046, %swap3A_3047], %swap3A_3050 {strides = array<i32>} : memref<200x128xf32, #tpu.memory_space<vmem>>, vector<1x16xf32>,
        %get3A_3051 = arith.index_cast %add3A_2990 : i32 to index
        %get3A_3052 = arith.constant 96 : index
        %get3A_3053 = tpu.vector_load %arg12[%get3A_3051, %get3A_3052] {strides = array<i32>} : memref<200x128xf32, #tpu.memory_space<vmem>>, vector<1x16xf32>,
        %get3A_3054 = vector.shape_cast %get3A_3053 : vector<1x16xf32> to vector<16xf32>
        %mul3A_3055 = arith.mulf %get3A_3054, %gather3A_2986 : vector<16xf32>
        %swap3A_3056 = arith.index_cast %add3A_2990 : i32 to index
        %swap3A_3057 = arith.constant 96 : index
        %swap3A_3058 = tpu.vector_load %arg12[%swap3A_3056, %swap3A_3057] {strides = array<i32>} : memref<200x128xf32, #tpu.memory_space<vmem>>, vector<1x16xf32>,
        %swap3A_3059 = vector.shape_cast %swap3A_3058 : vector<1x16xf32> to vector<16xf32>
        %swap3A_3060 = vector.shape_cast %mul3A_3055 : vector<16xf32> to vector<1x16xf32>
        tpu.vector_store %arg12[%swap3A_3056, %swap3A_3057], %swap3A_3060 {strides = array<i32>} : memref<200x128xf32, #tpu.memory_space<vmem>>, vector<1x16xf32>,
        %get3A_3061 = arith.index_cast %add3A_2990 : i32 to index
        %get3A_3062 = arith.constant 112 : index
        %get3A_3063 = tpu.vector_load %arg12[%get3A_3061, %get3A_3062] {strides = array<i32>} : memref<200x128xf32, #tpu.memory_space<vmem>>, vector<1x16xf32>,
        %get3A_3064 = vector.shape_cast %get3A_3063 : vector<1x16xf32> to vector<16xf32>
        %mul3A_3065 = arith.mulf %get3A_3064, %gather3A_2986 : vector<16xf32>
        %swap3A_3066 = arith.index_cast %add3A_2990 : i32 to index
        %swap3A_3067 = arith.constant 112 : index
        %swap3A_3068 = tpu.vector_load %arg12[%swap3A_3066, %swap3A_3067] {strides = array<i32>} : memref<200x128xf32, #tpu.memory_space<vmem>>, vector<1x16xf32>,
        %swap3A_3069 = vector.shape_cast %swap3A_3068 : vector<1x16xf32> to vector<16xf32>
        %swap3A_3070 = vector.shape_cast %mul3A_3065 : vector<16xf32> to vector<1x16xf32>
        tpu.vector_store %arg12[%swap3A_3066, %swap3A_3067], %swap3A_3070 {strides = array<i32>} : memref<200x128xf32, #tpu.memory_space<vmem>>, vector<1x16xf32>,
        %broadcast_in_dim3A_3071 = arith.constant 14 : i32
        %broadcast_in_dim3A_3072 = vector.broadcast %broadcast_in_dim3A_3071 : i32 to vector<16xi32>
        %lt3A_3073 = arith.constant 0 : i32
        %lt3A_3074 = vector.broadcast %lt3A_3073 : i32 to vector<16xi32>
        %lt3A_3075 = arith.cmpi slt, %broadcast_in_dim3A_3072, %lt3A_3074 : vector<16xi32>
        %add3A_3076 = arith.constant 16 : i32
        %add3A_3077 = vector.broadcast %add3A_3076 : i32 to vector<16xi32>
        %add3A_3078 = arith.addi %broadcast_in_dim3A_3072, %add3A_3077 : vector<16xi32>
        %select_n3A_3079 = arith.select %lt3A_3075, %add3A_3078, %broadcast_in_dim3A_3072 : vector<16xi1>, vector<16xi32>
        %broadcast_in_dim3A_3080 = vector.shape_cast %select_n3A_3079 : vector<16xi32> to vector<16x1xi32>
        %gather3A_3081 = vector.shape_cast %broadcast_in_dim3A_3080 : vector<16x1xi32> to vector<16xi32>
        %gather3A_3082 = tpu.dynamic_gather %get3A_1726[%gather3A_3081] in [0] : vector<16xf32>, vector<16xi32> -> vector<16xf32>
        %add3A_3083 = arith.constant 16 : i32
        %add3A_3084 = arith.addi %multiple_of3A_168, %add3A_3083 : i32
        %add3A_3085 = arith.constant 14 : i32
        %add3A_3086 = arith.addi %add3A_3084, %add3A_3085 : i32
        %get3A_3087 = arith.index_cast %add3A_3086 : i32 to index
        %get3A_3088 = arith.constant 0 : index
        %get3A_3089 = tpu.vector_load %arg12[%get3A_3087, %get3A_3088] {strides = array<i32>} : memref<200x128xf32, #tpu.memory_space<vmem>>, vector<1x16xf32>,
        %get3A_3090 = vector.shape_cast %get3A_3089 : vector<1x16xf32> to vector<16xf32>
        %mul3A_3091 = arith.mulf %get3A_3090, %gather3A_3082 : vector<16xf32>
        %swap3A_3092 = arith.index_cast %add3A_3086 : i32 to index
        %swap3A_3093 = arith.constant 0 : index
        %swap3A_3094 = tpu.vector_load %arg12[%swap3A_3092, %swap3A_3093] {strides = array<i32>} : memref<200x128xf32, #tpu.memory_space<vmem>>, vector<1x16xf32>,
        %swap3A_3095 = vector.shape_cast %swap3A_3094 : vector<1x16xf32> to vector<16xf32>
        %swap3A_3096 = vector.shape_cast %mul3A_3091 : vector<16xf32> to vector<1x16xf32>
        tpu.vector_store %arg12[%swap3A_3092, %swap3A_3093], %swap3A_3096 {strides = array<i32>} : memref<200x128xf32, #tpu.memory_space<vmem>>, vector<1x16xf32>,
        %get3A_3097 = arith.index_cast %add3A_3086 : i32 to index
        %get3A_3098 = arith.constant 16 : index
        %get3A_3099 = tpu.vector_load %arg12[%get3A_3097, %get3A_3098] {strides = array<i32>} : memref<200x128xf32, #tpu.memory_space<vmem>>, vector<1x16xf32>,
        %get3A_3100 = vector.shape_cast %get3A_3099 : vector<1x16xf32> to vector<16xf32>
        %mul3A_3101 = arith.mulf %get3A_3100, %gather3A_3082 : vector<16xf32>
        %swap3A_3102 = arith.index_cast %add3A_3086 : i32 to index
        %swap3A_3103 = arith.constant 16 : index
        %swap3A_3104 = tpu.vector_load %arg12[%swap3A_3102, %swap3A_3103] {strides = array<i32>} : memref<200x128xf32, #tpu.memory_space<vmem>>, vector<1x16xf32>,
        %swap3A_3105 = vector.shape_cast %swap3A_3104 : vector<1x16xf32> to vector<16xf32>
        %swap3A_3106 = vector.shape_cast %mul3A_3101 : vector<16xf32> to vector<1x16xf32>
        tpu.vector_store %arg12[%swap3A_3102, %swap3A_3103], %swap3A_3106 {strides = array<i32>} : memref<200x128xf32, #tpu.memory_space<vmem>>, vector<1x16xf32>,
        %get3A_3107 = arith.index_cast %add3A_3086 : i32 to index
        %get3A_3108 = arith.constant 32 : index
        %get3A_3109 = tpu.vector_load %arg12[%get3A_3107, %get3A_3108] {strides = array<i32>} : memref<200x128xf32, #tpu.memory_space<vmem>>, vector<1x16xf32>,
        %get3A_3110 = vector.shape_cast %get3A_3109 : vector<1x16xf32> to vector<16xf32>
        %mul3A_3111 = arith.mulf %get3A_3110, %gather3A_3082 : vector<16xf32>
        %swap3A_3112 = arith.index_cast %add3A_3086 : i32 to index
        %swap3A_3113 = arith.constant 32 : index
        %swap3A_3114 = tpu.vector_load %arg12[%swap3A_3112, %swap3A_3113] {strides = array<i32>} : memref<200x128xf32, #tpu.memory_space<vmem>>, vector<1x16xf32>,
        %swap3A_3115 = vector.shape_cast %swap3A_3114 : vector<1x16xf32> to vector<16xf32>
        %swap3A_3116 = vector.shape_cast %mul3A_3111 : vector<16xf32> to vector<1x16xf32>
        tpu.vector_store %arg12[%swap3A_3112, %swap3A_3113], %swap3A_3116 {strides = array<i32>} : memref<200x128xf32, #tpu.memory_space<vmem>>, vector<1x16xf32>,
        %get3A_3117 = arith.index_cast %add3A_3086 : i32 to index
        %get3A_3118 = arith.constant 48 : index
        %get3A_3119 = tpu.vector_load %arg12[%get3A_3117, %get3A_3118] {strides = array<i32>} : memref<200x128xf32, #tpu.memory_space<vmem>>, vector<1x16xf32>,
        %get3A_3120 = vector.shape_cast %get3A_3119 : vector<1x16xf32> to vector<16xf32>
        %mul3A_3121 = arith.mulf %get3A_3120, %gather3A_3082 : vector<16xf32>
        %swap3A_3122 = arith.index_cast %add3A_3086 : i32 to index
        %swap3A_3123 = arith.constant 48 : index
        %swap3A_3124 = tpu.vector_load %arg12[%swap3A_3122, %swap3A_3123] {strides = array<i32>} : memref<200x128xf32, #tpu.memory_space<vmem>>, vector<1x16xf32>,
        %swap3A_3125 = vector.shape_cast %swap3A_3124 : vector<1x16xf32> to vector<16xf32>
        %swap3A_3126 = vector.shape_cast %mul3A_3121 : vector<16xf32> to vector<1x16xf32>
        tpu.vector_store %arg12[%swap3A_3122, %swap3A_3123], %swap3A_3126 {strides = array<i32>} : memref<200x128xf32, #tpu.memory_space<vmem>>, vector<1x16xf32>,
        %get3A_3127 = arith.index_cast %add3A_3086 : i32 to index
        %get3A_3128 = arith.constant 64 : index
        %get3A_3129 = tpu.vector_load %arg12[%get3A_3127, %get3A_3128] {strides = array<i32>} : memref<200x128xf32, #tpu.memory_space<vmem>>, vector<1x16xf32>,
        %get3A_3130 = vector.shape_cast %get3A_3129 : vector<1x16xf32> to vector<16xf32>
        %mul3A_3131 = arith.mulf %get3A_3130, %gather3A_3082 : vector<16xf32>
        %swap3A_3132 = arith.index_cast %add3A_3086 : i32 to index
        %swap3A_3133 = arith.constant 64 : index
        %swap3A_3134 = tpu.vector_load %arg12[%swap3A_3132, %swap3A_3133] {strides = array<i32>} : memref<200x128xf32, #tpu.memory_space<vmem>>, vector<1x16xf32>,
        %swap3A_3135 = vector.shape_cast %swap3A_3134 : vector<1x16xf32> to vector<16xf32>
        %swap3A_3136 = vector.shape_cast %mul3A_3131 : vector<16xf32> to vector<1x16xf32>
        tpu.vector_store %arg12[%swap3A_3132, %swap3A_3133], %swap3A_3136 {strides = array<i32>} : memref<200x128xf32, #tpu.memory_space<vmem>>, vector<1x16xf32>,
        %get3A_3137 = arith.index_cast %add3A_3086 : i32 to index
        %get3A_3138 = arith.constant 80 : index
        %get3A_3139 = tpu.vector_load %arg12[%get3A_3137, %get3A_3138] {strides = array<i32>} : memref<200x128xf32, #tpu.memory_space<vmem>>, vector<1x16xf32>,
        %get3A_3140 = vector.shape_cast %get3A_3139 : vector<1x16xf32> to vector<16xf32>
        %mul3A_3141 = arith.mulf %get3A_3140, %gather3A_3082 : vector<16xf32>
        %swap3A_3142 = arith.index_cast %add3A_3086 : i32 to index
        %swap3A_3143 = arith.constant 80 : index
        %swap3A_3144 = tpu.vector_load %arg12[%swap3A_3142, %swap3A_3143] {strides = array<i32>} : memref<200x128xf32, #tpu.memory_space<vmem>>, vector<1x16xf32>,
        %swap3A_3145 = vector.shape_cast %swap3A_3144 : vector<1x16xf32> to vector<16xf32>
        %swap3A_3146 = vector.shape_cast %mul3A_3141 : vector<16xf32> to vector<1x16xf32>
        tpu.vector_store %arg12[%swap3A_3142, %swap3A_3143], %swap3A_3146 {strides = array<i32>} : memref<200x128xf32, #tpu.memory_space<vmem>>, vector<1x16xf32>,
        %get3A_3147 = arith.index_cast %add3A_3086 : i32 to index
        %get3A_3148 = arith.constant 96 : index
        %get3A_3149 = tpu.vector_load %arg12[%get3A_3147, %get3A_3148] {strides = array<i32>} : memref<200x128xf32, #tpu.memory_space<vmem>>, vector<1x16xf32>,
        %get3A_3150 = vector.shape_cast %get3A_3149 : vector<1x16xf32> to vector<16xf32>
        %mul3A_3151 = arith.mulf %get3A_3150, %gather3A_3082 : vector<16xf32>
        %swap3A_3152 = arith.index_cast %add3A_3086 : i32 to index
        %swap3A_3153 = arith.constant 96 : index
        %swap3A_3154 = tpu.vector_load %arg12[%swap3A_3152, %swap3A_3153] {strides = array<i32>} : memref<200x128xf32, #tpu.memory_space<vmem>>, vector<1x16xf32>,
        %swap3A_3155 = vector.shape_cast %swap3A_3154 : vector<1x16xf32> to vector<16xf32>
        %swap3A_3156 = vector.shape_cast %mul3A_3151 : vector<16xf32> to vector<1x16xf32>
        tpu.vector_store %arg12[%swap3A_3152, %swap3A_3153], %swap3A_3156 {strides = array<i32>} : memref<200x128xf32, #tpu.memory_space<vmem>>, vector<1x16xf32>,
        %get3A_3157 = arith.index_cast %add3A_3086 : i32 to index
        %get3A_3158 = arith.constant 112 : index
        %get3A_3159 = tpu.vector_load %arg12[%get3A_3157, %get3A_3158] {strides = array<i32>} : memref<200x128xf32, #tpu.memory_space<vmem>>, vector<1x16xf32>,
        %get3A_3160 = vector.shape_cast %get3A_3159 : vector<1x16xf32> to vector<16xf32>
        %mul3A_3161 = arith.mulf %get3A_3160, %gather3A_3082 : vector<16xf32>
        %swap3A_3162 = arith.index_cast %add3A_3086 : i32 to index
        %swap3A_3163 = arith.constant 112 : index
        %swap3A_3164 = tpu.vector_load %arg12[%swap3A_3162, %swap3A_3163] {strides = array<i32>} : memref<200x128xf32, #tpu.memory_space<vmem>>, vector<1x16xf32>,
        %swap3A_3165 = vector.shape_cast %swap3A_3164 : vector<1x16xf32> to vector<16xf32>
        %swap3A_3166 = vector.shape_cast %mul3A_3161 : vector<16xf32> to vector<1x16xf32>
        tpu.vector_store %arg12[%swap3A_3162, %swap3A_3163], %swap3A_3166 {strides = array<i32>} : memref<200x128xf32, #tpu.memory_space<vmem>>, vector<1x16xf32>,
        %broadcast_in_dim3A_3167 = arith.constant 15 : i32
        %broadcast_in_dim3A_3168 = vector.broadcast %broadcast_in_dim3A_3167 : i32 to vector<16xi32>
        %lt3A_3169 = arith.constant 0 : i32
        %lt3A_3170 = vector.broadcast %lt3A_3169 : i32 to vector<16xi32>
        %lt3A_3171 = arith.cmpi slt, %broadcast_in_dim3A_3168, %lt3A_3170 : vector<16xi32>
        %add3A_3172 = arith.constant 16 : i32
        %add3A_3173 = vector.broadcast %add3A_3172 : i32 to vector<16xi32>
        %add3A_3174 = arith.addi %broadcast_in_dim3A_3168, %add3A_3173 : vector<16xi32>
        %select_n3A_3175 = arith.select %lt3A_3171, %add3A_3174, %broadcast_in_dim3A_3168 : vector<16xi1>, vector<16xi32>
        %broadcast_in_dim3A_3176 = vector.shape_cast %select_n3A_3175 : vector<16xi32> to vector<16x1xi32>
        %gather3A_3177 = vector.shape_cast %broadcast_in_dim3A_3176 : vector<16x1xi32> to vector<16xi32>
        %gather3A_3178 = tpu.dynamic_gather %get3A_1726[%gather3A_3177] in [0] : vector<16xf32>, vector<16xi32> -> vector<16xf32>
        %add3A_3179 = arith.constant 16 : i32
        %add3A_3180 = arith.addi %multiple_of3A_168, %add3A_3179 : i32
        %add3A_3181 = arith.constant 15 : i32
        %add3A_3182 = arith.addi %add3A_3180, %add3A_3181 : i32
        %get3A_3183 = arith.index_cast %add3A_3182 : i32 to index
        %get3A_3184 = arith.constant 0 : index
        %get3A_3185 = tpu.vector_load %arg12[%get3A_3183, %get3A_3184] {strides = array<i32>} : memref<200x128xf32, #tpu.memory_space<vmem>>, vector<1x16xf32>,
        %get3A_3186 = vector.shape_cast %get3A_3185 : vector<1x16xf32> to vector<16xf32>
        %mul3A_3187 = arith.mulf %get3A_3186, %gather3A_3178 : vector<16xf32>
        %swap3A_3188 = arith.index_cast %add3A_3182 : i32 to index
        %swap3A_3189 = arith.constant 0 : index
        %swap3A_3190 = tpu.vector_load %arg12[%swap3A_3188, %swap3A_3189] {strides = array<i32>} : memref<200x128xf32, #tpu.memory_space<vmem>>, vector<1x16xf32>,
        %swap3A_3191 = vector.shape_cast %swap3A_3190 : vector<1x16xf32> to vector<16xf32>
        %swap3A_3192 = vector.shape_cast %mul3A_3187 : vector<16xf32> to vector<1x16xf32>
        tpu.vector_store %arg12[%swap3A_3188, %swap3A_3189], %swap3A_3192 {strides = array<i32>} : memref<200x128xf32, #tpu.memory_space<vmem>>, vector<1x16xf32>,
        %get3A_3193 = arith.index_cast %add3A_3182 : i32 to index
        %get3A_3194 = arith.constant 16 : index
        %get3A_3195 = tpu.vector_load %arg12[%get3A_3193, %get3A_3194] {strides = array<i32>} : memref<200x128xf32, #tpu.memory_space<vmem>>, vector<1x16xf32>,
        %get3A_3196 = vector.shape_cast %get3A_3195 : vector<1x16xf32> to vector<16xf32>
        %mul3A_3197 = arith.mulf %get3A_3196, %gather3A_3178 : vector<16xf32>
        %swap3A_3198 = arith.index_cast %add3A_3182 : i32 to index
        %swap3A_3199 = arith.constant 16 : index
        %swap3A_3200 = tpu.vector_load %arg12[%swap3A_3198, %swap3A_3199] {strides = array<i32>} : memref<200x128xf32, #tpu.memory_space<vmem>>, vector<1x16xf32>,
        %swap3A_3201 = vector.shape_cast %swap3A_3200 : vector<1x16xf32> to vector<16xf32>
        %swap3A_3202 = vector.shape_cast %mul3A_3197 : vector<16xf32> to vector<1x16xf32>
        tpu.vector_store %arg12[%swap3A_3198, %swap3A_3199], %swap3A_3202 {strides = array<i32>} : memref<200x128xf32, #tpu.memory_space<vmem>>, vector<1x16xf32>,
        %get3A_3203 = arith.index_cast %add3A_3182 : i32 to index
        %get3A_3204 = arith.constant 32 : index
        %get3A_3205 = tpu.vector_load %arg12[%get3A_3203, %get3A_3204] {strides = array<i32>} : memref<200x128xf32, #tpu.memory_space<vmem>>, vector<1x16xf32>,
        %get3A_3206 = vector.shape_cast %get3A_3205 : vector<1x16xf32> to vector<16xf32>
        %mul3A_3207 = arith.mulf %get3A_3206, %gather3A_3178 : vector<16xf32>
        %swap3A_3208 = arith.index_cast %add3A_3182 : i32 to index
        %swap3A_3209 = arith.constant 32 : index
        %swap3A_3210 = tpu.vector_load %arg12[%swap3A_3208, %swap3A_3209] {strides = array<i32>} : memref<200x128xf32, #tpu.memory_space<vmem>>, vector<1x16xf32>,
        %swap3A_3211 = vector.shape_cast %swap3A_3210 : vector<1x16xf32> to vector<16xf32>
        %swap3A_3212 = vector.shape_cast %mul3A_3207 : vector<16xf32> to vector<1x16xf32>
        tpu.vector_store %arg12[%swap3A_3208, %swap3A_3209], %swap3A_3212 {strides = array<i32>} : memref<200x128xf32, #tpu.memory_space<vmem>>, vector<1x16xf32>,
        %get3A_3213 = arith.index_cast %add3A_3182 : i32 to index
        %get3A_3214 = arith.constant 48 : index
        %get3A_3215 = tpu.vector_load %arg12[%get3A_3213, %get3A_3214] {strides = array<i32>} : memref<200x128xf32, #tpu.memory_space<vmem>>, vector<1x16xf32>,
        %get3A_3216 = vector.shape_cast %get3A_3215 : vector<1x16xf32> to vector<16xf32>
        %mul3A_3217 = arith.mulf %get3A_3216, %gather3A_3178 : vector<16xf32>
        %swap3A_3218 = arith.index_cast %add3A_3182 : i32 to index
        %swap3A_3219 = arith.constant 48 : index
        %swap3A_3220 = tpu.vector_load %arg12[%swap3A_3218, %swap3A_3219] {strides = array<i32>} : memref<200x128xf32, #tpu.memory_space<vmem>>, vector<1x16xf32>,
        %swap3A_3221 = vector.shape_cast %swap3A_3220 : vector<1x16xf32> to vector<16xf32>
        %swap3A_3222 = vector.shape_cast %mul3A_3217 : vector<16xf32> to vector<1x16xf32>
        tpu.vector_store %arg12[%swap3A_3218, %swap3A_3219], %swap3A_3222 {strides = array<i32>} : memref<200x128xf32, #tpu.memory_space<vmem>>, vector<1x16xf32>,
        %get3A_3223 = arith.index_cast %add3A_3182 : i32 to index
        %get3A_3224 = arith.constant 64 : index
        %get3A_3225 = tpu.vector_load %arg12[%get3A_3223, %get3A_3224] {strides = array<i32>} : memref<200x128xf32, #tpu.memory_space<vmem>>, vector<1x16xf32>,
        %get3A_3226 = vector.shape_cast %get3A_3225 : vector<1x16xf32> to vector<16xf32>
        %mul3A_3227 = arith.mulf %get3A_3226, %gather3A_3178 : vector<16xf32>
        %swap3A_3228 = arith.index_cast %add3A_3182 : i32 to index
        %swap3A_3229 = arith.constant 64 : index
        %swap3A_3230 = tpu.vector_load %arg12[%swap3A_3228, %swap3A_3229] {strides = array<i32>} : memref<200x128xf32, #tpu.memory_space<vmem>>, vector<1x16xf32>,
        %swap3A_3231 = vector.shape_cast %swap3A_3230 : vector<1x16xf32> to vector<16xf32>
        %swap3A_3232 = vector.shape_cast %mul3A_3227 : vector<16xf32> to vector<1x16xf32>
        tpu.vector_store %arg12[%swap3A_3228, %swap3A_3229], %swap3A_3232 {strides = array<i32>} : memref<200x128xf32, #tpu.memory_space<vmem>>, vector<1x16xf32>,
        %get3A_3233 = arith.index_cast %add3A_3182 : i32 to index
        %get3A_3234 = arith.constant 80 : index
        %get3A_3235 = tpu.vector_load %arg12[%get3A_3233, %get3A_3234] {strides = array<i32>} : memref<200x128xf32, #tpu.memory_space<vmem>>, vector<1x16xf32>,
        %get3A_3236 = vector.shape_cast %get3A_3235 : vector<1x16xf32> to vector<16xf32>
        %mul3A_3237 = arith.mulf %get3A_3236, %gather3A_3178 : vector<16xf32>
        %swap3A_3238 = arith.index_cast %add3A_3182 : i32 to index
        %swap3A_3239 = arith.constant 80 : index
        %swap3A_3240 = tpu.vector_load %arg12[%swap3A_3238, %swap3A_3239] {strides = array<i32>} : memref<200x128xf32, #tpu.memory_space<vmem>>, vector<1x16xf32>,
        %swap3A_3241 = vector.shape_cast %swap3A_3240 : vector<1x16xf32> to vector<16xf32>
        %swap3A_3242 = vector.shape_cast %mul3A_3237 : vector<16xf32> to vector<1x16xf32>
        tpu.vector_store %arg12[%swap3A_3238, %swap3A_3239], %swap3A_3242 {strides = array<i32>} : memref<200x128xf32, #tpu.memory_space<vmem>>, vector<1x16xf32>,
        %get3A_3243 = arith.index_cast %add3A_3182 : i32 to index
        %get3A_3244 = arith.constant 96 : index
        %get3A_3245 = tpu.vector_load %arg12[%get3A_3243, %get3A_3244] {strides = array<i32>} : memref<200x128xf32, #tpu.memory_space<vmem>>, vector<1x16xf32>,
        %get3A_3246 = vector.shape_cast %get3A_3245 : vector<1x16xf32> to vector<16xf32>
        %mul3A_3247 = arith.mulf %get3A_3246, %gather3A_3178 : vector<16xf32>
        %swap3A_3248 = arith.index_cast %add3A_3182 : i32 to index
        %swap3A_3249 = arith.constant 96 : index
        %swap3A_3250 = tpu.vector_load %arg12[%swap3A_3248, %swap3A_3249] {strides = array<i32>} : memref<200x128xf32, #tpu.memory_space<vmem>>, vector<1x16xf32>,
        %swap3A_3251 = vector.shape_cast %swap3A_3250 : vector<1x16xf32> to vector<16xf32>
        %swap3A_3252 = vector.shape_cast %mul3A_3247 : vector<16xf32> to vector<1x16xf32>
        tpu.vector_store %arg12[%swap3A_3248, %swap3A_3249], %swap3A_3252 {strides = array<i32>} : memref<200x128xf32, #tpu.memory_space<vmem>>, vector<1x16xf32>,
        %get3A_3253 = arith.index_cast %add3A_3182 : i32 to index
        %get3A_3254 = arith.constant 112 : index
        %get3A_3255 = tpu.vector_load %arg12[%get3A_3253, %get3A_3254] {strides = array<i32>} : memref<200x128xf32, #tpu.memory_space<vmem>>, vector<1x16xf32>,
        %get3A_3256 = vector.shape_cast %get3A_3255 : vector<1x16xf32> to vector<16xf32>
        %mul3A_3257 = arith.mulf %get3A_3256, %gather3A_3178 : vector<16xf32>
        %swap3A_3258 = arith.index_cast %add3A_3182 : i32 to index
        %swap3A_3259 = arith.constant 112 : index
        %swap3A_3260 = tpu.vector_load %arg12[%swap3A_3258, %swap3A_3259] {strides = array<i32>} : memref<200x128xf32, #tpu.memory_space<vmem>>, vector<1x16xf32>,
        %swap3A_3261 = vector.shape_cast %swap3A_3260 : vector<1x16xf32> to vector<16xf32>
        %swap3A_3262 = vector.shape_cast %mul3A_3257 : vector<16xf32> to vector<1x16xf32>
        tpu.vector_store %arg12[%swap3A_3258, %swap3A_3259], %swap3A_3262 {strides = array<i32>} : memref<200x128xf32, #tpu.memory_space<vmem>>, vector<1x16xf32>,
        %add3A_3263 = arith.constant 32 : i32
        %add3A_3264 = arith.addi %mul3A_184, %add3A_3263 : i32
        %get3A_3265 = arith.index_cast %add3A_3264 : i32 to index
        %get3A_3266 = tpu.vector_load %arg11[%get3A_3265] {strides = array<i32>} : memref<2016xf32, #tpu.memory_space<vmem>>, vector<16xf32>,
        %get3A_3267 = vector.shape_cast %get3A_3266 : vector<16xf32> to vector<16xf32>
        %broadcast_in_dim3A_3268 = arith.constant 0 : i32
        %broadcast_in_dim3A_3269 = vector.broadcast %broadcast_in_dim3A_3268 : i32 to vector<16xi32>
        %lt3A_3270 = arith.constant 0 : i32
        %lt3A_3271 = vector.broadcast %lt3A_3270 : i32 to vector<16xi32>
        %lt3A_3272 = arith.cmpi slt, %broadcast_in_dim3A_3269, %lt3A_3271 : vector<16xi32>
        %add3A_3273 = arith.constant 16 : i32
        %add3A_3274 = vector.broadcast %add3A_3273 : i32 to vector<16xi32>
        %add3A_3275 = arith.addi %broadcast_in_dim3A_3269, %add3A_3274 : vector<16xi32>
        %select_n3A_3276 = arith.select %lt3A_3272, %add3A_3275, %broadcast_in_dim3A_3269 : vector<16xi1>, vector<16xi32>
        %broadcast_in_dim3A_3277 = vector.shape_cast %select_n3A_3276 : vector<16xi32> to vector<16x1xi32>
        %gather3A_3278 = vector.shape_cast %broadcast_in_dim3A_3277 : vector<16x1xi32> to vector<16xi32>
        %gather3A_3279 = tpu.dynamic_gather %get3A_3267[%gather3A_3278] in [0] : vector<16xf32>, vector<16xi32> -> vector<16xf32>
        %add3A_3280 = arith.constant 32 : i32
        %add3A_3281 = arith.addi %multiple_of3A_168, %add3A_3280 : i32
        %add3A_3282 = arith.constant 0 : i32
        %add3A_3283 = arith.addi %add3A_3281, %add3A_3282 : i32
        %get3A_3284 = arith.index_cast %add3A_3283 : i32 to index
        %get3A_3285 = arith.constant 0 : index
        %get3A_3286 = tpu.vector_load %arg12[%get3A_3284, %get3A_3285] {strides = array<i32>} : memref<200x128xf32, #tpu.memory_space<vmem>>, vector<1x16xf32>,
        %get3A_3287 = vector.shape_cast %get3A_3286 : vector<1x16xf32> to vector<16xf32>
        %mul3A_3288 = arith.mulf %get3A_3287, %gather3A_3279 : vector<16xf32>
        %swap3A_3289 = arith.index_cast %add3A_3283 : i32 to index
        %swap3A_3290 = arith.constant 0 : index
        %swap3A_3291 = tpu.vector_load %arg12[%swap3A_3289, %swap3A_3290] {strides = array<i32>} : memref<200x128xf32, #tpu.memory_space<vmem>>, vector<1x16xf32>,
        %swap3A_3292 = vector.shape_cast %swap3A_3291 : vector<1x16xf32> to vector<16xf32>
        %swap3A_3293 = vector.shape_cast %mul3A_3288 : vector<16xf32> to vector<1x16xf32>
        tpu.vector_store %arg12[%swap3A_3289, %swap3A_3290], %swap3A_3293 {strides = array<i32>} : memref<200x128xf32, #tpu.memory_space<vmem>>, vector<1x16xf32>,
        %get3A_3294 = arith.index_cast %add3A_3283 : i32 to index
        %get3A_3295 = arith.constant 16 : index
        %get3A_3296 = tpu.vector_load %arg12[%get3A_3294, %get3A_3295] {strides = array<i32>} : memref<200x128xf32, #tpu.memory_space<vmem>>, vector<1x16xf32>,
        %get3A_3297 = vector.shape_cast %get3A_3296 : vector<1x16xf32> to vector<16xf32>
        %mul3A_3298 = arith.mulf %get3A_3297, %gather3A_3279 : vector<16xf32>
        %swap3A_3299 = arith.index_cast %add3A_3283 : i32 to index
        %swap3A_3300 = arith.constant 16 : index
        %swap3A_3301 = tpu.vector_load %arg12[%swap3A_3299, %swap3A_3300] {strides = array<i32>} : memref<200x128xf32, #tpu.memory_space<vmem>>, vector<1x16xf32>,
        %swap3A_3302 = vector.shape_cast %swap3A_3301 : vector<1x16xf32> to vector<16xf32>
        %swap3A_3303 = vector.shape_cast %mul3A_3298 : vector<16xf32> to vector<1x16xf32>
        tpu.vector_store %arg12[%swap3A_3299, %swap3A_3300], %swap3A_3303 {strides = array<i32>} : memref<200x128xf32, #tpu.memory_space<vmem>>, vector<1x16xf32>,
        %get3A_3304 = arith.index_cast %add3A_3283 : i32 to index
        %get3A_3305 = arith.constant 32 : index
        %get3A_3306 = tpu.vector_load %arg12[%get3A_3304, %get3A_3305] {strides = array<i32>} : memref<200x128xf32, #tpu.memory_space<vmem>>, vector<1x16xf32>,
        %get3A_3307 = vector.shape_cast %get3A_3306 : vector<1x16xf32> to vector<16xf32>
        %mul3A_3308 = arith.mulf %get3A_3307, %gather3A_3279 : vector<16xf32>
        %swap3A_3309 = arith.index_cast %add3A_3283 : i32 to index
        %swap3A_3310 = arith.constant 32 : index
        %swap3A_3311 = tpu.vector_load %arg12[%swap3A_3309, %swap3A_3310] {strides = array<i32>} : memref<200x128xf32, #tpu.memory_space<vmem>>, vector<1x16xf32>,
        %swap3A_3312 = vector.shape_cast %swap3A_3311 : vector<1x16xf32> to vector<16xf32>
        %swap3A_3313 = vector.shape_cast %mul3A_3308 : vector<16xf32> to vector<1x16xf32>
        tpu.vector_store %arg12[%swap3A_3309, %swap3A_3310], %swap3A_3313 {strides = array<i32>} : memref<200x128xf32, #tpu.memory_space<vmem>>, vector<1x16xf32>,
        %get3A_3314 = arith.index_cast %add3A_3283 : i32 to index
        %get3A_3315 = arith.constant 48 : index
        %get3A_3316 = tpu.vector_load %arg12[%get3A_3314, %get3A_3315] {strides = array<i32>} : memref<200x128xf32, #tpu.memory_space<vmem>>, vector<1x16xf32>,
        %get3A_3317 = vector.shape_cast %get3A_3316 : vector<1x16xf32> to vector<16xf32>
        %mul3A_3318 = arith.mulf %get3A_3317, %gather3A_3279 : vector<16xf32>
        %swap3A_3319 = arith.index_cast %add3A_3283 : i32 to index
        %swap3A_3320 = arith.constant 48 : index
        %swap3A_3321 = tpu.vector_load %arg12[%swap3A_3319, %swap3A_3320] {strides = array<i32>} : memref<200x128xf32, #tpu.memory_space<vmem>>, vector<1x16xf32>,
        %swap3A_3322 = vector.shape_cast %swap3A_3321 : vector<1x16xf32> to vector<16xf32>
        %swap3A_3323 = vector.shape_cast %mul3A_3318 : vector<16xf32> to vector<1x16xf32>
        tpu.vector_store %arg12[%swap3A_3319, %swap3A_3320], %swap3A_3323 {strides = array<i32>} : memref<200x128xf32, #tpu.memory_space<vmem>>, vector<1x16xf32>,
        %get3A_3324 = arith.index_cast %add3A_3283 : i32 to index
        %get3A_3325 = arith.constant 64 : index
        %get3A_3326 = tpu.vector_load %arg12[%get3A_3324, %get3A_3325] {strides = array<i32>} : memref<200x128xf32, #tpu.memory_space<vmem>>, vector<1x16xf32>,
        %get3A_3327 = vector.shape_cast %get3A_3326 : vector<1x16xf32> to vector<16xf32>
        %mul3A_3328 = arith.mulf %get3A_3327, %gather3A_3279 : vector<16xf32>
        %swap3A_3329 = arith.index_cast %add3A_3283 : i32 to index
        %swap3A_3330 = arith.constant 64 : index
        %swap3A_3331 = tpu.vector_load %arg12[%swap3A_3329, %swap3A_3330] {strides = array<i32>} : memref<200x128xf32, #tpu.memory_space<vmem>>, vector<1x16xf32>,
        %swap3A_3332 = vector.shape_cast %swap3A_3331 : vector<1x16xf32> to vector<16xf32>
        %swap3A_3333 = vector.shape_cast %mul3A_3328 : vector<16xf32> to vector<1x16xf32>
        tpu.vector_store %arg12[%swap3A_3329, %swap3A_3330], %swap3A_3333 {strides = array<i32>} : memref<200x128xf32, #tpu.memory_space<vmem>>, vector<1x16xf32>,
        %get3A_3334 = arith.index_cast %add3A_3283 : i32 to index
        %get3A_3335 = arith.constant 80 : index
        %get3A_3336 = tpu.vector_load %arg12[%get3A_3334, %get3A_3335] {strides = array<i32>} : memref<200x128xf32, #tpu.memory_space<vmem>>, vector<1x16xf32>,
        %get3A_3337 = vector.shape_cast %get3A_3336 : vector<1x16xf32> to vector<16xf32>
        %mul3A_3338 = arith.mulf %get3A_3337, %gather3A_3279 : vector<16xf32>
        %swap3A_3339 = arith.index_cast %add3A_3283 : i32 to index
        %swap3A_3340 = arith.constant 80 : index
        %swap3A_3341 = tpu.vector_load %arg12[%swap3A_3339, %swap3A_3340] {strides = array<i32>} : memref<200x128xf32, #tpu.memory_space<vmem>>, vector<1x16xf32>,
        %swap3A_3342 = vector.shape_cast %swap3A_3341 : vector<1x16xf32> to vector<16xf32>
        %swap3A_3343 = vector.shape_cast %mul3A_3338 : vector<16xf32> to vector<1x16xf32>
        tpu.vector_store %arg12[%swap3A_3339, %swap3A_3340], %swap3A_3343 {strides = array<i32>} : memref<200x128xf32, #tpu.memory_space<vmem>>, vector<1x16xf32>,
        %get3A_3344 = arith.index_cast %add3A_3283 : i32 to index
        %get3A_3345 = arith.constant 96 : index
        %get3A_3346 = tpu.vector_load %arg12[%get3A_3344, %get3A_3345] {strides = array<i32>} : memref<200x128xf32, #tpu.memory_space<vmem>>, vector<1x16xf32>,
        %get3A_3347 = vector.shape_cast %get3A_3346 : vector<1x16xf32> to vector<16xf32>
        %mul3A_3348 = arith.mulf %get3A_3347, %gather3A_3279 : vector<16xf32>
        %swap3A_3349 = arith.index_cast %add3A_3283 : i32 to index
        %swap3A_3350 = arith.constant 96 : index
        %swap3A_3351 = tpu.vector_load %arg12[%swap3A_3349, %swap3A_3350] {strides = array<i32>} : memref<200x128xf32, #tpu.memory_space<vmem>>, vector<1x16xf32>,
        %swap3A_3352 = vector.shape_cast %swap3A_3351 : vector<1x16xf32> to vector<16xf32>
        %swap3A_3353 = vector.shape_cast %mul3A_3348 : vector<16xf32> to vector<1x16xf32>
        tpu.vector_store %arg12[%swap3A_3349, %swap3A_3350], %swap3A_3353 {strides = array<i32>} : memref<200x128xf32, #tpu.memory_space<vmem>>, vector<1x16xf32>,
        %get3A_3354 = arith.index_cast %add3A_3283 : i32 to index
        %get3A_3355 = arith.constant 112 : index
        %get3A_3356 = tpu.vector_load %arg12[%get3A_3354, %get3A_3355] {strides = array<i32>} : memref<200x128xf32, #tpu.memory_space<vmem>>, vector<1x16xf32>,
        %get3A_3357 = vector.shape_cast %get3A_3356 : vector<1x16xf32> to vector<16xf32>
        %mul3A_3358 = arith.mulf %get3A_3357, %gather3A_3279 : vector<16xf32>
        %swap3A_3359 = arith.index_cast %add3A_3283 : i32 to index
        %swap3A_3360 = arith.constant 112 : index
        %swap3A_3361 = tpu.vector_load %arg12[%swap3A_3359, %swap3A_3360] {strides = array<i32>} : memref<200x128xf32, #tpu.memory_space<vmem>>, vector<1x16xf32>,
        %swap3A_3362 = vector.shape_cast %swap3A_3361 : vector<1x16xf32> to vector<16xf32>
        %swap3A_3363 = vector.shape_cast %mul3A_3358 : vector<16xf32> to vector<1x16xf32>
        tpu.vector_store %arg12[%swap3A_3359, %swap3A_3360], %swap3A_3363 {strides = array<i32>} : memref<200x128xf32, #tpu.memory_space<vmem>>, vector<1x16xf32>,
        %broadcast_in_dim3A_3364 = arith.constant 1 : i32
        %broadcast_in_dim3A_3365 = vector.broadcast %broadcast_in_dim3A_3364 : i32 to vector<16xi32>
        %lt3A_3366 = arith.constant 0 : i32
        %lt3A_3367 = vector.broadcast %lt3A_3366 : i32 to vector<16xi32>
        %lt3A_3368 = arith.cmpi slt, %broadcast_in_dim3A_3365, %lt3A_3367 : vector<16xi32>
        %add3A_3369 = arith.constant 16 : i32
        %add3A_3370 = vector.broadcast %add3A_3369 : i32 to vector<16xi32>
        %add3A_3371 = arith.addi %broadcast_in_dim3A_3365, %add3A_3370 : vector<16xi32>
        %select_n3A_3372 = arith.select %lt3A_3368, %add3A_3371, %broadcast_in_dim3A_3365 : vector<16xi1>, vector<16xi32>
        %broadcast_in_dim3A_3373 = vector.shape_cast %select_n3A_3372 : vector<16xi32> to vector<16x1xi32>
        %gather3A_3374 = vector.shape_cast %broadcast_in_dim3A_3373 : vector<16x1xi32> to vector<16xi32>
        %gather3A_3375 = tpu.dynamic_gather %get3A_3267[%gather3A_3374] in [0] : vector<16xf32>, vector<16xi32> -> vector<16xf32>
        %add3A_3376 = arith.constant 32 : i32
        %add3A_3377 = arith.addi %multiple_of3A_168, %add3A_3376 : i32
        %add3A_3378 = arith.constant 1 : i32
        %add3A_3379 = arith.addi %add3A_3377, %add3A_3378 : i32
        %get3A_3380 = arith.index_cast %add3A_3379 : i32 to index
        %get3A_3381 = arith.constant 0 : index
        %get3A_3382 = tpu.vector_load %arg12[%get3A_3380, %get3A_3381] {strides = array<i32>} : memref<200x128xf32, #tpu.memory_space<vmem>>, vector<1x16xf32>,
        %get3A_3383 = vector.shape_cast %get3A_3382 : vector<1x16xf32> to vector<16xf32>
        %mul3A_3384 = arith.mulf %get3A_3383, %gather3A_3375 : vector<16xf32>
        %swap3A_3385 = arith.index_cast %add3A_3379 : i32 to index
        %swap3A_3386 = arith.constant 0 : index
        %swap3A_3387 = tpu.vector_load %arg12[%swap3A_3385, %swap3A_3386] {strides = array<i32>} : memref<200x128xf32, #tpu.memory_space<vmem>>, vector<1x16xf32>,
        %swap3A_3388 = vector.shape_cast %swap3A_3387 : vector<1x16xf32> to vector<16xf32>
        %swap3A_3389 = vector.shape_cast %mul3A_3384 : vector<16xf32> to vector<1x16xf32>
        tpu.vector_store %arg12[%swap3A_3385, %swap3A_3386], %swap3A_3389 {strides = array<i32>} : memref<200x128xf32, #tpu.memory_space<vmem>>, vector<1x16xf32>,
        %get3A_3390 = arith.index_cast %add3A_3379 : i32 to index
        %get3A_3391 = arith.constant 16 : index
        %get3A_3392 = tpu.vector_load %arg12[%get3A_3390, %get3A_3391] {strides = array<i32>} : memref<200x128xf32, #tpu.memory_space<vmem>>, vector<1x16xf32>,
        %get3A_3393 = vector.shape_cast %get3A_3392 : vector<1x16xf32> to vector<16xf32>
        %mul3A_3394 = arith.mulf %get3A_3393, %gather3A_3375 : vector<16xf32>
        %swap3A_3395 = arith.index_cast %add3A_3379 : i32 to index
        %swap3A_3396 = arith.constant 16 : index
        %swap3A_3397 = tpu.vector_load %arg12[%swap3A_3395, %swap3A_3396] {strides = array<i32>} : memref<200x128xf32, #tpu.memory_space<vmem>>, vector<1x16xf32>,
        %swap3A_3398 = vector.shape_cast %swap3A_3397 : vector<1x16xf32> to vector<16xf32>
        %swap3A_3399 = vector.shape_cast %mul3A_3394 : vector<16xf32> to vector<1x16xf32>
        tpu.vector_store %arg12[%swap3A_3395, %swap3A_3396], %swap3A_3399 {strides = array<i32>} : memref<200x128xf32, #tpu.memory_space<vmem>>, vector<1x16xf32>,
        %get3A_3400 = arith.index_cast %add3A_3379 : i32 to index
        %get3A_3401 = arith.constant 32 : index
        %get3A_3402 = tpu.vector_load %arg12[%get3A_3400, %get3A_3401] {strides = array<i32>} : memref<200x128xf32, #tpu.memory_space<vmem>>, vector<1x16xf32>,
        %get3A_3403 = vector.shape_cast %get3A_3402 : vector<1x16xf32> to vector<16xf32>
        %mul3A_3404 = arith.mulf %get3A_3403, %gather3A_3375 : vector<16xf32>
        %swap3A_3405 = arith.index_cast %add3A_3379 : i32 to index
        %swap3A_3406 = arith.constant 32 : index
        %swap3A_3407 = tpu.vector_load %arg12[%swap3A_3405, %swap3A_3406] {strides = array<i32>} : memref<200x128xf32, #tpu.memory_space<vmem>>, vector<1x16xf32>,
        %swap3A_3408 = vector.shape_cast %swap3A_3407 : vector<1x16xf32> to vector<16xf32>
        %swap3A_3409 = vector.shape_cast %mul3A_3404 : vector<16xf32> to vector<1x16xf32>
        tpu.vector_store %arg12[%swap3A_3405, %swap3A_3406], %swap3A_3409 {strides = array<i32>} : memref<200x128xf32, #tpu.memory_space<vmem>>, vector<1x16xf32>,
        %get3A_3410 = arith.index_cast %add3A_3379 : i32 to index
        %get3A_3411 = arith.constant 48 : index
        %get3A_3412 = tpu.vector_load %arg12[%get3A_3410, %get3A_3411] {strides = array<i32>} : memref<200x128xf32, #tpu.memory_space<vmem>>, vector<1x16xf32>,
        %get3A_3413 = vector.shape_cast %get3A_3412 : vector<1x16xf32> to vector<16xf32>
        %mul3A_3414 = arith.mulf %get3A_3413, %gather3A_3375 : vector<16xf32>
        %swap3A_3415 = arith.index_cast %add3A_3379 : i32 to index
        %swap3A_3416 = arith.constant 48 : index
        %swap3A_3417 = tpu.vector_load %arg12[%swap3A_3415, %swap3A_3416] {strides = array<i32>} : memref<200x128xf32, #tpu.memory_space<vmem>>, vector<1x16xf32>,
        %swap3A_3418 = vector.shape_cast %swap3A_3417 : vector<1x16xf32> to vector<16xf32>
        %swap3A_3419 = vector.shape_cast %mul3A_3414 : vector<16xf32> to vector<1x16xf32>
        tpu.vector_store %arg12[%swap3A_3415, %swap3A_3416], %swap3A_3419 {strides = array<i32>} : memref<200x128xf32, #tpu.memory_space<vmem>>, vector<1x16xf32>,
        %get3A_3420 = arith.index_cast %add3A_3379 : i32 to index
        %get3A_3421 = arith.constant 64 : index
        %get3A_3422 = tpu.vector_load %arg12[%get3A_3420, %get3A_3421] {strides = array<i32>} : memref<200x128xf32, #tpu.memory_space<vmem>>, vector<1x16xf32>,
        %get3A_3423 = vector.shape_cast %get3A_3422 : vector<1x16xf32> to vector<16xf32>
        %mul3A_3424 = arith.mulf %get3A_3423, %gather3A_3375 : vector<16xf32>
        %swap3A_3425 = arith.index_cast %add3A_3379 : i32 to index
        %swap3A_3426 = arith.constant 64 : index
        %swap3A_3427 = tpu.vector_load %arg12[%swap3A_3425, %swap3A_3426] {strides = array<i32>} : memref<200x128xf32, #tpu.memory_space<vmem>>, vector<1x16xf32>,
        %swap3A_3428 = vector.shape_cast %swap3A_3427 : vector<1x16xf32> to vector<16xf32>
        %swap3A_3429 = vector.shape_cast %mul3A_3424 : vector<16xf32> to vector<1x16xf32>
        tpu.vector_store %arg12[%swap3A_3425, %swap3A_3426], %swap3A_3429 {strides = array<i32>} : memref<200x128xf32, #tpu.memory_space<vmem>>, vector<1x16xf32>,
        %get3A_3430 = arith.index_cast %add3A_3379 : i32 to index
        %get3A_3431 = arith.constant 80 : index
        %get3A_3432 = tpu.vector_load %arg12[%get3A_3430, %get3A_3431] {strides = array<i32>} : memref<200x128xf32, #tpu.memory_space<vmem>>, vector<1x16xf32>,
        %get3A_3433 = vector.shape_cast %get3A_3432 : vector<1x16xf32> to vector<16xf32>
        %mul3A_3434 = arith.mulf %get3A_3433, %gather3A_3375 : vector<16xf32>
        %swap3A_3435 = arith.index_cast %add3A_3379 : i32 to index
        %swap3A_3436 = arith.constant 80 : index
        %swap3A_3437 = tpu.vector_load %arg12[%swap3A_3435, %swap3A_3436] {strides = array<i32>} : memref<200x128xf32, #tpu.memory_space<vmem>>, vector<1x16xf32>,
        %swap3A_3438 = vector.shape_cast %swap3A_3437 : vector<1x16xf32> to vector<16xf32>
        %swap3A_3439 = vector.shape_cast %mul3A_3434 : vector<16xf32> to vector<1x16xf32>
        tpu.vector_store %arg12[%swap3A_3435, %swap3A_3436], %swap3A_3439 {strides = array<i32>} : memref<200x128xf32, #tpu.memory_space<vmem>>, vector<1x16xf32>,
        %get3A_3440 = arith.index_cast %add3A_3379 : i32 to index
        %get3A_3441 = arith.constant 96 : index
        %get3A_3442 = tpu.vector_load %arg12[%get3A_3440, %get3A_3441] {strides = array<i32>} : memref<200x128xf32, #tpu.memory_space<vmem>>, vector<1x16xf32>,
        %get3A_3443 = vector.shape_cast %get3A_3442 : vector<1x16xf32> to vector<16xf32>
        %mul3A_3444 = arith.mulf %get3A_3443, %gather3A_3375 : vector<16xf32>
        %swap3A_3445 = arith.index_cast %add3A_3379 : i32 to index
        %swap3A_3446 = arith.constant 96 : index
        %swap3A_3447 = tpu.vector_load %arg12[%swap3A_3445, %swap3A_3446] {strides = array<i32>} : memref<200x128xf32, #tpu.memory_space<vmem>>, vector<1x16xf32>,
        %swap3A_3448 = vector.shape_cast %swap3A_3447 : vector<1x16xf32> to vector<16xf32>
        %swap3A_3449 = vector.shape_cast %mul3A_3444 : vector<16xf32> to vector<1x16xf32>
        tpu.vector_store %arg12[%swap3A_3445, %swap3A_3446], %swap3A_3449 {strides = array<i32>} : memref<200x128xf32, #tpu.memory_space<vmem>>, vector<1x16xf32>,
        %get3A_3450 = arith.index_cast %add3A_3379 : i32 to index
        %get3A_3451 = arith.constant 112 : index
        %get3A_3452 = tpu.vector_load %arg12[%get3A_3450, %get3A_3451] {strides = array<i32>} : memref<200x128xf32, #tpu.memory_space<vmem>>, vector<1x16xf32>,
        %get3A_3453 = vector.shape_cast %get3A_3452 : vector<1x16xf32> to vector<16xf32>
        %mul3A_3454 = arith.mulf %get3A_3453, %gather3A_3375 : vector<16xf32>
        %swap3A_3455 = arith.index_cast %add3A_3379 : i32 to index
        %swap3A_3456 = arith.constant 112 : index
        %swap3A_3457 = tpu.vector_load %arg12[%swap3A_3455, %swap3A_3456] {strides = array<i32>} : memref<200x128xf32, #tpu.memory_space<vmem>>, vector<1x16xf32>,
        %swap3A_3458 = vector.shape_cast %swap3A_3457 : vector<1x16xf32> to vector<16xf32>
        %swap3A_3459 = vector.shape_cast %mul3A_3454 : vector<16xf32> to vector<1x16xf32>
        tpu.vector_store %arg12[%swap3A_3455, %swap3A_3456], %swap3A_3459 {strides = array<i32>} : memref<200x128xf32, #tpu.memory_space<vmem>>, vector<1x16xf32>,
        %broadcast_in_dim3A_3460 = arith.constant 2 : i32
        %broadcast_in_dim3A_3461 = vector.broadcast %broadcast_in_dim3A_3460 : i32 to vector<16xi32>
        %lt3A_3462 = arith.constant 0 : i32
        %lt3A_3463 = vector.broadcast %lt3A_3462 : i32 to vector<16xi32>
        %lt3A_3464 = arith.cmpi slt, %broadcast_in_dim3A_3461, %lt3A_3463 : vector<16xi32>
        %add3A_3465 = arith.constant 16 : i32
        %add3A_3466 = vector.broadcast %add3A_3465 : i32 to vector<16xi32>
        %add3A_3467 = arith.addi %broadcast_in_dim3A_3461, %add3A_3466 : vector<16xi32>
        %select_n3A_3468 = arith.select %lt3A_3464, %add3A_3467, %broadcast_in_dim3A_3461 : vector<16xi1>, vector<16xi32>
        %broadcast_in_dim3A_3469 = vector.shape_cast %select_n3A_3468 : vector<16xi32> to vector<16x1xi32>
        %gather3A_3470 = vector.shape_cast %broadcast_in_dim3A_3469 : vector<16x1xi32> to vector<16xi32>
        %gather3A_3471 = tpu.dynamic_gather %get3A_3267[%gather3A_3470] in [0] : vector<16xf32>, vector<16xi32> -> vector<16xf32>
        %add3A_3472 = arith.constant 32 : i32
        %add3A_3473 = arith.addi %multiple_of3A_168, %add3A_3472 : i32
        %add3A_3474 = arith.constant 2 : i32
        %add3A_3475 = arith.addi %add3A_3473, %add3A_3474 : i32
        %get3A_3476 = arith.index_cast %add3A_3475 : i32 to index
        %get3A_3477 = arith.constant 0 : index
        %get3A_3478 = tpu.vector_load %arg12[%get3A_3476, %get3A_3477] {strides = array<i32>} : memref<200x128xf32, #tpu.memory_space<vmem>>, vector<1x16xf32>,
        %get3A_3479 = vector.shape_cast %get3A_3478 : vector<1x16xf32> to vector<16xf32>
        %mul3A_3480 = arith.mulf %get3A_3479, %gather3A_3471 : vector<16xf32>
        %swap3A_3481 = arith.index_cast %add3A_3475 : i32 to index
        %swap3A_3482 = arith.constant 0 : index
        %swap3A_3483 = tpu.vector_load %arg12[%swap3A_3481, %swap3A_3482] {strides = array<i32>} : memref<200x128xf32, #tpu.memory_space<vmem>>, vector<1x16xf32>,
        %swap3A_3484 = vector.shape_cast %swap3A_3483 : vector<1x16xf32> to vector<16xf32>
        %swap3A_3485 = vector.shape_cast %mul3A_3480 : vector<16xf32> to vector<1x16xf32>
        tpu.vector_store %arg12[%swap3A_3481, %swap3A_3482], %swap3A_3485 {strides = array<i32>} : memref<200x128xf32, #tpu.memory_space<vmem>>, vector<1x16xf32>,
        %get3A_3486 = arith.index_cast %add3A_3475 : i32 to index
        %get3A_3487 = arith.constant 16 : index
        %get3A_3488 = tpu.vector_load %arg12[%get3A_3486, %get3A_3487] {strides = array<i32>} : memref<200x128xf32, #tpu.memory_space<vmem>>, vector<1x16xf32>,
        %get3A_3489 = vector.shape_cast %get3A_3488 : vector<1x16xf32> to vector<16xf32>
        %mul3A_3490 = arith.mulf %get3A_3489, %gather3A_3471 : vector<16xf32>
        %swap3A_3491 = arith.index_cast %add3A_3475 : i32 to index
        %swap3A_3492 = arith.constant 16 : index
        %swap3A_3493 = tpu.vector_load %arg12[%swap3A_3491, %swap3A_3492] {strides = array<i32>} : memref<200x128xf32, #tpu.memory_space<vmem>>, vector<1x16xf32>,
        %swap3A_3494 = vector.shape_cast %swap3A_3493 : vector<1x16xf32> to vector<16xf32>
        %swap3A_3495 = vector.shape_cast %mul3A_3490 : vector<16xf32> to vector<1x16xf32>
        tpu.vector_store %arg12[%swap3A_3491, %swap3A_3492], %swap3A_3495 {strides = array<i32>} : memref<200x128xf32, #tpu.memory_space<vmem>>, vector<1x16xf32>,
        %get3A_3496 = arith.index_cast %add3A_3475 : i32 to index
        %get3A_3497 = arith.constant 32 : index
        %get3A_3498 = tpu.vector_load %arg12[%get3A_3496, %get3A_3497] {strides = array<i32>} : memref<200x128xf32, #tpu.memory_space<vmem>>, vector<1x16xf32>,
        %get3A_3499 = vector.shape_cast %get3A_3498 : vector<1x16xf32> to vector<16xf32>
        %mul3A_3500 = arith.mulf %get3A_3499, %gather3A_3471 : vector<16xf32>
        %swap3A_3501 = arith.index_cast %add3A_3475 : i32 to index
        %swap3A_3502 = arith.constant 32 : index
        %swap3A_3503 = tpu.vector_load %arg12[%swap3A_3501, %swap3A_3502] {strides = array<i32>} : memref<200x128xf32, #tpu.memory_space<vmem>>, vector<1x16xf32>,
        %swap3A_3504 = vector.shape_cast %swap3A_3503 : vector<1x16xf32> to vector<16xf32>
        %swap3A_3505 = vector.shape_cast %mul3A_3500 : vector<16xf32> to vector<1x16xf32>
        tpu.vector_store %arg12[%swap3A_3501, %swap3A_3502], %swap3A_3505 {strides = array<i32>} : memref<200x128xf32, #tpu.memory_space<vmem>>, vector<1x16xf32>,
        %get3A_3506 = arith.index_cast %add3A_3475 : i32 to index
        %get3A_3507 = arith.constant 48 : index
        %get3A_3508 = tpu.vector_load %arg12[%get3A_3506, %get3A_3507] {strides = array<i32>} : memref<200x128xf32, #tpu.memory_space<vmem>>, vector<1x16xf32>,
        %get3A_3509 = vector.shape_cast %get3A_3508 : vector<1x16xf32> to vector<16xf32>
        %mul3A_3510 = arith.mulf %get3A_3509, %gather3A_3471 : vector<16xf32>
        %swap3A_3511 = arith.index_cast %add3A_3475 : i32 to index
        %swap3A_3512 = arith.constant 48 : index
        %swap3A_3513 = tpu.vector_load %arg12[%swap3A_3511, %swap3A_3512] {strides = array<i32>} : memref<200x128xf32, #tpu.memory_space<vmem>>, vector<1x16xf32>,
        %swap3A_3514 = vector.shape_cast %swap3A_3513 : vector<1x16xf32> to vector<16xf32>
        %swap3A_3515 = vector.shape_cast %mul3A_3510 : vector<16xf32> to vector<1x16xf32>
        tpu.vector_store %arg12[%swap3A_3511, %swap3A_3512], %swap3A_3515 {strides = array<i32>} : memref<200x128xf32, #tpu.memory_space<vmem>>, vector<1x16xf32>,
        %get3A_3516 = arith.index_cast %add3A_3475 : i32 to index
        %get3A_3517 = arith.constant 64 : index
        %get3A_3518 = tpu.vector_load %arg12[%get3A_3516, %get3A_3517] {strides = array<i32>} : memref<200x128xf32, #tpu.memory_space<vmem>>, vector<1x16xf32>,
        %get3A_3519 = vector.shape_cast %get3A_3518 : vector<1x16xf32> to vector<16xf32>
        %mul3A_3520 = arith.mulf %get3A_3519, %gather3A_3471 : vector<16xf32>
        %swap3A_3521 = arith.index_cast %add3A_3475 : i32 to index
        %swap3A_3522 = arith.constant 64 : index
        %swap3A_3523 = tpu.vector_load %arg12[%swap3A_3521, %swap3A_3522] {strides = array<i32>} : memref<200x128xf32, #tpu.memory_space<vmem>>, vector<1x16xf32>,
        %swap3A_3524 = vector.shape_cast %swap3A_3523 : vector<1x16xf32> to vector<16xf32>
        %swap3A_3525 = vector.shape_cast %mul3A_3520 : vector<16xf32> to vector<1x16xf32>
        tpu.vector_store %arg12[%swap3A_3521, %swap3A_3522], %swap3A_3525 {strides = array<i32>} : memref<200x128xf32, #tpu.memory_space<vmem>>, vector<1x16xf32>,
        %get3A_3526 = arith.index_cast %add3A_3475 : i32 to index
        %get3A_3527 = arith.constant 80 : index
        %get3A_3528 = tpu.vector_load %arg12[%get3A_3526, %get3A_3527] {strides = array<i32>} : memref<200x128xf32, #tpu.memory_space<vmem>>, vector<1x16xf32>,
        %get3A_3529 = vector.shape_cast %get3A_3528 : vector<1x16xf32> to vector<16xf32>
        %mul3A_3530 = arith.mulf %get3A_3529, %gather3A_3471 : vector<16xf32>
        %swap3A_3531 = arith.index_cast %add3A_3475 : i32 to index
        %swap3A_3532 = arith.constant 80 : index
        %swap3A_3533 = tpu.vector_load %arg12[%swap3A_3531, %swap3A_3532] {strides = array<i32>} : memref<200x128xf32, #tpu.memory_space<vmem>>, vector<1x16xf32>,
        %swap3A_3534 = vector.shape_cast %swap3A_3533 : vector<1x16xf32> to vector<16xf32>
        %swap3A_3535 = vector.shape_cast %mul3A_3530 : vector<16xf32> to vector<1x16xf32>
        tpu.vector_store %arg12[%swap3A_3531, %swap3A_3532], %swap3A_3535 {strides = array<i32>} : memref<200x128xf32, #tpu.memory_space<vmem>>, vector<1x16xf32>,
        %get3A_3536 = arith.index_cast %add3A_3475 : i32 to index
        %get3A_3537 = arith.constant 96 : index
        %get3A_3538 = tpu.vector_load %arg12[%get3A_3536, %get3A_3537] {strides = array<i32>} : memref<200x128xf32, #tpu.memory_space<vmem>>, vector<1x16xf32>,
        %get3A_3539 = vector.shape_cast %get3A_3538 : vector<1x16xf32> to vector<16xf32>
        %mul3A_3540 = arith.mulf %get3A_3539, %gather3A_3471 : vector<16xf32>
        %swap3A_3541 = arith.index_cast %add3A_3475 : i32 to index
        %swap3A_3542 = arith.constant 96 : index
        %swap3A_3543 = tpu.vector_load %arg12[%swap3A_3541, %swap3A_3542] {strides = array<i32>} : memref<200x128xf32, #tpu.memory_space<vmem>>, vector<1x16xf32>,
        %swap3A_3544 = vector.shape_cast %swap3A_3543 : vector<1x16xf32> to vector<16xf32>
        %swap3A_3545 = vector.shape_cast %mul3A_3540 : vector<16xf32> to vector<1x16xf32>
        tpu.vector_store %arg12[%swap3A_3541, %swap3A_3542], %swap3A_3545 {strides = array<i32>} : memref<200x128xf32, #tpu.memory_space<vmem>>, vector<1x16xf32>,
        %get3A_3546 = arith.index_cast %add3A_3475 : i32 to index
        %get3A_3547 = arith.constant 112 : index
        %get3A_3548 = tpu.vector_load %arg12[%get3A_3546, %get3A_3547] {strides = array<i32>} : memref<200x128xf32, #tpu.memory_space<vmem>>, vector<1x16xf32>,
        %get3A_3549 = vector.shape_cast %get3A_3548 : vector<1x16xf32> to vector<16xf32>
        %mul3A_3550 = arith.mulf %get3A_3549, %gather3A_3471 : vector<16xf32>
        %swap3A_3551 = arith.index_cast %add3A_3475 : i32 to index
        %swap3A_3552 = arith.constant 112 : index
        %swap3A_3553 = tpu.vector_load %arg12[%swap3A_3551, %swap3A_3552] {strides = array<i32>} : memref<200x128xf32, #tpu.memory_space<vmem>>, vector<1x16xf32>,
        %swap3A_3554 = vector.shape_cast %swap3A_3553 : vector<1x16xf32> to vector<16xf32>
        %swap3A_3555 = vector.shape_cast %mul3A_3550 : vector<16xf32> to vector<1x16xf32>
        tpu.vector_store %arg12[%swap3A_3551, %swap3A_3552], %swap3A_3555 {strides = array<i32>} : memref<200x128xf32, #tpu.memory_space<vmem>>, vector<1x16xf32>,
        %broadcast_in_dim3A_3556 = arith.constant 3 : i32
        %broadcast_in_dim3A_3557 = vector.broadcast %broadcast_in_dim3A_3556 : i32 to vector<16xi32>
        %lt3A_3558 = arith.constant 0 : i32
        %lt3A_3559 = vector.broadcast %lt3A_3558 : i32 to vector<16xi32>
        %lt3A_3560 = arith.cmpi slt, %broadcast_in_dim3A_3557, %lt3A_3559 : vector<16xi32>
        %add3A_3561 = arith.constant 16 : i32
        %add3A_3562 = vector.broadcast %add3A_3561 : i32 to vector<16xi32>
        %add3A_3563 = arith.addi %broadcast_in_dim3A_3557, %add3A_3562 : vector<16xi32>
        %select_n3A_3564 = arith.select %lt3A_3560, %add3A_3563, %broadcast_in_dim3A_3557 : vector<16xi1>, vector<16xi32>
        %broadcast_in_dim3A_3565 = vector.shape_cast %select_n3A_3564 : vector<16xi32> to vector<16x1xi32>
        %gather3A_3566 = vector.shape_cast %broadcast_in_dim3A_3565 : vector<16x1xi32> to vector<16xi32>
        %gather3A_3567 = tpu.dynamic_gather %get3A_3267[%gather3A_3566] in [0] : vector<16xf32>, vector<16xi32> -> vector<16xf32>
        %add3A_3568 = arith.constant 32 : i32
        %add3A_3569 = arith.addi %multiple_of3A_168, %add3A_3568 : i32
        %add3A_3570 = arith.constant 3 : i32
        %add3A_3571 = arith.addi %add3A_3569, %add3A_3570 : i32
        %get3A_3572 = arith.index_cast %add3A_3571 : i32 to index
        %get3A_3573 = arith.constant 0 : index
        %get3A_3574 = tpu.vector_load %arg12[%get3A_3572, %get3A_3573] {strides = array<i32>} : memref<200x128xf32, #tpu.memory_space<vmem>>, vector<1x16xf32>,
        %get3A_3575 = vector.shape_cast %get3A_3574 : vector<1x16xf32> to vector<16xf32>
        %mul3A_3576 = arith.mulf %get3A_3575, %gather3A_3567 : vector<16xf32>
        %swap3A_3577 = arith.index_cast %add3A_3571 : i32 to index
        %swap3A_3578 = arith.constant 0 : index
        %swap3A_3579 = tpu.vector_load %arg12[%swap3A_3577, %swap3A_3578] {strides = array<i32>} : memref<200x128xf32, #tpu.memory_space<vmem>>, vector<1x16xf32>,
        %swap3A_3580 = vector.shape_cast %swap3A_3579 : vector<1x16xf32> to vector<16xf32>
        %swap3A_3581 = vector.shape_cast %mul3A_3576 : vector<16xf32> to vector<1x16xf32>
        tpu.vector_store %arg12[%swap3A_3577, %swap3A_3578], %swap3A_3581 {strides = array<i32>} : memref<200x128xf32, #tpu.memory_space<vmem>>, vector<1x16xf32>,
        %get3A_3582 = arith.index_cast %add3A_3571 : i32 to index
        %get3A_3583 = arith.constant 16 : index
        %get3A_3584 = tpu.vector_load %arg12[%get3A_3582, %get3A_3583] {strides = array<i32>} : memref<200x128xf32, #tpu.memory_space<vmem>>, vector<1x16xf32>,
        %get3A_3585 = vector.shape_cast %get3A_3584 : vector<1x16xf32> to vector<16xf32>
        %mul3A_3586 = arith.mulf %get3A_3585, %gather3A_3567 : vector<16xf32>
        %swap3A_3587 = arith.index_cast %add3A_3571 : i32 to index
        %swap3A_3588 = arith.constant 16 : index
        %swap3A_3589 = tpu.vector_load %arg12[%swap3A_3587, %swap3A_3588] {strides = array<i32>} : memref<200x128xf32, #tpu.memory_space<vmem>>, vector<1x16xf32>,
        %swap3A_3590 = vector.shape_cast %swap3A_3589 : vector<1x16xf32> to vector<16xf32>
        %swap3A_3591 = vector.shape_cast %mul3A_3586 : vector<16xf32> to vector<1x16xf32>
        tpu.vector_store %arg12[%swap3A_3587, %swap3A_3588], %swap3A_3591 {strides = array<i32>} : memref<200x128xf32, #tpu.memory_space<vmem>>, vector<1x16xf32>,
        %get3A_3592 = arith.index_cast %add3A_3571 : i32 to index
        %get3A_3593 = arith.constant 32 : index
        %get3A_3594 = tpu.vector_load %arg12[%get3A_3592, %get3A_3593] {strides = array<i32>} : memref<200x128xf32, #tpu.memory_space<vmem>>, vector<1x16xf32>,
        %get3A_3595 = vector.shape_cast %get3A_3594 : vector<1x16xf32> to vector<16xf32>
        %mul3A_3596 = arith.mulf %get3A_3595, %gather3A_3567 : vector<16xf32>
        %swap3A_3597 = arith.index_cast %add3A_3571 : i32 to index
        %swap3A_3598 = arith.constant 32 : index
        %swap3A_3599 = tpu.vector_load %arg12[%swap3A_3597, %swap3A_3598] {strides = array<i32>} : memref<200x128xf32, #tpu.memory_space<vmem>>, vector<1x16xf32>,
        %swap3A_3600 = vector.shape_cast %swap3A_3599 : vector<1x16xf32> to vector<16xf32>
        %swap3A_3601 = vector.shape_cast %mul3A_3596 : vector<16xf32> to vector<1x16xf32>
        tpu.vector_store %arg12[%swap3A_3597, %swap3A_3598], %swap3A_3601 {strides = array<i32>} : memref<200x128xf32, #tpu.memory_space<vmem>>, vector<1x16xf32>,
        %get3A_3602 = arith.index_cast %add3A_3571 : i32 to index
        %get3A_3603 = arith.constant 48 : index
        %get3A_3604 = tpu.vector_load %arg12[%get3A_3602, %get3A_3603] {strides = array<i32>} : memref<200x128xf32, #tpu.memory_space<vmem>>, vector<1x16xf32>,
        %get3A_3605 = vector.shape_cast %get3A_3604 : vector<1x16xf32> to vector<16xf32>
        %mul3A_3606 = arith.mulf %get3A_3605, %gather3A_3567 : vector<16xf32>
        %swap3A_3607 = arith.index_cast %add3A_3571 : i32 to index
        %swap3A_3608 = arith.constant 48 : index
        %swap3A_3609 = tpu.vector_load %arg12[%swap3A_3607, %swap3A_3608] {strides = array<i32>} : memref<200x128xf32, #tpu.memory_space<vmem>>, vector<1x16xf32>,
        %swap3A_3610 = vector.shape_cast %swap3A_3609 : vector<1x16xf32> to vector<16xf32>
        %swap3A_3611 = vector.shape_cast %mul3A_3606 : vector<16xf32> to vector<1x16xf32>
        tpu.vector_store %arg12[%swap3A_3607, %swap3A_3608], %swap3A_3611 {strides = array<i32>} : memref<200x128xf32, #tpu.memory_space<vmem>>, vector<1x16xf32>,
        %get3A_3612 = arith.index_cast %add3A_3571 : i32 to index
        %get3A_3613 = arith.constant 64 : index
        %get3A_3614 = tpu.vector_load %arg12[%get3A_3612, %get3A_3613] {strides = array<i32>} : memref<200x128xf32, #tpu.memory_space<vmem>>, vector<1x16xf32>,
        %get3A_3615 = vector.shape_cast %get3A_3614 : vector<1x16xf32> to vector<16xf32>
        %mul3A_3616 = arith.mulf %get3A_3615, %gather3A_3567 : vector<16xf32>
        %swap3A_3617 = arith.index_cast %add3A_3571 : i32 to index
        %swap3A_3618 = arith.constant 64 : index
        %swap3A_3619 = tpu.vector_load %arg12[%swap3A_3617, %swap3A_3618] {strides = array<i32>} : memref<200x128xf32, #tpu.memory_space<vmem>>, vector<1x16xf32>,
        %swap3A_3620 = vector.shape_cast %swap3A_3619 : vector<1x16xf32> to vector<16xf32>
        %swap3A_3621 = vector.shape_cast %mul3A_3616 : vector<16xf32> to vector<1x16xf32>
        tpu.vector_store %arg12[%swap3A_3617, %swap3A_3618], %swap3A_3621 {strides = array<i32>} : memref<200x128xf32, #tpu.memory_space<vmem>>, vector<1x16xf32>,
        %get3A_3622 = arith.index_cast %add3A_3571 : i32 to index
        %get3A_3623 = arith.constant 80 : index
        %get3A_3624 = tpu.vector_load %arg12[%get3A_3622, %get3A_3623] {strides = array<i32>} : memref<200x128xf32, #tpu.memory_space<vmem>>, vector<1x16xf32>,
        %get3A_3625 = vector.shape_cast %get3A_3624 : vector<1x16xf32> to vector<16xf32>
        %mul3A_3626 = arith.mulf %get3A_3625, %gather3A_3567 : vector<16xf32>
        %swap3A_3627 = arith.index_cast %add3A_3571 : i32 to index
        %swap3A_3628 = arith.constant 80 : index
        %swap3A_3629 = tpu.vector_load %arg12[%swap3A_3627, %swap3A_3628] {strides = array<i32>} : memref<200x128xf32, #tpu.memory_space<vmem>>, vector<1x16xf32>,
        %swap3A_3630 = vector.shape_cast %swap3A_3629 : vector<1x16xf32> to vector<16xf32>
        %swap3A_3631 = vector.shape_cast %mul3A_3626 : vector<16xf32> to vector<1x16xf32>
        tpu.vector_store %arg12[%swap3A_3627, %swap3A_3628], %swap3A_3631 {strides = array<i32>} : memref<200x128xf32, #tpu.memory_space<vmem>>, vector<1x16xf32>,
        %get3A_3632 = arith.index_cast %add3A_3571 : i32 to index
        %get3A_3633 = arith.constant 96 : index
        %get3A_3634 = tpu.vector_load %arg12[%get3A_3632, %get3A_3633] {strides = array<i32>} : memref<200x128xf32, #tpu.memory_space<vmem>>, vector<1x16xf32>,
        %get3A_3635 = vector.shape_cast %get3A_3634 : vector<1x16xf32> to vector<16xf32>
        %mul3A_3636 = arith.mulf %get3A_3635, %gather3A_3567 : vector<16xf32>
        %swap3A_3637 = arith.index_cast %add3A_3571 : i32 to index
        %swap3A_3638 = arith.constant 96 : index
        %swap3A_3639 = tpu.vector_load %arg12[%swap3A_3637, %swap3A_3638] {strides = array<i32>} : memref<200x128xf32, #tpu.memory_space<vmem>>, vector<1x16xf32>,
        %swap3A_3640 = vector.shape_cast %swap3A_3639 : vector<1x16xf32> to vector<16xf32>
        %swap3A_3641 = vector.shape_cast %mul3A_3636 : vector<16xf32> to vector<1x16xf32>
        tpu.vector_store %arg12[%swap3A_3637, %swap3A_3638], %swap3A_3641 {strides = array<i32>} : memref<200x128xf32, #tpu.memory_space<vmem>>, vector<1x16xf32>,
        %get3A_3642 = arith.index_cast %add3A_3571 : i32 to index
        %get3A_3643 = arith.constant 112 : index
        %get3A_3644 = tpu.vector_load %arg12[%get3A_3642, %get3A_3643] {strides = array<i32>} : memref<200x128xf32, #tpu.memory_space<vmem>>, vector<1x16xf32>,
        %get3A_3645 = vector.shape_cast %get3A_3644 : vector<1x16xf32> to vector<16xf32>
        %mul3A_3646 = arith.mulf %get3A_3645, %gather3A_3567 : vector<16xf32>
        %swap3A_3647 = arith.index_cast %add3A_3571 : i32 to index
        %swap3A_3648 = arith.constant 112 : index
        %swap3A_3649 = tpu.vector_load %arg12[%swap3A_3647, %swap3A_3648] {strides = array<i32>} : memref<200x128xf32, #tpu.memory_space<vmem>>, vector<1x16xf32>,
        %swap3A_3650 = vector.shape_cast %swap3A_3649 : vector<1x16xf32> to vector<16xf32>
        %swap3A_3651 = vector.shape_cast %mul3A_3646 : vector<16xf32> to vector<1x16xf32>
        tpu.vector_store %arg12[%swap3A_3647, %swap3A_3648], %swap3A_3651 {strides = array<i32>} : memref<200x128xf32, #tpu.memory_space<vmem>>, vector<1x16xf32>,
        %broadcast_in_dim3A_3652 = arith.constant 4 : i32
        %broadcast_in_dim3A_3653 = vector.broadcast %broadcast_in_dim3A_3652 : i32 to vector<16xi32>
        %lt3A_3654 = arith.constant 0 : i32
        %lt3A_3655 = vector.broadcast %lt3A_3654 : i32 to vector<16xi32>
        %lt3A_3656 = arith.cmpi slt, %broadcast_in_dim3A_3653, %lt3A_3655 : vector<16xi32>
        %add3A_3657 = arith.constant 16 : i32
        %add3A_3658 = vector.broadcast %add3A_3657 : i32 to vector<16xi32>
        %add3A_3659 = arith.addi %broadcast_in_dim3A_3653, %add3A_3658 : vector<16xi32>
        %select_n3A_3660 = arith.select %lt3A_3656, %add3A_3659, %broadcast_in_dim3A_3653 : vector<16xi1>, vector<16xi32>
        %broadcast_in_dim3A_3661 = vector.shape_cast %select_n3A_3660 : vector<16xi32> to vector<16x1xi32>
        %gather3A_3662 = vector.shape_cast %broadcast_in_dim3A_3661 : vector<16x1xi32> to vector<16xi32>
        %gather3A_3663 = tpu.dynamic_gather %get3A_3267[%gather3A_3662] in [0] : vector<16xf32>, vector<16xi32> -> vector<16xf32>
        %add3A_3664 = arith.constant 32 : i32
        %add3A_3665 = arith.addi %multiple_of3A_168, %add3A_3664 : i32
        %add3A_3666 = arith.constant 4 : i32
        %add3A_3667 = arith.addi %add3A_3665, %add3A_3666 : i32
        %get3A_3668 = arith.index_cast %add3A_3667 : i32 to index
        %get3A_3669 = arith.constant 0 : index
        %get3A_3670 = tpu.vector_load %arg12[%get3A_3668, %get3A_3669] {strides = array<i32>} : memref<200x128xf32, #tpu.memory_space<vmem>>, vector<1x16xf32>,
        %get3A_3671 = vector.shape_cast %get3A_3670 : vector<1x16xf32> to vector<16xf32>
        %mul3A_3672 = arith.mulf %get3A_3671, %gather3A_3663 : vector<16xf32>
        %swap3A_3673 = arith.index_cast %add3A_3667 : i32 to index
        %swap3A_3674 = arith.constant 0 : index
        %swap3A_3675 = tpu.vector_load %arg12[%swap3A_3673, %swap3A_3674] {strides = array<i32>} : memref<200x128xf32, #tpu.memory_space<vmem>>, vector<1x16xf32>,
        %swap3A_3676 = vector.shape_cast %swap3A_3675 : vector<1x16xf32> to vector<16xf32>
        %swap3A_3677 = vector.shape_cast %mul3A_3672 : vector<16xf32> to vector<1x16xf32>
        tpu.vector_store %arg12[%swap3A_3673, %swap3A_3674], %swap3A_3677 {strides = array<i32>} : memref<200x128xf32, #tpu.memory_space<vmem>>, vector<1x16xf32>,
        %get3A_3678 = arith.index_cast %add3A_3667 : i32 to index
        %get3A_3679 = arith.constant 16 : index
        %get3A_3680 = tpu.vector_load %arg12[%get3A_3678, %get3A_3679] {strides = array<i32>} : memref<200x128xf32, #tpu.memory_space<vmem>>, vector<1x16xf32>,
        %get3A_3681 = vector.shape_cast %get3A_3680 : vector<1x16xf32> to vector<16xf32>
        %mul3A_3682 = arith.mulf %get3A_3681, %gather3A_3663 : vector<16xf32>
        %swap3A_3683 = arith.index_cast %add3A_3667 : i32 to index
        %swap3A_3684 = arith.constant 16 : index
        %swap3A_3685 = tpu.vector_load %arg12[%swap3A_3683, %swap3A_3684] {strides = array<i32>} : memref<200x128xf32, #tpu.memory_space<vmem>>, vector<1x16xf32>,
        %swap3A_3686 = vector.shape_cast %swap3A_3685 : vector<1x16xf32> to vector<16xf32>
        %swap3A_3687 = vector.shape_cast %mul3A_3682 : vector<16xf32> to vector<1x16xf32>
        tpu.vector_store %arg12[%swap3A_3683, %swap3A_3684], %swap3A_3687 {strides = array<i32>} : memref<200x128xf32, #tpu.memory_space<vmem>>, vector<1x16xf32>,
        %get3A_3688 = arith.index_cast %add3A_3667 : i32 to index
        %get3A_3689 = arith.constant 32 : index
        %get3A_3690 = tpu.vector_load %arg12[%get3A_3688, %get3A_3689] {strides = array<i32>} : memref<200x128xf32, #tpu.memory_space<vmem>>, vector<1x16xf32>,
        %get3A_3691 = vector.shape_cast %get3A_3690 : vector<1x16xf32> to vector<16xf32>
        %mul3A_3692 = arith.mulf %get3A_3691, %gather3A_3663 : vector<16xf32>
        %swap3A_3693 = arith.index_cast %add3A_3667 : i32 to index
        %swap3A_3694 = arith.constant 32 : index
        %swap3A_3695 = tpu.vector_load %arg12[%swap3A_3693, %swap3A_3694] {strides = array<i32>} : memref<200x128xf32, #tpu.memory_space<vmem>>, vector<1x16xf32>,
        %swap3A_3696 = vector.shape_cast %swap3A_3695 : vector<1x16xf32> to vector<16xf32>
        %swap3A_3697 = vector.shape_cast %mul3A_3692 : vector<16xf32> to vector<1x16xf32>
        tpu.vector_store %arg12[%swap3A_3693, %swap3A_3694], %swap3A_3697 {strides = array<i32>} : memref<200x128xf32, #tpu.memory_space<vmem>>, vector<1x16xf32>,
        %get3A_3698 = arith.index_cast %add3A_3667 : i32 to index
        %get3A_3699 = arith.constant 48 : index
        %get3A_3700 = tpu.vector_load %arg12[%get3A_3698, %get3A_3699] {strides = array<i32>} : memref<200x128xf32, #tpu.memory_space<vmem>>, vector<1x16xf32>,
        %get3A_3701 = vector.shape_cast %get3A_3700 : vector<1x16xf32> to vector<16xf32>
        %mul3A_3702 = arith.mulf %get3A_3701, %gather3A_3663 : vector<16xf32>
        %swap3A_3703 = arith.index_cast %add3A_3667 : i32 to index
        %swap3A_3704 = arith.constant 48 : index
        %swap3A_3705 = tpu.vector_load %arg12[%swap3A_3703, %swap3A_3704] {strides = array<i32>} : memref<200x128xf32, #tpu.memory_space<vmem>>, vector<1x16xf32>,
        %swap3A_3706 = vector.shape_cast %swap3A_3705 : vector<1x16xf32> to vector<16xf32>
        %swap3A_3707 = vector.shape_cast %mul3A_3702 : vector<16xf32> to vector<1x16xf32>
        tpu.vector_store %arg12[%swap3A_3703, %swap3A_3704], %swap3A_3707 {strides = array<i32>} : memref<200x128xf32, #tpu.memory_space<vmem>>, vector<1x16xf32>,
        %get3A_3708 = arith.index_cast %add3A_3667 : i32 to index
        %get3A_3709 = arith.constant 64 : index
        %get3A_3710 = tpu.vector_load %arg12[%get3A_3708, %get3A_3709] {strides = array<i32>} : memref<200x128xf32, #tpu.memory_space<vmem>>, vector<1x16xf32>,
        %get3A_3711 = vector.shape_cast %get3A_3710 : vector<1x16xf32> to vector<16xf32>
        %mul3A_3712 = arith.mulf %get3A_3711, %gather3A_3663 : vector<16xf32>
        %swap3A_3713 = arith.index_cast %add3A_3667 : i32 to index
        %swap3A_3714 = arith.constant 64 : index
        %swap3A_3715 = tpu.vector_load %arg12[%swap3A_3713, %swap3A_3714] {strides = array<i32>} : memref<200x128xf32, #tpu.memory_space<vmem>>, vector<1x16xf32>,
        %swap3A_3716 = vector.shape_cast %swap3A_3715 : vector<1x16xf32> to vector<16xf32>
        %swap3A_3717 = vector.shape_cast %mul3A_3712 : vector<16xf32> to vector<1x16xf32>
        tpu.vector_store %arg12[%swap3A_3713, %swap3A_3714], %swap3A_3717 {strides = array<i32>} : memref<200x128xf32, #tpu.memory_space<vmem>>, vector<1x16xf32>,
        %get3A_3718 = arith.index_cast %add3A_3667 : i32 to index
        %get3A_3719 = arith.constant 80 : index
        %get3A_3720 = tpu.vector_load %arg12[%get3A_3718, %get3A_3719] {strides = array<i32>} : memref<200x128xf32, #tpu.memory_space<vmem>>, vector<1x16xf32>,
        %get3A_3721 = vector.shape_cast %get3A_3720 : vector<1x16xf32> to vector<16xf32>
        %mul3A_3722 = arith.mulf %get3A_3721, %gather3A_3663 : vector<16xf32>
        %swap3A_3723 = arith.index_cast %add3A_3667 : i32 to index
        %swap3A_3724 = arith.constant 80 : index
        %swap3A_3725 = tpu.vector_load %arg12[%swap3A_3723, %swap3A_3724] {strides = array<i32>} : memref<200x128xf32, #tpu.memory_space<vmem>>, vector<1x16xf32>,
        %swap3A_3726 = vector.shape_cast %swap3A_3725 : vector<1x16xf32> to vector<16xf32>
        %swap3A_3727 = vector.shape_cast %mul3A_3722 : vector<16xf32> to vector<1x16xf32>
        tpu.vector_store %arg12[%swap3A_3723, %swap3A_3724], %swap3A_3727 {strides = array<i32>} : memref<200x128xf32, #tpu.memory_space<vmem>>, vector<1x16xf32>,
        %get3A_3728 = arith.index_cast %add3A_3667 : i32 to index
        %get3A_3729 = arith.constant 96 : index
        %get3A_3730 = tpu.vector_load %arg12[%get3A_3728, %get3A_3729] {strides = array<i32>} : memref<200x128xf32, #tpu.memory_space<vmem>>, vector<1x16xf32>,
        %get3A_3731 = vector.shape_cast %get3A_3730 : vector<1x16xf32> to vector<16xf32>
        %mul3A_3732 = arith.mulf %get3A_3731, %gather3A_3663 : vector<16xf32>
        %swap3A_3733 = arith.index_cast %add3A_3667 : i32 to index
        %swap3A_3734 = arith.constant 96 : index
        %swap3A_3735 = tpu.vector_load %arg12[%swap3A_3733, %swap3A_3734] {strides = array<i32>} : memref<200x128xf32, #tpu.memory_space<vmem>>, vector<1x16xf32>,
        %swap3A_3736 = vector.shape_cast %swap3A_3735 : vector<1x16xf32> to vector<16xf32>
        %swap3A_3737 = vector.shape_cast %mul3A_3732 : vector<16xf32> to vector<1x16xf32>
        tpu.vector_store %arg12[%swap3A_3733, %swap3A_3734], %swap3A_3737 {strides = array<i32>} : memref<200x128xf32, #tpu.memory_space<vmem>>, vector<1x16xf32>,
        %get3A_3738 = arith.index_cast %add3A_3667 : i32 to index
        %get3A_3739 = arith.constant 112 : index
        %get3A_3740 = tpu.vector_load %arg12[%get3A_3738, %get3A_3739] {strides = array<i32>} : memref<200x128xf32, #tpu.memory_space<vmem>>, vector<1x16xf32>,
        %get3A_3741 = vector.shape_cast %get3A_3740 : vector<1x16xf32> to vector<16xf32>
        %mul3A_3742 = arith.mulf %get3A_3741, %gather3A_3663 : vector<16xf32>
        %swap3A_3743 = arith.index_cast %add3A_3667 : i32 to index
        %swap3A_3744 = arith.constant 112 : index
        %swap3A_3745 = tpu.vector_load %arg12[%swap3A_3743, %swap3A_3744] {strides = array<i32>} : memref<200x128xf32, #tpu.memory_space<vmem>>, vector<1x16xf32>,
        %swap3A_3746 = vector.shape_cast %swap3A_3745 : vector<1x16xf32> to vector<16xf32>
        %swap3A_3747 = vector.shape_cast %mul3A_3742 : vector<16xf32> to vector<1x16xf32>
        tpu.vector_store %arg12[%swap3A_3743, %swap3A_3744], %swap3A_3747 {strides = array<i32>} : memref<200x128xf32, #tpu.memory_space<vmem>>, vector<1x16xf32>,
        %broadcast_in_dim3A_3748 = arith.constant 5 : i32
        %broadcast_in_dim3A_3749 = vector.broadcast %broadcast_in_dim3A_3748 : i32 to vector<16xi32>
        %lt3A_3750 = arith.constant 0 : i32
        %lt3A_3751 = vector.broadcast %lt3A_3750 : i32 to vector<16xi32>
        %lt3A_3752 = arith.cmpi slt, %broadcast_in_dim3A_3749, %lt3A_3751 : vector<16xi32>
        %add3A_3753 = arith.constant 16 : i32
        %add3A_3754 = vector.broadcast %add3A_3753 : i32 to vector<16xi32>
        %add3A_3755 = arith.addi %broadcast_in_dim3A_3749, %add3A_3754 : vector<16xi32>
        %select_n3A_3756 = arith.select %lt3A_3752, %add3A_3755, %broadcast_in_dim3A_3749 : vector<16xi1>, vector<16xi32>
        %broadcast_in_dim3A_3757 = vector.shape_cast %select_n3A_3756 : vector<16xi32> to vector<16x1xi32>
        %gather3A_3758 = vector.shape_cast %broadcast_in_dim3A_3757 : vector<16x1xi32> to vector<16xi32>
        %gather3A_3759 = tpu.dynamic_gather %get3A_3267[%gather3A_3758] in [0] : vector<16xf32>, vector<16xi32> -> vector<16xf32>
        %add3A_3760 = arith.constant 32 : i32
        %add3A_3761 = arith.addi %multiple_of3A_168, %add3A_3760 : i32
        %add3A_3762 = arith.constant 5 : i32
        %add3A_3763 = arith.addi %add3A_3761, %add3A_3762 : i32
        %get3A_3764 = arith.index_cast %add3A_3763 : i32 to index
        %get3A_3765 = arith.constant 0 : index
        %get3A_3766 = tpu.vector_load %arg12[%get3A_3764, %get3A_3765] {strides = array<i32>} : memref<200x128xf32, #tpu.memory_space<vmem>>, vector<1x16xf32>,
        %get3A_3767 = vector.shape_cast %get3A_3766 : vector<1x16xf32> to vector<16xf32>
        %mul3A_3768 = arith.mulf %get3A_3767, %gather3A_3759 : vector<16xf32>
        %swap3A_3769 = arith.index_cast %add3A_3763 : i32 to index
        %swap3A_3770 = arith.constant 0 : index
        %swap3A_3771 = tpu.vector_load %arg12[%swap3A_3769, %swap3A_3770] {strides = array<i32>} : memref<200x128xf32, #tpu.memory_space<vmem>>, vector<1x16xf32>,
        %swap3A_3772 = vector.shape_cast %swap3A_3771 : vector<1x16xf32> to vector<16xf32>
        %swap3A_3773 = vector.shape_cast %mul3A_3768 : vector<16xf32> to vector<1x16xf32>
        tpu.vector_store %arg12[%swap3A_3769, %swap3A_3770], %swap3A_3773 {strides = array<i32>} : memref<200x128xf32, #tpu.memory_space<vmem>>, vector<1x16xf32>,
        %get3A_3774 = arith.index_cast %add3A_3763 : i32 to index
        %get3A_3775 = arith.constant 16 : index
        %get3A_3776 = tpu.vector_load %arg12[%get3A_3774, %get3A_3775] {strides = array<i32>} : memref<200x128xf32, #tpu.memory_space<vmem>>, vector<1x16xf32>,
        %get3A_3777 = vector.shape_cast %get3A_3776 : vector<1x16xf32> to vector<16xf32>
        %mul3A_3778 = arith.mulf %get3A_3777, %gather3A_3759 : vector<16xf32>
        %swap3A_3779 = arith.index_cast %add3A_3763 : i32 to index
        %swap3A_3780 = arith.constant 16 : index
        %swap3A_3781 = tpu.vector_load %arg12[%swap3A_3779, %swap3A_3780] {strides = array<i32>} : memref<200x128xf32, #tpu.memory_space<vmem>>, vector<1x16xf32>,
        %swap3A_3782 = vector.shape_cast %swap3A_3781 : vector<1x16xf32> to vector<16xf32>
        %swap3A_3783 = vector.shape_cast %mul3A_3778 : vector<16xf32> to vector<1x16xf32>
        tpu.vector_store %arg12[%swap3A_3779, %swap3A_3780], %swap3A_3783 {strides = array<i32>} : memref<200x128xf32, #tpu.memory_space<vmem>>, vector<1x16xf32>,
        %get3A_3784 = arith.index_cast %add3A_3763 : i32 to index
        %get3A_3785 = arith.constant 32 : index
        %get3A_3786 = tpu.vector_load %arg12[%get3A_3784, %get3A_3785] {strides = array<i32>} : memref<200x128xf32, #tpu.memory_space<vmem>>, vector<1x16xf32>,
        %get3A_3787 = vector.shape_cast %get3A_3786 : vector<1x16xf32> to vector<16xf32>
        %mul3A_3788 = arith.mulf %get3A_3787, %gather3A_3759 : vector<16xf32>
        %swap3A_3789 = arith.index_cast %add3A_3763 : i32 to index
        %swap3A_3790 = arith.constant 32 : index
        %swap3A_3791 = tpu.vector_load %arg12[%swap3A_3789, %swap3A_3790] {strides = array<i32>} : memref<200x128xf32, #tpu.memory_space<vmem>>, vector<1x16xf32>,
        %swap3A_3792 = vector.shape_cast %swap3A_3791 : vector<1x16xf32> to vector<16xf32>
        %swap3A_3793 = vector.shape_cast %mul3A_3788 : vector<16xf32> to vector<1x16xf32>
        tpu.vector_store %arg12[%swap3A_3789, %swap3A_3790], %swap3A_3793 {strides = array<i32>} : memref<200x128xf32, #tpu.memory_space<vmem>>, vector<1x16xf32>,
        %get3A_3794 = arith.index_cast %add3A_3763 : i32 to index
        %get3A_3795 = arith.constant 48 : index
        %get3A_3796 = tpu.vector_load %arg12[%get3A_3794, %get3A_3795] {strides = array<i32>} : memref<200x128xf32, #tpu.memory_space<vmem>>, vector<1x16xf32>,
        %get3A_3797 = vector.shape_cast %get3A_3796 : vector<1x16xf32> to vector<16xf32>
        %mul3A_3798 = arith.mulf %get3A_3797, %gather3A_3759 : vector<16xf32>
        %swap3A_3799 = arith.index_cast %add3A_3763 : i32 to index
        %swap3A_3800 = arith.constant 48 : index
        %swap3A_3801 = tpu.vector_load %arg12[%swap3A_3799, %swap3A_3800] {strides = array<i32>} : memref<200x128xf32, #tpu.memory_space<vmem>>, vector<1x16xf32>,
        %swap3A_3802 = vector.shape_cast %swap3A_3801 : vector<1x16xf32> to vector<16xf32>
        %swap3A_3803 = vector.shape_cast %mul3A_3798 : vector<16xf32> to vector<1x16xf32>
        tpu.vector_store %arg12[%swap3A_3799, %swap3A_3800], %swap3A_3803 {strides = array<i32>} : memref<200x128xf32, #tpu.memory_space<vmem>>, vector<1x16xf32>,
        %get3A_3804 = arith.index_cast %add3A_3763 : i32 to index
        %get3A_3805 = arith.constant 64 : index
        %get3A_3806 = tpu.vector_load %arg12[%get3A_3804, %get3A_3805] {strides = array<i32>} : memref<200x128xf32, #tpu.memory_space<vmem>>, vector<1x16xf32>,
        %get3A_3807 = vector.shape_cast %get3A_3806 : vector<1x16xf32> to vector<16xf32>
        %mul3A_3808 = arith.mulf %get3A_3807, %gather3A_3759 : vector<16xf32>
        %swap3A_3809 = arith.index_cast %add3A_3763 : i32 to index
        %swap3A_3810 = arith.constant 64 : index
        %swap3A_3811 = tpu.vector_load %arg12[%swap3A_3809, %swap3A_3810] {strides = array<i32>} : memref<200x128xf32, #tpu.memory_space<vmem>>, vector<1x16xf32>,
        %swap3A_3812 = vector.shape_cast %swap3A_3811 : vector<1x16xf32> to vector<16xf32>
        %swap3A_3813 = vector.shape_cast %mul3A_3808 : vector<16xf32> to vector<1x16xf32>
        tpu.vector_store %arg12[%swap3A_3809, %swap3A_3810], %swap3A_3813 {strides = array<i32>} : memref<200x128xf32, #tpu.memory_space<vmem>>, vector<1x16xf32>,
        %get3A_3814 = arith.index_cast %add3A_3763 : i32 to index
        %get3A_3815 = arith.constant 80 : index
        %get3A_3816 = tpu.vector_load %arg12[%get3A_3814, %get3A_3815] {strides = array<i32>} : memref<200x128xf32, #tpu.memory_space<vmem>>, vector<1x16xf32>,
        %get3A_3817 = vector.shape_cast %get3A_3816 : vector<1x16xf32> to vector<16xf32>
        %mul3A_3818 = arith.mulf %get3A_3817, %gather3A_3759 : vector<16xf32>
        %swap3A_3819 = arith.index_cast %add3A_3763 : i32 to index
        %swap3A_3820 = arith.constant 80 : index
        %swap3A_3821 = tpu.vector_load %arg12[%swap3A_3819, %swap3A_3820] {strides = array<i32>} : memref<200x128xf32, #tpu.memory_space<vmem>>, vector<1x16xf32>,
        %swap3A_3822 = vector.shape_cast %swap3A_3821 : vector<1x16xf32> to vector<16xf32>
        %swap3A_3823 = vector.shape_cast %mul3A_3818 : vector<16xf32> to vector<1x16xf32>
        tpu.vector_store %arg12[%swap3A_3819, %swap3A_3820], %swap3A_3823 {strides = array<i32>} : memref<200x128xf32, #tpu.memory_space<vmem>>, vector<1x16xf32>,
        %get3A_3824 = arith.index_cast %add3A_3763 : i32 to index
        %get3A_3825 = arith.constant 96 : index
        %get3A_3826 = tpu.vector_load %arg12[%get3A_3824, %get3A_3825] {strides = array<i32>} : memref<200x128xf32, #tpu.memory_space<vmem>>, vector<1x16xf32>,
        %get3A_3827 = vector.shape_cast %get3A_3826 : vector<1x16xf32> to vector<16xf32>
        %mul3A_3828 = arith.mulf %get3A_3827, %gather3A_3759 : vector<16xf32>
        %swap3A_3829 = arith.index_cast %add3A_3763 : i32 to index
        %swap3A_3830 = arith.constant 96 : index
        %swap3A_3831 = tpu.vector_load %arg12[%swap3A_3829, %swap3A_3830] {strides = array<i32>} : memref<200x128xf32, #tpu.memory_space<vmem>>, vector<1x16xf32>,
        %swap3A_3832 = vector.shape_cast %swap3A_3831 : vector<1x16xf32> to vector<16xf32>
        %swap3A_3833 = vector.shape_cast %mul3A_3828 : vector<16xf32> to vector<1x16xf32>
        tpu.vector_store %arg12[%swap3A_3829, %swap3A_3830], %swap3A_3833 {strides = array<i32>} : memref<200x128xf32, #tpu.memory_space<vmem>>, vector<1x16xf32>,
        %get3A_3834 = arith.index_cast %add3A_3763 : i32 to index
        %get3A_3835 = arith.constant 112 : index
        %get3A_3836 = tpu.vector_load %arg12[%get3A_3834, %get3A_3835] {strides = array<i32>} : memref<200x128xf32, #tpu.memory_space<vmem>>, vector<1x16xf32>,
        %get3A_3837 = vector.shape_cast %get3A_3836 : vector<1x16xf32> to vector<16xf32>
        %mul3A_3838 = arith.mulf %get3A_3837, %gather3A_3759 : vector<16xf32>
        %swap3A_3839 = arith.index_cast %add3A_3763 : i32 to index
        %swap3A_3840 = arith.constant 112 : index
        %swap3A_3841 = tpu.vector_load %arg12[%swap3A_3839, %swap3A_3840] {strides = array<i32>} : memref<200x128xf32, #tpu.memory_space<vmem>>, vector<1x16xf32>,
        %swap3A_3842 = vector.shape_cast %swap3A_3841 : vector<1x16xf32> to vector<16xf32>
        %swap3A_3843 = vector.shape_cast %mul3A_3838 : vector<16xf32> to vector<1x16xf32>
        tpu.vector_store %arg12[%swap3A_3839, %swap3A_3840], %swap3A_3843 {strides = array<i32>} : memref<200x128xf32, #tpu.memory_space<vmem>>, vector<1x16xf32>,
        %broadcast_in_dim3A_3844 = arith.constant 6 : i32
        %broadcast_in_dim3A_3845 = vector.broadcast %broadcast_in_dim3A_3844 : i32 to vector<16xi32>
        %lt3A_3846 = arith.constant 0 : i32
        %lt3A_3847 = vector.broadcast %lt3A_3846 : i32 to vector<16xi32>
        %lt3A_3848 = arith.cmpi slt, %broadcast_in_dim3A_3845, %lt3A_3847 : vector<16xi32>
        %add3A_3849 = arith.constant 16 : i32
        %add3A_3850 = vector.broadcast %add3A_3849 : i32 to vector<16xi32>
        %add3A_3851 = arith.addi %broadcast_in_dim3A_3845, %add3A_3850 : vector<16xi32>
        %select_n3A_3852 = arith.select %lt3A_3848, %add3A_3851, %broadcast_in_dim3A_3845 : vector<16xi1>, vector<16xi32>
        %broadcast_in_dim3A_3853 = vector.shape_cast %select_n3A_3852 : vector<16xi32> to vector<16x1xi32>
        %gather3A_3854 = vector.shape_cast %broadcast_in_dim3A_3853 : vector<16x1xi32> to vector<16xi32>
        %gather3A_3855 = tpu.dynamic_gather %get3A_3267[%gather3A_3854] in [0] : vector<16xf32>, vector<16xi32> -> vector<16xf32>
        %add3A_3856 = arith.constant 32 : i32
        %add3A_3857 = arith.addi %multiple_of3A_168, %add3A_3856 : i32
        %add3A_3858 = arith.constant 6 : i32
        %add3A_3859 = arith.addi %add3A_3857, %add3A_3858 : i32
        %get3A_3860 = arith.index_cast %add3A_3859 : i32 to index
        %get3A_3861 = arith.constant 0 : index
        %get3A_3862 = tpu.vector_load %arg12[%get3A_3860, %get3A_3861] {strides = array<i32>} : memref<200x128xf32, #tpu.memory_space<vmem>>, vector<1x16xf32>,
        %get3A_3863 = vector.shape_cast %get3A_3862 : vector<1x16xf32> to vector<16xf32>
        %mul3A_3864 = arith.mulf %get3A_3863, %gather3A_3855 : vector<16xf32>
        %swap3A_3865 = arith.index_cast %add3A_3859 : i32 to index
        %swap3A_3866 = arith.constant 0 : index
        %swap3A_3867 = tpu.vector_load %arg12[%swap3A_3865, %swap3A_3866] {strides = array<i32>} : memref<200x128xf32, #tpu.memory_space<vmem>>, vector<1x16xf32>,
        %swap3A_3868 = vector.shape_cast %swap3A_3867 : vector<1x16xf32> to vector<16xf32>
        %swap3A_3869 = vector.shape_cast %mul3A_3864 : vector<16xf32> to vector<1x16xf32>
        tpu.vector_store %arg12[%swap3A_3865, %swap3A_3866], %swap3A_3869 {strides = array<i32>} : memref<200x128xf32, #tpu.memory_space<vmem>>, vector<1x16xf32>,
        %get3A_3870 = arith.index_cast %add3A_3859 : i32 to index
        %get3A_3871 = arith.constant 16 : index
        %get3A_3872 = tpu.vector_load %arg12[%get3A_3870, %get3A_3871] {strides = array<i32>} : memref<200x128xf32, #tpu.memory_space<vmem>>, vector<1x16xf32>,
        %get3A_3873 = vector.shape_cast %get3A_3872 : vector<1x16xf32> to vector<16xf32>
        %mul3A_3874 = arith.mulf %get3A_3873, %gather3A_3855 : vector<16xf32>
        %swap3A_3875 = arith.index_cast %add3A_3859 : i32 to index
        %swap3A_3876 = arith.constant 16 : index
        %swap3A_3877 = tpu.vector_load %arg12[%swap3A_3875, %swap3A_3876] {strides = array<i32>} : memref<200x128xf32, #tpu.memory_space<vmem>>, vector<1x16xf32>,
        %swap3A_3878 = vector.shape_cast %swap3A_3877 : vector<1x16xf32> to vector<16xf32>
        %swap3A_3879 = vector.shape_cast %mul3A_3874 : vector<16xf32> to vector<1x16xf32>
        tpu.vector_store %arg12[%swap3A_3875, %swap3A_3876], %swap3A_3879 {strides = array<i32>} : memref<200x128xf32, #tpu.memory_space<vmem>>, vector<1x16xf32>,
        %get3A_3880 = arith.index_cast %add3A_3859 : i32 to index
        %get3A_3881 = arith.constant 32 : index
        %get3A_3882 = tpu.vector_load %arg12[%get3A_3880, %get3A_3881] {strides = array<i32>} : memref<200x128xf32, #tpu.memory_space<vmem>>, vector<1x16xf32>,
        %get3A_3883 = vector.shape_cast %get3A_3882 : vector<1x16xf32> to vector<16xf32>
        %mul3A_3884 = arith.mulf %get3A_3883, %gather3A_3855 : vector<16xf32>
        %swap3A_3885 = arith.index_cast %add3A_3859 : i32 to index
        %swap3A_3886 = arith.constant 32 : index
        %swap3A_3887 = tpu.vector_load %arg12[%swap3A_3885, %swap3A_3886] {strides = array<i32>} : memref<200x128xf32, #tpu.memory_space<vmem>>, vector<1x16xf32>,
        %swap3A_3888 = vector.shape_cast %swap3A_3887 : vector<1x16xf32> to vector<16xf32>
        %swap3A_3889 = vector.shape_cast %mul3A_3884 : vector<16xf32> to vector<1x16xf32>
        tpu.vector_store %arg12[%swap3A_3885, %swap3A_3886], %swap3A_3889 {strides = array<i32>} : memref<200x128xf32, #tpu.memory_space<vmem>>, vector<1x16xf32>,
        %get3A_3890 = arith.index_cast %add3A_3859 : i32 to index
        %get3A_3891 = arith.constant 48 : index
        %get3A_3892 = tpu.vector_load %arg12[%get3A_3890, %get3A_3891] {strides = array<i32>} : memref<200x128xf32, #tpu.memory_space<vmem>>, vector<1x16xf32>,
        %get3A_3893 = vector.shape_cast %get3A_3892 : vector<1x16xf32> to vector<16xf32>
        %mul3A_3894 = arith.mulf %get3A_3893, %gather3A_3855 : vector<16xf32>
        %swap3A_3895 = arith.index_cast %add3A_3859 : i32 to index
        %swap3A_3896 = arith.constant 48 : index
        %swap3A_3897 = tpu.vector_load %arg12[%swap3A_3895, %swap3A_3896] {strides = array<i32>} : memref<200x128xf32, #tpu.memory_space<vmem>>, vector<1x16xf32>,
        %swap3A_3898 = vector.shape_cast %swap3A_3897 : vector<1x16xf32> to vector<16xf32>
        %swap3A_3899 = vector.shape_cast %mul3A_3894 : vector<16xf32> to vector<1x16xf32>
        tpu.vector_store %arg12[%swap3A_3895, %swap3A_3896], %swap3A_3899 {strides = array<i32>} : memref<200x128xf32, #tpu.memory_space<vmem>>, vector<1x16xf32>,
        %get3A_3900 = arith.index_cast %add3A_3859 : i32 to index
        %get3A_3901 = arith.constant 64 : index
        %get3A_3902 = tpu.vector_load %arg12[%get3A_3900, %get3A_3901] {strides = array<i32>} : memref<200x128xf32, #tpu.memory_space<vmem>>, vector<1x16xf32>,
        %get3A_3903 = vector.shape_cast %get3A_3902 : vector<1x16xf32> to vector<16xf32>
        %mul3A_3904 = arith.mulf %get3A_3903, %gather3A_3855 : vector<16xf32>
        %swap3A_3905 = arith.index_cast %add3A_3859 : i32 to index
        %swap3A_3906 = arith.constant 64 : index
        %swap3A_3907 = tpu.vector_load %arg12[%swap3A_3905, %swap3A_3906] {strides = array<i32>} : memref<200x128xf32, #tpu.memory_space<vmem>>, vector<1x16xf32>,
        %swap3A_3908 = vector.shape_cast %swap3A_3907 : vector<1x16xf32> to vector<16xf32>
        %swap3A_3909 = vector.shape_cast %mul3A_3904 : vector<16xf32> to vector<1x16xf32>
        tpu.vector_store %arg12[%swap3A_3905, %swap3A_3906], %swap3A_3909 {strides = array<i32>} : memref<200x128xf32, #tpu.memory_space<vmem>>, vector<1x16xf32>,
        %get3A_3910 = arith.index_cast %add3A_3859 : i32 to index
        %get3A_3911 = arith.constant 80 : index
        %get3A_3912 = tpu.vector_load %arg12[%get3A_3910, %get3A_3911] {strides = array<i32>} : memref<200x128xf32, #tpu.memory_space<vmem>>, vector<1x16xf32>,
        %get3A_3913 = vector.shape_cast %get3A_3912 : vector<1x16xf32> to vector<16xf32>
        %mul3A_3914 = arith.mulf %get3A_3913, %gather3A_3855 : vector<16xf32>
        %swap3A_3915 = arith.index_cast %add3A_3859 : i32 to index
        %swap3A_3916 = arith.constant 80 : index
        %swap3A_3917 = tpu.vector_load %arg12[%swap3A_3915, %swap3A_3916] {strides = array<i32>} : memref<200x128xf32, #tpu.memory_space<vmem>>, vector<1x16xf32>,
        %swap3A_3918 = vector.shape_cast %swap3A_3917 : vector<1x16xf32> to vector<16xf32>
        %swap3A_3919 = vector.shape_cast %mul3A_3914 : vector<16xf32> to vector<1x16xf32>
        tpu.vector_store %arg12[%swap3A_3915, %swap3A_3916], %swap3A_3919 {strides = array<i32>} : memref<200x128xf32, #tpu.memory_space<vmem>>, vector<1x16xf32>,
        %get3A_3920 = arith.index_cast %add3A_3859 : i32 to index
        %get3A_3921 = arith.constant 96 : index
        %get3A_3922 = tpu.vector_load %arg12[%get3A_3920, %get3A_3921] {strides = array<i32>} : memref<200x128xf32, #tpu.memory_space<vmem>>, vector<1x16xf32>,
        %get3A_3923 = vector.shape_cast %get3A_3922 : vector<1x16xf32> to vector<16xf32>
        %mul3A_3924 = arith.mulf %get3A_3923, %gather3A_3855 : vector<16xf32>
        %swap3A_3925 = arith.index_cast %add3A_3859 : i32 to index
        %swap3A_3926 = arith.constant 96 : index
        %swap3A_3927 = tpu.vector_load %arg12[%swap3A_3925, %swap3A_3926] {strides = array<i32>} : memref<200x128xf32, #tpu.memory_space<vmem>>, vector<1x16xf32>,
        %swap3A_3928 = vector.shape_cast %swap3A_3927 : vector<1x16xf32> to vector<16xf32>
        %swap3A_3929 = vector.shape_cast %mul3A_3924 : vector<16xf32> to vector<1x16xf32>
        tpu.vector_store %arg12[%swap3A_3925, %swap3A_3926], %swap3A_3929 {strides = array<i32>} : memref<200x128xf32, #tpu.memory_space<vmem>>, vector<1x16xf32>,
        %get3A_3930 = arith.index_cast %add3A_3859 : i32 to index
        %get3A_3931 = arith.constant 112 : index
        %get3A_3932 = tpu.vector_load %arg12[%get3A_3930, %get3A_3931] {strides = array<i32>} : memref<200x128xf32, #tpu.memory_space<vmem>>, vector<1x16xf32>,
        %get3A_3933 = vector.shape_cast %get3A_3932 : vector<1x16xf32> to vector<16xf32>
        %mul3A_3934 = arith.mulf %get3A_3933, %gather3A_3855 : vector<16xf32>
        %swap3A_3935 = arith.index_cast %add3A_3859 : i32 to index
        %swap3A_3936 = arith.constant 112 : index
        %swap3A_3937 = tpu.vector_load %arg12[%swap3A_3935, %swap3A_3936] {strides = array<i32>} : memref<200x128xf32, #tpu.memory_space<vmem>>, vector<1x16xf32>,
        %swap3A_3938 = vector.shape_cast %swap3A_3937 : vector<1x16xf32> to vector<16xf32>
        %swap3A_3939 = vector.shape_cast %mul3A_3934 : vector<16xf32> to vector<1x16xf32>
        tpu.vector_store %arg12[%swap3A_3935, %swap3A_3936], %swap3A_3939 {strides = array<i32>} : memref<200x128xf32, #tpu.memory_space<vmem>>, vector<1x16xf32>,
        %broadcast_in_dim3A_3940 = arith.constant 7 : i32
        %broadcast_in_dim3A_3941 = vector.broadcast %broadcast_in_dim3A_3940 : i32 to vector<16xi32>
        %lt3A_3942 = arith.constant 0 : i32
        %lt3A_3943 = vector.broadcast %lt3A_3942 : i32 to vector<16xi32>
        %lt3A_3944 = arith.cmpi slt, %broadcast_in_dim3A_3941, %lt3A_3943 : vector<16xi32>
        %add3A_3945 = arith.constant 16 : i32
        %add3A_3946 = vector.broadcast %add3A_3945 : i32 to vector<16xi32>
        %add3A_3947 = arith.addi %broadcast_in_dim3A_3941, %add3A_3946 : vector<16xi32>
        %select_n3A_3948 = arith.select %lt3A_3944, %add3A_3947, %broadcast_in_dim3A_3941 : vector<16xi1>, vector<16xi32>
        %broadcast_in_dim3A_3949 = vector.shape_cast %select_n3A_3948 : vector<16xi32> to vector<16x1xi32>
        %gather3A_3950 = vector.shape_cast %broadcast_in_dim3A_3949 : vector<16x1xi32> to vector<16xi32>
        %gather3A_3951 = tpu.dynamic_gather %get3A_3267[%gather3A_3950] in [0] : vector<16xf32>, vector<16xi32> -> vector<16xf32>
        %add3A_3952 = arith.constant 32 : i32
        %add3A_3953 = arith.addi %multiple_of3A_168, %add3A_3952 : i32
        %add3A_3954 = arith.constant 7 : i32
        %add3A_3955 = arith.addi %add3A_3953, %add3A_3954 : i32
        %get3A_3956 = arith.index_cast %add3A_3955 : i32 to index
        %get3A_3957 = arith.constant 0 : index
        %get3A_3958 = tpu.vector_load %arg12[%get3A_3956, %get3A_3957] {strides = array<i32>} : memref<200x128xf32, #tpu.memory_space<vmem>>, vector<1x16xf32>,
        %get3A_3959 = vector.shape_cast %get3A_3958 : vector<1x16xf32> to vector<16xf32>
        %mul3A_3960 = arith.mulf %get3A_3959, %gather3A_3951 : vector<16xf32>
        %swap3A_3961 = arith.index_cast %add3A_3955 : i32 to index
        %swap3A_3962 = arith.constant 0 : index
        %swap3A_3963 = tpu.vector_load %arg12[%swap3A_3961, %swap3A_3962] {strides = array<i32>} : memref<200x128xf32, #tpu.memory_space<vmem>>, vector<1x16xf32>,
        %swap3A_3964 = vector.shape_cast %swap3A_3963 : vector<1x16xf32> to vector<16xf32>
        %swap3A_3965 = vector.shape_cast %mul3A_3960 : vector<16xf32> to vector<1x16xf32>
        tpu.vector_store %arg12[%swap3A_3961, %swap3A_3962], %swap3A_3965 {strides = array<i32>} : memref<200x128xf32, #tpu.memory_space<vmem>>, vector<1x16xf32>,
        %get3A_3966 = arith.index_cast %add3A_3955 : i32 to index
        %get3A_3967 = arith.constant 16 : index
        %get3A_3968 = tpu.vector_load %arg12[%get3A_3966, %get3A_3967] {strides = array<i32>} : memref<200x128xf32, #tpu.memory_space<vmem>>, vector<1x16xf32>,
        %get3A_3969 = vector.shape_cast %get3A_3968 : vector<1x16xf32> to vector<16xf32>
        %mul3A_3970 = arith.mulf %get3A_3969, %gather3A_3951 : vector<16xf32>
        %swap3A_3971 = arith.index_cast %add3A_3955 : i32 to index
        %swap3A_3972 = arith.constant 16 : index
        %swap3A_3973 = tpu.vector_load %arg12[%swap3A_3971, %swap3A_3972] {strides = array<i32>} : memref<200x128xf32, #tpu.memory_space<vmem>>, vector<1x16xf32>,
        %swap3A_3974 = vector.shape_cast %swap3A_3973 : vector<1x16xf32> to vector<16xf32>
        %swap3A_3975 = vector.shape_cast %mul3A_3970 : vector<16xf32> to vector<1x16xf32>
        tpu.vector_store %arg12[%swap3A_3971, %swap3A_3972], %swap3A_3975 {strides = array<i32>} : memref<200x128xf32, #tpu.memory_space<vmem>>, vector<1x16xf32>,
        %get3A_3976 = arith.index_cast %add3A_3955 : i32 to index
        %get3A_3977 = arith.constant 32 : index
        %get3A_3978 = tpu.vector_load %arg12[%get3A_3976, %get3A_3977] {strides = array<i32>} : memref<200x128xf32, #tpu.memory_space<vmem>>, vector<1x16xf32>,
        %get3A_3979 = vector.shape_cast %get3A_3978 : vector<1x16xf32> to vector<16xf32>
        %mul3A_3980 = arith.mulf %get3A_3979, %gather3A_3951 : vector<16xf32>
        %swap3A_3981 = arith.index_cast %add3A_3955 : i32 to index
        %swap3A_3982 = arith.constant 32 : index
        %swap3A_3983 = tpu.vector_load %arg12[%swap3A_3981, %swap3A_3982] {strides = array<i32>} : memref<200x128xf32, #tpu.memory_space<vmem>>, vector<1x16xf32>,
        %swap3A_3984 = vector.shape_cast %swap3A_3983 : vector<1x16xf32> to vector<16xf32>
        %swap3A_3985 = vector.shape_cast %mul3A_3980 : vector<16xf32> to vector<1x16xf32>
        tpu.vector_store %arg12[%swap3A_3981, %swap3A_3982], %swap3A_3985 {strides = array<i32>} : memref<200x128xf32, #tpu.memory_space<vmem>>, vector<1x16xf32>,
        %get3A_3986 = arith.index_cast %add3A_3955 : i32 to index
        %get3A_3987 = arith.constant 48 : index
        %get3A_3988 = tpu.vector_load %arg12[%get3A_3986, %get3A_3987] {strides = array<i32>} : memref<200x128xf32, #tpu.memory_space<vmem>>, vector<1x16xf32>,
        %get3A_3989 = vector.shape_cast %get3A_3988 : vector<1x16xf32> to vector<16xf32>
        %mul3A_3990 = arith.mulf %get3A_3989, %gather3A_3951 : vector<16xf32>
        %swap3A_3991 = arith.index_cast %add3A_3955 : i32 to index
        %swap3A_3992 = arith.constant 48 : index
        %swap3A_3993 = tpu.vector_load %arg12[%swap3A_3991, %swap3A_3992] {strides = array<i32>} : memref<200x128xf32, #tpu.memory_space<vmem>>, vector<1x16xf32>,
        %swap3A_3994 = vector.shape_cast %swap3A_3993 : vector<1x16xf32> to vector<16xf32>
        %swap3A_3995 = vector.shape_cast %mul3A_3990 : vector<16xf32> to vector<1x16xf32>
        tpu.vector_store %arg12[%swap3A_3991, %swap3A_3992], %swap3A_3995 {strides = array<i32>} : memref<200x128xf32, #tpu.memory_space<vmem>>, vector<1x16xf32>,
        %get3A_3996 = arith.index_cast %add3A_3955 : i32 to index
        %get3A_3997 = arith.constant 64 : index
        %get3A_3998 = tpu.vector_load %arg12[%get3A_3996, %get3A_3997] {strides = array<i32>} : memref<200x128xf32, #tpu.memory_space<vmem>>, vector<1x16xf32>,
        %get3A_3999 = vector.shape_cast %get3A_3998 : vector<1x16xf32> to vector<16xf32>
        %mul3A_4000 = arith.mulf %get3A_3999, %gather3A_3951 : vector<16xf32>
        %swap3A_4001 = arith.index_cast %add3A_3955 : i32 to index
        %swap3A_4002 = arith.constant 64 : index
        %swap3A_4003 = tpu.vector_load %arg12[%swap3A_4001, %swap3A_4002] {strides = array<i32>} : memref<200x128xf32, #tpu.memory_space<vmem>>, vector<1x16xf32>,
        %swap3A_4004 = vector.shape_cast %swap3A_4003 : vector<1x16xf32> to vector<16xf32>
        %swap3A_4005 = vector.shape_cast %mul3A_4000 : vector<16xf32> to vector<1x16xf32>
        tpu.vector_store %arg12[%swap3A_4001, %swap3A_4002], %swap3A_4005 {strides = array<i32>} : memref<200x128xf32, #tpu.memory_space<vmem>>, vector<1x16xf32>,
        %get3A_4006 = arith.index_cast %add3A_3955 : i32 to index
        %get3A_4007 = arith.constant 80 : index
        %get3A_4008 = tpu.vector_load %arg12[%get3A_4006, %get3A_4007] {strides = array<i32>} : memref<200x128xf32, #tpu.memory_space<vmem>>, vector<1x16xf32>,
        %get3A_4009 = vector.shape_cast %get3A_4008 : vector<1x16xf32> to vector<16xf32>
        %mul3A_4010 = arith.mulf %get3A_4009, %gather3A_3951 : vector<16xf32>
        %swap3A_4011 = arith.index_cast %add3A_3955 : i32 to index
        %swap3A_4012 = arith.constant 80 : index
        %swap3A_4013 = tpu.vector_load %arg12[%swap3A_4011, %swap3A_4012] {strides = array<i32>} : memref<200x128xf32, #tpu.memory_space<vmem>>, vector<1x16xf32>,
        %swap3A_4014 = vector.shape_cast %swap3A_4013 : vector<1x16xf32> to vector<16xf32>
        %swap3A_4015 = vector.shape_cast %mul3A_4010 : vector<16xf32> to vector<1x16xf32>
        tpu.vector_store %arg12[%swap3A_4011, %swap3A_4012], %swap3A_4015 {strides = array<i32>} : memref<200x128xf32, #tpu.memory_space<vmem>>, vector<1x16xf32>,
        %get3A_4016 = arith.index_cast %add3A_3955 : i32 to index
        %get3A_4017 = arith.constant 96 : index
        %get3A_4018 = tpu.vector_load %arg12[%get3A_4016, %get3A_4017] {strides = array<i32>} : memref<200x128xf32, #tpu.memory_space<vmem>>, vector<1x16xf32>,
        %get3A_4019 = vector.shape_cast %get3A_4018 : vector<1x16xf32> to vector<16xf32>
        %mul3A_4020 = arith.mulf %get3A_4019, %gather3A_3951 : vector<16xf32>
        %swap3A_4021 = arith.index_cast %add3A_3955 : i32 to index
        %swap3A_4022 = arith.constant 96 : index
        %swap3A_4023 = tpu.vector_load %arg12[%swap3A_4021, %swap3A_4022] {strides = array<i32>} : memref<200x128xf32, #tpu.memory_space<vmem>>, vector<1x16xf32>,
        %swap3A_4024 = vector.shape_cast %swap3A_4023 : vector<1x16xf32> to vector<16xf32>
        %swap3A_4025 = vector.shape_cast %mul3A_4020 : vector<16xf32> to vector<1x16xf32>
        tpu.vector_store %arg12[%swap3A_4021, %swap3A_4022], %swap3A_4025 {strides = array<i32>} : memref<200x128xf32, #tpu.memory_space<vmem>>, vector<1x16xf32>,
        %get3A_4026 = arith.index_cast %add3A_3955 : i32 to index
        %get3A_4027 = arith.constant 112 : index
        %get3A_4028 = tpu.vector_load %arg12[%get3A_4026, %get3A_4027] {strides = array<i32>} : memref<200x128xf32, #tpu.memory_space<vmem>>, vector<1x16xf32>,
        %get3A_4029 = vector.shape_cast %get3A_4028 : vector<1x16xf32> to vector<16xf32>
        %mul3A_4030 = arith.mulf %get3A_4029, %gather3A_3951 : vector<16xf32>
        %swap3A_4031 = arith.index_cast %add3A_3955 : i32 to index
        %swap3A_4032 = arith.constant 112 : index
        %swap3A_4033 = tpu.vector_load %arg12[%swap3A_4031, %swap3A_4032] {strides = array<i32>} : memref<200x128xf32, #tpu.memory_space<vmem>>, vector<1x16xf32>,
        %swap3A_4034 = vector.shape_cast %swap3A_4033 : vector<1x16xf32> to vector<16xf32>
        %swap3A_4035 = vector.shape_cast %mul3A_4030 : vector<16xf32> to vector<1x16xf32>
        tpu.vector_store %arg12[%swap3A_4031, %swap3A_4032], %swap3A_4035 {strides = array<i32>} : memref<200x128xf32, #tpu.memory_space<vmem>>, vector<1x16xf32>,
        %dma_start3A_4036 = arith.constant 0 : i32
        %dma_start3A_4037 = tpu.memref_slice %arg12[%multiple_of3A_168, %dma_start3A_4036] : memref<200x128xf32, #tpu.memory_space<vmem>> -> memref<40x128xf32, #tpu.memory_space<vmem>>
        %dma_start3A_4038 = arith.constant 0 : i32
        %dma_start3A_4039 = tpu.memref_slice %arg10[%scan3A_155, %dma_start3A_4038] : memref<50x40xi32, #tpu.memory_space<vmem>> -> memref<1x40xi32, #tpu.memory_space<vmem>>
        %dma_start3A_4040 = tpu.memref_squeeze %dma_start3A_4039 : memref<1x40xi32, #tpu.memory_space<vmem>> -> memref<40xi32, #tpu.memory_space<vmem>>
        %dma_start3A_4041 = arith.constant 0 : i32
        %dma_start3A_4042 = arith.constant 0 : i32
        %dma_start3A_4043 = tpu.memref_slice %arg8[%dma_start3A_4041, %dma_start3A_4042] : memref<10000x128xf32, #tpu.memory_space<vmem_shared>> -> memref<10000x128xf32, #tpu.memory_space<vmem_shared>>
        %dma_start3A_4044 = tpu.memref_slice %arg14[%select_n3A_165] : memref<5x!tpu.dma_semaphore, #tpu.memory_space<semaphore_mem>> -> memref<1x!tpu.dma_semaphore, #tpu.memory_space<semaphore_mem>>
        %dma_start3A_4045 = tpu.memref_squeeze %dma_start3A_4044 : memref<1x!tpu.dma_semaphore, #tpu.memory_space<semaphore_mem>> -> memref<!tpu.dma_semaphore, #tpu.memory_space<semaphore_mem>>
        tpu.enqueue_indirect_dma source(%dma_start3A_4037 : memref<40x128xf32, #tpu.memory_space<vmem>>) target(%dma_start3A_4043 : memref<10000x128xf32, #tpu.memory_space<vmem_shared>>) offsets(%dma_start3A_4040 : memref<40xi32, #tpu.memory_space<vmem>>) semaphore(%dma_start3A_4045 : memref<!tpu.dma_semaphore, #tpu.memory_space<semaphore_mem>>) {add = true}
        %lt3A_4046 = arith.constant 46 : i32
        %lt3A_4047 = arith.cmpi slt, %scan3A_155, %lt3A_4046 : i32
        %convert_element_type3A_4048 = arith.extui %lt3A_4047 : i1 to i32
        %cond3A_4049 = arith.constant 0 : i32
        %cond3A_4050 = arith.cmpi ne, %convert_element_type3A_4048, %cond3A_4049 : i32
        scf.if %cond3A_4050 {
          %gt3A = arith.constant 0 : i32
          %gt3A_4051 = arith.cmpi sgt, %scan3A_155, %gt3A : i32
          %convert_element_type3A_4052 = arith.extui %gt3A_4051 : i1 to i32
          %cond3A_4053 = arith.constant 0 : i32
          %cond3A_4054 = arith.cmpi ne, %convert_element_type3A_4052, %cond3A_4053 : i32
          scf.if %cond3A_4054 {
            %sub3A_4089 = arith.constant 1 : i32
            %sub3A_4090 = arith.subi %scan3A_155, %sub3A_4089 : i32
            %jit3A_4091 = arith.constant 5 : i32
            %eq3A_4092 = arith.constant 0 : i32
            %eq3A_4093 = arith.cmpi eq, %jit3A_4091, %eq3A_4092 : i32
            %jit3A_4094 = arith.constant 1 : i32
            %select_n3A_4095 = arith.select %eq3A_4093, %jit3A_4094, %jit3A_4091 : i32
            %rem3A_4096 = arith.remsi %sub3A_4090, %select_n3A_4095 : i32
            %ne3A_4097 = arith.constant 0 : i32
            %ne3A_4098 = arith.cmpi ne, %rem3A_4096, %ne3A_4097 : i32
            %lt3A_4099 = arith.constant 0 : i32
            %lt3A_4100 = arith.cmpi slt, %rem3A_4096, %lt3A_4099 : i32
            %lt3A_4101 = arith.constant 0 : i32
            %lt3A_4102 = arith.cmpi slt, %select_n3A_4095, %lt3A_4101 : i32
            %ne3A_4103 = arith.xori %lt3A_4100, %lt3A_4102 : i1
            %and3A_4104 = arith.andi %ne3A_4103, %ne3A_4098 : i1
            %add3A_4105 = arith.addi %rem3A_4096, %select_n3A_4095 : i32
            %select_n3A_4106 = arith.select %and3A_4104, %add3A_4105, %rem3A_4096 : i32
            %dma_wait3A_4107 = arith.constant 0 : i32
            %dma_wait3A_4108 = arith.constant 0 : i32
            %dma_wait3A_4109 = tpu.memref_slice %arg12[%dma_wait3A_4107, %dma_wait3A_4108] : memref<200x128xf32, #tpu.memory_space<vmem>> -> memref<40x128xf32, #tpu.memory_space<vmem>>
            %dma_wait3A_4110 = arith.constant 0 : i32
            %dma_wait3A_4111 = arith.constant 0 : i32
            %dma_wait3A_4112 = tpu.memref_slice %arg2[%dma_wait3A_4110, %dma_wait3A_4111] : memref<10000x128xf32, #tpu.memory_space<hbm>> -> memref<40x128xf32, #tpu.memory_space<hbm>>
            %dma_wait3A_4113 = tpu.memref_slice %arg14[%select_n3A_4106] : memref<5x!tpu.dma_semaphore, #tpu.memory_space<semaphore_mem>> -> memref<1x!tpu.dma_semaphore, #tpu.memory_space<semaphore_mem>>
            %dma_wait3A_4114 = tpu.memref_squeeze %dma_wait3A_4113 : memref<1x!tpu.dma_semaphore, #tpu.memory_space<semaphore_mem>> -> memref<!tpu.dma_semaphore, #tpu.memory_space<semaphore_mem>>
            %dma_wait3A_4115 = arith.constant 0 : i32
            %dma_wait3A_4116 = arith.constant 0 : i32
            %dma_wait3A_4117 = tpu.memref_slice %arg12[%dma_wait3A_4115, %dma_wait3A_4116] : memref<200x128xf32, #tpu.memory_space<vmem>> -> memref<40x128xf32, #tpu.memory_space<vmem>>
            %dma_wait3A_4118 = arith.constant 0 : i32
            %dma_wait3A_4119 = arith.constant 0 : i32
            %dma_wait3A_4120 = tpu.memref_slice %arg2[%dma_wait3A_4118, %dma_wait3A_4119] : memref<10000x128xf32, #tpu.memory_space<hbm>> -> memref<40x128xf32, #tpu.memory_space<hbm>>
            tpu.wait_dma2 semaphore(%dma_wait3A_4114 : memref<!tpu.dma_semaphore, #tpu.memory_space<semaphore_mem>>) src(%dma_wait3A_4120 : memref<40x128xf32, #tpu.memory_space<hbm>>) dst(%dma_wait3A_4117 : memref<40x128xf32, #tpu.memory_space<vmem>>)
          } else {
          }
          %add3A_4055 = arith.constant 5 : i32
          %add3A_4056 = arith.addi %scan3A_155, %add3A_4055 : i32
          %sub3A = arith.constant 1 : i32
          %sub3A_4057 = arith.subi %add3A_4056, %sub3A : i32
          %sub3A_4058 = arith.constant 1 : i32
          %sub3A_4059 = arith.subi %scan3A_155, %sub3A_4058 : i32
          %jit3A_4060 = arith.constant 5 : i32
          %eq3A_4061 = arith.constant 0 : i32
          %eq3A_4062 = arith.cmpi eq, %jit3A_4060, %eq3A_4061 : i32
          %jit3A_4063 = arith.constant 1 : i32
          %select_n3A_4064 = arith.select %eq3A_4062, %jit3A_4063, %jit3A_4060 : i32
          %rem3A_4065 = arith.remsi %sub3A_4059, %select_n3A_4064 : i32
          %ne3A_4066 = arith.constant 0 : i32
          %ne3A_4067 = arith.cmpi ne, %rem3A_4065, %ne3A_4066 : i32
          %lt3A_4068 = arith.constant 0 : i32
          %lt3A_4069 = arith.cmpi slt, %rem3A_4065, %lt3A_4068 : i32
          %lt3A_4070 = arith.constant 0 : i32
          %lt3A_4071 = arith.cmpi slt, %select_n3A_4064, %lt3A_4070 : i32
          %ne3A_4072 = arith.xori %lt3A_4069, %lt3A_4071 : i1
          %and3A_4073 = arith.andi %ne3A_4072, %ne3A_4067 : i1
          %add3A_4074 = arith.addi %rem3A_4065, %select_n3A_4064 : i32
          %select_n3A_4075 = arith.select %and3A_4073, %add3A_4074, %rem3A_4065 : i32
          %mul3A_4076 = arith.constant 40 : i32
          %mul3A_4077 = arith.muli %sub3A_4057, %mul3A_4076 : i32
          %multiple_of3A_4078 = tpu.assume_multiple %mul3A_4077, 8 : i32
          %mul3A_4079 = arith.constant 40 : i32
          %mul3A_4080 = arith.muli %select_n3A_4075, %mul3A_4079 : i32
          %dma_start3A_4081 = arith.constant 0 : i32
          %dma_start3A_4082 = tpu.memref_slice %arg12[%mul3A_4080, %dma_start3A_4081] : memref<200x128xf32, #tpu.memory_space<vmem>> -> memref<40x128xf32, #tpu.memory_space<vmem>>
          %dma_start3A_4083 = tpu.memref_slice %arg9[%multiple_of3A_4078] : memref<2000xi32, #tpu.memory_space<vmem>> -> memref<40xi32, #tpu.memory_space<vmem>>
          %dma_start3A_4084 = arith.constant 0 : i32
          %dma_start3A_4085 = arith.constant 0 : i32
          %dma_start3A_4086 = tpu.memref_slice %arg2[%dma_start3A_4084, %dma_start3A_4085] : memref<10000x128xf32, #tpu.memory_space<hbm>> -> memref<10000x128xf32, #tpu.memory_space<hbm>>
          %dma_start3A_4087 = tpu.memref_slice %arg13[%select_n3A_4075] : memref<5x!tpu.dma_semaphore, #tpu.memory_space<semaphore_mem>> -> memref<1x!tpu.dma_semaphore, #tpu.memory_space<semaphore_mem>>
          %dma_start3A_4088 = tpu.memref_squeeze %dma_start3A_4087 : memref<1x!tpu.dma_semaphore, #tpu.memory_space<semaphore_mem>> -> memref<!tpu.dma_semaphore, #tpu.memory_space<semaphore_mem>>
          tpu.enqueue_indirect_dma source(%dma_start3A_4086 : memref<10000x128xf32, #tpu.memory_space<hbm>>) target(%dma_start3A_4082 : memref<40x128xf32, #tpu.memory_space<vmem>>) offsets(%dma_start3A_4083 : memref<40xi32, #tpu.memory_space<vmem>>) semaphore(%dma_start3A_4088 : memref<!tpu.dma_semaphore, #tpu.memory_space<semaphore_mem>>)
        } else {
        }
      }
      %scan3A_80 = arith.constant 50 : i32
      %dma_wait3A = arith.constant 0 : i32
      %dma_wait3A_81 = arith.constant 0 : i32
      %dma_wait3A_82 = arith.constant 0 : i32
      %dma_wait3A_83 = tpu.memref_slice %arg12[%dma_wait3A_81, %dma_wait3A_82] : memref<200x128xf32, #tpu.memory_space<vmem>> -> memref<40x128xf32, #tpu.memory_space<vmem>>
      %dma_wait3A_84 = arith.constant 0 : i32
      %dma_wait3A_85 = arith.constant 0 : i32
      %dma_wait3A_86 = tpu.memref_slice %arg2[%dma_wait3A_84, %dma_wait3A_85] : memref<10000x128xf32, #tpu.memory_space<hbm>> -> memref<40x128xf32, #tpu.memory_space<hbm>>
      %dma_wait3A_87 = tpu.memref_slice %arg14[%dma_wait3A] : memref<5x!tpu.dma_semaphore, #tpu.memory_space<semaphore_mem>> -> memref<1x!tpu.dma_semaphore, #tpu.memory_space<semaphore_mem>>
      %dma_wait3A_88 = tpu.memref_squeeze %dma_wait3A_87 : memref<1x!tpu.dma_semaphore, #tpu.memory_space<semaphore_mem>> -> memref<!tpu.dma_semaphore, #tpu.memory_space<semaphore_mem>>
      %dma_wait3A_89 = arith.constant 0 : i32
      %dma_wait3A_90 = arith.constant 0 : i32
      %dma_wait3A_91 = tpu.memref_slice %arg12[%dma_wait3A_89, %dma_wait3A_90] : memref<200x128xf32, #tpu.memory_space<vmem>> -> memref<40x128xf32, #tpu.memory_space<vmem>>
      %dma_wait3A_92 = arith.constant 0 : i32
      %dma_wait3A_93 = arith.constant 0 : i32
      %dma_wait3A_94 = tpu.memref_slice %arg2[%dma_wait3A_92, %dma_wait3A_93] : memref<10000x128xf32, #tpu.memory_space<hbm>> -> memref<40x128xf32, #tpu.memory_space<hbm>>
      tpu.wait_dma2 semaphore(%dma_wait3A_88 : memref<!tpu.dma_semaphore, #tpu.memory_space<semaphore_mem>>) src(%dma_wait3A_94 : memref<40x128xf32, #tpu.memory_space<hbm>>) dst(%dma_wait3A_91 : memref<40x128xf32, #tpu.memory_space<vmem>>)
      %dma_wait3A_95 = arith.constant 1 : i32
      %dma_wait3A_96 = arith.constant 0 : i32
      %dma_wait3A_97 = arith.constant 0 : i32
      %dma_wait3A_98 = tpu.memref_slice %arg12[%dma_wait3A_96, %dma_wait3A_97] : memref<200x128xf32, #tpu.memory_space<vmem>> -> memref<40x128xf32, #tpu.memory_space<vmem>>
      %dma_wait3A_99 = arith.constant 0 : i32
      %dma_wait3A_100 = arith.constant 0 : i32
      %dma_wait3A_101 = tpu.memref_slice %arg2[%dma_wait3A_99, %dma_wait3A_100] : memref<10000x128xf32, #tpu.memory_space<hbm>> -> memref<40x128xf32, #tpu.memory_space<hbm>>
      %dma_wait3A_102 = tpu.memref_slice %arg14[%dma_wait3A_95] : memref<5x!tpu.dma_semaphore, #tpu.memory_space<semaphore_mem>> -> memref<1x!tpu.dma_semaphore, #tpu.memory_space<semaphore_mem>>
      %dma_wait3A_103 = tpu.memref_squeeze %dma_wait3A_102 : memref<1x!tpu.dma_semaphore, #tpu.memory_space<semaphore_mem>> -> memref<!tpu.dma_semaphore, #tpu.memory_space<semaphore_mem>>
      %dma_wait3A_104 = arith.constant 0 : i32
      %dma_wait3A_105 = arith.constant 0 : i32
      %dma_wait3A_106 = tpu.memref_slice %arg12[%dma_wait3A_104, %dma_wait3A_105] : memref<200x128xf32, #tpu.memory_space<vmem>> -> memref<40x128xf32, #tpu.memory_space<vmem>>
      %dma_wait3A_107 = arith.constant 0 : i32
      %dma_wait3A_108 = arith.constant 0 : i32
      %dma_wait3A_109 = tpu.memref_slice %arg2[%dma_wait3A_107, %dma_wait3A_108] : memref<10000x128xf32, #tpu.memory_space<hbm>> -> memref<40x128xf32, #tpu.memory_space<hbm>>
      tpu.wait_dma2 semaphore(%dma_wait3A_103 : memref<!tpu.dma_semaphore, #tpu.memory_space<semaphore_mem>>) src(%dma_wait3A_109 : memref<40x128xf32, #tpu.memory_space<hbm>>) dst(%dma_wait3A_106 : memref<40x128xf32, #tpu.memory_space<vmem>>)
      %dma_wait3A_110 = arith.constant 2 : i32
      %dma_wait3A_111 = arith.constant 0 : i32
      %dma_wait3A_112 = arith.constant 0 : i32
      %dma_wait3A_113 = tpu.memref_slice %arg12[%dma_wait3A_111, %dma_wait3A_112] : memref<200x128xf32, #tpu.memory_space<vmem>> -> memref<40x128xf32, #tpu.memory_space<vmem>>
      %dma_wait3A_114 = arith.constant 0 : i32
      %dma_wait3A_115 = arith.constant 0 : i32
      %dma_wait3A_116 = tpu.memref_slice %arg2[%dma_wait3A_114, %dma_wait3A_115] : memref<10000x128xf32, #tpu.memory_space<hbm>> -> memref<40x128xf32, #tpu.memory_space<hbm>>
      %dma_wait3A_117 = tpu.memref_slice %arg14[%dma_wait3A_110] : memref<5x!tpu.dma_semaphore, #tpu.memory_space<semaphore_mem>> -> memref<1x!tpu.dma_semaphore, #tpu.memory_space<semaphore_mem>>
      %dma_wait3A_118 = tpu.memref_squeeze %dma_wait3A_117 : memref<1x!tpu.dma_semaphore, #tpu.memory_space<semaphore_mem>> -> memref<!tpu.dma_semaphore, #tpu.memory_space<semaphore_mem>>
      %dma_wait3A_119 = arith.constant 0 : i32
      %dma_wait3A_120 = arith.constant 0 : i32
      %dma_wait3A_121 = tpu.memref_slice %arg12[%dma_wait3A_119, %dma_wait3A_120] : memref<200x128xf32, #tpu.memory_space<vmem>> -> memref<40x128xf32, #tpu.memory_space<vmem>>
      %dma_wait3A_122 = arith.constant 0 : i32
      %dma_wait3A_123 = arith.constant 0 : i32
      %dma_wait3A_124 = tpu.memref_slice %arg2[%dma_wait3A_122, %dma_wait3A_123] : memref<10000x128xf32, #tpu.memory_space<hbm>> -> memref<40x128xf32, #tpu.memory_space<hbm>>
      tpu.wait_dma2 semaphore(%dma_wait3A_118 : memref<!tpu.dma_semaphore, #tpu.memory_space<semaphore_mem>>) src(%dma_wait3A_124 : memref<40x128xf32, #tpu.memory_space<hbm>>) dst(%dma_wait3A_121 : memref<40x128xf32, #tpu.memory_space<vmem>>)
      %dma_wait3A_125 = arith.constant 3 : i32
      %dma_wait3A_126 = arith.constant 0 : i32
      %dma_wait3A_127 = arith.constant 0 : i32
      %dma_wait3A_128 = tpu.memref_slice %arg12[%dma_wait3A_126, %dma_wait3A_127] : memref<200x128xf32, #tpu.memory_space<vmem>> -> memref<40x128xf32, #tpu.memory_space<vmem>>
      %dma_wait3A_129 = arith.constant 0 : i32
      %dma_wait3A_130 = arith.constant 0 : i32
      %dma_wait3A_131 = tpu.memref_slice %arg2[%dma_wait3A_129, %dma_wait3A_130] : memref<10000x128xf32, #tpu.memory_space<hbm>> -> memref<40x128xf32, #tpu.memory_space<hbm>>
      %dma_wait3A_132 = tpu.memref_slice %arg14[%dma_wait3A_125] : memref<5x!tpu.dma_semaphore, #tpu.memory_space<semaphore_mem>> -> memref<1x!tpu.dma_semaphore, #tpu.memory_space<semaphore_mem>>
      %dma_wait3A_133 = tpu.memref_squeeze %dma_wait3A_132 : memref<1x!tpu.dma_semaphore, #tpu.memory_space<semaphore_mem>> -> memref<!tpu.dma_semaphore, #tpu.memory_space<semaphore_mem>>
      %dma_wait3A_134 = arith.constant 0 : i32
      %dma_wait3A_135 = arith.constant 0 : i32
      %dma_wait3A_136 = tpu.memref_slice %arg12[%dma_wait3A_134, %dma_wait3A_135] : memref<200x128xf32, #tpu.memory_space<vmem>> -> memref<40x128xf32, #tpu.memory_space<vmem>>
      %dma_wait3A_137 = arith.constant 0 : i32
      %dma_wait3A_138 = arith.constant 0 : i32
      %dma_wait3A_139 = tpu.memref_slice %arg2[%dma_wait3A_137, %dma_wait3A_138] : memref<10000x128xf32, #tpu.memory_space<hbm>> -> memref<40x128xf32, #tpu.memory_space<hbm>>
      tpu.wait_dma2 semaphore(%dma_wait3A_133 : memref<!tpu.dma_semaphore, #tpu.memory_space<semaphore_mem>>) src(%dma_wait3A_139 : memref<40x128xf32, #tpu.memory_space<hbm>>) dst(%dma_wait3A_136 : memref<40x128xf32, #tpu.memory_space<vmem>>)
      %dma_wait3A_140 = arith.constant 4 : i32
      %dma_wait3A_141 = arith.constant 0 : i32
      %dma_wait3A_142 = arith.constant 0 : i32
      %dma_wait3A_143 = tpu.memref_slice %arg12[%dma_wait3A_141, %dma_wait3A_142] : memref<200x128xf32, #tpu.memory_space<vmem>> -> memref<40x128xf32, #tpu.memory_space<vmem>>
      %dma_wait3A_144 = arith.constant 0 : i32
      %dma_wait3A_145 = arith.constant 0 : i32
      %dma_wait3A_146 = tpu.memref_slice %arg2[%dma_wait3A_144, %dma_wait3A_145] : memref<10000x128xf32, #tpu.memory_space<hbm>> -> memref<40x128xf32, #tpu.memory_space<hbm>>
      %dma_wait3A_147 = tpu.memref_slice %arg14[%dma_wait3A_140] : memref<5x!tpu.dma_semaphore, #tpu.memory_space<semaphore_mem>> -> memref<1x!tpu.dma_semaphore, #tpu.memory_space<semaphore_mem>>
      %dma_wait3A_148 = tpu.memref_squeeze %dma_wait3A_147 : memref<1x!tpu.dma_semaphore, #tpu.memory_space<semaphore_mem>> -> memref<!tpu.dma_semaphore, #tpu.memory_space<semaphore_mem>>
      %dma_wait3A_149 = arith.constant 0 : i32
      %dma_wait3A_150 = arith.constant 0 : i32
      %dma_wait3A_151 = tpu.memref_slice %arg12[%dma_wait3A_149, %dma_wait3A_150] : memref<200x128xf32, #tpu.memory_space<vmem>> -> memref<40x128xf32, #tpu.memory_space<vmem>>
      %dma_wait3A_152 = arith.constant 0 : i32
      %dma_wait3A_153 = arith.constant 0 : i32
      %dma_wait3A_154 = tpu.memref_slice %arg2[%dma_wait3A_152, %dma_wait3A_153] : memref<10000x128xf32, #tpu.memory_space<hbm>> -> memref<40x128xf32, #tpu.memory_space<hbm>>
      tpu.wait_dma2 semaphore(%dma_wait3A_148 : memref<!tpu.dma_semaphore, #tpu.memory_space<semaphore_mem>>) src(%dma_wait3A_154 : memref<40x128xf32, #tpu.memory_space<hbm>>) dst(%dma_wait3A_151 : memref<40x128xf32, #tpu.memory_space<vmem>>)
    }
    %scan3A_9 = arith.constant 5 : i32
    %barrier3A_10 = arith.constant 0 : index
    tpu.barrier barrier_id(%barrier3A_10)
    %mul3A_11 = arith.constant 624 : i32
    %mul3A_12 = arith.muli %arg1, %mul3A_11 : i32
    %mul3A_13 = arith.constant 624 : i32
    %mul3A_14 = arith.muli %arg1, %mul3A_13 : i32
    "tpu.region"() ({
      %run_scoped3A = tpu.sem_alloc : memref<!tpu.dma_semaphore, #tpu.memory_space<semaphore_mem>>
      %dma_start3A = arith.constant 0 : i32
      %dma_start3A_20 = tpu.memref_slice %arg7[%arg0, %mul3A_14, %dma_start3A] : memref<2x10000x128xf32, #tpu.memory_space<hbm>> -> memref<1x624x128xf32, #tpu.memory_space<hbm>>
      %dma_start3A_21 = tpu.memref_squeeze %dma_start3A_20 : memref<1x624x128xf32, #tpu.memory_space<hbm>> -> memref<624x128xf32, #tpu.memory_space<hbm>>
      %dma_start3A_22 = arith.constant 0 : i32
      %dma_start3A_23 = tpu.memref_slice %arg8[%mul3A_12, %dma_start3A_22] : memref<10000x128xf32, #tpu.memory_space<vmem_shared>> -> memref<624x128xf32, #tpu.memory_space<vmem_shared>>
      tpu.enqueue_dma source(%dma_start3A_23 : memref<624x128xf32, #tpu.memory_space<vmem_shared>>) target(%dma_start3A_21 : memref<624x128xf32, #tpu.memory_space<hbm>>) target_semaphore(%run_scoped3A : memref<!tpu.dma_semaphore, #tpu.memory_space<semaphore_mem>>)
      %dma_wait3A = arith.constant 0 : i32
      %dma_wait3A_24 = tpu.memref_slice %arg7[%arg0, %mul3A_14, %dma_wait3A] : memref<2x10000x128xf32, #tpu.memory_space<hbm>> -> memref<1x624x128xf32, #tpu.memory_space<hbm>>
      %dma_wait3A_25 = tpu.memref_squeeze %dma_wait3A_24 : memref<1x624x128xf32, #tpu.memory_space<hbm>> -> memref<624x128xf32, #tpu.memory_space<hbm>>
      %dma_wait3A_26 = arith.constant 0 : i32
      %dma_wait3A_27 = tpu.memref_slice %arg8[%mul3A_12, %dma_wait3A_26] : memref<10000x128xf32, #tpu.memory_space<vmem_shared>> -> memref<624x128xf32, #tpu.memory_space<vmem_shared>>
      tpu.wait_dma2 semaphore(%run_scoped3A : memref<!tpu.dma_semaphore, #tpu.memory_space<semaphore_mem>>) src(%dma_wait3A_27 : memref<624x128xf32, #tpu.memory_space<vmem_shared>>) dst(%dma_wait3A_25 : memref<624x128xf32, #tpu.memory_space<hbm>>)
      tpu.yield
    }) : () -> ()
    %eq3A_15 = arith.constant 0 : i32
    %eq3A_16 = arith.cmpi eq, %arg1, %eq3A_15 : i32
    %convert_element_type3A_17 = arith.extui %eq3A_16 : i1 to i32
    %cond3A_18 = arith.constant 0 : i32
    %cond3A_19 = arith.cmpi ne, %convert_element_type3A_17, %cond3A_18 : i32
    scf.if %cond3A_19 {
      "tpu.region"() ({
        %run_scoped3A = tpu.sem_alloc : memref<!tpu.dma_semaphore, #tpu.memory_space<semaphore_mem>>
        %dma_start3A = arith.constant 9984 : i32
        %dma_start3A_20 = arith.constant 0 : i32
        %dma_start3A_21 = tpu.memref_slice %arg7[%arg0, %dma_start3A, %dma_start3A_20] : memref<2x10000x128xf32, #tpu.memory_space<hbm>> -> memref<1x16x128xf32, #tpu.memory_space<hbm>>
        %dma_start3A_22 = tpu.memref_squeeze %dma_start3A_21 : memref<1x16x128xf32, #tpu.memory_space<hbm>> -> memref<16x128xf32, #tpu.memory_space<hbm>>
        %dma_start3A_23 = arith.constant 9984 : i32
        %dma_start3A_24 = arith.constant 0 : i32
        %dma_start3A_25 = tpu.memref_slice %arg8[%dma_start3A_23, %dma_start3A_24] : memref<10000x128xf32, #tpu.memory_space<vmem_shared>> -> memref<16x128xf32, #tpu.memory_space<vmem_shared>>
        tpu.enqueue_dma source(%dma_start3A_25 : memref<16x128xf32, #tpu.memory_space<vmem_shared>>) target(%dma_start3A_22 : memref<16x128xf32, #tpu.memory_space<hbm>>) target_semaphore(%run_scoped3A : memref<!tpu.dma_semaphore, #tpu.memory_space<semaphore_mem>>)
        %dma_wait3A = arith.constant 9984 : i32
        %dma_wait3A_26 = arith.constant 0 : i32
        %dma_wait3A_27 = tpu.memref_slice %arg7[%arg0, %dma_wait3A, %dma_wait3A_26] : memref<2x10000x128xf32, #tpu.memory_space<hbm>> -> memref<1x16x128xf32, #tpu.memory_space<hbm>>
        %dma_wait3A_28 = tpu.memref_squeeze %dma_wait3A_27 : memref<1x16x128xf32, #tpu.memory_space<hbm>> -> memref<16x128xf32, #tpu.memory_space<hbm>>
        %dma_wait3A_29 = arith.constant 9984 : i32
        %dma_wait3A_30 = arith.constant 0 : i32
        %dma_wait3A_31 = tpu.memref_slice %arg8[%dma_wait3A_29, %dma_wait3A_30] : memref<10000x128xf32, #tpu.memory_space<vmem_shared>> -> memref<16x128xf32, #tpu.memory_space<vmem_shared>>
        tpu.wait_dma2 semaphore(%run_scoped3A : memref<!tpu.dma_semaphore, #tpu.memory_space<semaphore_mem>>) src(%dma_wait3A_31 : memref<16x128xf32, #tpu.memory_space<vmem_shared>>) dst(%dma_wait3A_28 : memref<16x128xf32, #tpu.memory_space<hbm>>)
        tpu.yield
      }) : () -> ()
    } else {
    }
    return
  }
}

module attributes {stable_mosaic.version = 14 : i64} {
  func.func @_tc_body(%arg0: i32, %arg1: memref<2x2000x128xf32, #tpu.memory_space<vmem>>, %arg2: memref<128x128xf32, #tpu.memory_space<vmem>>, %arg3: memref<1x128xf32, #tpu.memory_space<vmem>>, %arg4: memref<2000x128xf32, #tpu.memory_space<vmem>>) attributes {dimension_semantics = [#tpu.dimension_semantics<arbitrary>], iteration_bounds = array<i64: 5>, scalar_prefetch = 0 : i64, scratch_operands = 0 : i64, tpu.core_type = #tpu.core_type<tc>, window_params = [{transform_indices = @transform_0, window_bounds = array<i64: 2, 2000, 128>}, {pipeline_mode = #tpu.pipeline_mode<synchronous>, transform_indices = @transform_1, window_bounds = array<i64: 128, 128>}, {pipeline_mode = #tpu.pipeline_mode<synchronous>, transform_indices = @transform_2, window_bounds = array<i64: 1, 128>}, {transform_indices = @transform_3, window_bounds = array<i64: 2000, 128>}]} {
    %get3A = arith.constant 0 : index
    %get3A_0 = arith.constant 0 : index
    %get3A_1 = arith.constant 0 : index
    %get3A_2 = vector.load %arg1[%get3A, %get3A_0, %get3A_1] : memref<2x2000x128xf32, #tpu.memory_space<vmem>>, vector<1x2000x128xf32>
    %get3A_3 = vector.shape_cast %get3A_2 : vector<1x2000x128xf32> to vector<2000x128xf32>
    %get3A_4 = arith.constant 1 : index
    %get3A_5 = arith.constant 0 : index
    %get3A_6 = arith.constant 0 : index
    %get3A_7 = vector.load %arg1[%get3A_4, %get3A_5, %get3A_6] : memref<2x2000x128xf32, #tpu.memory_space<vmem>>, vector<1x2000x128xf32>
    %get3A_8 = vector.shape_cast %get3A_7 : vector<1x2000x128xf32> to vector<2000x128xf32>
    %add3A = arith.addf %get3A_3, %get3A_8 : vector<2000x128xf32>
    %get3A_9 = arith.constant 0 : index
    %get3A_10 = arith.constant 0 : index
    %get3A_11 = vector.load %arg2[%get3A_9, %get3A_10] : memref<128x128xf32, #tpu.memory_space<vmem>>, vector<128x128xf32>
    %dot_general3A = arith.constant dense<0.000000e+00> : vector<2000x128xf32>
    %dot_general3A_12 = tpu.matmul %add3A, %get3A_11, %dot_general3A {dimension_numbers = #tpu.dot_dimension_numbers<[1], [0], [0], [1], [0, 0, 1, 1], [], []>, transpose_lhs_hint = false} : vector<2000x128xf32>, vector<128x128xf32>, vector<2000x128xf32> -> vector<2000x128xf32>
    %get3A_13 = arith.constant 0 : index
    %get3A_14 = arith.constant 0 : index
    %get3A_15 = vector.load %arg3[%get3A_13, %get3A_14] : memref<1x128xf32, #tpu.memory_space<vmem>>, vector<1x128xf32>
    %add3A_16 = vector.broadcast %get3A_15 : vector<1x128xf32> to vector<2000x128xf32>
    %add3A_17 = arith.addf %dot_general3A_12, %add3A_16 : vector<2000x128xf32>
    %swap3A = arith.constant 0 : index
    %swap3A_18 = arith.constant 0 : index
    %swap3A_19 = vector.load %arg4[%swap3A, %swap3A_18] : memref<2000x128xf32, #tpu.memory_space<vmem>>, vector<2000x128xf32>
    tpu.vector_store %arg4[%swap3A, %swap3A_18], %add3A_17 {strides = array<i32>} : memref<2000x128xf32, #tpu.memory_space<vmem>>, vector<2000x128xf32>,
    return
  }
  func.func @transform_0(%arg0: i32) -> (i32, i32, i32) {
    %c0_i32 = arith.constant 0 : i32
    %c0_i32_0 = arith.constant 0 : i32
    %c0_i32_1 = arith.constant 0 : i32
    return %c0_i32, %arg0, %c0_i32_0 : i32, i32, i32
  }
  func.func @transform_1(%arg0: i32) -> (i32, i32) {
    %c0_i32 = arith.constant 0 : i32
    %c0_i32_0 = arith.constant 0 : i32
    %c0_i32_1 = arith.constant 0 : i32
    return %c0_i32, %c0_i32_0 : i32, i32
  }
  func.func @transform_2(%arg0: i32) -> (i32, i32) {
    %c0_i32 = arith.constant 0 : i32
    %c0_i32_0 = arith.constant 0 : i32
    %c0_i32_1 = arith.constant 0 : i32
    return %c0_i32, %c0_i32_0 : i32, i32
  }
  func.func @transform_3(%arg0: i32) -> (i32, i32) {
    %c0_i32 = arith.constant 0 : i32
    %c0_i32_0 = arith.constant 0 : i32
    return %arg0, %c0_i32 : i32, i32
  }
}

</mosaic_0001>

<sc_bundles>
// kernel: kernel.4.cloned.1.call-start
scs
__scs_entry_jumppad:
0x0: {  	(pc) =	sbr.rel $0x88, $3  }
0x1: {  	(tag) =	ssettag $0x0;
	lr =	simm.s32 $0x1  }
0x2: {  	[smem:$0x3F9C] =	sst lr;
	_ =	strace $0xD0000000  }
0x3: {  	_ = 	snop  }
0x4: {  	_ = 	snop  }
0x5: {  	_ = 	snop  }
0x6: {  	_ = 	snop  }
0x7: {  	_ = 	snop  }
__scs_overlays_trampoline_lowered:
0x8: {  	[smem:$0x3FAB] =	sst s0  }
0x9: {  	[smem:$0x3FAC] =	sst s1  }
0xa: {  	[smem:$0x3FAD] =	sst s2  }
0xb: {  	[smem:$0x3FAE] =	sst s3  }
0xc: {  	[smem:$0x3FAF] =	sst s4  }
0xd: {  	[smem:$0x3FB0] =	sst s5  }
0xe: {  	[smem:$0x3FB1] =	sst s6  }
0xf: {  	[smem:$0x3FB2] =	sst s7  }
0x10: {  	[smem:$0x3FB3] =	sst s8  }
0x11: {  	[smem:$0x3FB4] =	sst s9;
	s0 =	simm.s32 @!p0 $0x0  }
0x12: {  	s1 =	sld [smem:$0x3F9A];
	s0 =	simm.s32 @p0 $0x1  }
0x13: {  	[smem:$0x3FB5] =	sst s0;
	s0 =	simm.s32 @!p1 $0x0  }
0x14: {  	s2 =	sld [smem:$0x3F99];
	s0 =	simm.s32 @p1 $0x1  }
0x15: {  	[smem:$0x3FB6] =	sst s0;
	s0 =	simm.s32 @!p2 $0x0  }
0x16: {  	s3 =	sld [smem:$0x3FDB];
	s0 =	simm.s32 @p2 $0x1  }
0x17: {  	s4 =	simm.s32 $0x1BF5;
	[smem:$0x3FB8] =	sst s0  }
0x18: {  	s0 =	sld [smem:$0x3F9B];
	_ =	swait.ge [sflag:s4], $0x0  }
0x19: {  	s7 =	sld [smem:$0x3F9C]  }
0x1a: {  	s8 =	sadd.s32 $0xFFFFE003, lr  }
0x1b: {  	s9 =	sadd.s32 $0xFFFFFEF7, lr;
	s5 =	simm.s32 $0xFFFFFFFF;
	p2 =	slt.u32 s8, $0xFFFFF086  }
0x1c: {  	p1 =	slt.u32 s9, $0xF7A;
	s5 =	simm.s32 @!p2 $0x0  }
0x1d: {  	s5 =	simm.s32 @p1 $0x1;
	p0 =	seq.s32 s7, s2  }
0x1e: {  	s7 =	smul.u32 @!p0 $0xF7A, s2;
	p2 =	seq.s32 @!p0 s5, $0x0  }
0x1f: {  	s9 =	smul.u32 $0xF7A, s1;
	s8 =	simm.s32 @!p0 $0x1BF5;
	p2 =	por !p2, p0  }
0x20: {  	[sflag:s8] =	ssyncset.s32 @!p0 $0xFFFFF086;
	s6 =	sadd.s32 @!p0 s3, s7;
	s7 =	simm.s32 @!p0 $0x108  }
0x21: {  	s3 =	sadd.s32 s3, s9;
	s6 =	sadd.s32 @!p0 $0x88, s6;
	s7 =	simm.s32 @p2 $0x1082  }
0x22: {  	[simem:s7], [sflag:s8] =	dma.local @!p0 [hbm:s6], $0xF7A  }
0x23: {  	s9 =	sor.u32 $0xD0000000, s2;
	s6 =	simm.s32 $0x108;
	_ =	swait.ge @!p0 [sflag:s8], $0x0  }
0x24: {  	s3 =	sadd.s32 $0x88, s3;
	s6 =	simm.s32 @!p1 $0x1082;
	[sflag:s4] =	ssyncset.s32 $0xFFFFF086  }
0x25: {  	[simem:s6], [sflag:s4] =	dma.local [hbm:s3], $0xF7A  }
0x26: {  	[smem:$0x3F9C] =	sst s1;
	(tag) =	ssettag s2;
	_ =	strace s9  }
0x27: {  	s1 =	sld [smem:$0x3FAC]  }
0x28: {  	s2 =	sld [smem:$0x3FAD]  }
0x29: {  	s4 =	sld [smem:$0x3FAF]  }
0x2a: {  	p0 =	seq.s32 s5, $0x0;
	s5 =	sld [smem:$0x3FB0]  }
0x2b: {  	s6 =	sld [smem:$0x3FB1]  }
0x2c: {  	s7 =	sld [smem:$0x3FB2]  }
0x2d: {  	s3 =	simm.s32 $0x108;
	s8 =	sld [smem:$0x3FB3]  }
0x2e: {  	s3 =	simm.s32 @!p0 $0x1082;
	s9 =	sld [smem:$0x3FB4]  }
0x2f: {  	lr =	sadd.s32 s0, s3;
	s0 =	sld [smem:$0x3FAB]  }
0x30: {  	s3 =	sld [smem:$0x3FAE]  }
0x31: {  	[smem:$0x3FB7] =	sst s10  }
0x32: {  	s10 =	sld [smem:$0x3FB5];
	_ =	sdelay $0x3  }
0x33: {  	p0 =	seq.s32 s10, $0x1;
	s10 =	sld [smem:$0x3FB7];
	_ =	sdelay $0x3  }
0x34: {  	[smem:$0x3FB7] =	sst s10  }
0x35: {  	s10 =	sld [smem:$0x3FB6];
	_ =	sdelay $0x3  }
0x36: {  	p1 =	seq.s32 s10, $0x1;
	s10 =	sld [smem:$0x3FB7];
	_ =	sdelay $0x3  }
0x37: {  	[smem:$0x3FB7] =	sst s10  }
0x38: {  	s10 =	sld [smem:$0x3FB8]  }
0x39: {  	_ = 	snop;
	(pc) =	sbr.ind lr, $3  }
0x3a: {  	_ = 	snop  }
0x3b: {  	_ = 	snop  }
0x3c: {  	p2 =	seq.s32 s10, $0x1;
	s10 =	sld [smem:$0x3FB7]  }
0x3d: {  	_ =	shalt  }
0x3e: {  	_ =	shalt  }
0x3f: {  	_ =	shalt  }
0x40: {  	_ =	shalt  }
0x41: {  	_ =	shalt  }
0x42: {  	_ =	shalt  }
0x43: {  	_ =	shalt  }
0x44: {  	_ =	shalt  }
0x45: {  	_ =	shalt  }
0x46: {  	_ =	shalt  }
0x47: {  	_ =	shalt  }
0x48: {  	_ =	shalt  }
0x49: {  	_ =	shalt  }
0x4a: {  	_ =	shalt  }
0x4b: {  	_ =	shalt  }
0x4c: {  	_ =	shalt  }
0x4d: {  	_ =	shalt  }
0x4e: {  	_ =	shalt  }
0x4f: {  	_ =	shalt  }
0x50: {  	_ =	shalt  }
0x51: {  	_ =	shalt  }
0x52: {  	_ =	shalt  }
0x53: {  	_ =	shalt  }
0x54: {  	_ =	shalt  }
0x55: {  	_ =	shalt  }
0x56: {  	_ =	shalt  }
0x57: {  	_ =	shalt  }
0x58: {  	_ =	shalt  }
0x59: {  	_ =	shalt  }
0x5a: {  	_ =	shalt  }
0x5b: {  	_ =	shalt  }
0x5c: {  	_ =	shalt  }
0x5d: {  	_ =	shalt  }
0x5e: {  	_ =	shalt  }
0x5f: {  	_ =	shalt  }
0x60: {  	_ =	shalt  }
0x61: {  	_ =	shalt  }
0x62: {  	_ =	shalt  }
0x63: {  	_ =	shalt  }
0x64: {  	_ =	shalt  }
0x65: {  	_ =	shalt  }
0x66: {  	_ =	shalt  }
0x67: {  	_ =	shalt  }
0x68: {  	_ =	shalt  }
0x69: {  	_ =	shalt  }
0x6a: {  	_ =	shalt  }
0x6b: {  	_ =	shalt  }
0x6c: {  	_ =	shalt  }
0x6d: {  	_ =	shalt  }
0x6e: {  	_ =	shalt  }
0x6f: {  	_ =	shalt  }
0x70: {  	_ =	shalt  }
0x71: {  	_ =	shalt  }
0x72: {  	_ =	shalt  }
0x73: {  	_ =	shalt  }
0x74: {  	_ =	shalt  }
0x75: {  	_ =	shalt  }
0x76: {  	_ =	shalt  }
0x77: {  	_ =	shalt  }
0x78: {  	_ =	shalt  }
0x79: {  	_ =	shalt  }
0x7a: {  	_ =	shalt  }
0x7b: {  	_ =	shalt  }
0x7c: {  	_ =	shalt  }
0x7d: {  	_ =	shalt  }
0x7e: {  	_ =	shalt  }
0x7f: {  	_ =	shalt  }
0x80: {  	_ =	shalt  }
0x81: {  	_ =	shalt  }
0x82: {  	_ =	shalt  }
0x83: {  	_ =	shalt  }
0x84: {  	_ =	shalt  }
0x85: {  	_ =	shalt  }
0x86: {  	_ =	shalt  }
0x87: {  	_ =	shalt  }
.Lfunc_end0:
.L_simem_size_0:
called_computation_lowered:
.L_overlay_start_0:
0x88: {  	s2 =	sld [smem:$0x3FD9]  }
0x89: {  	s3 =	sld [smem:$0x3FFE];
	_ =	sdelay $0x1  }
0x8a: {  	s1 =	srdreg.scid  }
0x8b: {  	s0 =	sand.u32 $0x1, s1  }
0x8c: {  	s17 =	sshll.u32 s0, $0xA;
	s2 =	sadd.s32 s3, s2  }
0x8d: {  	s2 =	sadd.s32 s2, s17  }
0x8e: {  	[smem:$0x3FC3] =	sst s2  }
0x8f: {  	_ = 	snop  }
0x90: {  	s2 =	sld [smem:$0x3FC9]  }
0x91: {  	s18 =	sld [smem:$0x3FC7]  }
0x92: {  	s4 =	sld [smem:$0x3FD0];
	(tm) =	ssettm $0x1  }
0x93: {  	s5 =	sld [smem:$0x3FFB];
	_ =	sdelay $0x3  }
0x94: {  	_ =	strace s5  }
0x95: {  	s5 =	sld [smem:$0x3FFC];
	_ =	sdelay $0x3  }
0x96: {  	_ =	strace s5  }
0x97: {  	s5 =	sld [smem:$0x3FFD];
	_ =	sdelay $0x3  }
0x98: {  	_ =	strace s5  }
0x99: {  	_ =	strace $0x8FFFFFFF  }
0x9a: {  	s19 =	sld [smem:$0x3FDB];
	_ =	sdelay $0x1  }
0x9b: {  	s6 =	simm.s32 $_scs_section_size  }
0x9c: {  	s7 =	simm.s32 $_size__tile_overlayer_lowered;
	s8 =	simm.s32 $_tile_overlayer_lowered  }
0x9d: {  	s22 =	simm.s32 $0x1BFF;
	s21 =	sshll.u32 s8, $0x1;
	s5 =	sadd.s32 s6, s19  }
0x9e: {  	s9 =	simm.s32 $0x0;
	s20 =	sshll.u32 s7, $0x1;
	s7 =	sadd.s32 s21, s5  }
0x9f: {  	[timem:s9], [sflag:s22] =	dma.local [hbm:s7], s20  }
0xa0: {  	_ =	swait.ge [sflag:s22], s20  }
0xa1: {  	s6 =	ssub.s32 $0x0, s20;
	[sflag:s22] =	ssyncset.done $0x0  }
0xa2: {  	[sflag:s22] =	ssyncadd.s32 s6;
	_ =	sdelay $0x1  }
0xa3: {  	s23 =	simm.s32 $0x1B8B  }
0xa4: {  	_ =	swait.ge [sflag:s23], $0x1  }
0xa5: {  	[sflag:s23] =	ssyncset.done $0x0  }
0xa6: {  	s25 =	simm.s32 $0x1B8E;
	s24 =	sld [smem:$0x3FFE];
	[sflag:s23] =	ssyncadd.s32 $0xFFFFFFFF  }
0xa7: {  	s26 =	simm.s32 $execute0_lowered;
	[smem:$0x3FD2] =	sst s25  }
0xa8: {  	s7 =	sshll.u32 s26, $0x1;
	_ =	strace $0x80000046;
	[dreg:$0x1] =	wrdreg $0xFFFFFFFF  }
0xa9: {  	s28 =	simm.s32 $_size_execute0_lowered;
	s5 =	sadd.s32 s5, s7;
	[dreg:$0x0] =	wrdreg $0x0  }
0xaa: {  	s7 =	sshll.u32 s28, $0x1;
	[dreg:$0x2] =	wrdreg s5  }
0xab: {  	[dreg:$0x3] =	wrdreg s7  }
0xac: {  	[dreg:$0x4] =	wrdreg $0xC0  }
0xad: {  	_ =	task [dreg:s9], $0x5FFFF  }
0xae: {  	[dreg:$0x1] =	wrdreg $0xFFFFFFFF  }
0xaf: {  	[dreg:$0x0] =	wrdreg $0x60  }
0xb0: {  	[dreg:$0x2] =	wrdreg s2  }
0xb1: {  	[dreg:$0x3] =	wrdreg s24  }
0xb2: {  	[dreg:$0x4] =	wrdreg s4  }
0xb3: {  	[dreg:$0x5] =	wrdreg s18  }
0xb4: {  	[dreg:$0x6] =	wrdreg $0x0  }
0xb5: {  	[dreg:$0x7] =	wrdreg $0x9  }
0xb6: {  	_ =	task.clear_ibuf [dreg:s9], $0x8FFFF;
	_ =	strace $0x90000046  }
0xb7: {  	s29 =	simm.s32 $0x9;
	_ =	strace $0x80000048  }
0xb8: {  	_ =	swait.ge [sflag:s29], $0x1  }
0xb9: {  	[sflag:s29] =	ssyncadd.s32 $0xFFFFFFFF  }
0xba: {  	_ =	strace $0x90000048  }
0xbb: {  	_ =	sfence  }
0xbc: {  	s30 =	sld [smem:$0x0];
	_ =	sdelay $0x2  }
0xbd: {  	s31 =	sshll.u32 s1, $0xD;
	s1 =	sshrl.u32 s1, $0x2  }
0xbe: {  	s3 =	sand.u32 $0x4000, s31;
	s1 =	sadd.s32 s1, s30  }
0xbf: {  	s0 =	sor.u32 s3, s0;
	s1 =	sshll.u32 s1, $0x11  }
0xc0: {  	s0 =	sor.u32 s1, s0  }
0xc1: {  	s0 =	sadd.s32 $0x8F2B, s0  }
0xc2: {  	[sflag:s0] =	ssyncadd.remote.s32 $0x1  }
0xc3: {  	_ =	sfence.sel $0xFFFF  }
0xc4: {  	[dreg:$0x0] =	wrdreg $0xFFFFFFFF;
	(pc) =	sbr.abs _section_cstart, $3  }
0xc5: {  	[dreg:$0x1] =	wrdreg $0xFFFFFFFF  }
0xc6: {  	_ =	task.clear_ibuf [dreg:s9], $0x2FFFF;
	_ =	strace $0x9FFFFFFF  }
0xc7: {  	(tm) =	ssettm $0x7FFFFFFF  }
tec
execute0_lowered:
.L_overlay_start_1:
0x0: {  	(tag) =	ssettag $0x1  }
0x1: {  	s1 =	rddreg [dreg:$0x0]  }
0x2: {  	s0 =	rddreg [dreg:$0x1]  }
0x3: {  	s3 =	rddreg [dreg:$0x3]  }
0x4: {  	s4 =	rddreg [dreg:$0x4]  }
0x5: {  	s5 =	simm.s32 $0x0;
	s6 =	srdreg.scid;
	s8 =	stileid.u32  }
0x6: {  	s17 =	simm.s32 $0x13880;
	s18 =	simm.s32 $0x15C80;
	s19 =	simm.s32 $0x28  }
0x7: {  	s20 =	simm.s32 $0x16480;
	s28 =	simm.s32 $0x6;
	s29 =	simm.s32 $0x7  }
0x8: {  	s30 =	simm.s32 $0x8;
	s31 =	simm.s32 $0x9;
	[smem:$0x7FF] =	sst s5  }
0x9: {  	s7 =	sand.u32 $0x1, s6;
	s6 =	sadd.s32 $0x200, s0;
	s11 =	smul.u32 $0x4E000, s8  }
0xa: {  	s2 =	sadd.s32 $0xA000, s0;
	s0 =	sadd.s32 $0xC800, s0;
	s23 =	smul.u32 $0x13800, s8  }
0xb: {  	s24 =	sshll.u32 s8, $0x6;
	s14 =	sadd.s32 $0x138000, s4;
	p0 =	sne.s32 s8, $0x0  }
0xc: {  	_ =	strace $0x80000047;
	s9 =	ssub.s32 $0x2, s7;
	[dreg:$0x7] =	wrdreg s2  }
0xd: {  	s21 =	smul.u32 $0x138800, s7;
	s7 =	sshll.u32 s7, $0x4;
	s16 =	sor.u32 $0x1C0B, s24  }
0xe: {  	s24 =	simm.s32 $0x18C80;
	s10 =	sshrl.u32 s9, $0x1;
	s22 =	sshrl.u32 s11, $0x2  }
0xf: {  	s7 =	sor.u32 s8, s7;
	[dreg:$0x8] =	wrdreg s16;
	s12 =	ssub.s32 s9, s10  }
0x10: {  	s13 =	sadd.s32 s22, s4;
	s11 =	sadd.s32 s23, s21;
	s9 =	smul.u32 $0x2710, s7  }
0x11: {  	s15 =	sshrl.u32 s21, $0x3;
	s10 =	smul.u32 $0x5, s7;
	s21 =	simm.s32 $0x138A8  }
0x12: {  	v0 =	vimm.s32 $0x0;
	s22 =	simm.s32 $0x17880;
	s23 =	simm.s32 $0x138D0;
	s26 =	smax.u32 s12, $0x1  }
0x13: {  	v1 =	vimm.s32 $0x1;
	v2 =	vimm.s32 $0x2;
	v3 =	vimm.s32 $0x3;
	s11 =	sshrl.u32 s11, $0x3;
	s8 =	sshrl.u32 s13, $0x3;
	[dreg:$0xb] =	wrdreg s26  }
0x14: {  	v4 =	vimm.s32 $0x4;
	v5 =	vimm.s32 $0x5;
	v6 =	vimm.s32 $0x6;
	s25 =	sadd.s32 s0, s11;
	s0 =	sadd.s32 s0, s15;
	[dreg:$0xc] =	wrdreg s8  }
0x15: {  	v7 =	vimm.s32 $0x7;
	v8 =	vimm.s32 $0x8;
	v9 =	vimm.s32 $0x9;
	s15 =	simm.s32 $0xB;
	s11 =	sshrl.u32 @!p0 s14, $0x3;
	[dreg:$0x9] =	wrdreg s25  }
0x16: {  	v10 =	vimm.s32 $0xA;
	v11 =	vimm.s32 $0xB;
	v12 =	vimm.s32 $0xC;
	s26 =	simm.s32 $0x1A080;
	s0 =	sadd.s32 $0x27000, s0;
	[dreg:$0xd] =	wrdreg s11  }
0x17: {  	v13 =	vimm.s32 $0xD;
	v14 =	vimm.s32 $0xE;
	v15 =	vimm.s32 $0xF;
	s25 =	simm.s32 $0x138F8;
	[dreg:$0xa] =	wrdreg s0;
	s0 =	simm.s32 $0xA  }
.LBB2_1:
0x18: {  	[dreg:$0x6] =	wrdreg s5  }
0x19: {  	s2 =	rddreg [dreg:$0x7]  }
0x1a: {  	[spmem:s8], [sflag:s16] =	dma.local [hbm:s2], $0x2700  }
0x1b: {  	_ =	swait.ge [sflag:s15], $0x2700  }
0x1c: {  	[sflag:s15] =	ssyncset.done $0x0  }
0x1d: {  	s7 =	simm.s32 @!p0 $0xB;
	[sflag:s15] =	ssyncadd.s32 $0xFFFFD900  }
0x1e: {  	[spmem:s11], [sflag:s16] =	dma.local @!p0 [hbm:s2], $0x100  }
0x1f: {  	_ =	swait.ge @!p0 [sflag:s7], $0x100  }
0x20: {  	[sflag:s7] =	ssyncset.done @!p0 $0x0  }
0x21: {  	[sflag:s7] =	ssyncadd.s32 @!p0 $0xFFFFFF00  }
0x22: {  	s11 =	simm.s32 $0x0;
	[bflag:$0x0] =	sbarrier.arrive $0xFFFF  }
.LBB2_2:
0x23: {  	s7 =	smul.u32 $0x7D0, s11;
	_ =	sdelay $0x1  }
0x24: {  	s7 =	sadd.s32 s9, s7  }
0x25: {  	s7 =	sshrl.u32 s7, $0x3  }
0x26: {  	s12 =	simm.s32 $0x0;
	s8 =	sadd.s32 s6, s7  }
0x27: {  	[tilespmem:s17], [sflag:$0xB] =	stream.linear.gather [hbm4b:s8+s12], $0x7D0, $0x38;
	[tilespmem:$0x1C880] =	vst v63  }
0x28: {  	_ =	swait.ge [sflag:s15], $0x7D0  }
0x29: {  	[sflag:s15] =	ssyncset.done $0x0  }
0x2a: {  	s7 =	sadd.s32 s3, s7;
	[sflag:s15] =	ssyncadd.s32 $0xFFFFF830  }
0x2b: {  	[tilespmem:s18], [sflag:$0xB] =	stream.linear.gather [hbm4b:s7+s12], $0x7D0, $0x38;
	[tilespmem:$0x1C880] =	vst v63  }
0x2c: {  	_ =	swait.ge [sflag:s15], $0x7D0  }
0x2d: {  	s16 =	sadd.s32 s10, s11;
	[sflag:s15] =	ssyncset.done $0x0  }
0x2e: {  	s7 =	smul.u32 $0x380, s16;
	[sflag:s15] =	ssyncadd.s32 $0xFFFFF830  }
0x2f: {  	s2 =	rddreg [dreg:$0x2]  }
0x30: {  	s13 =	simm.s32 $0x14080;
	s7 =	sadd.s32 s2, s7  }
0x31: {  	[tilespmem:s13], [sflag:$0xB] =	stream.linear.gather [hbm4b:s7+s12], $0x1900, $0x38;
	[tilespmem:$0x1C880] =	vst v63  }
0x32: {  	_ =	swait.ge [sflag:s15], $0x1900  }
0x33: {  	[sflag:s15] =	ssyncset.done $0x0  }
0x34: {  	[sflag:s15] =	ssyncadd.s32 $0xFFFFE700  }
0x35: {  	[tilespmem:s20], [sflag:$0x1] =	stream.indirect.gather [hbm4b:s1+s19], $0x80, s17, s19, $0xb8;
	[tilespmem:$0x1C880] =	vst v63  }
0x36: {  	_ = 	snop  }
0x37: {  	[tilespmem:s22], [sflag:$0x2] =	stream.indirect.gather [hbm4b:s1+s19], $0x80, s21, s19, $0xb8;
	[tilespmem:$0x1C880] =	vst v63  }
0x38: {  	_ = 	snop  }
0x39: {  	[tilespmem:s24], [sflag:$0x3] =	stream.indirect.gather [hbm4b:s1+s19], $0x80, s23, s19, $0xb8;
	[tilespmem:$0x1C880] =	vst v63  }
0x3a: {  	s14 =	simm.s32 $0x15C90;
	s7 =	simm.s32 $0x13920  }
0x3b: {  	[tilespmem:s26], [sflag:$0x4] =	stream.indirect.gather [hbm4b:s1+s19], $0x80, s25, s19, $0xb8;
	[tilespmem:$0x1C880] =	vst v63  }
.LBB2_3:
0x3c: {  	s8 =	smul.u32 $0xCD, s12;
	_ =	sdelay $0x1  }
0x3d: {  	s8 =	sshrl.u32 s8, $0xA  }
0x3e: {  	s8 =	sand.u32 $0x3F, s8  }
0x3f: {  	s8 =	smul.u32 $0x5, s8;
	_ =	sdelay $0x1  }
0x40: {  	s8 =	ssub.s32 s12, s8  }
0x41: {  	s16 =	sand.u32 $0xFF, s8  }
0x42: {  	s8 =	sadd.s32 $0x1, s16  }
0x43: {  	_ =	swait.ge [sflag:s8], $0x1400  }
0x44: {  	[sflag:s8] =	ssyncset.done $0x0  }
0x45: {  	s5 =	smul.u32 $0x5000, s16;
	[sflag:s8] =	ssyncadd.s32 $0xFFFFEC00  }
0x46: {  	v16 =	vld [tilespmem:s14+$0xFFFFFFF0]  }
0x47: {  	s8 =	sshrl.u32 s5, $0x2  }
0x48: {  	v17 =	vld [tilespmem:s8+$0x16480]  }
0x49: {  	v18 =	vld [tilespmem:s8+$0x16490]  }
0x4a: {  	v19 =	vld [tilespmem:s8+$0x164A0]  }
0x4b: {  	v21 =	vld [tilespmem:s8+$0x164B0];
	v20 =	vperm.xlane v16, v0  }
0x4c: {  	v22 =	vld [tilespmem:s8+$0x164C0]  }
0x4d: {  	v23 =	vld [tilespmem:s8+$0x164D0];
	v17 =	vmul.f32 v17, v20  }
0x4e: {  	v24 =	vld [tilespmem:s8+$0x164E0];
	v18 =	vmul.f32 v18, v20  }
0x4f: {  	v38 =	vld [tilespmem:s8+$0x164F0];
	[tilespmem:s8+$0x16480] =	vst v17;
	v17 =	vmul.f32 v19, v20  }
0x50: {  	v40 =	vld [tilespmem:s8+$0x16500];
	v39 =	vmul.f32 v21, v20;
	[tilespmem:s8+$0x16490] =	vst v18  }
0x51: {  	v41 =	vld [tilespmem:s8+$0x16510];
	[tilespmem:s8+$0x164A0] =	vst v17;
	v17 =	vmul.f32 v22, v20  }
0x52: {  	v43 =	vld [tilespmem:s8+$0x16520];
	v42 =	vmul.f32 v23, v20;
	[tilespmem:s8+$0x164B0] =	vst v39  }
0x53: {  	v25 =	vld [tilespmem:s8+$0x16530];
	v44 =	vperm.xlane v16, v1;
	[tilespmem:s8+$0x164C0] =	vst v17;
	v17 =	vmul.f32 v24, v20  }
0x54: {  	v46 =	vld [tilespmem:s8+$0x16540];
	v45 =	vmul.f32 v38, v20;
	[tilespmem:s8+$0x164D0] =	vst v42  }
0x55: {  	v47 =	vld [tilespmem:s8+$0x16550];
	[tilespmem:s8+$0x164E0] =	vst v17;
	v17 =	vmul.f32 v40, v44  }
0x56: {  	v49 =	vld [tilespmem:s8+$0x16560];
	v48 =	vmul.f32 v41, v44;
	[tilespmem:s8+$0x164F0] =	vst v45  }
0x57: {  	v50 =	vld [tilespmem:s8+$0x16570];
	[tilespmem:s8+$0x16500] =	vst v17;
	v17 =	vmul.f32 v43, v44  }
0x58: {  	v52 =	vld [tilespmem:s8+$0x16580];
	v51 =	vmul.f32 v25, v44;
	[tilespmem:s8+$0x16510] =	vst v48  }
0x59: {  	v53 =	vld [tilespmem:s8+$0x16590];
	[tilespmem:s8+$0x16520] =	vst v17;
	v17 =	vmul.f32 v46, v44  }
0x5a: {  	v55 =	vld [tilespmem:s8+$0x165A0];
	v54 =	vmul.f32 v47, v44;
	[tilespmem:s8+$0x16530] =	vst v51  }
0x5b: {  	v57 =	vld [tilespmem:s8+$0x165B0];
	v56 =	vperm.xlane v16, v2;
	[tilespmem:s8+$0x16540] =	vst v17;
	v17 =	vmul.f32 v49, v44  }
0x5c: {  	v59 =	vld [tilespmem:s8+$0x165C0];
	v58 =	vmul.f32 v50, v44;
	[tilespmem:s8+$0x16550] =	vst v54  }
0x5d: {  	v60 =	vld [tilespmem:s8+$0x165D0];
	[tilespmem:s8+$0x16560] =	vst v17;
	v17 =	vmul.f32 v52, v56  }
0x5e: {  	v62 =	vld [tilespmem:s8+$0x165E0];
	v61 =	vmul.f32 v53, v56;
	[tilespmem:s8+$0x16570] =	vst v58  }
0x5f: {  	v63 =	vld [tilespmem:s8+$0x165F0];
	[tilespmem:s8+$0x16580] =	vst v17;
	v17 =	vmul.f32 v55, v56  }
0x60: {  	v29 =	vld [tilespmem:s8+$0x16600];
	v28 =	vmul.f32 v57, v56;
	[tilespmem:s8+$0x16590] =	vst v61  }
0x61: {  	v30 =	vld [tilespmem:s8+$0x16610];
	[tilespmem:s8+$0x165A0] =	vst v17;
	v17 =	vmul.f32 v59, v56  }
0x62: {  	v32 =	vld [tilespmem:s8+$0x16620];
	v31 =	vmul.f32 v60, v56;
	[tilespmem:s8+$0x165B0] =	vst v28  }
0x63: {  	v34 =	vld [tilespmem:s8+$0x16630];
	v33 =	vperm.xlane v16, v3;
	[tilespmem:s8+$0x165C0] =	vst v17;
	v17 =	vmul.f32 v62, v56  }
0x64: {  	v36 =	vld [tilespmem:s8+$0x16640];
	v35 =	vmul.f32 v63, v56;
	[tilespmem:s8+$0x165D0] =	vst v31  }
0x65: {  	v40 =	vld [tilespmem:s8+$0x16670];
	[tilespmem:s8+$0x165E0] =	vst v17;
	v17 =	vmul.f32 v29, v33  }
0x66: {  	v38 =	vmul.f32 v30, v33;
	[tilespmem:s8+$0x165F0] =	vst v35;
	v39 =	vld [tilespmem:s8+$0x16660]  }
0x67: {  	v37 =	vld [tilespmem:s8+$0x16650];
	[tilespmem:s8+$0x16600] =	vst v17;
	v17 =	vmul.f32 v32, v33  }
0x68: {  	v41 =	vmul.f32 v34, v33;
	[tilespmem:s8+$0x16610] =	vst v38;
	v42 =	vld [tilespmem:s8+$0x16680]  }
0x69: {  	v47 =	vld [tilespmem:s8+$0x166B0];
	[tilespmem:s8+$0x16620] =	vst v17;
	v17 =	vmul.f32 v36, v33  }
0x6a: {  	[tilespmem:s8+$0x16630] =	vst v41;
	v45 =	vld [tilespmem:s8+$0x166A0];
	v48 =	vmul.f32 v40, v33  }
0x6b: {  	v50 =	vld [tilespmem:s8+$0x166D0];
	v46 =	vperm.xlane v16, v4;
	[tilespmem:s8+$0x16640] =	vst v17;
	v17 =	vmul.f32 v39, v33  }
0x6c: {  	v44 =	vmul.f32 v37, v33;
	v49 =	vld [tilespmem:s8+$0x166C0];
	[tilespmem:s8+$0x16670] =	vst v48  }
0x6d: {  	v53 =	vld [tilespmem:s8+$0x166F0];
	[tilespmem:s8+$0x16660] =	vst v17;
	v17 =	vmul.f32 v42, v46  }
0x6e: {  	v54 =	vmul.f32 v47, v46;
	[tilespmem:s8+$0x16650] =	vst v44;
	v52 =	vld [tilespmem:s8+$0x166E0]  }
0x6f: {  	v43 =	vld [tilespmem:s8+$0x16690];
	[tilespmem:s8+$0x16680] =	vst v17;
	v17 =	vmul.f32 v45, v46  }
0x70: {  	v57 =	vmul.f32 v50, v46;
	[tilespmem:s8+$0x166B0] =	vst v54;
	v55 =	vld [tilespmem:s8+$0x16700]  }
0x71: {  	v60 =	vld [tilespmem:s8+$0x16730];
	[tilespmem:s8+$0x166A0] =	vst v17;
	v17 =	vmul.f32 v49, v46  }
0x72: {  	v58 =	vld [tilespmem:s8+$0x16720];
	v61 =	vmul.f32 v53, v46;
	[tilespmem:s8+$0x166D0] =	vst v57  }
0x73: {  	v63 =	vld [tilespmem:s8+$0x16750];
	v59 =	vperm.xlane v16, v5;
	[tilespmem:s8+$0x166C0] =	vst v17;
	v17 =	vmul.f32 v52, v46  }
0x74: {  	v51 =	vmul.f32 v43, v46;
	[tilespmem:s8+$0x166F0] =	vst v61;
	v62 =	vld [tilespmem:s8+$0x16740]  }
0x75: {  	v30 =	vld [tilespmem:s8+$0x16770];
	[tilespmem:s8+$0x166E0] =	vst v17;
	v17 =	vmul.f32 v55, v59  }
0x76: {  	[tilespmem:s8+$0x16690] =	vst v51;
	v31 =	vmul.f32 v60, v59;
	v29 =	vld [tilespmem:s8+$0x16760]  }
0x77: {  	v56 =	vld [tilespmem:s8+$0x16710];
	[tilespmem:s8+$0x16700] =	vst v17;
	v17 =	vmul.f32 v58, v59  }
0x78: {  	v34 =	vmul.f32 v63, v59;
	[tilespmem:s8+$0x16730] =	vst v31;
	v32 =	vld [tilespmem:s8+$0x16780]  }
0x79: {  	v37 =	vld [tilespmem:s8+$0x167B0];
	[tilespmem:s8+$0x16720] =	vst v17;
	v17 =	vmul.f32 v62, v59  }
0x7a: {  	v35 =	vld [tilespmem:s8+$0x167A0];
	v38 =	vmul.f32 v30, v59;
	[tilespmem:s8+$0x16750] =	vst v34  }
0x7b: {  	v40 =	vld [tilespmem:s8+$0x167D0];
	v36 =	vperm.xlane v16, v6;
	[tilespmem:s8+$0x16740] =	vst v17;
	v17 =	vmul.f32 v29, v59  }
0x7c: {  	[tilespmem:s8+$0x16770] =	vst v38;
	v28 =	vmul.f32 v56, v59;
	v39 =	vld [tilespmem:s8+$0x167C0]  }
0x7d: {  	v43 =	vld [tilespmem:s8+$0x167F0];
	[tilespmem:s8+$0x16760] =	vst v17;
	v17 =	vmul.f32 v32, v36  }
0x7e: {  	[tilespmem:s8+$0x16710] =	vst v28;
	v44 =	vmul.f32 v37, v36;
	v42 =	vld [tilespmem:s8+$0x167E0]  }
0x7f: {  	v33 =	vld [tilespmem:s8+$0x16790];
	[tilespmem:s8+$0x16780] =	vst v17;
	v17 =	vmul.f32 v35, v36  }
0x80: {  	v47 =	vmul.f32 v40, v36;
	[tilespmem:s8+$0x167B0] =	vst v44;
	v45 =	vld [tilespmem:s8+$0x16800]  }
0x81: {  	v50 =	vld [tilespmem:s8+$0x16830];
	[tilespmem:s8+$0x167A0] =	vst v17;
	v17 =	vmul.f32 v39, v36  }
0x82: {  	v48 =	vld [tilespmem:s8+$0x16820];
	v51 =	vmul.f32 v43, v36;
	[tilespmem:s8+$0x167D0] =	vst v47  }
0x83: {  	v53 =	vld [tilespmem:s8+$0x16850];
	v49 =	vperm.xlane v16, v7;
	[tilespmem:s8+$0x167C0] =	vst v17;
	v17 =	vmul.f32 v42, v36  }
0x84: {  	[tilespmem:s8+$0x167F0] =	vst v51;
	v41 =	vmul.f32 v33, v36;
	v52 =	vld [tilespmem:s8+$0x16840]  }
0x85: {  	v56 =	vld [tilespmem:s8+$0x16870];
	[tilespmem:s8+$0x167E0] =	vst v17;
	v17 =	vmul.f32 v45, v49  }
0x86: {  	[tilespmem:s8+$0x16790] =	vst v41;
	v57 =	vmul.f32 v50, v49;
	v55 =	vld [tilespmem:s8+$0x16860]  }
0x87: {  	v46 =	vld [tilespmem:s8+$0x16810];
	[tilespmem:s8+$0x16800] =	vst v17;
	v17 =	vmul.f32 v48, v49  }
0x88: {  	v60 =	vmul.f32 v53, v49;
	[tilespmem:s8+$0x16830] =	vst v57;
	v58 =	vld [tilespmem:s8+$0x16880]  }
0x89: {  	v63 =	vld [tilespmem:s8+$0x168B0];
	[tilespmem:s8+$0x16820] =	vst v17;
	v17 =	vmul.f32 v52, v49  }
0x8a: {  	v61 =	vld [tilespmem:s8+$0x168A0];
	v27 =	vmul.f32 v56, v49;
	[tilespmem:s8+$0x16850] =	vst v60  }
0x8b: {  	v62 =	vperm.xlane v16, v8;
	v59 =	vld [tilespmem:s8+$0x16890];
	[tilespmem:s8+$0x16840] =	vst v17;
	v17 =	vmul.f32 v55, v49  }
0x8c: {  	v28 =	vld [tilespmem:s8+$0x168C0];
	[tilespmem:s8+$0x16870] =	vst v27;
	v54 =	vmul.f32 v46, v49  }
0x8d: {  	v29 =	vld [tilespmem:s8+$0x168D0];
	[tilespmem:s8+$0x16860] =	vst v17;
	v17 =	vmul.f32 v58, v62  }
0x8e: {  	v31 =	vld [tilespmem:s8+$0x168E0];
	[tilespmem:s8+$0x16810] =	vst v54;
	v33 =	vmul.f32 v63, v62  }
0x8f: {  	v32 =	vld [tilespmem:s8+$0x168F0];
	[tilespmem:s8+$0x16880] =	vst v17;
	v17 =	vmul.f32 v61, v62  }
0x90: {  	v34 =	vld [tilespmem:s8+$0x16900];
	[tilespmem:s8+$0x168B0] =	vst v33;
	v30 =	vmul.f32 v59, v62  }
0x91: {  	[tilespmem:s8+$0x168A0] =	vst v17;
	v17 =	vmul.f32 v28, v62  }
0x92: {  	v35 =	vmul.f32 v29, v62;
	[tilespmem:s8+$0x16890] =	vst v30  }
0x93: {  	v36 =	vperm.xlane v16, v9;
	[tilespmem:s8+$0x168C0] =	vst v17;
	v17 =	vmul.f32 v31, v62  }
0x94: {  	[tilespmem:s8+$0x168D0] =	vst v35;
	v37 =	vmul.f32 v32, v62  }
0x95: {  	[tilespmem:s8+$0x168E0] =	vst v17;
	v17 =	vmul.f32 v34, v36  }
0x96: {  	[tilespmem:s8+$0x168F0] =	vst v37  }
0x97: {  	[tilespmem:s8+$0x16900] =	vst v17  }
0x98: {  	v17 =	vld [tilespmem:s8+$0x16910]  }
0x99: {  	v38 =	vld [tilespmem:s8+$0x16920]  }
0x9a: {  	v40 =	vld [tilespmem:s8+$0x16940]  }
0x9b: {  	v39 =	vld [tilespmem:s8+$0x16930]  }
0x9c: {  	v42 =	vld [tilespmem:s8+$0x16960]  }
0x9d: {  	v41 =	vld [tilespmem:s8+$0x16950];
	v17 =	vmul.f32 v17, v36  }
0x9e: {  	v44 =	vld [tilespmem:s8+$0x16980];
	v18 =	vmul.f32 v38, v36  }
0x9f: {  	v43 =	vld [tilespmem:s8+$0x16970];
	v45 =	vmul.f32 v40, v36;
	[tilespmem:s8+$0x16910] =	vst v17  }
0xa0: {  	v47 =	vld [tilespmem:s8+$0x169A0];
	v17 =	vmul.f32 v39, v36;
	[tilespmem:s8+$0x16920] =	vst v18  }
0xa1: {  	v49 =	vperm.xlane v16, v10;
	v46 =	vld [tilespmem:s8+$0x16990];
	v48 =	vmul.f32 v42, v36;
	[tilespmem:s8+$0x16940] =	vst v45  }
0xa2: {  	v51 =	vld [tilespmem:s8+$0x169C0];
	[tilespmem:s8+$0x16930] =	vst v17;
	v17 =	vmul.f32 v41, v36  }
0xa3: {  	v50 =	vld [tilespmem:s8+$0x169B0];
	v52 =	vmul.f32 v44, v49;
	[tilespmem:s8+$0x16960] =	vst v48  }
0xa4: {  	v54 =	vld [tilespmem:s8+$0x169E0];
	[tilespmem:s8+$0x16950] =	vst v17;
	v17 =	vmul.f32 v43, v36  }
0xa5: {  	v53 =	vld [tilespmem:s8+$0x169D0];
	v55 =	vmul.f32 v47, v49;
	[tilespmem:s8+$0x16980] =	vst v52  }
0xa6: {  	v57 =	vld [tilespmem:s8+$0x16A00];
	[tilespmem:s8+$0x16970] =	vst v17;
	v17 =	vmul.f32 v46, v49  }
0xa7: {  	v56 =	vld [tilespmem:s8+$0x169F0];
	v58 =	vmul.f32 v51, v49;
	[tilespmem:s8+$0x169A0] =	vst v55  }
0xa8: {  	v60 =	vld [tilespmem:s8+$0x16A20];
	[tilespmem:s8+$0x16990] =	vst v17;
	v17 =	vmul.f32 v50, v49  }
0xa9: {  	v62 =	vperm.xlane v16, v11;
	v59 =	vld [tilespmem:s8+$0x16A10];
	v61 =	vmul.f32 v54, v49;
	[tilespmem:s8+$0x169C0] =	vst v58  }
0xaa: {  	v28 =	vld [tilespmem:s8+$0x16A40];
	[tilespmem:s8+$0x169B0] =	vst v17;
	v17 =	vmul.f32 v53, v49  }
0xab: {  	v63 =	vld [tilespmem:s8+$0x16A30];
	v29 =	vmul.f32 v57, v62;
	[tilespmem:s8+$0x169E0] =	vst v61  }
0xac: {  	v31 =	vld [tilespmem:s8+$0x16A60];
	[tilespmem:s8+$0x169D0] =	vst v17;
	v17 =	vmul.f32 v56, v49  }
0xad: {  	v30 =	vld [tilespmem:s8+$0x16A50];
	v32 =	vmul.f32 v60, v62;
	[tilespmem:s8+$0x16A00] =	vst v29  }
0xae: {  	v34 =	vld [tilespmem:s8+$0x16A80];
	[tilespmem:s8+$0x169F0] =	vst v17;
	v17 =	vmul.f32 v59, v62  }
0xaf: {  	v33 =	vld [tilespmem:s8+$0x16A70];
	v35 =	vmul.f32 v28, v62;
	[tilespmem:s8+$0x16A20] =	vst v32  }
0xb0: {  	v37 =	vld [tilespmem:s8+$0x16AA0];
	[tilespmem:s8+$0x16A10] =	vst v17;
	v17 =	vmul.f32 v63, v62  }
0xb1: {  	v38 =	vmul.f32 v31, v62;
	[tilespmem:s8+$0x16A40] =	vst v35;
	v39 =	vperm.xlane v16, v12;
	v36 =	vld [tilespmem:s8+$0x16A90]  }
0xb2: {  	v44 =	vld [tilespmem:s8+$0x16AE0];
	[tilespmem:s8+$0x16A30] =	vst v17;
	v17 =	vmul.f32 v30, v62  }
0xb3: {  	v40 =	vld [tilespmem:s8+$0x16AB0];
	[tilespmem:s8+$0x16A60] =	vst v38;
	v42 =	vmul.f32 v34, v39  }
0xb4: {  	v47 =	vld [tilespmem:s8+$0x16B00];
	[tilespmem:s8+$0x16A50] =	vst v17;
	v17 =	vmul.f32 v33, v62  }
0xb5: {  	v45 =	vmul.f32 v37, v39;
	v43 =	vld [tilespmem:s8+$0x16AD0];
	[tilespmem:s8+$0x16A80] =	vst v42  }
0xb6: {  	v54 =	vld [tilespmem:s8+$0x16B40];
	[tilespmem:s8+$0x16A70] =	vst v17;
	v17 =	vmul.f32 v36, v39  }
0xb7: {  	v52 =	vperm.xlane v16, v13;
	v51 =	vmul.f32 v44, v39;
	[tilespmem:s8+$0x16AA0] =	vst v45;
	v46 =	vld [tilespmem:s8+$0x16AF0]  }
0xb8: {  	v57 =	vld [tilespmem:s8+$0x16B60];
	[tilespmem:s8+$0x16A90] =	vst v17;
	v17 =	vmul.f32 v40, v39  }
0xb9: {  	v55 =	vmul.f32 v47, v52;
	[tilespmem:s8+$0x16AE0] =	vst v51;
	v49 =	vld [tilespmem:s8+$0x16B10]  }
0xba: {  	v60 =	vld [tilespmem:s8+$0x16B80];
	[tilespmem:s8+$0x16AB0] =	vst v17;
	v17 =	vmul.f32 v43, v39  }
0xbb: {  	v61 =	vmul.f32 v54, v52;
	[tilespmem:s8+$0x16B00] =	vst v55;
	v53 =	vld [tilespmem:s8+$0x16B30]  }
0xbc: {  	v31 =	vld [tilespmem:s8+$0x16BC0];
	[tilespmem:s8+$0x16AD0] =	vst v17;
	v17 =	vmul.f32 v46, v39  }
0xbd: {  	v29 =	vperm.xlane v16, v14;
	v28 =	vmul.f32 v57, v52;
	[tilespmem:s8+$0x16B40] =	vst v61;
	v56 =	vld [tilespmem:s8+$0x16B50]  }
0xbe: {  	v41 =	vld [tilespmem:s8+$0x16AC0];
	[tilespmem:s8+$0x16AF0] =	vst v17;
	v17 =	vmul.f32 v49, v52  }
0xbf: {  	v32 =	vmul.f32 v60, v29;
	[tilespmem:s8+$0x16B60] =	vst v28;
	v59 =	vld [tilespmem:s8+$0x16B70]  }
0xc0: {  	v34 =	vld [tilespmem:s8+$0x16BE0];
	[tilespmem:s8+$0x16B10] =	vst v17;
	v17 =	vmul.f32 v53, v52  }
0xc1: {  	v38 =	vmul.f32 v31, v29;
	[tilespmem:s8+$0x16B80] =	vst v32;
	v62 =	vld [tilespmem:s8+$0x16B90]  }
0xc2: {  	v37 =	vld [tilespmem:s8+$0x16C00];
	[tilespmem:s8+$0x16B30] =	vst v17;
	v17 =	vmul.f32 v56, v52  }
0xc3: {  	[tilespmem:s8+$0x16BC0] =	vst v38;
	v48 =	vmul.f32 v41, v39;
	v30 =	vld [tilespmem:s8+$0x16BB0]  }
0xc4: {  	v50 =	vld [tilespmem:s8+$0x16B20];
	[tilespmem:s8+$0x16B50] =	vst v17;
	v17 =	vmul.f32 v59, v52  }
0xc5: {  	v16 =	vperm.xlane v16, v15;
	v41 =	vmul.f32 v34, v29;
	[tilespmem:s8+$0x16AC0] =	vst v48;
	v33 =	vld [tilespmem:s8+$0x16BD0]  }
0xc6: {  	v63 =	vld [tilespmem:s8+$0x16BA0];
	[tilespmem:s8+$0x16B70] =	vst v17;
	v17 =	vmul.f32 v62, v29  }
0xc7: {  	v44 =	vmul.f32 v37, v16;
	[tilespmem:s8+$0x16BE0] =	vst v41;
	v36 =	vld [tilespmem:s8+$0x16BF0]  }
0xc8: {  	v40 =	vld [tilespmem:s8+$0x16C20];
	[tilespmem:s8+$0x16B90] =	vst v17;
	v17 =	vmul.f32 v30, v29  }
0xc9: {  	[tilespmem:s8+$0x16C00] =	vst v44;
	v58 =	vmul.f32 v50, v52;
	v39 =	vld [tilespmem:s8+$0x16C10]  }
0xca: {  	v43 =	vld [tilespmem:s8+$0x16C40];
	[tilespmem:s8+$0x16BB0] =	vst v17;
	v17 =	vmul.f32 v33, v29  }
0xcb: {  	v42 =	vld [tilespmem:s8+$0x16C30];
	[tilespmem:s8+$0x16B20] =	vst v58;
	v35 =	vmul.f32 v63, v29  }
0xcc: {  	v46 =	vld [tilespmem:s8+$0x16C60];
	[tilespmem:s8+$0x16BD0] =	vst v17;
	v17 =	vmul.f32 v36, v29  }
0xcd: {  	v45 =	vld [tilespmem:s8+$0x16C50];
	[tilespmem:s8+$0x16BA0] =	vst v35;
	v47 =	vmul.f32 v40, v16  }
0xce: {  	v48 =	vld [tilespmem:s8+$0x16C70];
	[tilespmem:s8+$0x16BF0] =	vst v17;
	v17 =	vmul.f32 v39, v16  }
0xcf: {  	[tilespmem:s8+$0x16C20] =	vst v47;
	v49 =	vmul.f32 v43, v16  }
0xd0: {  	[tilespmem:s8+$0x16C10] =	vst v17;
	v17 =	vmul.f32 v42, v16  }
0xd1: {  	[tilespmem:s8+$0x16C40] =	vst v49;
	v50 =	vmul.f32 v46, v16  }
0xd2: {  	[tilespmem:s8+$0x16C30] =	vst v17;
	v17 =	vmul.f32 v45, v16  }
0xd3: {  	[tilespmem:s8+$0x16C60] =	vst v50;
	v16 =	vmul.f32 v48, v16  }
0xd4: {  	[tilespmem:s8+$0x16C50] =	vst v17  }
0xd5: {  	[tilespmem:s8+$0x16C70] =	vst v16  }
0xd6: {  	v16 =	vld [tilespmem:s14+$0x0];
	_ =	sdelay $0x1  }
0xd7: {  	v17 =	vld [tilespmem:s8+$0x16C80]  }
0xd8: {  	v51 =	vld [tilespmem:s8+$0x16C90]  }
0xd9: {  	v52 =	vld [tilespmem:s8+$0x16CA0]  }
0xda: {  	v54 =	vld [tilespmem:s8+$0x16CB0];
	v53 =	vperm.xlane v16, v0  }
0xdb: {  	v55 =	vld [tilespmem:s8+$0x16CC0]  }
0xdc: {  	v56 =	vld [tilespmem:s8+$0x16CD0];
	v17 =	vmul.f32 v17, v53  }
0xdd: {  	v57 =	vld [tilespmem:s8+$0x16CE0];
	v18 =	vmul.f32 v51, v53  }
0xde: {  	v58 =	vld [tilespmem:s8+$0x16CF0];
	[tilespmem:s8+$0x16C80] =	vst v17;
	v17 =	vmul.f32 v52, v53  }
0xdf: {  	v60 =	vld [tilespmem:s8+$0x16D00];
	v59 =	vmul.f32 v54, v53;
	[tilespmem:s8+$0x16C90] =	vst v18  }
0xe0: {  	v61 =	vld [tilespmem:s8+$0x16D10];
	[tilespmem:s8+$0x16CA0] =	vst v17;
	v17 =	vmul.f32 v55, v53  }
0xe1: {  	v63 =	vld [tilespmem:s8+$0x16D20];
	v62 =	vmul.f32 v56, v53;
	[tilespmem:s8+$0x16CB0] =	vst v59  }
0xe2: {  	v29 =	vld [tilespmem:s8+$0x16D30];
	v28 =	vperm.xlane v16, v1;
	[tilespmem:s8+$0x16CC0] =	vst v17;
	v17 =	vmul.f32 v57, v53  }
0xe3: {  	v31 =	vld [tilespmem:s8+$0x16D40];
	v30 =	vmul.f32 v58, v53;
	[tilespmem:s8+$0x16CD0] =	vst v62  }
0xe4: {  	v32 =	vld [tilespmem:s8+$0x16D50];
	[tilespmem:s8+$0x16CE0] =	vst v17;
	v17 =	vmul.f32 v60, v28  }
0xe5: {  	v34 =	vld [tilespmem:s8+$0x16D60];
	v33 =	vmul.f32 v61, v28;
	[tilespmem:s8+$0x16CF0] =	vst v30  }
0xe6: {  	v35 =	vld [tilespmem:s8+$0x16D70];
	[tilespmem:s8+$0x16D00] =	vst v17;
	v17 =	vmul.f32 v63, v28  }
0xe7: {  	v37 =	vld [tilespmem:s8+$0x16D80];
	v36 =	vmul.f32 v29, v28;
	[tilespmem:s8+$0x16D10] =	vst v33  }
0xe8: {  	v38 =	vld [tilespmem:s8+$0x16D90];
	[tilespmem:s8+$0x16D20] =	vst v17;
	v17 =	vmul.f32 v31, v28  }
0xe9: {  	v40 =	vld [tilespmem:s8+$0x16DA0];
	v39 =	vmul.f32 v32, v28;
	[tilespmem:s8+$0x16D30] =	vst v36  }
0xea: {  	v42 =	vld [tilespmem:s8+$0x16DB0];
	v41 =	vperm.xlane v16, v2;
	[tilespmem:s8+$0x16D40] =	vst v17;
	v17 =	vmul.f32 v34, v28  }
0xeb: {  	v44 =	vld [tilespmem:s8+$0x16DC0];
	v43 =	vmul.f32 v35, v28;
	[tilespmem:s8+$0x16D50] =	vst v39  }
0xec: {  	v48 =	vld [tilespmem:s8+$0x16DF0];
	[tilespmem:s8+$0x16D60] =	vst v17;
	v17 =	vmul.f32 v37, v41  }
0xed: {  	v47 =	vld [tilespmem:s8+$0x16DE0];
	v46 =	vmul.f32 v38, v41;
	[tilespmem:s8+$0x16D70] =	vst v43  }
0xee: {  	v45 =	vld [tilespmem:s8+$0x16DD0];
	[tilespmem:s8+$0x16D80] =	vst v17;
	v17 =	vmul.f32 v40, v41  }
0xef: {  	v50 =	vld [tilespmem:s8+$0x16E00];
	v49 =	vmul.f32 v42, v41;
	[tilespmem:s8+$0x16D90] =	vst v46  }
0xf0: {  	v51 =	vld [tilespmem:s8+$0x16E10];
	[tilespmem:s8+$0x16DA0] =	vst v17;
	v17 =	vmul.f32 v44, v41  }
0xf1: {  	v56 =	vmul.f32 v48, v41;
	[tilespmem:s8+$0x16DB0] =	vst v49;
	v53 =	vld [tilespmem:s8+$0x16E20]  }
0xf2: {  	v54 =	vperm.xlane v16, v3;
	v58 =	vld [tilespmem:s8+$0x16E50];
	[tilespmem:s8+$0x16DC0] =	vst v17;
	v17 =	vmul.f32 v47, v41  }
0xf3: {  	v52 =	vmul.f32 v45, v41;
	[tilespmem:s8+$0x16DF0] =	vst v56;
	v57 =	vld [tilespmem:s8+$0x16E40]  }
0xf4: {  	v61 =	vld [tilespmem:s8+$0x16E70];
	[tilespmem:s8+$0x16DE0] =	vst v17;
	v17 =	vmul.f32 v50, v54  }
0xf5: {  	[tilespmem:s8+$0x16DD0] =	vst v52;
	v59 =	vmul.f32 v51, v54;
	v60 =	vld [tilespmem:s8+$0x16E60]  }
0xf6: {  	v55 =	vld [tilespmem:s8+$0x16E30];
	[tilespmem:s8+$0x16E00] =	vst v17;
	v17 =	vmul.f32 v53, v54  }
0xf7: {  	v29 =	vmul.f32 v58, v54;
	[tilespmem:s8+$0x16E10] =	vst v59;
	v63 =	vld [tilespmem:s8+$0x16E80]  }
0xf8: {  	v32 =	vld [tilespmem:s8+$0x16EB0];
	[tilespmem:s8+$0x16E20] =	vst v17;
	v17 =	vmul.f32 v57, v54  }
0xf9: {  	v30 =	vld [tilespmem:s8+$0x16EA0];
	v33 =	vmul.f32 v61, v54;
	[tilespmem:s8+$0x16E50] =	vst v29  }
0xfa: {  	v35 =	vld [tilespmem:s8+$0x16ED0];
	v31 =	vperm.xlane v16, v4;
	[tilespmem:s8+$0x16E40] =	vst v17;
	v17 =	vmul.f32 v60, v54  }
0xfb: {  	[tilespmem:s8+$0x16E70] =	vst v33;
	v62 =	vmul.f32 v55, v54;
	v34 =	vld [tilespmem:s8+$0x16EC0]  }
0xfc: {  	v38 =	vld [tilespmem:s8+$0x16EF0];
	[tilespmem:s8+$0x16E60] =	vst v17;
	v17 =	vmul.f32 v63, v31  }
0xfd: {  	[tilespmem:s8+$0x16E30] =	vst v62;
	v39 =	vmul.f32 v32, v31;
	v37 =	vld [tilespmem:s8+$0x16EE0]  }
0xfe: {  	v28 =	vld [tilespmem:s8+$0x16E90];
	[tilespmem:s8+$0x16E80] =	vst v17;
	v17 =	vmul.f32 v30, v31  }
0xff: {  	v42 =	vmul.f32 v35, v31;
	[tilespmem:s8+$0x16EB0] =	vst v39;
	v40 =	vld [tilespmem:s8+$0x16F00]  }
0x100: {  	v45 =	vld [tilespmem:s8+$0x16F30];
	[tilespmem:s8+$0x16EA0] =	vst v17;
	v17 =	vmul.f32 v34, v31  }
0x101: {  	v43 =	vld [tilespmem:s8+$0x16F20];
	v46 =	vmul.f32 v38, v31;
	[tilespmem:s8+$0x16ED0] =	vst v42  }
0x102: {  	v48 =	vld [tilespmem:s8+$0x16F50];
	v44 =	vperm.xlane v16, v5;
	[tilespmem:s8+$0x16EC0] =	vst v17;
	v17 =	vmul.f32 v37, v31  }
0x103: {  	[tilespmem:s8+$0x16EF0] =	vst v46;
	v36 =	vmul.f32 v28, v31;
	v47 =	vld [tilespmem:s8+$0x16F40]  }
0x104: {  	v51 =	vld [tilespmem:s8+$0x16F70];
	[tilespmem:s8+$0x16EE0] =	vst v17;
	v17 =	vmul.f32 v40, v44  }
0x105: {  	[tilespmem:s8+$0x16E90] =	vst v36;
	v52 =	vmul.f32 v45, v44;
	v50 =	vld [tilespmem:s8+$0x16F60]  }
0x106: {  	v41 =	vld [tilespmem:s8+$0x16F10];
	[tilespmem:s8+$0x16F00] =	vst v17;
	v17 =	vmul.f32 v43, v44  }
0x107: {  	v55 =	vmul.f32 v48, v44;
	[tilespmem:s8+$0x16F30] =	vst v52;
	v53 =	vld [tilespmem:s8+$0x16F80]  }
0x108: {  	v58 =	vld [tilespmem:s8+$0x16FB0];
	[tilespmem:s8+$0x16F20] =	vst v17;
	v17 =	vmul.f32 v47, v44  }
0x109: {  	v56 =	vld [tilespmem:s8+$0x16FA0];
	v59 =	vmul.f32 v51, v44;
	[tilespmem:s8+$0x16F50] =	vst v55  }
0x10a: {  	v61 =	vld [tilespmem:s8+$0x16FD0];
	v57 =	vperm.xlane v16, v6;
	[tilespmem:s8+$0x16F40] =	vst v17;
	v17 =	vmul.f32 v50, v44  }
0x10b: {  	[tilespmem:s8+$0x16F70] =	vst v59;
	v49 =	vmul.f32 v41, v44;
	v60 =	vld [tilespmem:s8+$0x16FC0]  }
0x10c: {  	v28 =	vld [tilespmem:s8+$0x16FF0];
	[tilespmem:s8+$0x16F60] =	vst v17;
	v17 =	vmul.f32 v53, v57  }
0x10d: {  	[tilespmem:s8+$0x16F10] =	vst v49;
	v29 =	vmul.f32 v58, v57;
	v63 =	vld [tilespmem:s8+$0x16FE0]  }
0x10e: {  	v54 =	vld [tilespmem:s8+$0x16F90];
	[tilespmem:s8+$0x16F80] =	vst v17;
	v17 =	vmul.f32 v56, v57  }
0x10f: {  	v32 =	vmul.f32 v61, v57;
	[tilespmem:s8+$0x16FB0] =	vst v29;
	v30 =	vld [tilespmem:s8+$0x17000]  }
0x110: {  	v35 =	vld [tilespmem:s8+$0x17030];
	[tilespmem:s8+$0x16FA0] =	vst v17;
	v17 =	vmul.f32 v60, v57  }
0x111: {  	v33 =	vld [tilespmem:s8+$0x17020];
	v36 =	vmul.f32 v28, v57;
	[tilespmem:s8+$0x16FD0] =	vst v32  }
0x112: {  	v38 =	vld [tilespmem:s8+$0x17050];
	v34 =	vperm.xlane v16, v7;
	[tilespmem:s8+$0x16FC0] =	vst v17;
	v17 =	vmul.f32 v63, v57  }
0x113: {  	[tilespmem:s8+$0x16FF0] =	vst v36;
	v62 =	vmul.f32 v54, v57;
	v37 =	vld [tilespmem:s8+$0x17040]  }
0x114: {  	v41 =	vld [tilespmem:s8+$0x17070];
	[tilespmem:s8+$0x16FE0] =	vst v17;
	v17 =	vmul.f32 v30, v34  }
0x115: {  	[tilespmem:s8+$0x16F90] =	vst v62;
	v42 =	vmul.f32 v35, v34;
	v40 =	vld [tilespmem:s8+$0x17060]  }
0x116: {  	v31 =	vld [tilespmem:s8+$0x17010];
	[tilespmem:s8+$0x17000] =	vst v17;
	v17 =	vmul.f32 v33, v34  }
0x117: {  	v45 =	vmul.f32 v38, v34;
	[tilespmem:s8+$0x17030] =	vst v42;
	v43 =	vld [tilespmem:s8+$0x17080]  }
0x118: {  	v48 =	vld [tilespmem:s8+$0x170B0];
	[tilespmem:s8+$0x17020] =	vst v17;
	v17 =	vmul.f32 v37, v34  }
0x119: {  	v46 =	vld [tilespmem:s8+$0x170A0];
	v49 =	vmul.f32 v41, v34;
	[tilespmem:s8+$0x17050] =	vst v45  }
0x11a: {  	v51 =	vld [tilespmem:s8+$0x170D0];
	v47 =	vperm.xlane v16, v8;
	[tilespmem:s8+$0x17040] =	vst v17;
	v17 =	vmul.f32 v40, v34  }
0x11b: {  	[tilespmem:s8+$0x17070] =	vst v49;
	v39 =	vmul.f32 v31, v34;
	v50 =	vld [tilespmem:s8+$0x170C0]  }
0x11c: {  	v54 =	vld [tilespmem:s8+$0x170F0];
	[tilespmem:s8+$0x17060] =	vst v17;
	v17 =	vmul.f32 v43, v47  }
0x11d: {  	[tilespmem:s8+$0x17010] =	vst v39;
	v55 =	vmul.f32 v48, v47;
	v53 =	vld [tilespmem:s8+$0x170E0]  }
0x11e: {  	v44 =	vld [tilespmem:s8+$0x17090];
	[tilespmem:s8+$0x17080] =	vst v17;
	v17 =	vmul.f32 v46, v47  }
0x11f: {  	v58 =	vmul.f32 v51, v47;
	[tilespmem:s8+$0x170B0] =	vst v55;
	v56 =	vld [tilespmem:s8+$0x17100]  }
0x120: {  	v61 =	vld [tilespmem:s8+$0x17130];
	[tilespmem:s8+$0x170A0] =	vst v17;
	v17 =	vmul.f32 v50, v47  }
0x121: {  	v59 =	vld [tilespmem:s8+$0x17120];
	v62 =	vmul.f32 v54, v47;
	[tilespmem:s8+$0x170D0] =	vst v58  }
0x122: {  	v28 =	vld [tilespmem:s8+$0x17150];
	v60 =	vperm.xlane v16, v9;
	[tilespmem:s8+$0x170C0] =	vst v17;
	v17 =	vmul.f32 v53, v47  }
0x123: {  	[tilespmem:s8+$0x170F0] =	vst v62;
	v52 =	vmul.f32 v44, v47;
	v63 =	vld [tilespmem:s8+$0x17140]  }
0x124: {  	v31 =	vld [tilespmem:s8+$0x17170];
	[tilespmem:s8+$0x170E0] =	vst v17;
	v17 =	vmul.f32 v56, v60  }
0x125: {  	[tilespmem:s8+$0x17090] =	vst v52;
	v32 =	vmul.f32 v61, v60;
	v30 =	vld [tilespmem:s8+$0x17160]  }
0x126: {  	v57 =	vld [tilespmem:s8+$0x17110];
	[tilespmem:s8+$0x17100] =	vst v17;
	v17 =	vmul.f32 v59, v60  }
0x127: {  	v35 =	vmul.f32 v28, v60;
	[tilespmem:s8+$0x17130] =	vst v32;
	v33 =	vld [tilespmem:s8+$0x17180]  }
0x128: {  	v38 =	vld [tilespmem:s8+$0x171B0];
	[tilespmem:s8+$0x17120] =	vst v17;
	v17 =	vmul.f32 v63, v60  }
0x129: {  	v36 =	vld [tilespmem:s8+$0x171A0];
	v39 =	vmul.f32 v31, v60;
	[tilespmem:s8+$0x17150] =	vst v35  }
0x12a: {  	v41 =	vld [tilespmem:s8+$0x171D0];
	v37 =	vperm.xlane v16, v10;
	[tilespmem:s8+$0x17140] =	vst v17;
	v17 =	vmul.f32 v30, v60  }
0x12b: {  	[tilespmem:s8+$0x17170] =	vst v39;
	v29 =	vmul.f32 v57, v60;
	v40 =	vld [tilespmem:s8+$0x171C0]  }
0x12c: {  	v44 =	vld [tilespmem:s8+$0x171F0];
	[tilespmem:s8+$0x17160] =	vst v17;
	v17 =	vmul.f32 v33, v37  }
0x12d: {  	[tilespmem:s8+$0x17110] =	vst v29;
	v45 =	vmul.f32 v38, v37;
	v43 =	vld [tilespmem:s8+$0x171E0]  }
0x12e: {  	v34 =	vld [tilespmem:s8+$0x17190];
	[tilespmem:s8+$0x17180] =	vst v17;
	v17 =	vmul.f32 v36, v37  }
0x12f: {  	v48 =	vmul.f32 v41, v37;
	[tilespmem:s8+$0x171B0] =	vst v45;
	v46 =	vld [tilespmem:s8+$0x17200]  }
0x130: {  	v51 =	vld [tilespmem:s8+$0x17230];
	[tilespmem:s8+$0x171A0] =	vst v17;
	v17 =	vmul.f32 v40, v37  }
0x131: {  	v49 =	vld [tilespmem:s8+$0x17220];
	v52 =	vmul.f32 v44, v37;
	[tilespmem:s8+$0x171D0] =	vst v48  }
0x132: {  	v54 =	vld [tilespmem:s8+$0x17250];
	v50 =	vperm.xlane v16, v11;
	[tilespmem:s8+$0x171C0] =	vst v17;
	v17 =	vmul.f32 v43, v37  }
0x133: {  	[tilespmem:s8+$0x171F0] =	vst v52;
	v42 =	vmul.f32 v34, v37;
	v53 =	vld [tilespmem:s8+$0x17240]  }
0x134: {  	v57 =	vld [tilespmem:s8+$0x17270];
	[tilespmem:s8+$0x171E0] =	vst v17;
	v17 =	vmul.f32 v46, v50  }
0x135: {  	[tilespmem:s8+$0x17190] =	vst v42;
	v58 =	vmul.f32 v51, v50;
	v56 =	vld [tilespmem:s8+$0x17260]  }
0x136: {  	v47 =	vld [tilespmem:s8+$0x17210];
	[tilespmem:s8+$0x17200] =	vst v17;
	v17 =	vmul.f32 v49, v50  }
0x137: {  	v61 =	vmul.f32 v54, v50;
	[tilespmem:s8+$0x17230] =	vst v58;
	v59 =	vld [tilespmem:s8+$0x17280]  }
0x138: {  	v28 =	vld [tilespmem:s8+$0x172B0];
	[tilespmem:s8+$0x17220] =	vst v17;
	v17 =	vmul.f32 v53, v50  }
0x139: {  	v62 =	vld [tilespmem:s8+$0x172A0];
	v29 =	vmul.f32 v57, v50;
	[tilespmem:s8+$0x17250] =	vst v61  }
0x13a: {  	v31 =	vld [tilespmem:s8+$0x172D0];
	v63 =	vperm.xlane v16, v12;
	[tilespmem:s8+$0x17240] =	vst v17;
	v17 =	vmul.f32 v56, v50  }
0x13b: {  	[tilespmem:s8+$0x17270] =	vst v29;
	v55 =	vmul.f32 v47, v50;
	v30 =	vld [tilespmem:s8+$0x172C0]  }
0x13c: {  	v34 =	vld [tilespmem:s8+$0x172F0];
	[tilespmem:s8+$0x17260] =	vst v17;
	v17 =	vmul.f32 v59, v63  }
0x13d: {  	[tilespmem:s8+$0x17210] =	vst v55;
	v35 =	vmul.f32 v28, v63;
	v33 =	vld [tilespmem:s8+$0x172E0]  }
0x13e: {  	v60 =	vld [tilespmem:s8+$0x17290];
	[tilespmem:s8+$0x17280] =	vst v17;
	v17 =	vmul.f32 v62, v63  }
0x13f: {  	v38 =	vmul.f32 v31, v63;
	[tilespmem:s8+$0x172B0] =	vst v35;
	v36 =	vld [tilespmem:s8+$0x17300]  }
0x140: {  	v41 =	vld [tilespmem:s8+$0x17330];
	[tilespmem:s8+$0x172A0] =	vst v17;
	v17 =	vmul.f32 v30, v63  }
0x141: {  	v39 =	vld [tilespmem:s8+$0x17320];
	v42 =	vmul.f32 v34, v63;
	[tilespmem:s8+$0x172D0] =	vst v38  }
0x142: {  	v44 =	vld [tilespmem:s8+$0x17350];
	v40 =	vperm.xlane v16, v13;
	[tilespmem:s8+$0x172C0] =	vst v17;
	v17 =	vmul.f32 v33, v63  }
0x143: {  	[tilespmem:s8+$0x172F0] =	vst v42;
	v32 =	vmul.f32 v60, v63;
	v43 =	vld [tilespmem:s8+$0x17340]  }
0x144: {  	v47 =	vld [tilespmem:s8+$0x17370];
	[tilespmem:s8+$0x172E0] =	vst v17;
	v17 =	vmul.f32 v36, v40  }
0x145: {  	[tilespmem:s8+$0x17290] =	vst v32;
	v48 =	vmul.f32 v41, v40;
	v46 =	vld [tilespmem:s8+$0x17360]  }
0x146: {  	v37 =	vld [tilespmem:s8+$0x17310];
	[tilespmem:s8+$0x17300] =	vst v17;
	v17 =	vmul.f32 v39, v40  }
0x147: {  	v51 =	vmul.f32 v44, v40;
	[tilespmem:s8+$0x17330] =	vst v48;
	v49 =	vld [tilespmem:s8+$0x17380]  }
0x148: {  	v54 =	vld [tilespmem:s8+$0x173B0];
	[tilespmem:s8+$0x17320] =	vst v17;
	v17 =	vmul.f32 v43, v40  }
0x149: {  	v52 =	vld [tilespmem:s8+$0x173A0];
	v55 =	vmul.f32 v47, v40;
	[tilespmem:s8+$0x17350] =	vst v51  }
0x14a: {  	v57 =	vld [tilespmem:s8+$0x173D0];
	v53 =	vperm.xlane v16, v14;
	[tilespmem:s8+$0x17340] =	vst v17;
	v17 =	vmul.f32 v46, v40  }
0x14b: {  	[tilespmem:s8+$0x17370] =	vst v55;
	v45 =	vmul.f32 v37, v40;
	v56 =	vld [tilespmem:s8+$0x173C0]  }
0x14c: {  	v60 =	vld [tilespmem:s8+$0x173F0];
	[tilespmem:s8+$0x17360] =	vst v17;
	v17 =	vmul.f32 v49, v53  }
0x14d: {  	[tilespmem:s8+$0x17310] =	vst v45;
	v61 =	vmul.f32 v54, v53;
	v59 =	vld [tilespmem:s8+$0x173E0]  }
0x14e: {  	v27 =	vld [tilespmem:s8+$0x17430];
	[tilespmem:s8+$0x17380] =	vst v17;
	v17 =	vmul.f32 v52, v53  }
0x14f: {  	v25 =	vmul.f32 v57, v53;
	[tilespmem:s8+$0x173B0] =	vst v61;
	v62 =	vld [tilespmem:s8+$0x17400]  }
0x150: {  	v50 =	vld [tilespmem:s8+$0x17390];
	[tilespmem:s8+$0x173A0] =	vst v17;
	v17 =	vmul.f32 v56, v53  }
0x151: {  	v26 =	vld [tilespmem:s8+$0x17420];
	v16 =	vperm.xlane v16, v15;
	v28 =	vmul.f32 v60, v53;
	[tilespmem:s8+$0x173D0] =	vst v25  }
0x152: {  	v30 =	vld [tilespmem:s8+$0x17450];
	[tilespmem:s8+$0x173C0] =	vst v17;
	v17 =	vmul.f32 v59, v53  }
0x153: {  	v29 =	vld [tilespmem:s8+$0x17440];
	v34 =	vmul.f32 v27, v16;
	[tilespmem:s8+$0x173F0] =	vst v28  }
0x154: {  	v63 =	vld [tilespmem:s8+$0x17410];
	[tilespmem:s8+$0x173E0] =	vst v17;
	v17 =	vmul.f32 v62, v16  }
0x155: {  	v32 =	vld [tilespmem:s8+$0x17460];
	[tilespmem:s8+$0x17430] =	vst v34;
	v58 =	vmul.f32 v50, v53  }
0x156: {  	v33 =	vld [tilespmem:s8+$0x17470];
	[tilespmem:s8+$0x17400] =	vst v17;
	v17 =	vmul.f32 v26, v16  }
0x157: {  	[tilespmem:s8+$0x17390] =	vst v58;
	v35 =	vmul.f32 v30, v16  }
0x158: {  	[tilespmem:s8+$0x17420] =	vst v17;
	v17 =	vmul.f32 v29, v16  }
0x159: {  	v31 =	vmul.f32 v63, v16;
	[tilespmem:s8+$0x17450] =	vst v35  }
0x15a: {  	[tilespmem:s8+$0x17440] =	vst v17;
	v17 =	vmul.f32 v32, v16  }
0x15b: {  	[tilespmem:s8+$0x17410] =	vst v31;
	v16 =	vmul.f32 v33, v16  }
0x15c: {  	[tilespmem:s8+$0x17460] =	vst v17  }
0x15d: {  	[tilespmem:s8+$0x17470] =	vst v16  }
0x15e: {  	v16 =	vld [tilespmem:s14+$0x10];
	_ =	sdelay $0x1  }
0x15f: {  	v17 =	vld [tilespmem:s8+$0x17480]  }
0x160: {  	v36 =	vld [tilespmem:s8+$0x17490]  }
0x161: {  	v37 =	vld [tilespmem:s8+$0x174A0]  }
0x162: {  	v39 =	vld [tilespmem:s8+$0x174B0];
	v38 =	vperm.xlane v16, v0  }
0x163: {  	v40 =	vld [tilespmem:s8+$0x174C0]  }
0x164: {  	v41 =	vld [tilespmem:s8+$0x174D0];
	v17 =	vmul.f32 v17, v38  }
0x165: {  	v42 =	vld [tilespmem:s8+$0x174E0];
	v18 =	vmul.f32 v36, v38  }
0x166: {  	v43 =	vld [tilespmem:s8+$0x174F0];
	[tilespmem:s8+$0x17480] =	vst v17;
	v17 =	vmul.f32 v37, v38  }
0x167: {  	v45 =	vld [tilespmem:s8+$0x17500];
	v44 =	vmul.f32 v39, v38;
	[tilespmem:s8+$0x17490] =	vst v18  }
0x168: {  	v46 =	vld [tilespmem:s8+$0x17510];
	[tilespmem:s8+$0x174A0] =	vst v17;
	v17 =	vmul.f32 v40, v38  }
0x169: {  	v48 =	vld [tilespmem:s8+$0x17520];
	v47 =	vmul.f32 v41, v38;
	[tilespmem:s8+$0x174B0] =	vst v44  }
0x16a: {  	v50 =	vld [tilespmem:s8+$0x17530];
	v49 =	vperm.xlane v16, v1;
	[tilespmem:s8+$0x174C0] =	vst v17;
	v17 =	vmul.f32 v42, v38  }
0x16b: {  	v52 =	vld [tilespmem:s8+$0x17540];
	v51 =	vmul.f32 v43, v38;
	[tilespmem:s8+$0x174D0] =	vst v47  }
0x16c: {  	v53 =	vld [tilespmem:s8+$0x17550];
	[tilespmem:s8+$0x174E0] =	vst v17;
	v17 =	vmul.f32 v45, v49  }
0x16d: {  	v55 =	vld [tilespmem:s8+$0x17560];
	v54 =	vmul.f32 v46, v49;
	[tilespmem:s8+$0x174F0] =	vst v51  }
0x16e: {  	v56 =	vld [tilespmem:s8+$0x17570];
	[tilespmem:s8+$0x17500] =	vst v17;
	v17 =	vmul.f32 v48, v49  }
0x16f: {  	v58 =	vld [tilespmem:s8+$0x17580];
	v57 =	vmul.f32 v50, v49;
	[tilespmem:s8+$0x17510] =	vst v54  }
0x170: {  	v59 =	vld [tilespmem:s8+$0x17590];
	[tilespmem:s8+$0x17520] =	vst v17;
	v17 =	vmul.f32 v52, v49  }
0x171: {  	v61 =	vld [tilespmem:s8+$0x175A0];
	v60 =	vmul.f32 v53, v49;
	[tilespmem:s8+$0x17530] =	vst v57  }
0x172: {  	v63 =	vld [tilespmem:s8+$0x175B0];
	v62 =	vperm.xlane v16, v2;
	[tilespmem:s8+$0x17540] =	vst v17;
	v17 =	vmul.f32 v55, v49  }
0x173: {  	v29 =	vld [tilespmem:s8+$0x175C0];
	v28 =	vmul.f32 v56, v49;
	[tilespmem:s8+$0x17550] =	vst v60  }
0x174: {  	v33 =	vld [tilespmem:s8+$0x175F0];
	[tilespmem:s8+$0x17560] =	vst v17;
	v17 =	vmul.f32 v58, v62  }
0x175: {  	v32 =	vld [tilespmem:s8+$0x175E0];
	v31 =	vmul.f32 v59, v62;
	[tilespmem:s8+$0x17570] =	vst v28  }
0x176: {  	v30 =	vld [tilespmem:s8+$0x175D0];
	[tilespmem:s8+$0x17580] =	vst v17;
	v17 =	vmul.f32 v61, v62  }
0x177: {  	v35 =	vld [tilespmem:s8+$0x17600];
	v34 =	vmul.f32 v63, v62;
	[tilespmem:s8+$0x17590] =	vst v31  }
0x178: {  	v36 =	vld [tilespmem:s8+$0x17610];
	[tilespmem:s8+$0x175A0] =	vst v17;
	v17 =	vmul.f32 v29, v62  }
0x179: {  	v41 =	vmul.f32 v33, v62;
	[tilespmem:s8+$0x175B0] =	vst v34;
	v38 =	vld [tilespmem:s8+$0x17620]  }
0x17a: {  	v39 =	vperm.xlane v16, v3;
	v43 =	vld [tilespmem:s8+$0x17650];
	[tilespmem:s8+$0x175C0] =	vst v17;
	v17 =	vmul.f32 v32, v62  }
0x17b: {  	v37 =	vmul.f32 v30, v62;
	[tilespmem:s8+$0x175F0] =	vst v41;
	v42 =	vld [tilespmem:s8+$0x17640]  }
0x17c: {  	v46 =	vld [tilespmem:s8+$0x17670];
	[tilespmem:s8+$0x175E0] =	vst v17;
	v17 =	vmul.f32 v35, v39  }
0x17d: {  	[tilespmem:s8+$0x175D0] =	vst v37;
	v44 =	vmul.f32 v36, v39;
	v45 =	vld [tilespmem:s8+$0x17660]  }
0x17e: {  	v40 =	vld [tilespmem:s8+$0x17630];
	[tilespmem:s8+$0x17600] =	vst v17;
	v17 =	vmul.f32 v38, v39  }
0x17f: {  	v50 =	vmul.f32 v43, v39;
	[tilespmem:s8+$0x17610] =	vst v44;
	v48 =	vld [tilespmem:s8+$0x17680]  }
0x180: {  	v53 =	vld [tilespmem:s8+$0x176B0];
	[tilespmem:s8+$0x17620] =	vst v17;
	v17 =	vmul.f32 v42, v39  }
0x181: {  	v51 =	vld [tilespmem:s8+$0x176A0];
	v54 =	vmul.f32 v46, v39;
	[tilespmem:s8+$0x17650] =	vst v50  }
0x182: {  	v56 =	vld [tilespmem:s8+$0x176D0];
	v52 =	vperm.xlane v16, v4;
	[tilespmem:s8+$0x17640] =	vst v17;
	v17 =	vmul.f32 v45, v39  }
0x183: {  	[tilespmem:s8+$0x17670] =	vst v54;
	v47 =	vmul.f32 v40, v39;
	v55 =	vld [tilespmem:s8+$0x176C0]  }
0x184: {  	v59 =	vld [tilespmem:s8+$0x176F0];
	[tilespmem:s8+$0x17660] =	vst v17;
	v17 =	vmul.f32 v48, v52  }
0x185: {  	[tilespmem:s8+$0x17630] =	vst v47;
	v60 =	vmul.f32 v53, v52;
	v58 =	vld [tilespmem:s8+$0x176E0]  }
0x186: {  	v49 =	vld [tilespmem:s8+$0x17690];
	[tilespmem:s8+$0x17680] =	vst v17;
	v17 =	vmul.f32 v51, v52  }
0x187: {  	v63 =	vmul.f32 v56, v52;
	[tilespmem:s8+$0x176B0] =	vst v60;
	v61 =	vld [tilespmem:s8+$0x17700]  }
0x188: {  	v30 =	vld [tilespmem:s8+$0x17730];
	[tilespmem:s8+$0x176A0] =	vst v17;
	v17 =	vmul.f32 v55, v52  }
0x189: {  	v28 =	vld [tilespmem:s8+$0x17720];
	v31 =	vmul.f32 v59, v52;
	[tilespmem:s8+$0x176D0] =	vst v63  }
0x18a: {  	v33 =	vld [tilespmem:s8+$0x17750];
	v29 =	vperm.xlane v16, v5;
	[tilespmem:s8+$0x176C0] =	vst v17;
	v17 =	vmul.f32 v58, v52  }
0x18b: {  	[tilespmem:s8+$0x176F0] =	vst v31;
	v57 =	vmul.f32 v49, v52;
	v32 =	vld [tilespmem:s8+$0x17740]  }
0x18c: {  	v36 =	vld [tilespmem:s8+$0x17770];
	[tilespmem:s8+$0x176E0] =	vst v17;
	v17 =	vmul.f32 v61, v29  }
0x18d: {  	[tilespmem:s8+$0x17690] =	vst v57;
	v37 =	vmul.f32 v30, v29;
	v35 =	vld [tilespmem:s8+$0x17760]  }
0x18e: {  	v62 =	vld [tilespmem:s8+$0x17710];
	[tilespmem:s8+$0x17700] =	vst v17;
	v17 =	vmul.f32 v28, v29  }
0x18f: {  	v40 =	vmul.f32 v33, v29;
	[tilespmem:s8+$0x17730] =	vst v37;
	v38 =	vld [tilespmem:s8+$0x17780]  }
0x190: {  	v43 =	vld [tilespmem:s8+$0x177B0];
	[tilespmem:s8+$0x17720] =	vst v17;
	v17 =	vmul.f32 v32, v29  }
0x191: {  	v41 =	vld [tilespmem:s8+$0x177A0];
	v44 =	vmul.f32 v36, v29;
	[tilespmem:s8+$0x17750] =	vst v40  }
0x192: {  	v46 =	vld [tilespmem:s8+$0x177D0];
	v42 =	vperm.xlane v16, v6;
	[tilespmem:s8+$0x17740] =	vst v17;
	v17 =	vmul.f32 v35, v29  }
0x193: {  	[tilespmem:s8+$0x17770] =	vst v44;
	v34 =	vmul.f32 v62, v29;
	v45 =	vld [tilespmem:s8+$0x177C0]  }
0x194: {  	v49 =	vld [tilespmem:s8+$0x177F0];
	[tilespmem:s8+$0x17760] =	vst v17;
	v17 =	vmul.f32 v38, v42  }
0x195: {  	[tilespmem:s8+$0x17710] =	vst v34;
	v50 =	vmul.f32 v43, v42;
	v48 =	vld [tilespmem:s8+$0x177E0]  }
0x196: {  	v39 =	vld [tilespmem:s8+$0x17790];
	[tilespmem:s8+$0x17780] =	vst v17;
	v17 =	vmul.f32 v41, v42  }
0x197: {  	v53 =	vmul.f32 v46, v42;
	[tilespmem:s8+$0x177B0] =	vst v50;
	v51 =	vld [tilespmem:s8+$0x17800]  }
0x198: {  	v55 =	vld [tilespmem:s8+$0x17830];
	[tilespmem:s8+$0x177A0] =	vst v17;
	v17 =	vmul.f32 v45, v42  }
0x199: {  	p1 =	sgt.u32 s12, $0x2D;
	v54 =	vld [tilespmem:s8+$0x17820];
	v56 =	vmul.f32 v49, v42;
	[tilespmem:s8+$0x177D0] =	vst v53  }
0x19a: {  	p3 =	seq.s32 @!p1 s12, $0x0;
	v16 =	vperm.xlane v16, v7;
	v52 =	vld [tilespmem:s8+$0x17810];
	[tilespmem:s8+$0x177C0] =	vst v17;
	v17 =	vmul.f32 v48, v42  }
0x19b: {  	p2 =	por p3, p1;
	v57 =	vld [tilespmem:s8+$0x17840];
	[tilespmem:s8+$0x177F0] =	vst v56;
	v47 =	vmul.f32 v39, v42  }
0x19c: {  	s5 =	sadd.s32 @!p2 $0xFFFFFFFF, s12;
	v58 =	vld [tilespmem:s8+$0x17850];
	[tilespmem:s8+$0x177E0] =	vst v17;
	v17 =	vmul.f32 v51, v16  }
0x19d: {  	s2 =	sand.u32 @!p2 $0xFF, s5;
	v60 =	vld [tilespmem:s8+$0x17860];
	[tilespmem:s8+$0x17790] =	vst v47;
	v62 =	vmul.f32 v55, v16  }
0x19e: {  	s2 =	smul.u32 @!p2 $0xCD, s2;
	v61 =	vld [tilespmem:s8+$0x17870];
	[tilespmem:s8+$0x17800] =	vst v17;
	v17 =	vmul.f32 v54, v16  }
0x19f: {  	v59 =	vmul.f32 v52, v16;
	[tilespmem:s8+$0x17830] =	vst v62  }
0x1a0: {  	s2 =	sshrl.u32 @!p2 s2, $0xA;
	[tilespmem:s8+$0x17820] =	vst v17;
	v17 =	vmul.f32 v57, v16  }
0x1a1: {  	s2 =	smul.u32 @!p2 $0x5, s2;
	v63 =	vmul.f32 v58, v16;
	[tilespmem:s8+$0x17810] =	vst v59  }
0x1a2: {  	[tilespmem:s8+$0x17840] =	vst v17;
	v17 =	vmul.f32 v60, v16  }
0x1a3: {  	s2 =	ssub.s32 @!p2 s5, s2;
	[tilespmem:s8+$0x17850] =	vst v63;
	v16 =	vmul.f32 v61, v16  }
0x1a4: {  	p3 =	por !p3, p1;
	s16 =	sadd.s32 $0x6, s16;
	s2 =	sand.u32 @!p2 $0xFF, s2;
	[tilespmem:s8+$0x17860] =	vst v17  }
0x1a5: {  	s5 =	sadd.s32 @!p2 $0x6, s2;
	s2 =	simm.s32 @!p3 $0x4;
	[tilespmem:s8+$0x17870] =	vst v16;
	s8 =	sadd.s32 $0x16480, s8  }
0x1a6: {  	[spmem:s4] =	stream.indirect.scatter.add.f32 [tilespmem:s8], [sflag:s16], $0x80, s13, s19, $0xb8;
	[tilespmem:$0x1C880] =	vst v63  }
0x1a7: {  	s8 =	smul.u32 @!p1 $0x5000, s2;
	_ =	swait.ge @!p2 [sflag:s5], $0x1400  }
0x1a8: {  	[sflag:s5] =	ssyncset.done @!p2 $0x0  }
0x1a9: {  	s12 =	sadd.s32 $0x1, s12;
	[sflag:s5] =	ssyncadd.s32 @!p2 $0xFFFFEC00;
	s5 =	sshrl.u32 @!p1 s8, $0x2  }
0x1aa: {  	s2 =	sadd.s32 @!p1 $0x1, s2;
	s8 =	simm.s32 @!p1 $0x28;
	s5 =	sadd.s32 @!p1 $0x16480, s5  }
0x1ab: {  	[tilespmem:s5], [sflag:s2] =	stream.indirect.gather @!p1 [hbm4b:s1+s8], $0x80, s7, s8, $0xb8;
	[tilespmem:$0x1C880] =	vst v63  }
0x1ac: {  	p1 =	sne.s32 s12, $0x32  }
.Ltmp0:
0x1ad: {  	_ = 	snop;
	(pc) =	sbr.rel @p1 .LBB2_3-.Ltmp0, $2  }
0x1ae: {  	_ =	sdelay $0x2  }
0x1af: {  	s14 =	sadd.s32 $0x28, s14;
	s13 =	sadd.s32 $0x80, s13;
	s7 =	sadd.s32 $0x28, s7  }
0x1b0: {  	_ =	swait.ge [sflag:s28], $0x1400  }
0x1b1: {  	[sflag:s28] =	ssyncset.done $0x0  }
0x1b2: {  	[sflag:s28] =	ssyncadd.s32 $0xFFFFEC00  }
0x1b3: {  	_ =	swait.ge [sflag:s29], $0x1400  }
0x1b4: {  	[sflag:s29] =	ssyncset.done $0x0  }
0x1b5: {  	[sflag:s29] =	ssyncadd.s32 $0xFFFFEC00  }
0x1b6: {  	_ =	swait.ge [sflag:s30], $0x1400  }
0x1b7: {  	[sflag:s30] =	ssyncset.done $0x0  }
0x1b8: {  	s11 =	sadd.s32 $0x1, s11;
	[sflag:s30] =	ssyncadd.s32 $0xFFFFEC00  }
0x1b9: {  	p1 =	sne.s32 s11, $0x5;
	_ =	swait.ge [sflag:s31], $0x1400  }
.Ltmp1:
0x1ba: {  	[sflag:s31] =	ssyncset.done $0x0;
	(pc) =	sbr.rel @p1 .LBB2_2-.Ltmp1, $4  }
0x1bb: {  	[sflag:s31] =	ssyncadd.s32 $0xFFFFEC00  }
0x1bc: {  	_ =	swait.ge [sflag:s0], $0x1400  }
0x1bd: {  	[sflag:s0] =	ssyncset.done $0x0  }
0x1be: {  	[sflag:s0] =	ssyncadd.s32 $0xFFFFEC00  }
0x1bf: {  	[bflag:$0x0] =	sbarrier.arrive $0xFFFF  }
0x1c0: {  	s16 =	rddreg [dreg:$0x8]  }
0x1c1: {  	s2 =	rddreg [dreg:$0x9]  }
0x1c2: {  	s8 =	rddreg [dreg:$0xc]  }
0x1c3: {  	[hbm:s2], [sflag:s16] =	dma.local [spmem:s8], $0x2700  }
0x1c4: {  	_ =	swait.ge [sflag:s15], $0x2700  }
0x1c5: {  	[sflag:s15] =	ssyncset.done $0x0;
	s2 =	rddreg [dreg:$0xa]  }
0x1c6: {  	s11 =	rddreg [dreg:$0xd];
	[sflag:s15] =	ssyncadd.s32 $0xFFFFD900  }
0x1c7: {  	[hbm:s2], [sflag:s16] =	dma.local @!p0 [spmem:s11], $0x100  }
0x1c8: {  	s2 =	simm.s32 @!p0 $0xB  }
0x1c9: {  	_ =	swait.ge @!p0 [sflag:s2], $0x100  }
0x1ca: {  	s5 =	rddreg [dreg:$0x6]  }
0x1cb: {  	s7 =	rddreg [dreg:$0xb];
	s5 =	sadd.s32 $0x1, s5  }
0x1cc: {  	p1 =	sne.s32 s5, s7  }
.Ltmp2:
0x1cd: {  	_ = 	snop;
	(pc) =	sbr.rel @p1 .LBB2_1-.Ltmp2, $3  }
0x1ce: {  	_ =	sdelay $0x1  }
0x1cf: {  	[sflag:s2] =	ssyncset.done @!p0 $0x0  }
0x1d0: {  	[sflag:s2] =	ssyncadd.s32 @!p0 $0xFFFFFF00  }
0x1d1: {  	_ =	sfence.sel $0x180000  }
0x1d2: {  	[bflag:$0x0] =	sbarrier.arrive $0xFFFF  }
0x1d3: {  	_ =	strace $0x90000047  }
0x1d4: {  	[bflag:$0x2] =	sbarrier.arrive $0xFFFF  }
0x1d5: {  	s0 =	rddreg [dreg:$0x5]  }
0x1d6: {  	s0 =	sadd.s32 @!p0 $0x100000, s0  }
0x1d7: {  	[sflag:s0] =	ssyncadd.tile.s32 @!p0 $0x1;
	_ =	shalt  }
.Lfunc_end2:
_tile_overlayer_lowered:
.L_overlay_start_2:
0x1d8: {  	(tag) =	ssettag $0x2  }
0x1d9: {  	s0 =	rddreg [dreg:$0x0];
	s2 =	stileid.u32  }
0x1da: {  	s1 =	rddreg [dreg:$0x1];
	p0 =	sne.s32 s2, $0x0  }
0x1db: {  	s3 =	rddreg [dreg:$0x2];
	[bflag:$0x3] =	sbarrier.arrive $0xFFFF;
	s2 =	simm.s32 @!p0 $0x1C0B  }
0x1dc: {  	[timem:s3], [sflag:s2] =	dma.local @!p0 [hbm:s0], s1  }
0x1dd: {  	s0 =	simm.s32 @!p0 $0xB  }
0x1de: {  	_ =	swait.ge @!p0 [sflag:s0], s1  }
0x1df: {  	s1 =	ssub.s32 @!p0 $0x0, s1;
	[sflag:s0] =	ssyncset.done @!p0 $0x0  }
0x1e0: {  	[sflag:s0] =	ssyncadd.s32 @!p0 s1  }
0x1e1: {  	[bflag:$0x3] =	sbarrier.arrive $0xFFFF  }
0x1e2: {  	_ =	shalt  }

</sc_bundles>
